<compile_context>
chip_gen: v7x
topology: tpu7x:2x2x1
jax: 0.10.2.dev20260603
libtpu: 0.0.44.dev20260713+nightly
codegen_flags: <defaults>
</compile_context>

<pallas_src>
import functools

import jax
import jax.numpy as jnp
from jax import lax
from jax.experimental import pallas as pl
from jax.experimental.pallas import tpu as pltpu
from jax.experimental.pallas import tpu_sc as plsc

BATCH = 4
SEQ_LEN = 2048
D_MODEL = 1024

NUM_CORES = 2
NUM_SUBCORES = 16
NUM_WORKERS = NUM_CORES * NUM_SUBCORES
SEQ_PER_W = SEQ_LEN // NUM_WORKERS
ROWS_PER_CHUNK = 8
CHUNKS = SEQ_PER_W // ROWS_PER_CHUNK
NBUF = 8
VECS = ROWS_PER_CHUNK * D_MODEL // 16
LANES_PER_ROW = D_MODEL // 16
JOBS = CHUNKS * BATCH

_mesh = plsc.VectorSubcoreMesh(core_axis_name="c", subcore_axis_name="s")

_scratch = (
    [pltpu.VMEM((ROWS_PER_CHUNK, D_MODEL), jnp.float32) for _ in range(2)]
    + [pltpu.VMEM((ROWS_PER_CHUNK, D_MODEL), jnp.float32) for _ in range(NBUF)]
    + [pltpu.SemaphoreType.DMA for _ in range(2 + 2 * NBUF)]
)


@functools.partial(
    pl.kernel,
    mesh=_mesh,
    out_type=jax.ShapeDtypeStruct((BATCH, SEQ_LEN, D_MODEL), jnp.float32),
    scratch_types=_scratch,
)
def _pos_enc_sc(x_hbm, emb_hbm, out_hbm, *bufs):
    ebufs = bufs[0:2]
    xbufs = bufs[2 : 2 + NBUF]
    esems = bufs[2 + NBUF : 4 + NBUF]
    isems = bufs[4 + NBUF : 4 + 2 * NBUF]
    osems = bufs[4 + 2 * NBUF : 4 + 3 * NBUF]

    wid = lax.axis_index("s") * NUM_CORES + lax.axis_index("c")
    seq_base = wid * SEQ_PER_W

    def seq0(c):
        return seq_base + c * ROWS_PER_CHUNK

    def issue_in(j):
        c, b = divmod(j, BATCH)
        return pltpu.async_copy(
            x_hbm.at[b, pl.ds(seq0(c), ROWS_PER_CHUNK)],
            xbufs[j % NBUF],
            isems[j % NBUF],
        )

    def issue_out(j):
        c, b = divmod(j, BATCH)
        return pltpu.async_copy(
            xbufs[j % NBUF],
            out_hbm.at[b, pl.ds(seq0(c), ROWS_PER_CHUNK)],
            osems[j % NBUF],
        )

    ecpys = [None] * CHUNKS
    incpy = [None] * JOBS
    outcpy = [None] * JOBS

    ecpys[0] = pltpu.async_copy(emb_hbm.at[pl.ds(seq0(0), ROWS_PER_CHUNK)], ebufs[0], esems[0])
    ecpys[1] = pltpu.async_copy(emb_hbm.at[pl.ds(seq0(1), ROWS_PER_CHUNK)], ebufs[1], esems[1])
    for j in range(NBUF - 1):
        incpy[j] = issue_in(j)

    for j in range(JOBS):
        c, b = divmod(j, BATCH)
        nj = j + NBUF - 1
        if nj < JOBS:
            if nj - NBUF >= 0:
                outcpy[nj - NBUF].wait()
            incpy[nj] = issue_in(nj)
        if b == 0:
            ecpys[c].wait()
        incpy[j].wait()

        ebuf = ebufs[c % 2]

        @plsc.parallel_loop(0, VECS, step=1, unroll=8)
        def _add(i, buf=xbufs[j % NBUF], ebuf=ebuf):
            r = i // LANES_PER_ROW
            col = (i % LANES_PER_ROW) * 16
            sl = pl.ds(col, 16)
            plsc.addupdate(buf.at[r, sl], ebuf[r, sl])

        if b == BATCH - 1 and c + 2 < CHUNKS:
            ecpys[c + 2] = pltpu.async_copy(
                emb_hbm.at[pl.ds(seq0(c + 2), ROWS_PER_CHUNK)],
                ebufs[(c + 2) % 2],
                esems[(c + 2) % 2],
            )

        outcpy[j] = issue_out(j)

    for j in range(JOBS - NBUF, JOBS):
        outcpy[j].wait()


def kernel(x, emb):
    return _pos_enc_sc(x, emb)

# --- scband reference (transcript-rebuilt; emitter-appended) ---
"""Pipeline reference for scband-positional-encoding-10299331576606 (READ-ONLY COPY).

The authoritative reference and input builder live on the scoring server;
editing this copy changes nothing except your own understanding.
"""

import jax, jax.numpy as jnp
import numpy as np

D_MODEL = 1024
NUM_POSITIONS = 2048
BATCH = 4
SEQ_LEN = 2048


def setup_inputs(seed: int = 0) -> dict:
    key = jax.random.key(seed)
    k1, k2 = jax.random.split(key)
    x = jax.random.normal(k1, (BATCH, SEQ_LEN, D_MODEL), dtype=jnp.float32)
    emb = jax.random.normal(k2, (NUM_POSITIONS, D_MODEL), dtype=jnp.float32) * 0.02
    return {"x": x, "emb": emb}


def reference(x, emb):
    # PositionalEncoding.forward with batched=True
    input_size = x.shape[-2]
    indices_to_embed = jnp.arange(input_size, dtype=jnp.int32)
    pos = jnp.take(emb, indices_to_embed, axis=0)  # [seq_len, d_model]
    emb_unsq = pos[None, :, :]  # unsqueeze(0)
    return x + emb_unsq

if __name__ == "__main__":
    import jax
    _d = setup_inputs()
    print(jax.jit(kernel)(*tuple(_d.values())))

</pallas_src>

<mosaic_0001>
#map = affine_map<(d0, d1) -> (0, 0, 0)>
#map1 = affine_map<(d0, d1) -> (0, 0)>
module attributes {stable_mosaic.version = 14 : i64} {
  func.func @_pos_enc_sc(%arg0: i32, %arg1: i32, %arg2: memref<4x2048x1024xf32, #tpu.memory_space<hbm>>, %arg3: memref<2048x1024xf32, #tpu.memory_space<hbm>>, %arg4: memref<4x2048x1024xf32, #tpu.memory_space<hbm>>, %arg5: memref<8x1024xf32, #tpu.memory_space<vmem>>, %arg6: memref<8x1024xf32, #tpu.memory_space<vmem>>, %arg7: memref<8x1024xf32, #tpu.memory_space<vmem>>, %arg8: memref<8x1024xf32, #tpu.memory_space<vmem>>, %arg9: memref<8x1024xf32, #tpu.memory_space<vmem>>, %arg10: memref<8x1024xf32, #tpu.memory_space<vmem>>, %arg11: memref<8x1024xf32, #tpu.memory_space<vmem>>, %arg12: memref<8x1024xf32, #tpu.memory_space<vmem>>, %arg13: memref<8x1024xf32, #tpu.memory_space<vmem>>, %arg14: memref<8x1024xf32, #tpu.memory_space<vmem>>, %arg15: memref<!tpu.dma_semaphore, #tpu.memory_space<semaphore_mem>>, %arg16: memref<!tpu.dma_semaphore, #tpu.memory_space<semaphore_mem>>, %arg17: memref<!tpu.dma_semaphore, #tpu.memory_space<semaphore_mem>>, %arg18: memref<!tpu.dma_semaphore, #tpu.memory_space<semaphore_mem>>, %arg19: memref<!tpu.dma_semaphore, #tpu.memory_space<semaphore_mem>>, %arg20: memref<!tpu.dma_semaphore, #tpu.memory_space<semaphore_mem>>, %arg21: memref<!tpu.dma_semaphore, #tpu.memory_space<semaphore_mem>>, %arg22: memref<!tpu.dma_semaphore, #tpu.memory_space<semaphore_mem>>, %arg23: memref<!tpu.dma_semaphore, #tpu.memory_space<semaphore_mem>>, %arg24: memref<!tpu.dma_semaphore, #tpu.memory_space<semaphore_mem>>, %arg25: memref<!tpu.dma_semaphore, #tpu.memory_space<semaphore_mem>>, %arg26: memref<!tpu.dma_semaphore, #tpu.memory_space<semaphore_mem>>, %arg27: memref<!tpu.dma_semaphore, #tpu.memory_space<semaphore_mem>>, %arg28: memref<!tpu.dma_semaphore, #tpu.memory_space<semaphore_mem>>, %arg29: memref<!tpu.dma_semaphore, #tpu.memory_space<semaphore_mem>>, %arg30: memref<!tpu.dma_semaphore, #tpu.memory_space<semaphore_mem>>, %arg31: memref<!tpu.dma_semaphore, #tpu.memory_space<semaphore_mem>>, %arg32: memref<!tpu.dma_semaphore, #tpu.memory_space<semaphore_mem>>) attributes {dimension_semantics = [#tpu.dimension_semantics<core_parallel>, #tpu.dimension_semantics<subcore_parallel>], iteration_bounds = array<i64: 2, 16>, scalar_prefetch = 0 : i64, scratch_operands = 28 : i64, tpu.core_type = #tpu.core_type<sc_vector_subcore>, window_params = [{transform_indices = #map}, {transform_indices = #map1}, {transform_indices = #map}]} {
    %mul3A = arith.constant 2 : i32
    %mul3A_0 = arith.muli %arg1, %mul3A : i32
    %add3A = arith.addi %mul3A_0, %arg0 : i32
    %mul3A_1 = arith.constant 64 : i32
    %mul3A_2 = arith.muli %add3A, %mul3A_1 : i32
    %add3A_3 = arith.constant 0 : i32
    %add3A_4 = arith.addi %mul3A_2, %add3A_3 : i32
    %dma_start3A = arith.constant 0 : i32
    %dma_start3A_5 = tpu.memref_slice %arg3[%add3A_4, %dma_start3A] : memref<2048x1024xf32, #tpu.memory_space<hbm>> -> memref<8x1024xf32, #tpu.memory_space<hbm>>
    %dma_start3A_6 = arith.constant 0 : i32
    %dma_start3A_7 = tpu.memref_slice %arg3[%add3A_4, %dma_start3A_6] : memref<2048x1024xf32, #tpu.memory_space<hbm>> -> memref<8x1024xf32, #tpu.memory_space<hbm>>
    tpu.enqueue_dma source(%dma_start3A_7 : memref<8x1024xf32, #tpu.memory_space<hbm>>) target(%arg5 : memref<8x1024xf32, #tpu.memory_space<vmem>>) target_semaphore(%arg15 : memref<!tpu.dma_semaphore, #tpu.memory_space<semaphore_mem>>)
    %add3A_8 = arith.constant 8 : i32
    %add3A_9 = arith.addi %mul3A_2, %add3A_8 : i32
    %dma_start3A_10 = arith.constant 0 : i32
    %dma_start3A_11 = tpu.memref_slice %arg3[%add3A_9, %dma_start3A_10] : memref<2048x1024xf32, #tpu.memory_space<hbm>> -> memref<8x1024xf32, #tpu.memory_space<hbm>>
    %dma_start3A_12 = arith.constant 0 : i32
    %dma_start3A_13 = tpu.memref_slice %arg3[%add3A_9, %dma_start3A_12] : memref<2048x1024xf32, #tpu.memory_space<hbm>> -> memref<8x1024xf32, #tpu.memory_space<hbm>>
    tpu.enqueue_dma source(%dma_start3A_13 : memref<8x1024xf32, #tpu.memory_space<hbm>>) target(%arg6 : memref<8x1024xf32, #tpu.memory_space<vmem>>) target_semaphore(%arg16 : memref<!tpu.dma_semaphore, #tpu.memory_space<semaphore_mem>>)
    %add3A_14 = arith.constant 0 : i32
    %add3A_15 = arith.addi %mul3A_2, %add3A_14 : i32
    %dma_start3A_16 = arith.constant 0 : i32
    %dma_start3A_17 = arith.constant 0 : i32
    %dma_start3A_18 = tpu.memref_slice %arg2[%dma_start3A_16, %add3A_15, %dma_start3A_17] : memref<4x2048x1024xf32, #tpu.memory_space<hbm>> -> memref<1x8x1024xf32, #tpu.memory_space<hbm>>
    %dma_start3A_19 = tpu.memref_squeeze %dma_start3A_18 : memref<1x8x1024xf32, #tpu.memory_space<hbm>> -> memref<8x1024xf32, #tpu.memory_space<hbm>>
    %dma_start3A_20 = arith.constant 0 : i32
    %dma_start3A_21 = tpu.memref_slice %arg2[%dma_start3A_16, %add3A_15, %dma_start3A_20] : memref<4x2048x1024xf32, #tpu.memory_space<hbm>> -> memref<1x8x1024xf32, #tpu.memory_space<hbm>>
    %dma_start3A_22 = tpu.memref_squeeze %dma_start3A_21 : memref<1x8x1024xf32, #tpu.memory_space<hbm>> -> memref<8x1024xf32, #tpu.memory_space<hbm>>
    tpu.enqueue_dma source(%dma_start3A_22 : memref<8x1024xf32, #tpu.memory_space<hbm>>) target(%arg7 : memref<8x1024xf32, #tpu.memory_space<vmem>>) target_semaphore(%arg17 : memref<!tpu.dma_semaphore, #tpu.memory_space<semaphore_mem>>)
    %add3A_23 = arith.constant 0 : i32
    %add3A_24 = arith.addi %mul3A_2, %add3A_23 : i32
    %dma_start3A_25 = arith.constant 1 : i32
    %dma_start3A_26 = arith.constant 0 : i32
    %dma_start3A_27 = tpu.memref_slice %arg2[%dma_start3A_25, %add3A_24, %dma_start3A_26] : memref<4x2048x1024xf32, #tpu.memory_space<hbm>> -> memref<1x8x1024xf32, #tpu.memory_space<hbm>>
    %dma_start3A_28 = tpu.memref_squeeze %dma_start3A_27 : memref<1x8x1024xf32, #tpu.memory_space<hbm>> -> memref<8x1024xf32, #tpu.memory_space<hbm>>
    %dma_start3A_29 = arith.constant 0 : i32
    %dma_start3A_30 = tpu.memref_slice %arg2[%dma_start3A_25, %add3A_24, %dma_start3A_29] : memref<4x2048x1024xf32, #tpu.memory_space<hbm>> -> memref<1x8x1024xf32, #tpu.memory_space<hbm>>
    %dma_start3A_31 = tpu.memref_squeeze %dma_start3A_30 : memref<1x8x1024xf32, #tpu.memory_space<hbm>> -> memref<8x1024xf32, #tpu.memory_space<hbm>>
    tpu.enqueue_dma source(%dma_start3A_31 : memref<8x1024xf32, #tpu.memory_space<hbm>>) target(%arg8 : memref<8x1024xf32, #tpu.memory_space<vmem>>) target_semaphore(%arg18 : memref<!tpu.dma_semaphore, #tpu.memory_space<semaphore_mem>>)
    %add3A_32 = arith.constant 0 : i32
    %add3A_33 = arith.addi %mul3A_2, %add3A_32 : i32
    %dma_start3A_34 = arith.constant 2 : i32
    %dma_start3A_35 = arith.constant 0 : i32
    %dma_start3A_36 = tpu.memref_slice %arg2[%dma_start3A_34, %add3A_33, %dma_start3A_35] : memref<4x2048x1024xf32, #tpu.memory_space<hbm>> -> memref<1x8x1024xf32, #tpu.memory_space<hbm>>
    %dma_start3A_37 = tpu.memref_squeeze %dma_start3A_36 : memref<1x8x1024xf32, #tpu.memory_space<hbm>> -> memref<8x1024xf32, #tpu.memory_space<hbm>>
    %dma_start3A_38 = arith.constant 0 : i32
    %dma_start3A_39 = tpu.memref_slice %arg2[%dma_start3A_34, %add3A_33, %dma_start3A_38] : memref<4x2048x1024xf32, #tpu.memory_space<hbm>> -> memref<1x8x1024xf32, #tpu.memory_space<hbm>>
    %dma_start3A_40 = tpu.memref_squeeze %dma_start3A_39 : memref<1x8x1024xf32, #tpu.memory_space<hbm>> -> memref<8x1024xf32, #tpu.memory_space<hbm>>
    tpu.enqueue_dma source(%dma_start3A_40 : memref<8x1024xf32, #tpu.memory_space<hbm>>) target(%arg9 : memref<8x1024xf32, #tpu.memory_space<vmem>>) target_semaphore(%arg19 : memref<!tpu.dma_semaphore, #tpu.memory_space<semaphore_mem>>)
    %add3A_41 = arith.constant 0 : i32
    %add3A_42 = arith.addi %mul3A_2, %add3A_41 : i32
    %dma_start3A_43 = arith.constant 3 : i32
    %dma_start3A_44 = arith.constant 0 : i32
    %dma_start3A_45 = tpu.memref_slice %arg2[%dma_start3A_43, %add3A_42, %dma_start3A_44] : memref<4x2048x1024xf32, #tpu.memory_space<hbm>> -> memref<1x8x1024xf32, #tpu.memory_space<hbm>>
    %dma_start3A_46 = tpu.memref_squeeze %dma_start3A_45 : memref<1x8x1024xf32, #tpu.memory_space<hbm>> -> memref<8x1024xf32, #tpu.memory_space<hbm>>
    %dma_start3A_47 = arith.constant 0 : i32
    %dma_start3A_48 = tpu.memref_slice %arg2[%dma_start3A_43, %add3A_42, %dma_start3A_47] : memref<4x2048x1024xf32, #tpu.memory_space<hbm>> -> memref<1x8x1024xf32, #tpu.memory_space<hbm>>
    %dma_start3A_49 = tpu.memref_squeeze %dma_start3A_48 : memref<1x8x1024xf32, #tpu.memory_space<hbm>> -> memref<8x1024xf32, #tpu.memory_space<hbm>>
    tpu.enqueue_dma source(%dma_start3A_49 : memref<8x1024xf32, #tpu.memory_space<hbm>>) target(%arg10 : memref<8x1024xf32, #tpu.memory_space<vmem>>) target_semaphore(%arg20 : memref<!tpu.dma_semaphore, #tpu.memory_space<semaphore_mem>>)
    %add3A_50 = arith.constant 8 : i32
    %add3A_51 = arith.addi %mul3A_2, %add3A_50 : i32
    %dma_start3A_52 = arith.constant 0 : i32
    %dma_start3A_53 = arith.constant 0 : i32
    %dma_start3A_54 = tpu.memref_slice %arg2[%dma_start3A_52, %add3A_51, %dma_start3A_53] : memref<4x2048x1024xf32, #tpu.memory_space<hbm>> -> memref<1x8x1024xf32, #tpu.memory_space<hbm>>
    %dma_start3A_55 = tpu.memref_squeeze %dma_start3A_54 : memref<1x8x1024xf32, #tpu.memory_space<hbm>> -> memref<8x1024xf32, #tpu.memory_space<hbm>>
    %dma_start3A_56 = arith.constant 0 : i32
    %dma_start3A_57 = tpu.memref_slice %arg2[%dma_start3A_52, %add3A_51, %dma_start3A_56] : memref<4x2048x1024xf32, #tpu.memory_space<hbm>> -> memref<1x8x1024xf32, #tpu.memory_space<hbm>>
    %dma_start3A_58 = tpu.memref_squeeze %dma_start3A_57 : memref<1x8x1024xf32, #tpu.memory_space<hbm>> -> memref<8x1024xf32, #tpu.memory_space<hbm>>
    tpu.enqueue_dma source(%dma_start3A_58 : memref<8x1024xf32, #tpu.memory_space<hbm>>) target(%arg11 : memref<8x1024xf32, #tpu.memory_space<vmem>>) target_semaphore(%arg21 : memref<!tpu.dma_semaphore, #tpu.memory_space<semaphore_mem>>)
    %add3A_59 = arith.constant 8 : i32
    %add3A_60 = arith.addi %mul3A_2, %add3A_59 : i32
    %dma_start3A_61 = arith.constant 1 : i32
    %dma_start3A_62 = arith.constant 0 : i32
    %dma_start3A_63 = tpu.memref_slice %arg2[%dma_start3A_61, %add3A_60, %dma_start3A_62] : memref<4x2048x1024xf32, #tpu.memory_space<hbm>> -> memref<1x8x1024xf32, #tpu.memory_space<hbm>>
    %dma_start3A_64 = tpu.memref_squeeze %dma_start3A_63 : memref<1x8x1024xf32, #tpu.memory_space<hbm>> -> memref<8x1024xf32, #tpu.memory_space<hbm>>
    %dma_start3A_65 = arith.constant 0 : i32
    %dma_start3A_66 = tpu.memref_slice %arg2[%dma_start3A_61, %add3A_60, %dma_start3A_65] : memref<4x2048x1024xf32, #tpu.memory_space<hbm>> -> memref<1x8x1024xf32, #tpu.memory_space<hbm>>
    %dma_start3A_67 = tpu.memref_squeeze %dma_start3A_66 : memref<1x8x1024xf32, #tpu.memory_space<hbm>> -> memref<8x1024xf32, #tpu.memory_space<hbm>>
    tpu.enqueue_dma source(%dma_start3A_67 : memref<8x1024xf32, #tpu.memory_space<hbm>>) target(%arg12 : memref<8x1024xf32, #tpu.memory_space<vmem>>) target_semaphore(%arg22 : memref<!tpu.dma_semaphore, #tpu.memory_space<semaphore_mem>>)
    %add3A_68 = arith.constant 8 : i32
    %add3A_69 = arith.addi %mul3A_2, %add3A_68 : i32
    %dma_start3A_70 = arith.constant 2 : i32
    %dma_start3A_71 = arith.constant 0 : i32
    %dma_start3A_72 = tpu.memref_slice %arg2[%dma_start3A_70, %add3A_69, %dma_start3A_71] : memref<4x2048x1024xf32, #tpu.memory_space<hbm>> -> memref<1x8x1024xf32, #tpu.memory_space<hbm>>
    %dma_start3A_73 = tpu.memref_squeeze %dma_start3A_72 : memref<1x8x1024xf32, #tpu.memory_space<hbm>> -> memref<8x1024xf32, #tpu.memory_space<hbm>>
    %dma_start3A_74 = arith.constant 0 : i32
    %dma_start3A_75 = tpu.memref_slice %arg2[%dma_start3A_70, %add3A_69, %dma_start3A_74] : memref<4x2048x1024xf32, #tpu.memory_space<hbm>> -> memref<1x8x1024xf32, #tpu.memory_space<hbm>>
    %dma_start3A_76 = tpu.memref_squeeze %dma_start3A_75 : memref<1x8x1024xf32, #tpu.memory_space<hbm>> -> memref<8x1024xf32, #tpu.memory_space<hbm>>
    tpu.enqueue_dma source(%dma_start3A_76 : memref<8x1024xf32, #tpu.memory_space<hbm>>) target(%arg13 : memref<8x1024xf32, #tpu.memory_space<vmem>>) target_semaphore(%arg23 : memref<!tpu.dma_semaphore, #tpu.memory_space<semaphore_mem>>)
    %add3A_77 = arith.constant 8 : i32
    %add3A_78 = arith.addi %mul3A_2, %add3A_77 : i32
    %dma_start3A_79 = arith.constant 3 : i32
    %dma_start3A_80 = arith.constant 0 : i32
    %dma_start3A_81 = tpu.memref_slice %arg2[%dma_start3A_79, %add3A_78, %dma_start3A_80] : memref<4x2048x1024xf32, #tpu.memory_space<hbm>> -> memref<1x8x1024xf32, #tpu.memory_space<hbm>>
    %dma_start3A_82 = tpu.memref_squeeze %dma_start3A_81 : memref<1x8x1024xf32, #tpu.memory_space<hbm>> -> memref<8x1024xf32, #tpu.memory_space<hbm>>
    %dma_start3A_83 = arith.constant 0 : i32
    %dma_start3A_84 = tpu.memref_slice %arg2[%dma_start3A_79, %add3A_78, %dma_start3A_83] : memref<4x2048x1024xf32, #tpu.memory_space<hbm>> -> memref<1x8x1024xf32, #tpu.memory_space<hbm>>
    %dma_start3A_85 = tpu.memref_squeeze %dma_start3A_84 : memref<1x8x1024xf32, #tpu.memory_space<hbm>> -> memref<8x1024xf32, #tpu.memory_space<hbm>>
    tpu.enqueue_dma source(%dma_start3A_85 : memref<8x1024xf32, #tpu.memory_space<hbm>>) target(%arg14 : memref<8x1024xf32, #tpu.memory_space<vmem>>) target_semaphore(%arg24 : memref<!tpu.dma_semaphore, #tpu.memory_space<semaphore_mem>>)
    %dma_wait3A = arith.constant 0 : i32
    %dma_wait3A_86 = tpu.memref_slice %arg3[%add3A_4, %dma_wait3A] : memref<2048x1024xf32, #tpu.memory_space<hbm>> -> memref<8x1024xf32, #tpu.memory_space<hbm>>
    %dma_wait3A_87 = arith.constant 0 : i32
    %dma_wait3A_88 = tpu.memref_slice %arg3[%add3A_4, %dma_wait3A_87] : memref<2048x1024xf32, #tpu.memory_space<hbm>> -> memref<8x1024xf32, #tpu.memory_space<hbm>>
    tpu.wait_dma2 semaphore(%arg15 : memref<!tpu.dma_semaphore, #tpu.memory_space<semaphore_mem>>) src(%dma_wait3A_88 : memref<8x1024xf32, #tpu.memory_space<hbm>>) dst(%arg5 : memref<8x1024xf32, #tpu.memory_space<vmem>>)
    %dma_wait3A_89 = arith.constant 0 : i32
    %dma_wait3A_90 = arith.constant 0 : i32
    %dma_wait3A_91 = tpu.memref_slice %arg2[%dma_wait3A_89, %add3A_15, %dma_wait3A_90] : memref<4x2048x1024xf32, #tpu.memory_space<hbm>> -> memref<1x8x1024xf32, #tpu.memory_space<hbm>>
    %dma_wait3A_92 = tpu.memref_squeeze %dma_wait3A_91 : memref<1x8x1024xf32, #tpu.memory_space<hbm>> -> memref<8x1024xf32, #tpu.memory_space<hbm>>
    %dma_wait3A_93 = arith.constant 0 : i32
    %dma_wait3A_94 = tpu.memref_slice %arg2[%dma_wait3A_89, %add3A_15, %dma_wait3A_93] : memref<4x2048x1024xf32, #tpu.memory_space<hbm>> -> memref<1x8x1024xf32, #tpu.memory_space<hbm>>
    %dma_wait3A_95 = tpu.memref_squeeze %dma_wait3A_94 : memref<1x8x1024xf32, #tpu.memory_space<hbm>> -> memref<8x1024xf32, #tpu.memory_space<hbm>>
    tpu.wait_dma2 semaphore(%arg17 : memref<!tpu.dma_semaphore, #tpu.memory_space<semaphore_mem>>) src(%dma_wait3A_95 : memref<8x1024xf32, #tpu.memory_space<hbm>>) dst(%arg7 : memref<8x1024xf32, #tpu.memory_space<vmem>>)
    %parallel_loop3A = arith.constant 0 : i32
    %parallel_loop3A_96 = arith.constant 512 : i32
    %parallel_loop3A_97 = arith.constant 1 : i32
    scf.for %parallel_loop3A_1200 = %parallel_loop3A to %parallel_loop3A_96 step %parallel_loop3A_97  : i32 {
      %parallel_loop3A_1201 = arith.constant 64 : i32
      %parallel_loop3A_1202 = arith.divsi %parallel_loop3A_1200, %parallel_loop3A_1201 : i32
      %parallel_loop3A_1203 = arith.constant 0 : i32
      %parallel_loop3A_1204 = arith.cmpi sgt, %parallel_loop3A_1200, %parallel_loop3A_1203 : i32
      %parallel_loop3A_1205 = arith.extui %parallel_loop3A_1204 : i1 to i32
      %parallel_loop3A_1206 = arith.constant 0 : i32
      %parallel_loop3A_1207 = arith.cmpi slt, %parallel_loop3A_1200, %parallel_loop3A_1206 : i32
      %parallel_loop3A_1208 = arith.extui %parallel_loop3A_1207 : i1 to i32
      %parallel_loop3A_1209 = arith.subi %parallel_loop3A_1205, %parallel_loop3A_1208 : i32
      %parallel_loop3A_1210 = arith.constant 0 : i32
      %parallel_loop3A_1211 = arith.cmpi sgt, %parallel_loop3A_1201, %parallel_loop3A_1210 : i32
      %parallel_loop3A_1212 = arith.extui %parallel_loop3A_1211 : i1 to i32
      %parallel_loop3A_1213 = arith.constant 0 : i32
      %parallel_loop3A_1214 = arith.cmpi slt, %parallel_loop3A_1201, %parallel_loop3A_1213 : i32
      %parallel_loop3A_1215 = arith.extui %parallel_loop3A_1214 : i1 to i32
      %parallel_loop3A_1216 = arith.subi %parallel_loop3A_1212, %parallel_loop3A_1215 : i32
      %parallel_loop3A_1217 = arith.cmpi ne, %parallel_loop3A_1209, %parallel_loop3A_1216 : i32
      %parallel_loop3A_1218 = arith.remsi %parallel_loop3A_1200, %parallel_loop3A_1201 : i32
      %parallel_loop3A_1219 = arith.constant 0 : i32
      %parallel_loop3A_1220 = arith.cmpi ne, %parallel_loop3A_1218, %parallel_loop3A_1219 : i32
      %parallel_loop3A_1221 = arith.andi %parallel_loop3A_1217, %parallel_loop3A_1220 : i1
      %parallel_loop3A_1222 = arith.constant 1 : i32
      %parallel_loop3A_1223 = arith.subi %parallel_loop3A_1202, %parallel_loop3A_1222 : i32
      %parallel_loop3A_1224 = arith.select %parallel_loop3A_1221, %parallel_loop3A_1223, %parallel_loop3A_1202 : i32
      %parallel_loop3A_1225 = arith.constant 64 : i32
      %parallel_loop3A_1226 = arith.constant 0 : i32
      %parallel_loop3A_1227 = arith.cmpi eq, %parallel_loop3A_1225, %parallel_loop3A_1226 : i32
      %parallel_loop3A_1228 = arith.constant 1 : i32
      %parallel_loop3A_1229 = arith.select %parallel_loop3A_1227, %parallel_loop3A_1228, %parallel_loop3A_1225 : i32
      %parallel_loop3A_1230 = arith.remsi %parallel_loop3A_1200, %parallel_loop3A_1229 : i32
      %parallel_loop3A_1231 = arith.constant 0 : i32
      %parallel_loop3A_1232 = arith.cmpi ne, %parallel_loop3A_1230, %parallel_loop3A_1231 : i32
      %parallel_loop3A_1233 = arith.constant 0 : i32
      %parallel_loop3A_1234 = arith.cmpi slt, %parallel_loop3A_1230, %parallel_loop3A_1233 : i32
      %parallel_loop3A_1235 = arith.constant 0 : i32
      %parallel_loop3A_1236 = arith.cmpi slt, %parallel_loop3A_1229, %parallel_loop3A_1235 : i32
      %parallel_loop3A_1237 = arith.xori %parallel_loop3A_1234, %parallel_loop3A_1236 : i1
      %parallel_loop3A_1238 = arith.andi %parallel_loop3A_1237, %parallel_loop3A_1232 : i1
      %parallel_loop3A_1239 = arith.addi %parallel_loop3A_1230, %parallel_loop3A_1229 : i32
      %parallel_loop3A_1240 = arith.select %parallel_loop3A_1238, %parallel_loop3A_1239, %parallel_loop3A_1230 : i32
      %parallel_loop3A_1241 = arith.constant 16 : i32
      %parallel_loop3A_1242 = arith.muli %parallel_loop3A_1240, %parallel_loop3A_1241 : i32
      %parallel_loop3A_1243 = arith.index_cast %parallel_loop3A_1224 : i32 to index
      %parallel_loop3A_1244 = arith.index_cast %parallel_loop3A_1242 : i32 to index
      %parallel_loop3A_1245 = tpu.vector_load %arg5[%parallel_loop3A_1243, %parallel_loop3A_1244] {strides = array<i32>} : memref<8x1024xf32, #tpu.memory_space<vmem>>, vector<1x16xf32>,
      %parallel_loop3A_1246 = vector.shape_cast %parallel_loop3A_1245 : vector<1x16xf32> to vector<16xf32>
      %parallel_loop3A_1247 = arith.index_cast %parallel_loop3A_1224 : i32 to index
      %parallel_loop3A_1248 = arith.index_cast %parallel_loop3A_1242 : i32 to index
      %parallel_loop3A_1249 = tpu.vector_load %arg7[%parallel_loop3A_1247, %parallel_loop3A_1248] {strides = array<i32>} : memref<8x1024xf32, #tpu.memory_space<vmem>>, vector<1x16xf32>,
      %parallel_loop3A_1250 = vector.shape_cast %parallel_loop3A_1249 : vector<1x16xf32> to vector<16xf32>
      %parallel_loop3A_1251 = vector.shape_cast %parallel_loop3A_1246 : vector<16xf32> to vector<1x16xf32>
      tpu.vector_store %arg7[%parallel_loop3A_1247, %parallel_loop3A_1248], %parallel_loop3A_1251 {add = true, strides = array<i32>} : memref<8x1024xf32, #tpu.memory_space<vmem>>, vector<1x16xf32>,
    } {sc.loop_unroll_factor = 8 : i64, sc.parallel_access}
    %add3A_98 = arith.constant 0 : i32
    %add3A_99 = arith.addi %mul3A_2, %add3A_98 : i32
    %dma_start3A_100 = arith.constant 0 : i32
    %dma_start3A_101 = arith.constant 0 : i32
    %dma_start3A_102 = tpu.memref_slice %arg4[%dma_start3A_100, %add3A_99, %dma_start3A_101] : memref<4x2048x1024xf32, #tpu.memory_space<hbm>> -> memref<1x8x1024xf32, #tpu.memory_space<hbm>>
    %dma_start3A_103 = tpu.memref_squeeze %dma_start3A_102 : memref<1x8x1024xf32, #tpu.memory_space<hbm>> -> memref<8x1024xf32, #tpu.memory_space<hbm>>
    %dma_start3A_104 = arith.constant 0 : i32
    %dma_start3A_105 = tpu.memref_slice %arg4[%dma_start3A_100, %add3A_99, %dma_start3A_104] : memref<4x2048x1024xf32, #tpu.memory_space<hbm>> -> memref<1x8x1024xf32, #tpu.memory_space<hbm>>
    %dma_start3A_106 = tpu.memref_squeeze %dma_start3A_105 : memref<1x8x1024xf32, #tpu.memory_space<hbm>> -> memref<8x1024xf32, #tpu.memory_space<hbm>>
    tpu.enqueue_dma source(%arg7 : memref<8x1024xf32, #tpu.memory_space<vmem>>) target(%dma_start3A_106 : memref<8x1024xf32, #tpu.memory_space<hbm>>) target_semaphore(%arg25 : memref<!tpu.dma_semaphore, #tpu.memory_space<semaphore_mem>>)
    %dma_wait3A_107 = arith.constant 0 : i32
    %dma_wait3A_108 = arith.constant 0 : i32
    %dma_wait3A_109 = tpu.memref_slice %arg4[%dma_wait3A_107, %add3A_99, %dma_wait3A_108] : memref<4x2048x1024xf32, #tpu.memory_space<hbm>> -> memref<1x8x1024xf32, #tpu.memory_space<hbm>>
    %dma_wait3A_110 = tpu.memref_squeeze %dma_wait3A_109 : memref<1x8x1024xf32, #tpu.memory_space<hbm>> -> memref<8x1024xf32, #tpu.memory_space<hbm>>
    %dma_wait3A_111 = arith.constant 0 : i32
    %dma_wait3A_112 = tpu.memref_slice %arg4[%dma_wait3A_107, %add3A_99, %dma_wait3A_111] : memref<4x2048x1024xf32, #tpu.memory_space<hbm>> -> memref<1x8x1024xf32, #tpu.memory_space<hbm>>
    %dma_wait3A_113 = tpu.memref_squeeze %dma_wait3A_112 : memref<1x8x1024xf32, #tpu.memory_space<hbm>> -> memref<8x1024xf32, #tpu.memory_space<hbm>>
    tpu.wait_dma2 semaphore(%arg25 : memref<!tpu.dma_semaphore, #tpu.memory_space<semaphore_mem>>) src(%arg7 : memref<8x1024xf32, #tpu.memory_space<vmem>>) dst(%dma_wait3A_113 : memref<8x1024xf32, #tpu.memory_space<hbm>>)
    %add3A_114 = arith.constant 16 : i32
    %add3A_115 = arith.addi %mul3A_2, %add3A_114 : i32
    %dma_start3A_116 = arith.constant 0 : i32
    %dma_start3A_117 = arith.constant 0 : i32
    %dma_start3A_118 = tpu.memref_slice %arg2[%dma_start3A_116, %add3A_115, %dma_start3A_117] : memref<4x2048x1024xf32, #tpu.memory_space<hbm>> -> memref<1x8x1024xf32, #tpu.memory_space<hbm>>
    %dma_start3A_119 = tpu.memref_squeeze %dma_start3A_118 : memref<1x8x1024xf32, #tpu.memory_space<hbm>> -> memref<8x1024xf32, #tpu.memory_space<hbm>>
    %dma_start3A_120 = arith.constant 0 : i32
    %dma_start3A_121 = tpu.memref_slice %arg2[%dma_start3A_116, %add3A_115, %dma_start3A_120] : memref<4x2048x1024xf32, #tpu.memory_space<hbm>> -> memref<1x8x1024xf32, #tpu.memory_space<hbm>>
    %dma_start3A_122 = tpu.memref_squeeze %dma_start3A_121 : memref<1x8x1024xf32, #tpu.memory_space<hbm>> -> memref<8x1024xf32, #tpu.memory_space<hbm>>
    tpu.enqueue_dma source(%dma_start3A_122 : memref<8x1024xf32, #tpu.memory_space<hbm>>) target(%arg7 : memref<8x1024xf32, #tpu.memory_space<vmem>>) target_semaphore(%arg17 : memref<!tpu.dma_semaphore, #tpu.memory_space<semaphore_mem>>)
    %dma_wait3A_123 = arith.constant 1 : i32
    %dma_wait3A_124 = arith.constant 0 : i32
    %dma_wait3A_125 = tpu.memref_slice %arg2[%dma_wait3A_123, %add3A_24, %dma_wait3A_124] : memref<4x2048x1024xf32, #tpu.memory_space<hbm>> -> memref<1x8x1024xf32, #tpu.memory_space<hbm>>
    %dma_wait3A_126 = tpu.memref_squeeze %dma_wait3A_125 : memref<1x8x1024xf32, #tpu.memory_space<hbm>> -> memref<8x1024xf32, #tpu.memory_space<hbm>>
    %dma_wait3A_127 = arith.constant 0 : i32
    %dma_wait3A_128 = tpu.memref_slice %arg2[%dma_wait3A_123, %add3A_24, %dma_wait3A_127] : memref<4x2048x1024xf32, #tpu.memory_space<hbm>> -> memref<1x8x1024xf32, #tpu.memory_space<hbm>>
    %dma_wait3A_129 = tpu.memref_squeeze %dma_wait3A_128 : memref<1x8x1024xf32, #tpu.memory_space<hbm>> -> memref<8x1024xf32, #tpu.memory_space<hbm>>
    tpu.wait_dma2 semaphore(%arg18 : memref<!tpu.dma_semaphore, #tpu.memory_space<semaphore_mem>>) src(%dma_wait3A_129 : memref<8x1024xf32, #tpu.memory_space<hbm>>) dst(%arg8 : memref<8x1024xf32, #tpu.memory_space<vmem>>)
    %parallel_loop3A_130 = arith.constant 0 : i32
    %parallel_loop3A_131 = arith.constant 512 : i32
    %parallel_loop3A_132 = arith.constant 1 : i32
    scf.for %parallel_loop3A_1200 = %parallel_loop3A_130 to %parallel_loop3A_131 step %parallel_loop3A_132  : i32 {
      %parallel_loop3A_1201 = arith.constant 64 : i32
      %parallel_loop3A_1202 = arith.divsi %parallel_loop3A_1200, %parallel_loop3A_1201 : i32
      %parallel_loop3A_1203 = arith.constant 0 : i32
      %parallel_loop3A_1204 = arith.cmpi sgt, %parallel_loop3A_1200, %parallel_loop3A_1203 : i32
      %parallel_loop3A_1205 = arith.extui %parallel_loop3A_1204 : i1 to i32
      %parallel_loop3A_1206 = arith.constant 0 : i32
      %parallel_loop3A_1207 = arith.cmpi slt, %parallel_loop3A_1200, %parallel_loop3A_1206 : i32
      %parallel_loop3A_1208 = arith.extui %parallel_loop3A_1207 : i1 to i32
      %parallel_loop3A_1209 = arith.subi %parallel_loop3A_1205, %parallel_loop3A_1208 : i32
      %parallel_loop3A_1210 = arith.constant 0 : i32
      %parallel_loop3A_1211 = arith.cmpi sgt, %parallel_loop3A_1201, %parallel_loop3A_1210 : i32
      %parallel_loop3A_1212 = arith.extui %parallel_loop3A_1211 : i1 to i32
      %parallel_loop3A_1213 = arith.constant 0 : i32
      %parallel_loop3A_1214 = arith.cmpi slt, %parallel_loop3A_1201, %parallel_loop3A_1213 : i32
      %parallel_loop3A_1215 = arith.extui %parallel_loop3A_1214 : i1 to i32
      %parallel_loop3A_1216 = arith.subi %parallel_loop3A_1212, %parallel_loop3A_1215 : i32
      %parallel_loop3A_1217 = arith.cmpi ne, %parallel_loop3A_1209, %parallel_loop3A_1216 : i32
      %parallel_loop3A_1218 = arith.remsi %parallel_loop3A_1200, %parallel_loop3A_1201 : i32
      %parallel_loop3A_1219 = arith.constant 0 : i32
      %parallel_loop3A_1220 = arith.cmpi ne, %parallel_loop3A_1218, %parallel_loop3A_1219 : i32
      %parallel_loop3A_1221 = arith.andi %parallel_loop3A_1217, %parallel_loop3A_1220 : i1
      %parallel_loop3A_1222 = arith.constant 1 : i32
      %parallel_loop3A_1223 = arith.subi %parallel_loop3A_1202, %parallel_loop3A_1222 : i32
      %parallel_loop3A_1224 = arith.select %parallel_loop3A_1221, %parallel_loop3A_1223, %parallel_loop3A_1202 : i32
      %parallel_loop3A_1225 = arith.constant 64 : i32
      %parallel_loop3A_1226 = arith.constant 0 : i32
      %parallel_loop3A_1227 = arith.cmpi eq, %parallel_loop3A_1225, %parallel_loop3A_1226 : i32
      %parallel_loop3A_1228 = arith.constant 1 : i32
      %parallel_loop3A_1229 = arith.select %parallel_loop3A_1227, %parallel_loop3A_1228, %parallel_loop3A_1225 : i32
      %parallel_loop3A_1230 = arith.remsi %parallel_loop3A_1200, %parallel_loop3A_1229 : i32
      %parallel_loop3A_1231 = arith.constant 0 : i32
      %parallel_loop3A_1232 = arith.cmpi ne, %parallel_loop3A_1230, %parallel_loop3A_1231 : i32
      %parallel_loop3A_1233 = arith.constant 0 : i32
      %parallel_loop3A_1234 = arith.cmpi slt, %parallel_loop3A_1230, %parallel_loop3A_1233 : i32
      %parallel_loop3A_1235 = arith.constant 0 : i32
      %parallel_loop3A_1236 = arith.cmpi slt, %parallel_loop3A_1229, %parallel_loop3A_1235 : i32
      %parallel_loop3A_1237 = arith.xori %parallel_loop3A_1234, %parallel_loop3A_1236 : i1
      %parallel_loop3A_1238 = arith.andi %parallel_loop3A_1237, %parallel_loop3A_1232 : i1
      %parallel_loop3A_1239 = arith.addi %parallel_loop3A_1230, %parallel_loop3A_1229 : i32
      %parallel_loop3A_1240 = arith.select %parallel_loop3A_1238, %parallel_loop3A_1239, %parallel_loop3A_1230 : i32
      %parallel_loop3A_1241 = arith.constant 16 : i32
      %parallel_loop3A_1242 = arith.muli %parallel_loop3A_1240, %parallel_loop3A_1241 : i32
      %parallel_loop3A_1243 = arith.index_cast %parallel_loop3A_1224 : i32 to index
      %parallel_loop3A_1244 = arith.index_cast %parallel_loop3A_1242 : i32 to index
      %parallel_loop3A_1245 = tpu.vector_load %arg5[%parallel_loop3A_1243, %parallel_loop3A_1244] {strides = array<i32>} : memref<8x1024xf32, #tpu.memory_space<vmem>>, vector<1x16xf32>,
      %parallel_loop3A_1246 = vector.shape_cast %parallel_loop3A_1245 : vector<1x16xf32> to vector<16xf32>
      %parallel_loop3A_1247 = arith.index_cast %parallel_loop3A_1224 : i32 to index
      %parallel_loop3A_1248 = arith.index_cast %parallel_loop3A_1242 : i32 to index
      %parallel_loop3A_1249 = tpu.vector_load %arg8[%parallel_loop3A_1247, %parallel_loop3A_1248] {strides = array<i32>} : memref<8x1024xf32, #tpu.memory_space<vmem>>, vector<1x16xf32>,
      %parallel_loop3A_1250 = vector.shape_cast %parallel_loop3A_1249 : vector<1x16xf32> to vector<16xf32>
      %parallel_loop3A_1251 = vector.shape_cast %parallel_loop3A_1246 : vector<16xf32> to vector<1x16xf32>
      tpu.vector_store %arg8[%parallel_loop3A_1247, %parallel_loop3A_1248], %parallel_loop3A_1251 {add = true, strides = array<i32>} : memref<8x1024xf32, #tpu.memory_space<vmem>>, vector<1x16xf32>,
    } {sc.loop_unroll_factor = 8 : i64, sc.parallel_access}
    %add3A_133 = arith.constant 0 : i32
    %add3A_134 = arith.addi %mul3A_2, %add3A_133 : i32
    %dma_start3A_135 = arith.constant 1 : i32
    %dma_start3A_136 = arith.constant 0 : i32
    %dma_start3A_137 = tpu.memref_slice %arg4[%dma_start3A_135, %add3A_134, %dma_start3A_136] : memref<4x2048x1024xf32, #tpu.memory_space<hbm>> -> memref<1x8x1024xf32, #tpu.memory_space<hbm>>
    %dma_start3A_138 = tpu.memref_squeeze %dma_start3A_137 : memref<1x8x1024xf32, #tpu.memory_space<hbm>> -> memref<8x1024xf32, #tpu.memory_space<hbm>>
    %dma_start3A_139 = arith.constant 0 : i32
    %dma_start3A_140 = tpu.memref_slice %arg4[%dma_start3A_135, %add3A_134, %dma_start3A_139] : memref<4x2048x1024xf32, #tpu.memory_space<hbm>> -> memref<1x8x1024xf32, #tpu.memory_space<hbm>>
    %dma_start3A_141 = tpu.memref_squeeze %dma_start3A_140 : memref<1x8x1024xf32, #tpu.memory_space<hbm>> -> memref<8x1024xf32, #tpu.memory_space<hbm>>
    tpu.enqueue_dma source(%arg8 : memref<8x1024xf32, #tpu.memory_space<vmem>>) target(%dma_start3A_141 : memref<8x1024xf32, #tpu.memory_space<hbm>>) target_semaphore(%arg26 : memref<!tpu.dma_semaphore, #tpu.memory_space<semaphore_mem>>)
    %dma_wait3A_142 = arith.constant 1 : i32
    %dma_wait3A_143 = arith.constant 0 : i32
    %dma_wait3A_144 = tpu.memref_slice %arg4[%dma_wait3A_142, %add3A_134, %dma_wait3A_143] : memref<4x2048x1024xf32, #tpu.memory_space<hbm>> -> memref<1x8x1024xf32, #tpu.memory_space<hbm>>
    %dma_wait3A_145 = tpu.memref_squeeze %dma_wait3A_144 : memref<1x8x1024xf32, #tpu.memory_space<hbm>> -> memref<8x1024xf32, #tpu.memory_space<hbm>>
    %dma_wait3A_146 = arith.constant 0 : i32
    %dma_wait3A_147 = tpu.memref_slice %arg4[%dma_wait3A_142, %add3A_134, %dma_wait3A_146] : memref<4x2048x1024xf32, #tpu.memory_space<hbm>> -> memref<1x8x1024xf32, #tpu.memory_space<hbm>>
    %dma_wait3A_148 = tpu.memref_squeeze %dma_wait3A_147 : memref<1x8x1024xf32, #tpu.memory_space<hbm>> -> memref<8x1024xf32, #tpu.memory_space<hbm>>
    tpu.wait_dma2 semaphore(%arg26 : memref<!tpu.dma_semaphore, #tpu.memory_space<semaphore_mem>>) src(%arg8 : memref<8x1024xf32, #tpu.memory_space<vmem>>) dst(%dma_wait3A_148 : memref<8x1024xf32, #tpu.memory_space<hbm>>)
    %add3A_149 = arith.constant 16 : i32
    %add3A_150 = arith.addi %mul3A_2, %add3A_149 : i32
    %dma_start3A_151 = arith.constant 1 : i32
    %dma_start3A_152 = arith.constant 0 : i32
    %dma_start3A_153 = tpu.memref_slice %arg2[%dma_start3A_151, %add3A_150, %dma_start3A_152] : memref<4x2048x1024xf32, #tpu.memory_space<hbm>> -> memref<1x8x1024xf32, #tpu.memory_space<hbm>>
    %dma_start3A_154 = tpu.memref_squeeze %dma_start3A_153 : memref<1x8x1024xf32, #tpu.memory_space<hbm>> -> memref<8x1024xf32, #tpu.memory_space<hbm>>
    %dma_start3A_155 = arith.constant 0 : i32
    %dma_start3A_156 = tpu.memref_slice %arg2[%dma_start3A_151, %add3A_150, %dma_start3A_155] : memref<4x2048x1024xf32, #tpu.memory_space<hbm>> -> memref<1x8x1024xf32, #tpu.memory_space<hbm>>
    %dma_start3A_157 = tpu.memref_squeeze %dma_start3A_156 : memref<1x8x1024xf32, #tpu.memory_space<hbm>> -> memref<8x1024xf32, #tpu.memory_space<hbm>>
    tpu.enqueue_dma source(%dma_start3A_157 : memref<8x1024xf32, #tpu.memory_space<hbm>>) target(%arg8 : memref<8x1024xf32, #tpu.memory_space<vmem>>) target_semaphore(%arg18 : memref<!tpu.dma_semaphore, #tpu.memory_space<semaphore_mem>>)
    %dma_wait3A_158 = arith.constant 2 : i32
    %dma_wait3A_159 = arith.constant 0 : i32
    %dma_wait3A_160 = tpu.memref_slice %arg2[%dma_wait3A_158, %add3A_33, %dma_wait3A_159] : memref<4x2048x1024xf32, #tpu.memory_space<hbm>> -> memref<1x8x1024xf32, #tpu.memory_space<hbm>>
    %dma_wait3A_161 = tpu.memref_squeeze %dma_wait3A_160 : memref<1x8x1024xf32, #tpu.memory_space<hbm>> -> memref<8x1024xf32, #tpu.memory_space<hbm>>
    %dma_wait3A_162 = arith.constant 0 : i32
    %dma_wait3A_163 = tpu.memref_slice %arg2[%dma_wait3A_158, %add3A_33, %dma_wait3A_162] : memref<4x2048x1024xf32, #tpu.memory_space<hbm>> -> memref<1x8x1024xf32, #tpu.memory_space<hbm>>
    %dma_wait3A_164 = tpu.memref_squeeze %dma_wait3A_163 : memref<1x8x1024xf32, #tpu.memory_space<hbm>> -> memref<8x1024xf32, #tpu.memory_space<hbm>>
    tpu.wait_dma2 semaphore(%arg19 : memref<!tpu.dma_semaphore, #tpu.memory_space<semaphore_mem>>) src(%dma_wait3A_164 : memref<8x1024xf32, #tpu.memory_space<hbm>>) dst(%arg9 : memref<8x1024xf32, #tpu.memory_space<vmem>>)
    %parallel_loop3A_165 = arith.constant 0 : i32
    %parallel_loop3A_166 = arith.constant 512 : i32
    %parallel_loop3A_167 = arith.constant 1 : i32
    scf.for %parallel_loop3A_1200 = %parallel_loop3A_165 to %parallel_loop3A_166 step %parallel_loop3A_167  : i32 {
      %parallel_loop3A_1201 = arith.constant 64 : i32
      %parallel_loop3A_1202 = arith.divsi %parallel_loop3A_1200, %parallel_loop3A_1201 : i32
      %parallel_loop3A_1203 = arith.constant 0 : i32
      %parallel_loop3A_1204 = arith.cmpi sgt, %parallel_loop3A_1200, %parallel_loop3A_1203 : i32
      %parallel_loop3A_1205 = arith.extui %parallel_loop3A_1204 : i1 to i32
      %parallel_loop3A_1206 = arith.constant 0 : i32
      %parallel_loop3A_1207 = arith.cmpi slt, %parallel_loop3A_1200, %parallel_loop3A_1206 : i32
      %parallel_loop3A_1208 = arith.extui %parallel_loop3A_1207 : i1 to i32
      %parallel_loop3A_1209 = arith.subi %parallel_loop3A_1205, %parallel_loop3A_1208 : i32
      %parallel_loop3A_1210 = arith.constant 0 : i32
      %parallel_loop3A_1211 = arith.cmpi sgt, %parallel_loop3A_1201, %parallel_loop3A_1210 : i32
      %parallel_loop3A_1212 = arith.extui %parallel_loop3A_1211 : i1 to i32
      %parallel_loop3A_1213 = arith.constant 0 : i32
      %parallel_loop3A_1214 = arith.cmpi slt, %parallel_loop3A_1201, %parallel_loop3A_1213 : i32
      %parallel_loop3A_1215 = arith.extui %parallel_loop3A_1214 : i1 to i32
      %parallel_loop3A_1216 = arith.subi %parallel_loop3A_1212, %parallel_loop3A_1215 : i32
      %parallel_loop3A_1217 = arith.cmpi ne, %parallel_loop3A_1209, %parallel_loop3A_1216 : i32
      %parallel_loop3A_1218 = arith.remsi %parallel_loop3A_1200, %parallel_loop3A_1201 : i32
      %parallel_loop3A_1219 = arith.constant 0 : i32
      %parallel_loop3A_1220 = arith.cmpi ne, %parallel_loop3A_1218, %parallel_loop3A_1219 : i32
      %parallel_loop3A_1221 = arith.andi %parallel_loop3A_1217, %parallel_loop3A_1220 : i1
      %parallel_loop3A_1222 = arith.constant 1 : i32
      %parallel_loop3A_1223 = arith.subi %parallel_loop3A_1202, %parallel_loop3A_1222 : i32
      %parallel_loop3A_1224 = arith.select %parallel_loop3A_1221, %parallel_loop3A_1223, %parallel_loop3A_1202 : i32
      %parallel_loop3A_1225 = arith.constant 64 : i32
      %parallel_loop3A_1226 = arith.constant 0 : i32
      %parallel_loop3A_1227 = arith.cmpi eq, %parallel_loop3A_1225, %parallel_loop3A_1226 : i32
      %parallel_loop3A_1228 = arith.constant 1 : i32
      %parallel_loop3A_1229 = arith.select %parallel_loop3A_1227, %parallel_loop3A_1228, %parallel_loop3A_1225 : i32
      %parallel_loop3A_1230 = arith.remsi %parallel_loop3A_1200, %parallel_loop3A_1229 : i32
      %parallel_loop3A_1231 = arith.constant 0 : i32
      %parallel_loop3A_1232 = arith.cmpi ne, %parallel_loop3A_1230, %parallel_loop3A_1231 : i32
      %parallel_loop3A_1233 = arith.constant 0 : i32
      %parallel_loop3A_1234 = arith.cmpi slt, %parallel_loop3A_1230, %parallel_loop3A_1233 : i32
      %parallel_loop3A_1235 = arith.constant 0 : i32
      %parallel_loop3A_1236 = arith.cmpi slt, %parallel_loop3A_1229, %parallel_loop3A_1235 : i32
      %parallel_loop3A_1237 = arith.xori %parallel_loop3A_1234, %parallel_loop3A_1236 : i1
      %parallel_loop3A_1238 = arith.andi %parallel_loop3A_1237, %parallel_loop3A_1232 : i1
      %parallel_loop3A_1239 = arith.addi %parallel_loop3A_1230, %parallel_loop3A_1229 : i32
      %parallel_loop3A_1240 = arith.select %parallel_loop3A_1238, %parallel_loop3A_1239, %parallel_loop3A_1230 : i32
      %parallel_loop3A_1241 = arith.constant 16 : i32
      %parallel_loop3A_1242 = arith.muli %parallel_loop3A_1240, %parallel_loop3A_1241 : i32
      %parallel_loop3A_1243 = arith.index_cast %parallel_loop3A_1224 : i32 to index
      %parallel_loop3A_1244 = arith.index_cast %parallel_loop3A_1242 : i32 to index
      %parallel_loop3A_1245 = tpu.vector_load %arg5[%parallel_loop3A_1243, %parallel_loop3A_1244] {strides = array<i32>} : memref<8x1024xf32, #tpu.memory_space<vmem>>, vector<1x16xf32>,
      %parallel_loop3A_1246 = vector.shape_cast %parallel_loop3A_1245 : vector<1x16xf32> to vector<16xf32>
      %parallel_loop3A_1247 = arith.index_cast %parallel_loop3A_1224 : i32 to index
      %parallel_loop3A_1248 = arith.index_cast %parallel_loop3A_1242 : i32 to index
      %parallel_loop3A_1249 = tpu.vector_load %arg9[%parallel_loop3A_1247, %parallel_loop3A_1248] {strides = array<i32>} : memref<8x1024xf32, #tpu.memory_space<vmem>>, vector<1x16xf32>,
      %parallel_loop3A_1250 = vector.shape_cast %parallel_loop3A_1249 : vector<1x16xf32> to vector<16xf32>
      %parallel_loop3A_1251 = vector.shape_cast %parallel_loop3A_1246 : vector<16xf32> to vector<1x16xf32>
      tpu.vector_store %arg9[%parallel_loop3A_1247, %parallel_loop3A_1248], %parallel_loop3A_1251 {add = true, strides = array<i32>} : memref<8x1024xf32, #tpu.memory_space<vmem>>, vector<1x16xf32>,
    } {sc.loop_unroll_factor = 8 : i64, sc.parallel_access}
    %add3A_168 = arith.constant 0 : i32
    %add3A_169 = arith.addi %mul3A_2, %add3A_168 : i32
    %dma_start3A_170 = arith.constant 2 : i32
    %dma_start3A_171 = arith.constant 0 : i32
    %dma_start3A_172 = tpu.memref_slice %arg4[%dma_start3A_170, %add3A_169, %dma_start3A_171] : memref<4x2048x1024xf32, #tpu.memory_space<hbm>> -> memref<1x8x1024xf32, #tpu.memory_space<hbm>>
    %dma_start3A_173 = tpu.memref_squeeze %dma_start3A_172 : memref<1x8x1024xf32, #tpu.memory_space<hbm>> -> memref<8x1024xf32, #tpu.memory_space<hbm>>
    %dma_start3A_174 = arith.constant 0 : i32
    %dma_start3A_175 = tpu.memref_slice %arg4[%dma_start3A_170, %add3A_169, %dma_start3A_174] : memref<4x2048x1024xf32, #tpu.memory_space<hbm>> -> memref<1x8x1024xf32, #tpu.memory_space<hbm>>
    %dma_start3A_176 = tpu.memref_squeeze %dma_start3A_175 : memref<1x8x1024xf32, #tpu.memory_space<hbm>> -> memref<8x1024xf32, #tpu.memory_space<hbm>>
    tpu.enqueue_dma source(%arg9 : memref<8x1024xf32, #tpu.memory_space<vmem>>) target(%dma_start3A_176 : memref<8x1024xf32, #tpu.memory_space<hbm>>) target_semaphore(%arg27 : memref<!tpu.dma_semaphore, #tpu.memory_space<semaphore_mem>>)
    %dma_wait3A_177 = arith.constant 2 : i32
    %dma_wait3A_178 = arith.constant 0 : i32
    %dma_wait3A_179 = tpu.memref_slice %arg4[%dma_wait3A_177, %add3A_169, %dma_wait3A_178] : memref<4x2048x1024xf32, #tpu.memory_space<hbm>> -> memref<1x8x1024xf32, #tpu.memory_space<hbm>>
    %dma_wait3A_180 = tpu.memref_squeeze %dma_wait3A_179 : memref<1x8x1024xf32, #tpu.memory_space<hbm>> -> memref<8x1024xf32, #tpu.memory_space<hbm>>
    %dma_wait3A_181 = arith.constant 0 : i32
    %dma_wait3A_182 = tpu.memref_slice %arg4[%dma_wait3A_177, %add3A_169, %dma_wait3A_181] : memref<4x2048x1024xf32, #tpu.memory_space<hbm>> -> memref<1x8x1024xf32, #tpu.memory_space<hbm>>
    %dma_wait3A_183 = tpu.memref_squeeze %dma_wait3A_182 : memref<1x8x1024xf32, #tpu.memory_space<hbm>> -> memref<8x1024xf32, #tpu.memory_space<hbm>>
    tpu.wait_dma2 semaphore(%arg27 : memref<!tpu.dma_semaphore, #tpu.memory_space<semaphore_mem>>) src(%arg9 : memref<8x1024xf32, #tpu.memory_space<vmem>>) dst(%dma_wait3A_183 : memref<8x1024xf32, #tpu.memory_space<hbm>>)
    %add3A_184 = arith.constant 16 : i32
    %add3A_185 = arith.addi %mul3A_2, %add3A_184 : i32
    %dma_start3A_186 = arith.constant 2 : i32
    %dma_start3A_187 = arith.constant 0 : i32
    %dma_start3A_188 = tpu.memref_slice %arg2[%dma_start3A_186, %add3A_185, %dma_start3A_187] : memref<4x2048x1024xf32, #tpu.memory_space<hbm>> -> memref<1x8x1024xf32, #tpu.memory_space<hbm>>
    %dma_start3A_189 = tpu.memref_squeeze %dma_start3A_188 : memref<1x8x1024xf32, #tpu.memory_space<hbm>> -> memref<8x1024xf32, #tpu.memory_space<hbm>>
    %dma_start3A_190 = arith.constant 0 : i32
    %dma_start3A_191 = tpu.memref_slice %arg2[%dma_start3A_186, %add3A_185, %dma_start3A_190] : memref<4x2048x1024xf32, #tpu.memory_space<hbm>> -> memref<1x8x1024xf32, #tpu.memory_space<hbm>>
    %dma_start3A_192 = tpu.memref_squeeze %dma_start3A_191 : memref<1x8x1024xf32, #tpu.memory_space<hbm>> -> memref<8x1024xf32, #tpu.memory_space<hbm>>
    tpu.enqueue_dma source(%dma_start3A_192 : memref<8x1024xf32, #tpu.memory_space<hbm>>) target(%arg9 : memref<8x1024xf32, #tpu.memory_space<vmem>>) target_semaphore(%arg19 : memref<!tpu.dma_semaphore, #tpu.memory_space<semaphore_mem>>)
    %dma_wait3A_193 = arith.constant 3 : i32
    %dma_wait3A_194 = arith.constant 0 : i32
    %dma_wait3A_195 = tpu.memref_slice %arg2[%dma_wait3A_193, %add3A_42, %dma_wait3A_194] : memref<4x2048x1024xf32, #tpu.memory_space<hbm>> -> memref<1x8x1024xf32, #tpu.memory_space<hbm>>
    %dma_wait3A_196 = tpu.memref_squeeze %dma_wait3A_195 : memref<1x8x1024xf32, #tpu.memory_space<hbm>> -> memref<8x1024xf32, #tpu.memory_space<hbm>>
    %dma_wait3A_197 = arith.constant 0 : i32
    %dma_wait3A_198 = tpu.memref_slice %arg2[%dma_wait3A_193, %add3A_42, %dma_wait3A_197] : memref<4x2048x1024xf32, #tpu.memory_space<hbm>> -> memref<1x8x1024xf32, #tpu.memory_space<hbm>>
    %dma_wait3A_199 = tpu.memref_squeeze %dma_wait3A_198 : memref<1x8x1024xf32, #tpu.memory_space<hbm>> -> memref<8x1024xf32, #tpu.memory_space<hbm>>
    tpu.wait_dma2 semaphore(%arg20 : memref<!tpu.dma_semaphore, #tpu.memory_space<semaphore_mem>>) src(%dma_wait3A_199 : memref<8x1024xf32, #tpu.memory_space<hbm>>) dst(%arg10 : memref<8x1024xf32, #tpu.memory_space<vmem>>)
    %parallel_loop3A_200 = arith.constant 0 : i32
    %parallel_loop3A_201 = arith.constant 512 : i32
    %parallel_loop3A_202 = arith.constant 1 : i32
    scf.for %parallel_loop3A_1200 = %parallel_loop3A_200 to %parallel_loop3A_201 step %parallel_loop3A_202  : i32 {
      %parallel_loop3A_1201 = arith.constant 64 : i32
      %parallel_loop3A_1202 = arith.divsi %parallel_loop3A_1200, %parallel_loop3A_1201 : i32
      %parallel_loop3A_1203 = arith.constant 0 : i32
      %parallel_loop3A_1204 = arith.cmpi sgt, %parallel_loop3A_1200, %parallel_loop3A_1203 : i32
      %parallel_loop3A_1205 = arith.extui %parallel_loop3A_1204 : i1 to i32
      %parallel_loop3A_1206 = arith.constant 0 : i32
      %parallel_loop3A_1207 = arith.cmpi slt, %parallel_loop3A_1200, %parallel_loop3A_1206 : i32
      %parallel_loop3A_1208 = arith.extui %parallel_loop3A_1207 : i1 to i32
      %parallel_loop3A_1209 = arith.subi %parallel_loop3A_1205, %parallel_loop3A_1208 : i32
      %parallel_loop3A_1210 = arith.constant 0 : i32
      %parallel_loop3A_1211 = arith.cmpi sgt, %parallel_loop3A_1201, %parallel_loop3A_1210 : i32
      %parallel_loop3A_1212 = arith.extui %parallel_loop3A_1211 : i1 to i32
      %parallel_loop3A_1213 = arith.constant 0 : i32
      %parallel_loop3A_1214 = arith.cmpi slt, %parallel_loop3A_1201, %parallel_loop3A_1213 : i32
      %parallel_loop3A_1215 = arith.extui %parallel_loop3A_1214 : i1 to i32
      %parallel_loop3A_1216 = arith.subi %parallel_loop3A_1212, %parallel_loop3A_1215 : i32
      %parallel_loop3A_1217 = arith.cmpi ne, %parallel_loop3A_1209, %parallel_loop3A_1216 : i32
      %parallel_loop3A_1218 = arith.remsi %parallel_loop3A_1200, %parallel_loop3A_1201 : i32
      %parallel_loop3A_1219 = arith.constant 0 : i32
      %parallel_loop3A_1220 = arith.cmpi ne, %parallel_loop3A_1218, %parallel_loop3A_1219 : i32
      %parallel_loop3A_1221 = arith.andi %parallel_loop3A_1217, %parallel_loop3A_1220 : i1
      %parallel_loop3A_1222 = arith.constant 1 : i32
      %parallel_loop3A_1223 = arith.subi %parallel_loop3A_1202, %parallel_loop3A_1222 : i32
      %parallel_loop3A_1224 = arith.select %parallel_loop3A_1221, %parallel_loop3A_1223, %parallel_loop3A_1202 : i32
      %parallel_loop3A_1225 = arith.constant 64 : i32
      %parallel_loop3A_1226 = arith.constant 0 : i32
      %parallel_loop3A_1227 = arith.cmpi eq, %parallel_loop3A_1225, %parallel_loop3A_1226 : i32
      %parallel_loop3A_1228 = arith.constant 1 : i32
      %parallel_loop3A_1229 = arith.select %parallel_loop3A_1227, %parallel_loop3A_1228, %parallel_loop3A_1225 : i32
      %parallel_loop3A_1230 = arith.remsi %parallel_loop3A_1200, %parallel_loop3A_1229 : i32
      %parallel_loop3A_1231 = arith.constant 0 : i32
      %parallel_loop3A_1232 = arith.cmpi ne, %parallel_loop3A_1230, %parallel_loop3A_1231 : i32
      %parallel_loop3A_1233 = arith.constant 0 : i32
      %parallel_loop3A_1234 = arith.cmpi slt, %parallel_loop3A_1230, %parallel_loop3A_1233 : i32
      %parallel_loop3A_1235 = arith.constant 0 : i32
      %parallel_loop3A_1236 = arith.cmpi slt, %parallel_loop3A_1229, %parallel_loop3A_1235 : i32
      %parallel_loop3A_1237 = arith.xori %parallel_loop3A_1234, %parallel_loop3A_1236 : i1
      %parallel_loop3A_1238 = arith.andi %parallel_loop3A_1237, %parallel_loop3A_1232 : i1
      %parallel_loop3A_1239 = arith.addi %parallel_loop3A_1230, %parallel_loop3A_1229 : i32
      %parallel_loop3A_1240 = arith.select %parallel_loop3A_1238, %parallel_loop3A_1239, %parallel_loop3A_1230 : i32
      %parallel_loop3A_1241 = arith.constant 16 : i32
      %parallel_loop3A_1242 = arith.muli %parallel_loop3A_1240, %parallel_loop3A_1241 : i32
      %parallel_loop3A_1243 = arith.index_cast %parallel_loop3A_1224 : i32 to index
      %parallel_loop3A_1244 = arith.index_cast %parallel_loop3A_1242 : i32 to index
      %parallel_loop3A_1245 = tpu.vector_load %arg5[%parallel_loop3A_1243, %parallel_loop3A_1244] {strides = array<i32>} : memref<8x1024xf32, #tpu.memory_space<vmem>>, vector<1x16xf32>,
      %parallel_loop3A_1246 = vector.shape_cast %parallel_loop3A_1245 : vector<1x16xf32> to vector<16xf32>
      %parallel_loop3A_1247 = arith.index_cast %parallel_loop3A_1224 : i32 to index
      %parallel_loop3A_1248 = arith.index_cast %parallel_loop3A_1242 : i32 to index
      %parallel_loop3A_1249 = tpu.vector_load %arg10[%parallel_loop3A_1247, %parallel_loop3A_1248] {strides = array<i32>} : memref<8x1024xf32, #tpu.memory_space<vmem>>, vector<1x16xf32>,
      %parallel_loop3A_1250 = vector.shape_cast %parallel_loop3A_1249 : vector<1x16xf32> to vector<16xf32>
      %parallel_loop3A_1251 = vector.shape_cast %parallel_loop3A_1246 : vector<16xf32> to vector<1x16xf32>
      tpu.vector_store %arg10[%parallel_loop3A_1247, %parallel_loop3A_1248], %parallel_loop3A_1251 {add = true, strides = array<i32>} : memref<8x1024xf32, #tpu.memory_space<vmem>>, vector<1x16xf32>,
    } {sc.loop_unroll_factor = 8 : i64, sc.parallel_access}
    %add3A_203 = arith.constant 16 : i32
    %add3A_204 = arith.addi %mul3A_2, %add3A_203 : i32
    %dma_start3A_205 = arith.constant 0 : i32
    %dma_start3A_206 = tpu.memref_slice %arg3[%add3A_204, %dma_start3A_205] : memref<2048x1024xf32, #tpu.memory_space<hbm>> -> memref<8x1024xf32, #tpu.memory_space<hbm>>
    %dma_start3A_207 = arith.constant 0 : i32
    %dma_start3A_208 = tpu.memref_slice %arg3[%add3A_204, %dma_start3A_207] : memref<2048x1024xf32, #tpu.memory_space<hbm>> -> memref<8x1024xf32, #tpu.memory_space<hbm>>
    tpu.enqueue_dma source(%dma_start3A_208 : memref<8x1024xf32, #tpu.memory_space<hbm>>) target(%arg5 : memref<8x1024xf32, #tpu.memory_space<vmem>>) target_semaphore(%arg15 : memref<!tpu.dma_semaphore, #tpu.memory_space<semaphore_mem>>)
    %add3A_209 = arith.constant 0 : i32
    %add3A_210 = arith.addi %mul3A_2, %add3A_209 : i32
    %dma_start3A_211 = arith.constant 3 : i32
    %dma_start3A_212 = arith.constant 0 : i32
    %dma_start3A_213 = tpu.memref_slice %arg4[%dma_start3A_211, %add3A_210, %dma_start3A_212] : memref<4x2048x1024xf32, #tpu.memory_space<hbm>> -> memref<1x8x1024xf32, #tpu.memory_space<hbm>>
    %dma_start3A_214 = tpu.memref_squeeze %dma_start3A_213 : memref<1x8x1024xf32, #tpu.memory_space<hbm>> -> memref<8x1024xf32, #tpu.memory_space<hbm>>
    %dma_start3A_215 = arith.constant 0 : i32
    %dma_start3A_216 = tpu.memref_slice %arg4[%dma_start3A_211, %add3A_210, %dma_start3A_215] : memref<4x2048x1024xf32, #tpu.memory_space<hbm>> -> memref<1x8x1024xf32, #tpu.memory_space<hbm>>
    %dma_start3A_217 = tpu.memref_squeeze %dma_start3A_216 : memref<1x8x1024xf32, #tpu.memory_space<hbm>> -> memref<8x1024xf32, #tpu.memory_space<hbm>>
    tpu.enqueue_dma source(%arg10 : memref<8x1024xf32, #tpu.memory_space<vmem>>) target(%dma_start3A_217 : memref<8x1024xf32, #tpu.memory_space<hbm>>) target_semaphore(%arg28 : memref<!tpu.dma_semaphore, #tpu.memory_space<semaphore_mem>>)
    %dma_wait3A_218 = arith.constant 3 : i32
    %dma_wait3A_219 = arith.constant 0 : i32
    %dma_wait3A_220 = tpu.memref_slice %arg4[%dma_wait3A_218, %add3A_210, %dma_wait3A_219] : memref<4x2048x1024xf32, #tpu.memory_space<hbm>> -> memref<1x8x1024xf32, #tpu.memory_space<hbm>>
    %dma_wait3A_221 = tpu.memref_squeeze %dma_wait3A_220 : memref<1x8x1024xf32, #tpu.memory_space<hbm>> -> memref<8x1024xf32, #tpu.memory_space<hbm>>
    %dma_wait3A_222 = arith.constant 0 : i32
    %dma_wait3A_223 = tpu.memref_slice %arg4[%dma_wait3A_218, %add3A_210, %dma_wait3A_222] : memref<4x2048x1024xf32, #tpu.memory_space<hbm>> -> memref<1x8x1024xf32, #tpu.memory_space<hbm>>
    %dma_wait3A_224 = tpu.memref_squeeze %dma_wait3A_223 : memref<1x8x1024xf32, #tpu.memory_space<hbm>> -> memref<8x1024xf32, #tpu.memory_space<hbm>>
    tpu.wait_dma2 semaphore(%arg28 : memref<!tpu.dma_semaphore, #tpu.memory_space<semaphore_mem>>) src(%arg10 : memref<8x1024xf32, #tpu.memory_space<vmem>>) dst(%dma_wait3A_224 : memref<8x1024xf32, #tpu.memory_space<hbm>>)
    %add3A_225 = arith.constant 16 : i32
    %add3A_226 = arith.addi %mul3A_2, %add3A_225 : i32
    %dma_start3A_227 = arith.constant 3 : i32
    %dma_start3A_228 = arith.constant 0 : i32
    %dma_start3A_229 = tpu.memref_slice %arg2[%dma_start3A_227, %add3A_226, %dma_start3A_228] : memref<4x2048x1024xf32, #tpu.memory_space<hbm>> -> memref<1x8x1024xf32, #tpu.memory_space<hbm>>
    %dma_start3A_230 = tpu.memref_squeeze %dma_start3A_229 : memref<1x8x1024xf32, #tpu.memory_space<hbm>> -> memref<8x1024xf32, #tpu.memory_space<hbm>>
    %dma_start3A_231 = arith.constant 0 : i32
    %dma_start3A_232 = tpu.memref_slice %arg2[%dma_start3A_227, %add3A_226, %dma_start3A_231] : memref<4x2048x1024xf32, #tpu.memory_space<hbm>> -> memref<1x8x1024xf32, #tpu.memory_space<hbm>>
    %dma_start3A_233 = tpu.memref_squeeze %dma_start3A_232 : memref<1x8x1024xf32, #tpu.memory_space<hbm>> -> memref<8x1024xf32, #tpu.memory_space<hbm>>
    tpu.enqueue_dma source(%dma_start3A_233 : memref<8x1024xf32, #tpu.memory_space<hbm>>) target(%arg10 : memref<8x1024xf32, #tpu.memory_space<vmem>>) target_semaphore(%arg20 : memref<!tpu.dma_semaphore, #tpu.memory_space<semaphore_mem>>)
    %dma_wait3A_234 = arith.constant 0 : i32
    %dma_wait3A_235 = tpu.memref_slice %arg3[%add3A_9, %dma_wait3A_234] : memref<2048x1024xf32, #tpu.memory_space<hbm>> -> memref<8x1024xf32, #tpu.memory_space<hbm>>
    %dma_wait3A_236 = arith.constant 0 : i32
    %dma_wait3A_237 = tpu.memref_slice %arg3[%add3A_9, %dma_wait3A_236] : memref<2048x1024xf32, #tpu.memory_space<hbm>> -> memref<8x1024xf32, #tpu.memory_space<hbm>>
    tpu.wait_dma2 semaphore(%arg16 : memref<!tpu.dma_semaphore, #tpu.memory_space<semaphore_mem>>) src(%dma_wait3A_237 : memref<8x1024xf32, #tpu.memory_space<hbm>>) dst(%arg6 : memref<8x1024xf32, #tpu.memory_space<vmem>>)
    %dma_wait3A_238 = arith.constant 0 : i32
    %dma_wait3A_239 = arith.constant 0 : i32
    %dma_wait3A_240 = tpu.memref_slice %arg2[%dma_wait3A_238, %add3A_51, %dma_wait3A_239] : memref<4x2048x1024xf32, #tpu.memory_space<hbm>> -> memref<1x8x1024xf32, #tpu.memory_space<hbm>>
    %dma_wait3A_241 = tpu.memref_squeeze %dma_wait3A_240 : memref<1x8x1024xf32, #tpu.memory_space<hbm>> -> memref<8x1024xf32, #tpu.memory_space<hbm>>
    %dma_wait3A_242 = arith.constant 0 : i32
    %dma_wait3A_243 = tpu.memref_slice %arg2[%dma_wait3A_238, %add3A_51, %dma_wait3A_242] : memref<4x2048x1024xf32, #tpu.memory_space<hbm>> -> memref<1x8x1024xf32, #tpu.memory_space<hbm>>
    %dma_wait3A_244 = tpu.memref_squeeze %dma_wait3A_243 : memref<1x8x1024xf32, #tpu.memory_space<hbm>> -> memref<8x1024xf32, #tpu.memory_space<hbm>>
    tpu.wait_dma2 semaphore(%arg21 : memref<!tpu.dma_semaphore, #tpu.memory_space<semaphore_mem>>) src(%dma_wait3A_244 : memref<8x1024xf32, #tpu.memory_space<hbm>>) dst(%arg11 : memref<8x1024xf32, #tpu.memory_space<vmem>>)
    %parallel_loop3A_245 = arith.constant 0 : i32
    %parallel_loop3A_246 = arith.constant 512 : i32
    %parallel_loop3A_247 = arith.constant 1 : i32
    scf.for %parallel_loop3A_1200 = %parallel_loop3A_245 to %parallel_loop3A_246 step %parallel_loop3A_247  : i32 {
      %parallel_loop3A_1201 = arith.constant 64 : i32
      %parallel_loop3A_1202 = arith.divsi %parallel_loop3A_1200, %parallel_loop3A_1201 : i32
      %parallel_loop3A_1203 = arith.constant 0 : i32
      %parallel_loop3A_1204 = arith.cmpi sgt, %parallel_loop3A_1200, %parallel_loop3A_1203 : i32
      %parallel_loop3A_1205 = arith.extui %parallel_loop3A_1204 : i1 to i32
      %parallel_loop3A_1206 = arith.constant 0 : i32
      %parallel_loop3A_1207 = arith.cmpi slt, %parallel_loop3A_1200, %parallel_loop3A_1206 : i32
      %parallel_loop3A_1208 = arith.extui %parallel_loop3A_1207 : i1 to i32
      %parallel_loop3A_1209 = arith.subi %parallel_loop3A_1205, %parallel_loop3A_1208 : i32
      %parallel_loop3A_1210 = arith.constant 0 : i32
      %parallel_loop3A_1211 = arith.cmpi sgt, %parallel_loop3A_1201, %parallel_loop3A_1210 : i32
      %parallel_loop3A_1212 = arith.extui %parallel_loop3A_1211 : i1 to i32
      %parallel_loop3A_1213 = arith.constant 0 : i32
      %parallel_loop3A_1214 = arith.cmpi slt, %parallel_loop3A_1201, %parallel_loop3A_1213 : i32
      %parallel_loop3A_1215 = arith.extui %parallel_loop3A_1214 : i1 to i32
      %parallel_loop3A_1216 = arith.subi %parallel_loop3A_1212, %parallel_loop3A_1215 : i32
      %parallel_loop3A_1217 = arith.cmpi ne, %parallel_loop3A_1209, %parallel_loop3A_1216 : i32
      %parallel_loop3A_1218 = arith.remsi %parallel_loop3A_1200, %parallel_loop3A_1201 : i32
      %parallel_loop3A_1219 = arith.constant 0 : i32
      %parallel_loop3A_1220 = arith.cmpi ne, %parallel_loop3A_1218, %parallel_loop3A_1219 : i32
      %parallel_loop3A_1221 = arith.andi %parallel_loop3A_1217, %parallel_loop3A_1220 : i1
      %parallel_loop3A_1222 = arith.constant 1 : i32
      %parallel_loop3A_1223 = arith.subi %parallel_loop3A_1202, %parallel_loop3A_1222 : i32
      %parallel_loop3A_1224 = arith.select %parallel_loop3A_1221, %parallel_loop3A_1223, %parallel_loop3A_1202 : i32
      %parallel_loop3A_1225 = arith.constant 64 : i32
      %parallel_loop3A_1226 = arith.constant 0 : i32
      %parallel_loop3A_1227 = arith.cmpi eq, %parallel_loop3A_1225, %parallel_loop3A_1226 : i32
      %parallel_loop3A_1228 = arith.constant 1 : i32
      %parallel_loop3A_1229 = arith.select %parallel_loop3A_1227, %parallel_loop3A_1228, %parallel_loop3A_1225 : i32
      %parallel_loop3A_1230 = arith.remsi %parallel_loop3A_1200, %parallel_loop3A_1229 : i32
      %parallel_loop3A_1231 = arith.constant 0 : i32
      %parallel_loop3A_1232 = arith.cmpi ne, %parallel_loop3A_1230, %parallel_loop3A_1231 : i32
      %parallel_loop3A_1233 = arith.constant 0 : i32
      %parallel_loop3A_1234 = arith.cmpi slt, %parallel_loop3A_1230, %parallel_loop3A_1233 : i32
      %parallel_loop3A_1235 = arith.constant 0 : i32
      %parallel_loop3A_1236 = arith.cmpi slt, %parallel_loop3A_1229, %parallel_loop3A_1235 : i32
      %parallel_loop3A_1237 = arith.xori %parallel_loop3A_1234, %parallel_loop3A_1236 : i1
      %parallel_loop3A_1238 = arith.andi %parallel_loop3A_1237, %parallel_loop3A_1232 : i1
      %parallel_loop3A_1239 = arith.addi %parallel_loop3A_1230, %parallel_loop3A_1229 : i32
      %parallel_loop3A_1240 = arith.select %parallel_loop3A_1238, %parallel_loop3A_1239, %parallel_loop3A_1230 : i32
      %parallel_loop3A_1241 = arith.constant 16 : i32
      %parallel_loop3A_1242 = arith.muli %parallel_loop3A_1240, %parallel_loop3A_1241 : i32
      %parallel_loop3A_1243 = arith.index_cast %parallel_loop3A_1224 : i32 to index
      %parallel_loop3A_1244 = arith.index_cast %parallel_loop3A_1242 : i32 to index
      %parallel_loop3A_1245 = tpu.vector_load %arg6[%parallel_loop3A_1243, %parallel_loop3A_1244] {strides = array<i32>} : memref<8x1024xf32, #tpu.memory_space<vmem>>, vector<1x16xf32>,
      %parallel_loop3A_1246 = vector.shape_cast %parallel_loop3A_1245 : vector<1x16xf32> to vector<16xf32>
      %parallel_loop3A_1247 = arith.index_cast %parallel_loop3A_1224 : i32 to index
      %parallel_loop3A_1248 = arith.index_cast %parallel_loop3A_1242 : i32 to index
      %parallel_loop3A_1249 = tpu.vector_load %arg11[%parallel_loop3A_1247, %parallel_loop3A_1248] {strides = array<i32>} : memref<8x1024xf32, #tpu.memory_space<vmem>>, vector<1x16xf32>,
      %parallel_loop3A_1250 = vector.shape_cast %parallel_loop3A_1249 : vector<1x16xf32> to vector<16xf32>
      %parallel_loop3A_1251 = vector.shape_cast %parallel_loop3A_1246 : vector<16xf32> to vector<1x16xf32>
      tpu.vector_store %arg11[%parallel_loop3A_1247, %parallel_loop3A_1248], %parallel_loop3A_1251 {add = true, strides = array<i32>} : memref<8x1024xf32, #tpu.memory_space<vmem>>, vector<1x16xf32>,
    } {sc.loop_unroll_factor = 8 : i64, sc.parallel_access}
    %add3A_248 = arith.constant 8 : i32
    %add3A_249 = arith.addi %mul3A_2, %add3A_248 : i32
    %dma_start3A_250 = arith.constant 0 : i32
    %dma_start3A_251 = arith.constant 0 : i32
    %dma_start3A_252 = tpu.memref_slice %arg4[%dma_start3A_250, %add3A_249, %dma_start3A_251] : memref<4x2048x1024xf32, #tpu.memory_space<hbm>> -> memref<1x8x1024xf32, #tpu.memory_space<hbm>>
    %dma_start3A_253 = tpu.memref_squeeze %dma_start3A_252 : memref<1x8x1024xf32, #tpu.memory_space<hbm>> -> memref<8x1024xf32, #tpu.memory_space<hbm>>
    %dma_start3A_254 = arith.constant 0 : i32
    %dma_start3A_255 = tpu.memref_slice %arg4[%dma_start3A_250, %add3A_249, %dma_start3A_254] : memref<4x2048x1024xf32, #tpu.memory_space<hbm>> -> memref<1x8x1024xf32, #tpu.memory_space<hbm>>
    %dma_start3A_256 = tpu.memref_squeeze %dma_start3A_255 : memref<1x8x1024xf32, #tpu.memory_space<hbm>> -> memref<8x1024xf32, #tpu.memory_space<hbm>>
    tpu.enqueue_dma source(%arg11 : memref<8x1024xf32, #tpu.memory_space<vmem>>) target(%dma_start3A_256 : memref<8x1024xf32, #tpu.memory_space<hbm>>) target_semaphore(%arg29 : memref<!tpu.dma_semaphore, #tpu.memory_space<semaphore_mem>>)
    %dma_wait3A_257 = arith.constant 0 : i32
    %dma_wait3A_258 = arith.constant 0 : i32
    %dma_wait3A_259 = tpu.memref_slice %arg4[%dma_wait3A_257, %add3A_249, %dma_wait3A_258] : memref<4x2048x1024xf32, #tpu.memory_space<hbm>> -> memref<1x8x1024xf32, #tpu.memory_space<hbm>>
    %dma_wait3A_260 = tpu.memref_squeeze %dma_wait3A_259 : memref<1x8x1024xf32, #tpu.memory_space<hbm>> -> memref<8x1024xf32, #tpu.memory_space<hbm>>
    %dma_wait3A_261 = arith.constant 0 : i32
    %dma_wait3A_262 = tpu.memref_slice %arg4[%dma_wait3A_257, %add3A_249, %dma_wait3A_261] : memref<4x2048x1024xf32, #tpu.memory_space<hbm>> -> memref<1x8x1024xf32, #tpu.memory_space<hbm>>
    %dma_wait3A_263 = tpu.memref_squeeze %dma_wait3A_262 : memref<1x8x1024xf32, #tpu.memory_space<hbm>> -> memref<8x1024xf32, #tpu.memory_space<hbm>>
    tpu.wait_dma2 semaphore(%arg29 : memref<!tpu.dma_semaphore, #tpu.memory_space<semaphore_mem>>) src(%arg11 : memref<8x1024xf32, #tpu.memory_space<vmem>>) dst(%dma_wait3A_263 : memref<8x1024xf32, #tpu.memory_space<hbm>>)
    %add3A_264 = arith.constant 24 : i32
    %add3A_265 = arith.addi %mul3A_2, %add3A_264 : i32
    %dma_start3A_266 = arith.constant 0 : i32
    %dma_start3A_267 = arith.constant 0 : i32
    %dma_start3A_268 = tpu.memref_slice %arg2[%dma_start3A_266, %add3A_265, %dma_start3A_267] : memref<4x2048x1024xf32, #tpu.memory_space<hbm>> -> memref<1x8x1024xf32, #tpu.memory_space<hbm>>
    %dma_start3A_269 = tpu.memref_squeeze %dma_start3A_268 : memref<1x8x1024xf32, #tpu.memory_space<hbm>> -> memref<8x1024xf32, #tpu.memory_space<hbm>>
    %dma_start3A_270 = arith.constant 0 : i32
    %dma_start3A_271 = tpu.memref_slice %arg2[%dma_start3A_266, %add3A_265, %dma_start3A_270] : memref<4x2048x1024xf32, #tpu.memory_space<hbm>> -> memref<1x8x1024xf32, #tpu.memory_space<hbm>>
    %dma_start3A_272 = tpu.memref_squeeze %dma_start3A_271 : memref<1x8x1024xf32, #tpu.memory_space<hbm>> -> memref<8x1024xf32, #tpu.memory_space<hbm>>
    tpu.enqueue_dma source(%dma_start3A_272 : memref<8x1024xf32, #tpu.memory_space<hbm>>) target(%arg11 : memref<8x1024xf32, #tpu.memory_space<vmem>>) target_semaphore(%arg21 : memref<!tpu.dma_semaphore, #tpu.memory_space<semaphore_mem>>)
    %dma_wait3A_273 = arith.constant 1 : i32
    %dma_wait3A_274 = arith.constant 0 : i32
    %dma_wait3A_275 = tpu.memref_slice %arg2[%dma_wait3A_273, %add3A_60, %dma_wait3A_274] : memref<4x2048x1024xf32, #tpu.memory_space<hbm>> -> memref<1x8x1024xf32, #tpu.memory_space<hbm>>
    %dma_wait3A_276 = tpu.memref_squeeze %dma_wait3A_275 : memref<1x8x1024xf32, #tpu.memory_space<hbm>> -> memref<8x1024xf32, #tpu.memory_space<hbm>>
    %dma_wait3A_277 = arith.constant 0 : i32
    %dma_wait3A_278 = tpu.memref_slice %arg2[%dma_wait3A_273, %add3A_60, %dma_wait3A_277] : memref<4x2048x1024xf32, #tpu.memory_space<hbm>> -> memref<1x8x1024xf32, #tpu.memory_space<hbm>>
    %dma_wait3A_279 = tpu.memref_squeeze %dma_wait3A_278 : memref<1x8x1024xf32, #tpu.memory_space<hbm>> -> memref<8x1024xf32, #tpu.memory_space<hbm>>
    tpu.wait_dma2 semaphore(%arg22 : memref<!tpu.dma_semaphore, #tpu.memory_space<semaphore_mem>>) src(%dma_wait3A_279 : memref<8x1024xf32, #tpu.memory_space<hbm>>) dst(%arg12 : memref<8x1024xf32, #tpu.memory_space<vmem>>)
    %parallel_loop3A_280 = arith.constant 0 : i32
    %parallel_loop3A_281 = arith.constant 512 : i32
    %parallel_loop3A_282 = arith.constant 1 : i32
    scf.for %parallel_loop3A_1200 = %parallel_loop3A_280 to %parallel_loop3A_281 step %parallel_loop3A_282  : i32 {
      %parallel_loop3A_1201 = arith.constant 64 : i32
      %parallel_loop3A_1202 = arith.divsi %parallel_loop3A_1200, %parallel_loop3A_1201 : i32
      %parallel_loop3A_1203 = arith.constant 0 : i32
      %parallel_loop3A_1204 = arith.cmpi sgt, %parallel_loop3A_1200, %parallel_loop3A_1203 : i32
      %parallel_loop3A_1205 = arith.extui %parallel_loop3A_1204 : i1 to i32
      %parallel_loop3A_1206 = arith.constant 0 : i32
      %parallel_loop3A_1207 = arith.cmpi slt, %parallel_loop3A_1200, %parallel_loop3A_1206 : i32
      %parallel_loop3A_1208 = arith.extui %parallel_loop3A_1207 : i1 to i32
      %parallel_loop3A_1209 = arith.subi %parallel_loop3A_1205, %parallel_loop3A_1208 : i32
      %parallel_loop3A_1210 = arith.constant 0 : i32
      %parallel_loop3A_1211 = arith.cmpi sgt, %parallel_loop3A_1201, %parallel_loop3A_1210 : i32
      %parallel_loop3A_1212 = arith.extui %parallel_loop3A_1211 : i1 to i32
      %parallel_loop3A_1213 = arith.constant 0 : i32
      %parallel_loop3A_1214 = arith.cmpi slt, %parallel_loop3A_1201, %parallel_loop3A_1213 : i32
      %parallel_loop3A_1215 = arith.extui %parallel_loop3A_1214 : i1 to i32
      %parallel_loop3A_1216 = arith.subi %parallel_loop3A_1212, %parallel_loop3A_1215 : i32
      %parallel_loop3A_1217 = arith.cmpi ne, %parallel_loop3A_1209, %parallel_loop3A_1216 : i32
      %parallel_loop3A_1218 = arith.remsi %parallel_loop3A_1200, %parallel_loop3A_1201 : i32
      %parallel_loop3A_1219 = arith.constant 0 : i32
      %parallel_loop3A_1220 = arith.cmpi ne, %parallel_loop3A_1218, %parallel_loop3A_1219 : i32
      %parallel_loop3A_1221 = arith.andi %parallel_loop3A_1217, %parallel_loop3A_1220 : i1
      %parallel_loop3A_1222 = arith.constant 1 : i32
      %parallel_loop3A_1223 = arith.subi %parallel_loop3A_1202, %parallel_loop3A_1222 : i32
      %parallel_loop3A_1224 = arith.select %parallel_loop3A_1221, %parallel_loop3A_1223, %parallel_loop3A_1202 : i32
      %parallel_loop3A_1225 = arith.constant 64 : i32
      %parallel_loop3A_1226 = arith.constant 0 : i32
      %parallel_loop3A_1227 = arith.cmpi eq, %parallel_loop3A_1225, %parallel_loop3A_1226 : i32
      %parallel_loop3A_1228 = arith.constant 1 : i32
      %parallel_loop3A_1229 = arith.select %parallel_loop3A_1227, %parallel_loop3A_1228, %parallel_loop3A_1225 : i32
      %parallel_loop3A_1230 = arith.remsi %parallel_loop3A_1200, %parallel_loop3A_1229 : i32
      %parallel_loop3A_1231 = arith.constant 0 : i32
      %parallel_loop3A_1232 = arith.cmpi ne, %parallel_loop3A_1230, %parallel_loop3A_1231 : i32
      %parallel_loop3A_1233 = arith.constant 0 : i32
      %parallel_loop3A_1234 = arith.cmpi slt, %parallel_loop3A_1230, %parallel_loop3A_1233 : i32
      %parallel_loop3A_1235 = arith.constant 0 : i32
      %parallel_loop3A_1236 = arith.cmpi slt, %parallel_loop3A_1229, %parallel_loop3A_1235 : i32
      %parallel_loop3A_1237 = arith.xori %parallel_loop3A_1234, %parallel_loop3A_1236 : i1
      %parallel_loop3A_1238 = arith.andi %parallel_loop3A_1237, %parallel_loop3A_1232 : i1
      %parallel_loop3A_1239 = arith.addi %parallel_loop3A_1230, %parallel_loop3A_1229 : i32
      %parallel_loop3A_1240 = arith.select %parallel_loop3A_1238, %parallel_loop3A_1239, %parallel_loop3A_1230 : i32
      %parallel_loop3A_1241 = arith.constant 16 : i32
      %parallel_loop3A_1242 = arith.muli %parallel_loop3A_1240, %parallel_loop3A_1241 : i32
      %parallel_loop3A_1243 = arith.index_cast %parallel_loop3A_1224 : i32 to index
      %parallel_loop3A_1244 = arith.index_cast %parallel_loop3A_1242 : i32 to index
      %parallel_loop3A_1245 = tpu.vector_load %arg6[%parallel_loop3A_1243, %parallel_loop3A_1244] {strides = array<i32>} : memref<8x1024xf32, #tpu.memory_space<vmem>>, vector<1x16xf32>,
      %parallel_loop3A_1246 = vector.shape_cast %parallel_loop3A_1245 : vector<1x16xf32> to vector<16xf32>
      %parallel_loop3A_1247 = arith.index_cast %parallel_loop3A_1224 : i32 to index
      %parallel_loop3A_1248 = arith.index_cast %parallel_loop3A_1242 : i32 to index
      %parallel_loop3A_1249 = tpu.vector_load %arg12[%parallel_loop3A_1247, %parallel_loop3A_1248] {strides = array<i32>} : memref<8x1024xf32, #tpu.memory_space<vmem>>, vector<1x16xf32>,
      %parallel_loop3A_1250 = vector.shape_cast %parallel_loop3A_1249 : vector<1x16xf32> to vector<16xf32>
      %parallel_loop3A_1251 = vector.shape_cast %parallel_loop3A_1246 : vector<16xf32> to vector<1x16xf32>
      tpu.vector_store %arg12[%parallel_loop3A_1247, %parallel_loop3A_1248], %parallel_loop3A_1251 {add = true, strides = array<i32>} : memref<8x1024xf32, #tpu.memory_space<vmem>>, vector<1x16xf32>,
    } {sc.loop_unroll_factor = 8 : i64, sc.parallel_access}
    %add3A_283 = arith.constant 8 : i32
    %add3A_284 = arith.addi %mul3A_2, %add3A_283 : i32
    %dma_start3A_285 = arith.constant 1 : i32
    %dma_start3A_286 = arith.constant 0 : i32
    %dma_start3A_287 = tpu.memref_slice %arg4[%dma_start3A_285, %add3A_284, %dma_start3A_286] : memref<4x2048x1024xf32, #tpu.memory_space<hbm>> -> memref<1x8x1024xf32, #tpu.memory_space<hbm>>
    %dma_start3A_288 = tpu.memref_squeeze %dma_start3A_287 : memref<1x8x1024xf32, #tpu.memory_space<hbm>> -> memref<8x1024xf32, #tpu.memory_space<hbm>>
    %dma_start3A_289 = arith.constant 0 : i32
    %dma_start3A_290 = tpu.memref_slice %arg4[%dma_start3A_285, %add3A_284, %dma_start3A_289] : memref<4x2048x1024xf32, #tpu.memory_space<hbm>> -> memref<1x8x1024xf32, #tpu.memory_space<hbm>>
    %dma_start3A_291 = tpu.memref_squeeze %dma_start3A_290 : memref<1x8x1024xf32, #tpu.memory_space<hbm>> -> memref<8x1024xf32, #tpu.memory_space<hbm>>
    tpu.enqueue_dma source(%arg12 : memref<8x1024xf32, #tpu.memory_space<vmem>>) target(%dma_start3A_291 : memref<8x1024xf32, #tpu.memory_space<hbm>>) target_semaphore(%arg30 : memref<!tpu.dma_semaphore, #tpu.memory_space<semaphore_mem>>)
    %dma_wait3A_292 = arith.constant 1 : i32
    %dma_wait3A_293 = arith.constant 0 : i32
    %dma_wait3A_294 = tpu.memref_slice %arg4[%dma_wait3A_292, %add3A_284, %dma_wait3A_293] : memref<4x2048x1024xf32, #tpu.memory_space<hbm>> -> memref<1x8x1024xf32, #tpu.memory_space<hbm>>
    %dma_wait3A_295 = tpu.memref_squeeze %dma_wait3A_294 : memref<1x8x1024xf32, #tpu.memory_space<hbm>> -> memref<8x1024xf32, #tpu.memory_space<hbm>>
    %dma_wait3A_296 = arith.constant 0 : i32
    %dma_wait3A_297 = tpu.memref_slice %arg4[%dma_wait3A_292, %add3A_284, %dma_wait3A_296] : memref<4x2048x1024xf32, #tpu.memory_space<hbm>> -> memref<1x8x1024xf32, #tpu.memory_space<hbm>>
    %dma_wait3A_298 = tpu.memref_squeeze %dma_wait3A_297 : memref<1x8x1024xf32, #tpu.memory_space<hbm>> -> memref<8x1024xf32, #tpu.memory_space<hbm>>
    tpu.wait_dma2 semaphore(%arg30 : memref<!tpu.dma_semaphore, #tpu.memory_space<semaphore_mem>>) src(%arg12 : memref<8x1024xf32, #tpu.memory_space<vmem>>) dst(%dma_wait3A_298 : memref<8x1024xf32, #tpu.memory_space<hbm>>)
    %add3A_299 = arith.constant 24 : i32
    %add3A_300 = arith.addi %mul3A_2, %add3A_299 : i32
    %dma_start3A_301 = arith.constant 1 : i32
    %dma_start3A_302 = arith.constant 0 : i32
    %dma_start3A_303 = tpu.memref_slice %arg2[%dma_start3A_301, %add3A_300, %dma_start3A_302] : memref<4x2048x1024xf32, #tpu.memory_space<hbm>> -> memref<1x8x1024xf32, #tpu.memory_space<hbm>>
    %dma_start3A_304 = tpu.memref_squeeze %dma_start3A_303 : memref<1x8x1024xf32, #tpu.memory_space<hbm>> -> memref<8x1024xf32, #tpu.memory_space<hbm>>
    %dma_start3A_305 = arith.constant 0 : i32
    %dma_start3A_306 = tpu.memref_slice %arg2[%dma_start3A_301, %add3A_300, %dma_start3A_305] : memref<4x2048x1024xf32, #tpu.memory_space<hbm>> -> memref<1x8x1024xf32, #tpu.memory_space<hbm>>
    %dma_start3A_307 = tpu.memref_squeeze %dma_start3A_306 : memref<1x8x1024xf32, #tpu.memory_space<hbm>> -> memref<8x1024xf32, #tpu.memory_space<hbm>>
    tpu.enqueue_dma source(%dma_start3A_307 : memref<8x1024xf32, #tpu.memory_space<hbm>>) target(%arg12 : memref<8x1024xf32, #tpu.memory_space<vmem>>) target_semaphore(%arg22 : memref<!tpu.dma_semaphore, #tpu.memory_space<semaphore_mem>>)
    %dma_wait3A_308 = arith.constant 2 : i32
    %dma_wait3A_309 = arith.constant 0 : i32
    %dma_wait3A_310 = tpu.memref_slice %arg2[%dma_wait3A_308, %add3A_69, %dma_wait3A_309] : memref<4x2048x1024xf32, #tpu.memory_space<hbm>> -> memref<1x8x1024xf32, #tpu.memory_space<hbm>>
    %dma_wait3A_311 = tpu.memref_squeeze %dma_wait3A_310 : memref<1x8x1024xf32, #tpu.memory_space<hbm>> -> memref<8x1024xf32, #tpu.memory_space<hbm>>
    %dma_wait3A_312 = arith.constant 0 : i32
    %dma_wait3A_313 = tpu.memref_slice %arg2[%dma_wait3A_308, %add3A_69, %dma_wait3A_312] : memref<4x2048x1024xf32, #tpu.memory_space<hbm>> -> memref<1x8x1024xf32, #tpu.memory_space<hbm>>
    %dma_wait3A_314 = tpu.memref_squeeze %dma_wait3A_313 : memref<1x8x1024xf32, #tpu.memory_space<hbm>> -> memref<8x1024xf32, #tpu.memory_space<hbm>>
    tpu.wait_dma2 semaphore(%arg23 : memref<!tpu.dma_semaphore, #tpu.memory_space<semaphore_mem>>) src(%dma_wait3A_314 : memref<8x1024xf32, #tpu.memory_space<hbm>>) dst(%arg13 : memref<8x1024xf32, #tpu.memory_space<vmem>>)
    %parallel_loop3A_315 = arith.constant 0 : i32
    %parallel_loop3A_316 = arith.constant 512 : i32
    %parallel_loop3A_317 = arith.constant 1 : i32
    scf.for %parallel_loop3A_1200 = %parallel_loop3A_315 to %parallel_loop3A_316 step %parallel_loop3A_317  : i32 {
      %parallel_loop3A_1201 = arith.constant 64 : i32
      %parallel_loop3A_1202 = arith.divsi %parallel_loop3A_1200, %parallel_loop3A_1201 : i32
      %parallel_loop3A_1203 = arith.constant 0 : i32
      %parallel_loop3A_1204 = arith.cmpi sgt, %parallel_loop3A_1200, %parallel_loop3A_1203 : i32
      %parallel_loop3A_1205 = arith.extui %parallel_loop3A_1204 : i1 to i32
      %parallel_loop3A_1206 = arith.constant 0 : i32
      %parallel_loop3A_1207 = arith.cmpi slt, %parallel_loop3A_1200, %parallel_loop3A_1206 : i32
      %parallel_loop3A_1208 = arith.extui %parallel_loop3A_1207 : i1 to i32
      %parallel_loop3A_1209 = arith.subi %parallel_loop3A_1205, %parallel_loop3A_1208 : i32
      %parallel_loop3A_1210 = arith.constant 0 : i32
      %parallel_loop3A_1211 = arith.cmpi sgt, %parallel_loop3A_1201, %parallel_loop3A_1210 : i32
      %parallel_loop3A_1212 = arith.extui %parallel_loop3A_1211 : i1 to i32
      %parallel_loop3A_1213 = arith.constant 0 : i32
      %parallel_loop3A_1214 = arith.cmpi slt, %parallel_loop3A_1201, %parallel_loop3A_1213 : i32
      %parallel_loop3A_1215 = arith.extui %parallel_loop3A_1214 : i1 to i32
      %parallel_loop3A_1216 = arith.subi %parallel_loop3A_1212, %parallel_loop3A_1215 : i32
      %parallel_loop3A_1217 = arith.cmpi ne, %parallel_loop3A_1209, %parallel_loop3A_1216 : i32
      %parallel_loop3A_1218 = arith.remsi %parallel_loop3A_1200, %parallel_loop3A_1201 : i32
      %parallel_loop3A_1219 = arith.constant 0 : i32
      %parallel_loop3A_1220 = arith.cmpi ne, %parallel_loop3A_1218, %parallel_loop3A_1219 : i32
      %parallel_loop3A_1221 = arith.andi %parallel_loop3A_1217, %parallel_loop3A_1220 : i1
      %parallel_loop3A_1222 = arith.constant 1 : i32
      %parallel_loop3A_1223 = arith.subi %parallel_loop3A_1202, %parallel_loop3A_1222 : i32
      %parallel_loop3A_1224 = arith.select %parallel_loop3A_1221, %parallel_loop3A_1223, %parallel_loop3A_1202 : i32
      %parallel_loop3A_1225 = arith.constant 64 : i32
      %parallel_loop3A_1226 = arith.constant 0 : i32
      %parallel_loop3A_1227 = arith.cmpi eq, %parallel_loop3A_1225, %parallel_loop3A_1226 : i32
      %parallel_loop3A_1228 = arith.constant 1 : i32
      %parallel_loop3A_1229 = arith.select %parallel_loop3A_1227, %parallel_loop3A_1228, %parallel_loop3A_1225 : i32
      %parallel_loop3A_1230 = arith.remsi %parallel_loop3A_1200, %parallel_loop3A_1229 : i32
      %parallel_loop3A_1231 = arith.constant 0 : i32
      %parallel_loop3A_1232 = arith.cmpi ne, %parallel_loop3A_1230, %parallel_loop3A_1231 : i32
      %parallel_loop3A_1233 = arith.constant 0 : i32
      %parallel_loop3A_1234 = arith.cmpi slt, %parallel_loop3A_1230, %parallel_loop3A_1233 : i32
      %parallel_loop3A_1235 = arith.constant 0 : i32
      %parallel_loop3A_1236 = arith.cmpi slt, %parallel_loop3A_1229, %parallel_loop3A_1235 : i32
      %parallel_loop3A_1237 = arith.xori %parallel_loop3A_1234, %parallel_loop3A_1236 : i1
      %parallel_loop3A_1238 = arith.andi %parallel_loop3A_1237, %parallel_loop3A_1232 : i1
      %parallel_loop3A_1239 = arith.addi %parallel_loop3A_1230, %parallel_loop3A_1229 : i32
      %parallel_loop3A_1240 = arith.select %parallel_loop3A_1238, %parallel_loop3A_1239, %parallel_loop3A_1230 : i32
      %parallel_loop3A_1241 = arith.constant 16 : i32
      %parallel_loop3A_1242 = arith.muli %parallel_loop3A_1240, %parallel_loop3A_1241 : i32
      %parallel_loop3A_1243 = arith.index_cast %parallel_loop3A_1224 : i32 to index
      %parallel_loop3A_1244 = arith.index_cast %parallel_loop3A_1242 : i32 to index
      %parallel_loop3A_1245 = tpu.vector_load %arg6[%parallel_loop3A_1243, %parallel_loop3A_1244] {strides = array<i32>} : memref<8x1024xf32, #tpu.memory_space<vmem>>, vector<1x16xf32>,
      %parallel_loop3A_1246 = vector.shape_cast %parallel_loop3A_1245 : vector<1x16xf32> to vector<16xf32>
      %parallel_loop3A_1247 = arith.index_cast %parallel_loop3A_1224 : i32 to index
      %parallel_loop3A_1248 = arith.index_cast %parallel_loop3A_1242 : i32 to index
      %parallel_loop3A_1249 = tpu.vector_load %arg13[%parallel_loop3A_1247, %parallel_loop3A_1248] {strides = array<i32>} : memref<8x1024xf32, #tpu.memory_space<vmem>>, vector<1x16xf32>,
      %parallel_loop3A_1250 = vector.shape_cast %parallel_loop3A_1249 : vector<1x16xf32> to vector<16xf32>
      %parallel_loop3A_1251 = vector.shape_cast %parallel_loop3A_1246 : vector<16xf32> to vector<1x16xf32>
      tpu.vector_store %arg13[%parallel_loop3A_1247, %parallel_loop3A_1248], %parallel_loop3A_1251 {add = true, strides = array<i32>} : memref<8x1024xf32, #tpu.memory_space<vmem>>, vector<1x16xf32>,
    } {sc.loop_unroll_factor = 8 : i64, sc.parallel_access}
    %add3A_318 = arith.constant 8 : i32
    %add3A_319 = arith.addi %mul3A_2, %add3A_318 : i32
    %dma_start3A_320 = arith.constant 2 : i32
    %dma_start3A_321 = arith.constant 0 : i32
    %dma_start3A_322 = tpu.memref_slice %arg4[%dma_start3A_320, %add3A_319, %dma_start3A_321] : memref<4x2048x1024xf32, #tpu.memory_space<hbm>> -> memref<1x8x1024xf32, #tpu.memory_space<hbm>>
    %dma_start3A_323 = tpu.memref_squeeze %dma_start3A_322 : memref<1x8x1024xf32, #tpu.memory_space<hbm>> -> memref<8x1024xf32, #tpu.memory_space<hbm>>
    %dma_start3A_324 = arith.constant 0 : i32
    %dma_start3A_325 = tpu.memref_slice %arg4[%dma_start3A_320, %add3A_319, %dma_start3A_324] : memref<4x2048x1024xf32, #tpu.memory_space<hbm>> -> memref<1x8x1024xf32, #tpu.memory_space<hbm>>
    %dma_start3A_326 = tpu.memref_squeeze %dma_start3A_325 : memref<1x8x1024xf32, #tpu.memory_space<hbm>> -> memref<8x1024xf32, #tpu.memory_space<hbm>>
    tpu.enqueue_dma source(%arg13 : memref<8x1024xf32, #tpu.memory_space<vmem>>) target(%dma_start3A_326 : memref<8x1024xf32, #tpu.memory_space<hbm>>) target_semaphore(%arg31 : memref<!tpu.dma_semaphore, #tpu.memory_space<semaphore_mem>>)
    %dma_wait3A_327 = arith.constant 2 : i32
    %dma_wait3A_328 = arith.constant 0 : i32
    %dma_wait3A_329 = tpu.memref_slice %arg4[%dma_wait3A_327, %add3A_319, %dma_wait3A_328] : memref<4x2048x1024xf32, #tpu.memory_space<hbm>> -> memref<1x8x1024xf32, #tpu.memory_space<hbm>>
    %dma_wait3A_330 = tpu.memref_squeeze %dma_wait3A_329 : memref<1x8x1024xf32, #tpu.memory_space<hbm>> -> memref<8x1024xf32, #tpu.memory_space<hbm>>
    %dma_wait3A_331 = arith.constant 0 : i32
    %dma_wait3A_332 = tpu.memref_slice %arg4[%dma_wait3A_327, %add3A_319, %dma_wait3A_331] : memref<4x2048x1024xf32, #tpu.memory_space<hbm>> -> memref<1x8x1024xf32, #tpu.memory_space<hbm>>
    %dma_wait3A_333 = tpu.memref_squeeze %dma_wait3A_332 : memref<1x8x1024xf32, #tpu.memory_space<hbm>> -> memref<8x1024xf32, #tpu.memory_space<hbm>>
    tpu.wait_dma2 semaphore(%arg31 : memref<!tpu.dma_semaphore, #tpu.memory_space<semaphore_mem>>) src(%arg13 : memref<8x1024xf32, #tpu.memory_space<vmem>>) dst(%dma_wait3A_333 : memref<8x1024xf32, #tpu.memory_space<hbm>>)
    %add3A_334 = arith.constant 24 : i32
    %add3A_335 = arith.addi %mul3A_2, %add3A_334 : i32
    %dma_start3A_336 = arith.constant 2 : i32
    %dma_start3A_337 = arith.constant 0 : i32
    %dma_start3A_338 = tpu.memref_slice %arg2[%dma_start3A_336, %add3A_335, %dma_start3A_337] : memref<4x2048x1024xf32, #tpu.memory_space<hbm>> -> memref<1x8x1024xf32, #tpu.memory_space<hbm>>
    %dma_start3A_339 = tpu.memref_squeeze %dma_start3A_338 : memref<1x8x1024xf32, #tpu.memory_space<hbm>> -> memref<8x1024xf32, #tpu.memory_space<hbm>>
    %dma_start3A_340 = arith.constant 0 : i32
    %dma_start3A_341 = tpu.memref_slice %arg2[%dma_start3A_336, %add3A_335, %dma_start3A_340] : memref<4x2048x1024xf32, #tpu.memory_space<hbm>> -> memref<1x8x1024xf32, #tpu.memory_space<hbm>>
    %dma_start3A_342 = tpu.memref_squeeze %dma_start3A_341 : memref<1x8x1024xf32, #tpu.memory_space<hbm>> -> memref<8x1024xf32, #tpu.memory_space<hbm>>
    tpu.enqueue_dma source(%dma_start3A_342 : memref<8x1024xf32, #tpu.memory_space<hbm>>) target(%arg13 : memref<8x1024xf32, #tpu.memory_space<vmem>>) target_semaphore(%arg23 : memref<!tpu.dma_semaphore, #tpu.memory_space<semaphore_mem>>)
    %dma_wait3A_343 = arith.constant 3 : i32
    %dma_wait3A_344 = arith.constant 0 : i32
    %dma_wait3A_345 = tpu.memref_slice %arg2[%dma_wait3A_343, %add3A_78, %dma_wait3A_344] : memref<4x2048x1024xf32, #tpu.memory_space<hbm>> -> memref<1x8x1024xf32, #tpu.memory_space<hbm>>
    %dma_wait3A_346 = tpu.memref_squeeze %dma_wait3A_345 : memref<1x8x1024xf32, #tpu.memory_space<hbm>> -> memref<8x1024xf32, #tpu.memory_space<hbm>>
    %dma_wait3A_347 = arith.constant 0 : i32
    %dma_wait3A_348 = tpu.memref_slice %arg2[%dma_wait3A_343, %add3A_78, %dma_wait3A_347] : memref<4x2048x1024xf32, #tpu.memory_space<hbm>> -> memref<1x8x1024xf32, #tpu.memory_space<hbm>>
    %dma_wait3A_349 = tpu.memref_squeeze %dma_wait3A_348 : memref<1x8x1024xf32, #tpu.memory_space<hbm>> -> memref<8x1024xf32, #tpu.memory_space<hbm>>
    tpu.wait_dma2 semaphore(%arg24 : memref<!tpu.dma_semaphore, #tpu.memory_space<semaphore_mem>>) src(%dma_wait3A_349 : memref<8x1024xf32, #tpu.memory_space<hbm>>) dst(%arg14 : memref<8x1024xf32, #tpu.memory_space<vmem>>)
    %parallel_loop3A_350 = arith.constant 0 : i32
    %parallel_loop3A_351 = arith.constant 512 : i32
    %parallel_loop3A_352 = arith.constant 1 : i32
    scf.for %parallel_loop3A_1200 = %parallel_loop3A_350 to %parallel_loop3A_351 step %parallel_loop3A_352  : i32 {
      %parallel_loop3A_1201 = arith.constant 64 : i32
      %parallel_loop3A_1202 = arith.divsi %parallel_loop3A_1200, %parallel_loop3A_1201 : i32
      %parallel_loop3A_1203 = arith.constant 0 : i32
      %parallel_loop3A_1204 = arith.cmpi sgt, %parallel_loop3A_1200, %parallel_loop3A_1203 : i32
      %parallel_loop3A_1205 = arith.extui %parallel_loop3A_1204 : i1 to i32
      %parallel_loop3A_1206 = arith.constant 0 : i32
      %parallel_loop3A_1207 = arith.cmpi slt, %parallel_loop3A_1200, %parallel_loop3A_1206 : i32
      %parallel_loop3A_1208 = arith.extui %parallel_loop3A_1207 : i1 to i32
      %parallel_loop3A_1209 = arith.subi %parallel_loop3A_1205, %parallel_loop3A_1208 : i32
      %parallel_loop3A_1210 = arith.constant 0 : i32
      %parallel_loop3A_1211 = arith.cmpi sgt, %parallel_loop3A_1201, %parallel_loop3A_1210 : i32
      %parallel_loop3A_1212 = arith.extui %parallel_loop3A_1211 : i1 to i32
      %parallel_loop3A_1213 = arith.constant 0 : i32
      %parallel_loop3A_1214 = arith.cmpi slt, %parallel_loop3A_1201, %parallel_loop3A_1213 : i32
      %parallel_loop3A_1215 = arith.extui %parallel_loop3A_1214 : i1 to i32
      %parallel_loop3A_1216 = arith.subi %parallel_loop3A_1212, %parallel_loop3A_1215 : i32
      %parallel_loop3A_1217 = arith.cmpi ne, %parallel_loop3A_1209, %parallel_loop3A_1216 : i32
      %parallel_loop3A_1218 = arith.remsi %parallel_loop3A_1200, %parallel_loop3A_1201 : i32
      %parallel_loop3A_1219 = arith.constant 0 : i32
      %parallel_loop3A_1220 = arith.cmpi ne, %parallel_loop3A_1218, %parallel_loop3A_1219 : i32
      %parallel_loop3A_1221 = arith.andi %parallel_loop3A_1217, %parallel_loop3A_1220 : i1
      %parallel_loop3A_1222 = arith.constant 1 : i32
      %parallel_loop3A_1223 = arith.subi %parallel_loop3A_1202, %parallel_loop3A_1222 : i32
      %parallel_loop3A_1224 = arith.select %parallel_loop3A_1221, %parallel_loop3A_1223, %parallel_loop3A_1202 : i32
      %parallel_loop3A_1225 = arith.constant 64 : i32
      %parallel_loop3A_1226 = arith.constant 0 : i32
      %parallel_loop3A_1227 = arith.cmpi eq, %parallel_loop3A_1225, %parallel_loop3A_1226 : i32
      %parallel_loop3A_1228 = arith.constant 1 : i32
      %parallel_loop3A_1229 = arith.select %parallel_loop3A_1227, %parallel_loop3A_1228, %parallel_loop3A_1225 : i32
      %parallel_loop3A_1230 = arith.remsi %parallel_loop3A_1200, %parallel_loop3A_1229 : i32
      %parallel_loop3A_1231 = arith.constant 0 : i32
      %parallel_loop3A_1232 = arith.cmpi ne, %parallel_loop3A_1230, %parallel_loop3A_1231 : i32
      %parallel_loop3A_1233 = arith.constant 0 : i32
      %parallel_loop3A_1234 = arith.cmpi slt, %parallel_loop3A_1230, %parallel_loop3A_1233 : i32
      %parallel_loop3A_1235 = arith.constant 0 : i32
      %parallel_loop3A_1236 = arith.cmpi slt, %parallel_loop3A_1229, %parallel_loop3A_1235 : i32
      %parallel_loop3A_1237 = arith.xori %parallel_loop3A_1234, %parallel_loop3A_1236 : i1
      %parallel_loop3A_1238 = arith.andi %parallel_loop3A_1237, %parallel_loop3A_1232 : i1
      %parallel_loop3A_1239 = arith.addi %parallel_loop3A_1230, %parallel_loop3A_1229 : i32
      %parallel_loop3A_1240 = arith.select %parallel_loop3A_1238, %parallel_loop3A_1239, %parallel_loop3A_1230 : i32
      %parallel_loop3A_1241 = arith.constant 16 : i32
      %parallel_loop3A_1242 = arith.muli %parallel_loop3A_1240, %parallel_loop3A_1241 : i32
      %parallel_loop3A_1243 = arith.index_cast %parallel_loop3A_1224 : i32 to index
      %parallel_loop3A_1244 = arith.index_cast %parallel_loop3A_1242 : i32 to index
      %parallel_loop3A_1245 = tpu.vector_load %arg6[%parallel_loop3A_1243, %parallel_loop3A_1244] {strides = array<i32>} : memref<8x1024xf32, #tpu.memory_space<vmem>>, vector<1x16xf32>,
      %parallel_loop3A_1246 = vector.shape_cast %parallel_loop3A_1245 : vector<1x16xf32> to vector<16xf32>
      %parallel_loop3A_1247 = arith.index_cast %parallel_loop3A_1224 : i32 to index
      %parallel_loop3A_1248 = arith.index_cast %parallel_loop3A_1242 : i32 to index
      %parallel_loop3A_1249 = tpu.vector_load %arg14[%parallel_loop3A_1247, %parallel_loop3A_1248] {strides = array<i32>} : memref<8x1024xf32, #tpu.memory_space<vmem>>, vector<1x16xf32>,
      %parallel_loop3A_1250 = vector.shape_cast %parallel_loop3A_1249 : vector<1x16xf32> to vector<16xf32>
      %parallel_loop3A_1251 = vector.shape_cast %parallel_loop3A_1246 : vector<16xf32> to vector<1x16xf32>
      tpu.vector_store %arg14[%parallel_loop3A_1247, %parallel_loop3A_1248], %parallel_loop3A_1251 {add = true, strides = array<i32>} : memref<8x1024xf32, #tpu.memory_space<vmem>>, vector<1x16xf32>,
    } {sc.loop_unroll_factor = 8 : i64, sc.parallel_access}
    %add3A_353 = arith.constant 24 : i32
    %add3A_354 = arith.addi %mul3A_2, %add3A_353 : i32
    %dma_start3A_355 = arith.constant 0 : i32
    %dma_start3A_356 = tpu.memref_slice %arg3[%add3A_354, %dma_start3A_355] : memref<2048x1024xf32, #tpu.memory_space<hbm>> -> memref<8x1024xf32, #tpu.memory_space<hbm>>
    %dma_start3A_357 = arith.constant 0 : i32
    %dma_start3A_358 = tpu.memref_slice %arg3[%add3A_354, %dma_start3A_357] : memref<2048x1024xf32, #tpu.memory_space<hbm>> -> memref<8x1024xf32, #tpu.memory_space<hbm>>
    tpu.enqueue_dma source(%dma_start3A_358 : memref<8x1024xf32, #tpu.memory_space<hbm>>) target(%arg6 : memref<8x1024xf32, #tpu.memory_space<vmem>>) target_semaphore(%arg16 : memref<!tpu.dma_semaphore, #tpu.memory_space<semaphore_mem>>)
    %add3A_359 = arith.constant 8 : i32
    %add3A_360 = arith.addi %mul3A_2, %add3A_359 : i32
    %dma_start3A_361 = arith.constant 3 : i32
    %dma_start3A_362 = arith.constant 0 : i32
    %dma_start3A_363 = tpu.memref_slice %arg4[%dma_start3A_361, %add3A_360, %dma_start3A_362] : memref<4x2048x1024xf32, #tpu.memory_space<hbm>> -> memref<1x8x1024xf32, #tpu.memory_space<hbm>>
    %dma_start3A_364 = tpu.memref_squeeze %dma_start3A_363 : memref<1x8x1024xf32, #tpu.memory_space<hbm>> -> memref<8x1024xf32, #tpu.memory_space<hbm>>
    %dma_start3A_365 = arith.constant 0 : i32
    %dma_start3A_366 = tpu.memref_slice %arg4[%dma_start3A_361, %add3A_360, %dma_start3A_365] : memref<4x2048x1024xf32, #tpu.memory_space<hbm>> -> memref<1x8x1024xf32, #tpu.memory_space<hbm>>
    %dma_start3A_367 = tpu.memref_squeeze %dma_start3A_366 : memref<1x8x1024xf32, #tpu.memory_space<hbm>> -> memref<8x1024xf32, #tpu.memory_space<hbm>>
    tpu.enqueue_dma source(%arg14 : memref<8x1024xf32, #tpu.memory_space<vmem>>) target(%dma_start3A_367 : memref<8x1024xf32, #tpu.memory_space<hbm>>) target_semaphore(%arg32 : memref<!tpu.dma_semaphore, #tpu.memory_space<semaphore_mem>>)
    %dma_wait3A_368 = arith.constant 3 : i32
    %dma_wait3A_369 = arith.constant 0 : i32
    %dma_wait3A_370 = tpu.memref_slice %arg4[%dma_wait3A_368, %add3A_360, %dma_wait3A_369] : memref<4x2048x1024xf32, #tpu.memory_space<hbm>> -> memref<1x8x1024xf32, #tpu.memory_space<hbm>>
    %dma_wait3A_371 = tpu.memref_squeeze %dma_wait3A_370 : memref<1x8x1024xf32, #tpu.memory_space<hbm>> -> memref<8x1024xf32, #tpu.memory_space<hbm>>
    %dma_wait3A_372 = arith.constant 0 : i32
    %dma_wait3A_373 = tpu.memref_slice %arg4[%dma_wait3A_368, %add3A_360, %dma_wait3A_372] : memref<4x2048x1024xf32, #tpu.memory_space<hbm>> -> memref<1x8x1024xf32, #tpu.memory_space<hbm>>
    %dma_wait3A_374 = tpu.memref_squeeze %dma_wait3A_373 : memref<1x8x1024xf32, #tpu.memory_space<hbm>> -> memref<8x1024xf32, #tpu.memory_space<hbm>>
    tpu.wait_dma2 semaphore(%arg32 : memref<!tpu.dma_semaphore, #tpu.memory_space<semaphore_mem>>) src(%arg14 : memref<8x1024xf32, #tpu.memory_space<vmem>>) dst(%dma_wait3A_374 : memref<8x1024xf32, #tpu.memory_space<hbm>>)
    %add3A_375 = arith.constant 24 : i32
    %add3A_376 = arith.addi %mul3A_2, %add3A_375 : i32
    %dma_start3A_377 = arith.constant 3 : i32
    %dma_start3A_378 = arith.constant 0 : i32
    %dma_start3A_379 = tpu.memref_slice %arg2[%dma_start3A_377, %add3A_376, %dma_start3A_378] : memref<4x2048x1024xf32, #tpu.memory_space<hbm>> -> memref<1x8x1024xf32, #tpu.memory_space<hbm>>
    %dma_start3A_380 = tpu.memref_squeeze %dma_start3A_379 : memref<1x8x1024xf32, #tpu.memory_space<hbm>> -> memref<8x1024xf32, #tpu.memory_space<hbm>>
    %dma_start3A_381 = arith.constant 0 : i32
    %dma_start3A_382 = tpu.memref_slice %arg2[%dma_start3A_377, %add3A_376, %dma_start3A_381] : memref<4x2048x1024xf32, #tpu.memory_space<hbm>> -> memref<1x8x1024xf32, #tpu.memory_space<hbm>>
    %dma_start3A_383 = tpu.memref_squeeze %dma_start3A_382 : memref<1x8x1024xf32, #tpu.memory_space<hbm>> -> memref<8x1024xf32, #tpu.memory_space<hbm>>
    tpu.enqueue_dma source(%dma_start3A_383 : memref<8x1024xf32, #tpu.memory_space<hbm>>) target(%arg14 : memref<8x1024xf32, #tpu.memory_space<vmem>>) target_semaphore(%arg24 : memref<!tpu.dma_semaphore, #tpu.memory_space<semaphore_mem>>)
    %dma_wait3A_384 = arith.constant 0 : i32
    %dma_wait3A_385 = tpu.memref_slice %arg3[%add3A_204, %dma_wait3A_384] : memref<2048x1024xf32, #tpu.memory_space<hbm>> -> memref<8x1024xf32, #tpu.memory_space<hbm>>
    %dma_wait3A_386 = arith.constant 0 : i32
    %dma_wait3A_387 = tpu.memref_slice %arg3[%add3A_204, %dma_wait3A_386] : memref<2048x1024xf32, #tpu.memory_space<hbm>> -> memref<8x1024xf32, #tpu.memory_space<hbm>>
    tpu.wait_dma2 semaphore(%arg15 : memref<!tpu.dma_semaphore, #tpu.memory_space<semaphore_mem>>) src(%dma_wait3A_387 : memref<8x1024xf32, #tpu.memory_space<hbm>>) dst(%arg5 : memref<8x1024xf32, #tpu.memory_space<vmem>>)
    %dma_wait3A_388 = arith.constant 0 : i32
    %dma_wait3A_389 = arith.constant 0 : i32
    %dma_wait3A_390 = tpu.memref_slice %arg2[%dma_wait3A_388, %add3A_115, %dma_wait3A_389] : memref<4x2048x1024xf32, #tpu.memory_space<hbm>> -> memref<1x8x1024xf32, #tpu.memory_space<hbm>>
    %dma_wait3A_391 = tpu.memref_squeeze %dma_wait3A_390 : memref<1x8x1024xf32, #tpu.memory_space<hbm>> -> memref<8x1024xf32, #tpu.memory_space<hbm>>
    %dma_wait3A_392 = arith.constant 0 : i32
    %dma_wait3A_393 = tpu.memref_slice %arg2[%dma_wait3A_388, %add3A_115, %dma_wait3A_392] : memref<4x2048x1024xf32, #tpu.memory_space<hbm>> -> memref<1x8x1024xf32, #tpu.memory_space<hbm>>
    %dma_wait3A_394 = tpu.memref_squeeze %dma_wait3A_393 : memref<1x8x1024xf32, #tpu.memory_space<hbm>> -> memref<8x1024xf32, #tpu.memory_space<hbm>>
    tpu.wait_dma2 semaphore(%arg17 : memref<!tpu.dma_semaphore, #tpu.memory_space<semaphore_mem>>) src(%dma_wait3A_394 : memref<8x1024xf32, #tpu.memory_space<hbm>>) dst(%arg7 : memref<8x1024xf32, #tpu.memory_space<vmem>>)
    %parallel_loop3A_395 = arith.constant 0 : i32
    %parallel_loop3A_396 = arith.constant 512 : i32
    %parallel_loop3A_397 = arith.constant 1 : i32
    scf.for %parallel_loop3A_1200 = %parallel_loop3A_395 to %parallel_loop3A_396 step %parallel_loop3A_397  : i32 {
      %parallel_loop3A_1201 = arith.constant 64 : i32
      %parallel_loop3A_1202 = arith.divsi %parallel_loop3A_1200, %parallel_loop3A_1201 : i32
      %parallel_loop3A_1203 = arith.constant 0 : i32
      %parallel_loop3A_1204 = arith.cmpi sgt, %parallel_loop3A_1200, %parallel_loop3A_1203 : i32
      %parallel_loop3A_1205 = arith.extui %parallel_loop3A_1204 : i1 to i32
      %parallel_loop3A_1206 = arith.constant 0 : i32
      %parallel_loop3A_1207 = arith.cmpi slt, %parallel_loop3A_1200, %parallel_loop3A_1206 : i32
      %parallel_loop3A_1208 = arith.extui %parallel_loop3A_1207 : i1 to i32
      %parallel_loop3A_1209 = arith.subi %parallel_loop3A_1205, %parallel_loop3A_1208 : i32
      %parallel_loop3A_1210 = arith.constant 0 : i32
      %parallel_loop3A_1211 = arith.cmpi sgt, %parallel_loop3A_1201, %parallel_loop3A_1210 : i32
      %parallel_loop3A_1212 = arith.extui %parallel_loop3A_1211 : i1 to i32
      %parallel_loop3A_1213 = arith.constant 0 : i32
      %parallel_loop3A_1214 = arith.cmpi slt, %parallel_loop3A_1201, %parallel_loop3A_1213 : i32
      %parallel_loop3A_1215 = arith.extui %parallel_loop3A_1214 : i1 to i32
      %parallel_loop3A_1216 = arith.subi %parallel_loop3A_1212, %parallel_loop3A_1215 : i32
      %parallel_loop3A_1217 = arith.cmpi ne, %parallel_loop3A_1209, %parallel_loop3A_1216 : i32
      %parallel_loop3A_1218 = arith.remsi %parallel_loop3A_1200, %parallel_loop3A_1201 : i32
      %parallel_loop3A_1219 = arith.constant 0 : i32
      %parallel_loop3A_1220 = arith.cmpi ne, %parallel_loop3A_1218, %parallel_loop3A_1219 : i32
      %parallel_loop3A_1221 = arith.andi %parallel_loop3A_1217, %parallel_loop3A_1220 : i1
      %parallel_loop3A_1222 = arith.constant 1 : i32
      %parallel_loop3A_1223 = arith.subi %parallel_loop3A_1202, %parallel_loop3A_1222 : i32
      %parallel_loop3A_1224 = arith.select %parallel_loop3A_1221, %parallel_loop3A_1223, %parallel_loop3A_1202 : i32
      %parallel_loop3A_1225 = arith.constant 64 : i32
      %parallel_loop3A_1226 = arith.constant 0 : i32
      %parallel_loop3A_1227 = arith.cmpi eq, %parallel_loop3A_1225, %parallel_loop3A_1226 : i32
      %parallel_loop3A_1228 = arith.constant 1 : i32
      %parallel_loop3A_1229 = arith.select %parallel_loop3A_1227, %parallel_loop3A_1228, %parallel_loop3A_1225 : i32
      %parallel_loop3A_1230 = arith.remsi %parallel_loop3A_1200, %parallel_loop3A_1229 : i32
      %parallel_loop3A_1231 = arith.constant 0 : i32
      %parallel_loop3A_1232 = arith.cmpi ne, %parallel_loop3A_1230, %parallel_loop3A_1231 : i32
      %parallel_loop3A_1233 = arith.constant 0 : i32
      %parallel_loop3A_1234 = arith.cmpi slt, %parallel_loop3A_1230, %parallel_loop3A_1233 : i32
      %parallel_loop3A_1235 = arith.constant 0 : i32
      %parallel_loop3A_1236 = arith.cmpi slt, %parallel_loop3A_1229, %parallel_loop3A_1235 : i32
      %parallel_loop3A_1237 = arith.xori %parallel_loop3A_1234, %parallel_loop3A_1236 : i1
      %parallel_loop3A_1238 = arith.andi %parallel_loop3A_1237, %parallel_loop3A_1232 : i1
      %parallel_loop3A_1239 = arith.addi %parallel_loop3A_1230, %parallel_loop3A_1229 : i32
      %parallel_loop3A_1240 = arith.select %parallel_loop3A_1238, %parallel_loop3A_1239, %parallel_loop3A_1230 : i32
      %parallel_loop3A_1241 = arith.constant 16 : i32
      %parallel_loop3A_1242 = arith.muli %parallel_loop3A_1240, %parallel_loop3A_1241 : i32
      %parallel_loop3A_1243 = arith.index_cast %parallel_loop3A_1224 : i32 to index
      %parallel_loop3A_1244 = arith.index_cast %parallel_loop3A_1242 : i32 to index
      %parallel_loop3A_1245 = tpu.vector_load %arg5[%parallel_loop3A_1243, %parallel_loop3A_1244] {strides = array<i32>} : memref<8x1024xf32, #tpu.memory_space<vmem>>, vector<1x16xf32>,
      %parallel_loop3A_1246 = vector.shape_cast %parallel_loop3A_1245 : vector<1x16xf32> to vector<16xf32>
      %parallel_loop3A_1247 = arith.index_cast %parallel_loop3A_1224 : i32 to index
      %parallel_loop3A_1248 = arith.index_cast %parallel_loop3A_1242 : i32 to index
      %parallel_loop3A_1249 = tpu.vector_load %arg7[%parallel_loop3A_1247, %parallel_loop3A_1248] {strides = array<i32>} : memref<8x1024xf32, #tpu.memory_space<vmem>>, vector<1x16xf32>,
      %parallel_loop3A_1250 = vector.shape_cast %parallel_loop3A_1249 : vector<1x16xf32> to vector<16xf32>
      %parallel_loop3A_1251 = vector.shape_cast %parallel_loop3A_1246 : vector<16xf32> to vector<1x16xf32>
      tpu.vector_store %arg7[%parallel_loop3A_1247, %parallel_loop3A_1248], %parallel_loop3A_1251 {add = true, strides = array<i32>} : memref<8x1024xf32, #tpu.memory_space<vmem>>, vector<1x16xf32>,
    } {sc.loop_unroll_factor = 8 : i64, sc.parallel_access}
    %add3A_398 = arith.constant 16 : i32
    %add3A_399 = arith.addi %mul3A_2, %add3A_398 : i32
    %dma_start3A_400 = arith.constant 0 : i32
    %dma_start3A_401 = arith.constant 0 : i32
    %dma_start3A_402 = tpu.memref_slice %arg4[%dma_start3A_400, %add3A_399, %dma_start3A_401] : memref<4x2048x1024xf32, #tpu.memory_space<hbm>> -> memref<1x8x1024xf32, #tpu.memory_space<hbm>>
    %dma_start3A_403 = tpu.memref_squeeze %dma_start3A_402 : memref<1x8x1024xf32, #tpu.memory_space<hbm>> -> memref<8x1024xf32, #tpu.memory_space<hbm>>
    %dma_start3A_404 = arith.constant 0 : i32
    %dma_start3A_405 = tpu.memref_slice %arg4[%dma_start3A_400, %add3A_399, %dma_start3A_404] : memref<4x2048x1024xf32, #tpu.memory_space<hbm>> -> memref<1x8x1024xf32, #tpu.memory_space<hbm>>
    %dma_start3A_406 = tpu.memref_squeeze %dma_start3A_405 : memref<1x8x1024xf32, #tpu.memory_space<hbm>> -> memref<8x1024xf32, #tpu.memory_space<hbm>>
    tpu.enqueue_dma source(%arg7 : memref<8x1024xf32, #tpu.memory_space<vmem>>) target(%dma_start3A_406 : memref<8x1024xf32, #tpu.memory_space<hbm>>) target_semaphore(%arg25 : memref<!tpu.dma_semaphore, #tpu.memory_space<semaphore_mem>>)
    %dma_wait3A_407 = arith.constant 0 : i32
    %dma_wait3A_408 = arith.constant 0 : i32
    %dma_wait3A_409 = tpu.memref_slice %arg4[%dma_wait3A_407, %add3A_399, %dma_wait3A_408] : memref<4x2048x1024xf32, #tpu.memory_space<hbm>> -> memref<1x8x1024xf32, #tpu.memory_space<hbm>>
    %dma_wait3A_410 = tpu.memref_squeeze %dma_wait3A_409 : memref<1x8x1024xf32, #tpu.memory_space<hbm>> -> memref<8x1024xf32, #tpu.memory_space<hbm>>
    %dma_wait3A_411 = arith.constant 0 : i32
    %dma_wait3A_412 = tpu.memref_slice %arg4[%dma_wait3A_407, %add3A_399, %dma_wait3A_411] : memref<4x2048x1024xf32, #tpu.memory_space<hbm>> -> memref<1x8x1024xf32, #tpu.memory_space<hbm>>
    %dma_wait3A_413 = tpu.memref_squeeze %dma_wait3A_412 : memref<1x8x1024xf32, #tpu.memory_space<hbm>> -> memref<8x1024xf32, #tpu.memory_space<hbm>>
    tpu.wait_dma2 semaphore(%arg25 : memref<!tpu.dma_semaphore, #tpu.memory_space<semaphore_mem>>) src(%arg7 : memref<8x1024xf32, #tpu.memory_space<vmem>>) dst(%dma_wait3A_413 : memref<8x1024xf32, #tpu.memory_space<hbm>>)
    %add3A_414 = arith.constant 32 : i32
    %add3A_415 = arith.addi %mul3A_2, %add3A_414 : i32
    %dma_start3A_416 = arith.constant 0 : i32
    %dma_start3A_417 = arith.constant 0 : i32
    %dma_start3A_418 = tpu.memref_slice %arg2[%dma_start3A_416, %add3A_415, %dma_start3A_417] : memref<4x2048x1024xf32, #tpu.memory_space<hbm>> -> memref<1x8x1024xf32, #tpu.memory_space<hbm>>
    %dma_start3A_419 = tpu.memref_squeeze %dma_start3A_418 : memref<1x8x1024xf32, #tpu.memory_space<hbm>> -> memref<8x1024xf32, #tpu.memory_space<hbm>>
    %dma_start3A_420 = arith.constant 0 : i32
    %dma_start3A_421 = tpu.memref_slice %arg2[%dma_start3A_416, %add3A_415, %dma_start3A_420] : memref<4x2048x1024xf32, #tpu.memory_space<hbm>> -> memref<1x8x1024xf32, #tpu.memory_space<hbm>>
    %dma_start3A_422 = tpu.memref_squeeze %dma_start3A_421 : memref<1x8x1024xf32, #tpu.memory_space<hbm>> -> memref<8x1024xf32, #tpu.memory_space<hbm>>
    tpu.enqueue_dma source(%dma_start3A_422 : memref<8x1024xf32, #tpu.memory_space<hbm>>) target(%arg7 : memref<8x1024xf32, #tpu.memory_space<vmem>>) target_semaphore(%arg17 : memref<!tpu.dma_semaphore, #tpu.memory_space<semaphore_mem>>)
    %dma_wait3A_423 = arith.constant 1 : i32
    %dma_wait3A_424 = arith.constant 0 : i32
    %dma_wait3A_425 = tpu.memref_slice %arg2[%dma_wait3A_423, %add3A_150, %dma_wait3A_424] : memref<4x2048x1024xf32, #tpu.memory_space<hbm>> -> memref<1x8x1024xf32, #tpu.memory_space<hbm>>
    %dma_wait3A_426 = tpu.memref_squeeze %dma_wait3A_425 : memref<1x8x1024xf32, #tpu.memory_space<hbm>> -> memref<8x1024xf32, #tpu.memory_space<hbm>>
    %dma_wait3A_427 = arith.constant 0 : i32
    %dma_wait3A_428 = tpu.memref_slice %arg2[%dma_wait3A_423, %add3A_150, %dma_wait3A_427] : memref<4x2048x1024xf32, #tpu.memory_space<hbm>> -> memref<1x8x1024xf32, #tpu.memory_space<hbm>>
    %dma_wait3A_429 = tpu.memref_squeeze %dma_wait3A_428 : memref<1x8x1024xf32, #tpu.memory_space<hbm>> -> memref<8x1024xf32, #tpu.memory_space<hbm>>
    tpu.wait_dma2 semaphore(%arg18 : memref<!tpu.dma_semaphore, #tpu.memory_space<semaphore_mem>>) src(%dma_wait3A_429 : memref<8x1024xf32, #tpu.memory_space<hbm>>) dst(%arg8 : memref<8x1024xf32, #tpu.memory_space<vmem>>)
    %parallel_loop3A_430 = arith.constant 0 : i32
    %parallel_loop3A_431 = arith.constant 512 : i32
    %parallel_loop3A_432 = arith.constant 1 : i32
    scf.for %parallel_loop3A_1200 = %parallel_loop3A_430 to %parallel_loop3A_431 step %parallel_loop3A_432  : i32 {
      %parallel_loop3A_1201 = arith.constant 64 : i32
      %parallel_loop3A_1202 = arith.divsi %parallel_loop3A_1200, %parallel_loop3A_1201 : i32
      %parallel_loop3A_1203 = arith.constant 0 : i32
      %parallel_loop3A_1204 = arith.cmpi sgt, %parallel_loop3A_1200, %parallel_loop3A_1203 : i32
      %parallel_loop3A_1205 = arith.extui %parallel_loop3A_1204 : i1 to i32
      %parallel_loop3A_1206 = arith.constant 0 : i32
      %parallel_loop3A_1207 = arith.cmpi slt, %parallel_loop3A_1200, %parallel_loop3A_1206 : i32
      %parallel_loop3A_1208 = arith.extui %parallel_loop3A_1207 : i1 to i32
      %parallel_loop3A_1209 = arith.subi %parallel_loop3A_1205, %parallel_loop3A_1208 : i32
      %parallel_loop3A_1210 = arith.constant 0 : i32
      %parallel_loop3A_1211 = arith.cmpi sgt, %parallel_loop3A_1201, %parallel_loop3A_1210 : i32
      %parallel_loop3A_1212 = arith.extui %parallel_loop3A_1211 : i1 to i32
      %parallel_loop3A_1213 = arith.constant 0 : i32
      %parallel_loop3A_1214 = arith.cmpi slt, %parallel_loop3A_1201, %parallel_loop3A_1213 : i32
      %parallel_loop3A_1215 = arith.extui %parallel_loop3A_1214 : i1 to i32
      %parallel_loop3A_1216 = arith.subi %parallel_loop3A_1212, %parallel_loop3A_1215 : i32
      %parallel_loop3A_1217 = arith.cmpi ne, %parallel_loop3A_1209, %parallel_loop3A_1216 : i32
      %parallel_loop3A_1218 = arith.remsi %parallel_loop3A_1200, %parallel_loop3A_1201 : i32
      %parallel_loop3A_1219 = arith.constant 0 : i32
      %parallel_loop3A_1220 = arith.cmpi ne, %parallel_loop3A_1218, %parallel_loop3A_1219 : i32
      %parallel_loop3A_1221 = arith.andi %parallel_loop3A_1217, %parallel_loop3A_1220 : i1
      %parallel_loop3A_1222 = arith.constant 1 : i32
      %parallel_loop3A_1223 = arith.subi %parallel_loop3A_1202, %parallel_loop3A_1222 : i32
      %parallel_loop3A_1224 = arith.select %parallel_loop3A_1221, %parallel_loop3A_1223, %parallel_loop3A_1202 : i32
      %parallel_loop3A_1225 = arith.constant 64 : i32
      %parallel_loop3A_1226 = arith.constant 0 : i32
      %parallel_loop3A_1227 = arith.cmpi eq, %parallel_loop3A_1225, %parallel_loop3A_1226 : i32
      %parallel_loop3A_1228 = arith.constant 1 : i32
      %parallel_loop3A_1229 = arith.select %parallel_loop3A_1227, %parallel_loop3A_1228, %parallel_loop3A_1225 : i32
      %parallel_loop3A_1230 = arith.remsi %parallel_loop3A_1200, %parallel_loop3A_1229 : i32
      %parallel_loop3A_1231 = arith.constant 0 : i32
      %parallel_loop3A_1232 = arith.cmpi ne, %parallel_loop3A_1230, %parallel_loop3A_1231 : i32
      %parallel_loop3A_1233 = arith.constant 0 : i32
      %parallel_loop3A_1234 = arith.cmpi slt, %parallel_loop3A_1230, %parallel_loop3A_1233 : i32
      %parallel_loop3A_1235 = arith.constant 0 : i32
      %parallel_loop3A_1236 = arith.cmpi slt, %parallel_loop3A_1229, %parallel_loop3A_1235 : i32
      %parallel_loop3A_1237 = arith.xori %parallel_loop3A_1234, %parallel_loop3A_1236 : i1
      %parallel_loop3A_1238 = arith.andi %parallel_loop3A_1237, %parallel_loop3A_1232 : i1
      %parallel_loop3A_1239 = arith.addi %parallel_loop3A_1230, %parallel_loop3A_1229 : i32
      %parallel_loop3A_1240 = arith.select %parallel_loop3A_1238, %parallel_loop3A_1239, %parallel_loop3A_1230 : i32
      %parallel_loop3A_1241 = arith.constant 16 : i32
      %parallel_loop3A_1242 = arith.muli %parallel_loop3A_1240, %parallel_loop3A_1241 : i32
      %parallel_loop3A_1243 = arith.index_cast %parallel_loop3A_1224 : i32 to index
      %parallel_loop3A_1244 = arith.index_cast %parallel_loop3A_1242 : i32 to index
      %parallel_loop3A_1245 = tpu.vector_load %arg5[%parallel_loop3A_1243, %parallel_loop3A_1244] {strides = array<i32>} : memref<8x1024xf32, #tpu.memory_space<vmem>>, vector<1x16xf32>,
      %parallel_loop3A_1246 = vector.shape_cast %parallel_loop3A_1245 : vector<1x16xf32> to vector<16xf32>
      %parallel_loop3A_1247 = arith.index_cast %parallel_loop3A_1224 : i32 to index
      %parallel_loop3A_1248 = arith.index_cast %parallel_loop3A_1242 : i32 to index
      %parallel_loop3A_1249 = tpu.vector_load %arg8[%parallel_loop3A_1247, %parallel_loop3A_1248] {strides = array<i32>} : memref<8x1024xf32, #tpu.memory_space<vmem>>, vector<1x16xf32>,
      %parallel_loop3A_1250 = vector.shape_cast %parallel_loop3A_1249 : vector<1x16xf32> to vector<16xf32>
      %parallel_loop3A_1251 = vector.shape_cast %parallel_loop3A_1246 : vector<16xf32> to vector<1x16xf32>
      tpu.vector_store %arg8[%parallel_loop3A_1247, %parallel_loop3A_1248], %parallel_loop3A_1251 {add = true, strides = array<i32>} : memref<8x1024xf32, #tpu.memory_space<vmem>>, vector<1x16xf32>,
    } {sc.loop_unroll_factor = 8 : i64, sc.parallel_access}
    %add3A_433 = arith.constant 16 : i32
    %add3A_434 = arith.addi %mul3A_2, %add3A_433 : i32
    %dma_start3A_435 = arith.constant 1 : i32
    %dma_start3A_436 = arith.constant 0 : i32
    %dma_start3A_437 = tpu.memref_slice %arg4[%dma_start3A_435, %add3A_434, %dma_start3A_436] : memref<4x2048x1024xf32, #tpu.memory_space<hbm>> -> memref<1x8x1024xf32, #tpu.memory_space<hbm>>
    %dma_start3A_438 = tpu.memref_squeeze %dma_start3A_437 : memref<1x8x1024xf32, #tpu.memory_space<hbm>> -> memref<8x1024xf32, #tpu.memory_space<hbm>>
    %dma_start3A_439 = arith.constant 0 : i32
    %dma_start3A_440 = tpu.memref_slice %arg4[%dma_start3A_435, %add3A_434, %dma_start3A_439] : memref<4x2048x1024xf32, #tpu.memory_space<hbm>> -> memref<1x8x1024xf32, #tpu.memory_space<hbm>>
    %dma_start3A_441 = tpu.memref_squeeze %dma_start3A_440 : memref<1x8x1024xf32, #tpu.memory_space<hbm>> -> memref<8x1024xf32, #tpu.memory_space<hbm>>
    tpu.enqueue_dma source(%arg8 : memref<8x1024xf32, #tpu.memory_space<vmem>>) target(%dma_start3A_441 : memref<8x1024xf32, #tpu.memory_space<hbm>>) target_semaphore(%arg26 : memref<!tpu.dma_semaphore, #tpu.memory_space<semaphore_mem>>)
    %dma_wait3A_442 = arith.constant 1 : i32
    %dma_wait3A_443 = arith.constant 0 : i32
    %dma_wait3A_444 = tpu.memref_slice %arg4[%dma_wait3A_442, %add3A_434, %dma_wait3A_443] : memref<4x2048x1024xf32, #tpu.memory_space<hbm>> -> memref<1x8x1024xf32, #tpu.memory_space<hbm>>
    %dma_wait3A_445 = tpu.memref_squeeze %dma_wait3A_444 : memref<1x8x1024xf32, #tpu.memory_space<hbm>> -> memref<8x1024xf32, #tpu.memory_space<hbm>>
    %dma_wait3A_446 = arith.constant 0 : i32
    %dma_wait3A_447 = tpu.memref_slice %arg4[%dma_wait3A_442, %add3A_434, %dma_wait3A_446] : memref<4x2048x1024xf32, #tpu.memory_space<hbm>> -> memref<1x8x1024xf32, #tpu.memory_space<hbm>>
    %dma_wait3A_448 = tpu.memref_squeeze %dma_wait3A_447 : memref<1x8x1024xf32, #tpu.memory_space<hbm>> -> memref<8x1024xf32, #tpu.memory_space<hbm>>
    tpu.wait_dma2 semaphore(%arg26 : memref<!tpu.dma_semaphore, #tpu.memory_space<semaphore_mem>>) src(%arg8 : memref<8x1024xf32, #tpu.memory_space<vmem>>) dst(%dma_wait3A_448 : memref<8x1024xf32, #tpu.memory_space<hbm>>)
    %add3A_449 = arith.constant 32 : i32
    %add3A_450 = arith.addi %mul3A_2, %add3A_449 : i32
    %dma_start3A_451 = arith.constant 1 : i32
    %dma_start3A_452 = arith.constant 0 : i32
    %dma_start3A_453 = tpu.memref_slice %arg2[%dma_start3A_451, %add3A_450, %dma_start3A_452] : memref<4x2048x1024xf32, #tpu.memory_space<hbm>> -> memref<1x8x1024xf32, #tpu.memory_space<hbm>>
    %dma_start3A_454 = tpu.memref_squeeze %dma_start3A_453 : memref<1x8x1024xf32, #tpu.memory_space<hbm>> -> memref<8x1024xf32, #tpu.memory_space<hbm>>
    %dma_start3A_455 = arith.constant 0 : i32
    %dma_start3A_456 = tpu.memref_slice %arg2[%dma_start3A_451, %add3A_450, %dma_start3A_455] : memref<4x2048x1024xf32, #tpu.memory_space<hbm>> -> memref<1x8x1024xf32, #tpu.memory_space<hbm>>
    %dma_start3A_457 = tpu.memref_squeeze %dma_start3A_456 : memref<1x8x1024xf32, #tpu.memory_space<hbm>> -> memref<8x1024xf32, #tpu.memory_space<hbm>>
    tpu.enqueue_dma source(%dma_start3A_457 : memref<8x1024xf32, #tpu.memory_space<hbm>>) target(%arg8 : memref<8x1024xf32, #tpu.memory_space<vmem>>) target_semaphore(%arg18 : memref<!tpu.dma_semaphore, #tpu.memory_space<semaphore_mem>>)
    %dma_wait3A_458 = arith.constant 2 : i32
    %dma_wait3A_459 = arith.constant 0 : i32
    %dma_wait3A_460 = tpu.memref_slice %arg2[%dma_wait3A_458, %add3A_185, %dma_wait3A_459] : memref<4x2048x1024xf32, #tpu.memory_space<hbm>> -> memref<1x8x1024xf32, #tpu.memory_space<hbm>>
    %dma_wait3A_461 = tpu.memref_squeeze %dma_wait3A_460 : memref<1x8x1024xf32, #tpu.memory_space<hbm>> -> memref<8x1024xf32, #tpu.memory_space<hbm>>
    %dma_wait3A_462 = arith.constant 0 : i32
    %dma_wait3A_463 = tpu.memref_slice %arg2[%dma_wait3A_458, %add3A_185, %dma_wait3A_462] : memref<4x2048x1024xf32, #tpu.memory_space<hbm>> -> memref<1x8x1024xf32, #tpu.memory_space<hbm>>
    %dma_wait3A_464 = tpu.memref_squeeze %dma_wait3A_463 : memref<1x8x1024xf32, #tpu.memory_space<hbm>> -> memref<8x1024xf32, #tpu.memory_space<hbm>>
    tpu.wait_dma2 semaphore(%arg19 : memref<!tpu.dma_semaphore, #tpu.memory_space<semaphore_mem>>) src(%dma_wait3A_464 : memref<8x1024xf32, #tpu.memory_space<hbm>>) dst(%arg9 : memref<8x1024xf32, #tpu.memory_space<vmem>>)
    %parallel_loop3A_465 = arith.constant 0 : i32
    %parallel_loop3A_466 = arith.constant 512 : i32
    %parallel_loop3A_467 = arith.constant 1 : i32
    scf.for %parallel_loop3A_1200 = %parallel_loop3A_465 to %parallel_loop3A_466 step %parallel_loop3A_467  : i32 {
      %parallel_loop3A_1201 = arith.constant 64 : i32
      %parallel_loop3A_1202 = arith.divsi %parallel_loop3A_1200, %parallel_loop3A_1201 : i32
      %parallel_loop3A_1203 = arith.constant 0 : i32
      %parallel_loop3A_1204 = arith.cmpi sgt, %parallel_loop3A_1200, %parallel_loop3A_1203 : i32
      %parallel_loop3A_1205 = arith.extui %parallel_loop3A_1204 : i1 to i32
      %parallel_loop3A_1206 = arith.constant 0 : i32
      %parallel_loop3A_1207 = arith.cmpi slt, %parallel_loop3A_1200, %parallel_loop3A_1206 : i32
      %parallel_loop3A_1208 = arith.extui %parallel_loop3A_1207 : i1 to i32
      %parallel_loop3A_1209 = arith.subi %parallel_loop3A_1205, %parallel_loop3A_1208 : i32
      %parallel_loop3A_1210 = arith.constant 0 : i32
      %parallel_loop3A_1211 = arith.cmpi sgt, %parallel_loop3A_1201, %parallel_loop3A_1210 : i32
      %parallel_loop3A_1212 = arith.extui %parallel_loop3A_1211 : i1 to i32
      %parallel_loop3A_1213 = arith.constant 0 : i32
      %parallel_loop3A_1214 = arith.cmpi slt, %parallel_loop3A_1201, %parallel_loop3A_1213 : i32
      %parallel_loop3A_1215 = arith.extui %parallel_loop3A_1214 : i1 to i32
      %parallel_loop3A_1216 = arith.subi %parallel_loop3A_1212, %parallel_loop3A_1215 : i32
      %parallel_loop3A_1217 = arith.cmpi ne, %parallel_loop3A_1209, %parallel_loop3A_1216 : i32
      %parallel_loop3A_1218 = arith.remsi %parallel_loop3A_1200, %parallel_loop3A_1201 : i32
      %parallel_loop3A_1219 = arith.constant 0 : i32
      %parallel_loop3A_1220 = arith.cmpi ne, %parallel_loop3A_1218, %parallel_loop3A_1219 : i32
      %parallel_loop3A_1221 = arith.andi %parallel_loop3A_1217, %parallel_loop3A_1220 : i1
      %parallel_loop3A_1222 = arith.constant 1 : i32
      %parallel_loop3A_1223 = arith.subi %parallel_loop3A_1202, %parallel_loop3A_1222 : i32
      %parallel_loop3A_1224 = arith.select %parallel_loop3A_1221, %parallel_loop3A_1223, %parallel_loop3A_1202 : i32
      %parallel_loop3A_1225 = arith.constant 64 : i32
      %parallel_loop3A_1226 = arith.constant 0 : i32
      %parallel_loop3A_1227 = arith.cmpi eq, %parallel_loop3A_1225, %parallel_loop3A_1226 : i32
      %parallel_loop3A_1228 = arith.constant 1 : i32
      %parallel_loop3A_1229 = arith.select %parallel_loop3A_1227, %parallel_loop3A_1228, %parallel_loop3A_1225 : i32
      %parallel_loop3A_1230 = arith.remsi %parallel_loop3A_1200, %parallel_loop3A_1229 : i32
      %parallel_loop3A_1231 = arith.constant 0 : i32
      %parallel_loop3A_1232 = arith.cmpi ne, %parallel_loop3A_1230, %parallel_loop3A_1231 : i32
      %parallel_loop3A_1233 = arith.constant 0 : i32
      %parallel_loop3A_1234 = arith.cmpi slt, %parallel_loop3A_1230, %parallel_loop3A_1233 : i32
      %parallel_loop3A_1235 = arith.constant 0 : i32
      %parallel_loop3A_1236 = arith.cmpi slt, %parallel_loop3A_1229, %parallel_loop3A_1235 : i32
      %parallel_loop3A_1237 = arith.xori %parallel_loop3A_1234, %parallel_loop3A_1236 : i1
      %parallel_loop3A_1238 = arith.andi %parallel_loop3A_1237, %parallel_loop3A_1232 : i1
      %parallel_loop3A_1239 = arith.addi %parallel_loop3A_1230, %parallel_loop3A_1229 : i32
      %parallel_loop3A_1240 = arith.select %parallel_loop3A_1238, %parallel_loop3A_1239, %parallel_loop3A_1230 : i32
      %parallel_loop3A_1241 = arith.constant 16 : i32
      %parallel_loop3A_1242 = arith.muli %parallel_loop3A_1240, %parallel_loop3A_1241 : i32
      %parallel_loop3A_1243 = arith.index_cast %parallel_loop3A_1224 : i32 to index
      %parallel_loop3A_1244 = arith.index_cast %parallel_loop3A_1242 : i32 to index
      %parallel_loop3A_1245 = tpu.vector_load %arg5[%parallel_loop3A_1243, %parallel_loop3A_1244] {strides = array<i32>} : memref<8x1024xf32, #tpu.memory_space<vmem>>, vector<1x16xf32>,
      %parallel_loop3A_1246 = vector.shape_cast %parallel_loop3A_1245 : vector<1x16xf32> to vector<16xf32>
      %parallel_loop3A_1247 = arith.index_cast %parallel_loop3A_1224 : i32 to index
      %parallel_loop3A_1248 = arith.index_cast %parallel_loop3A_1242 : i32 to index
      %parallel_loop3A_1249 = tpu.vector_load %arg9[%parallel_loop3A_1247, %parallel_loop3A_1248] {strides = array<i32>} : memref<8x1024xf32, #tpu.memory_space<vmem>>, vector<1x16xf32>,
      %parallel_loop3A_1250 = vector.shape_cast %parallel_loop3A_1249 : vector<1x16xf32> to vector<16xf32>
      %parallel_loop3A_1251 = vector.shape_cast %parallel_loop3A_1246 : vector<16xf32> to vector<1x16xf32>
      tpu.vector_store %arg9[%parallel_loop3A_1247, %parallel_loop3A_1248], %parallel_loop3A_1251 {add = true, strides = array<i32>} : memref<8x1024xf32, #tpu.memory_space<vmem>>, vector<1x16xf32>,
    } {sc.loop_unroll_factor = 8 : i64, sc.parallel_access}
    %add3A_468 = arith.constant 16 : i32
    %add3A_469 = arith.addi %mul3A_2, %add3A_468 : i32
    %dma_start3A_470 = arith.constant 2 : i32
    %dma_start3A_471 = arith.constant 0 : i32
    %dma_start3A_472 = tpu.memref_slice %arg4[%dma_start3A_470, %add3A_469, %dma_start3A_471] : memref<4x2048x1024xf32, #tpu.memory_space<hbm>> -> memref<1x8x1024xf32, #tpu.memory_space<hbm>>
    %dma_start3A_473 = tpu.memref_squeeze %dma_start3A_472 : memref<1x8x1024xf32, #tpu.memory_space<hbm>> -> memref<8x1024xf32, #tpu.memory_space<hbm>>
    %dma_start3A_474 = arith.constant 0 : i32
    %dma_start3A_475 = tpu.memref_slice %arg4[%dma_start3A_470, %add3A_469, %dma_start3A_474] : memref<4x2048x1024xf32, #tpu.memory_space<hbm>> -> memref<1x8x1024xf32, #tpu.memory_space<hbm>>
    %dma_start3A_476 = tpu.memref_squeeze %dma_start3A_475 : memref<1x8x1024xf32, #tpu.memory_space<hbm>> -> memref<8x1024xf32, #tpu.memory_space<hbm>>
    tpu.enqueue_dma source(%arg9 : memref<8x1024xf32, #tpu.memory_space<vmem>>) target(%dma_start3A_476 : memref<8x1024xf32, #tpu.memory_space<hbm>>) target_semaphore(%arg27 : memref<!tpu.dma_semaphore, #tpu.memory_space<semaphore_mem>>)
    %dma_wait3A_477 = arith.constant 2 : i32
    %dma_wait3A_478 = arith.constant 0 : i32
    %dma_wait3A_479 = tpu.memref_slice %arg4[%dma_wait3A_477, %add3A_469, %dma_wait3A_478] : memref<4x2048x1024xf32, #tpu.memory_space<hbm>> -> memref<1x8x1024xf32, #tpu.memory_space<hbm>>
    %dma_wait3A_480 = tpu.memref_squeeze %dma_wait3A_479 : memref<1x8x1024xf32, #tpu.memory_space<hbm>> -> memref<8x1024xf32, #tpu.memory_space<hbm>>
    %dma_wait3A_481 = arith.constant 0 : i32
    %dma_wait3A_482 = tpu.memref_slice %arg4[%dma_wait3A_477, %add3A_469, %dma_wait3A_481] : memref<4x2048x1024xf32, #tpu.memory_space<hbm>> -> memref<1x8x1024xf32, #tpu.memory_space<hbm>>
    %dma_wait3A_483 = tpu.memref_squeeze %dma_wait3A_482 : memref<1x8x1024xf32, #tpu.memory_space<hbm>> -> memref<8x1024xf32, #tpu.memory_space<hbm>>
    tpu.wait_dma2 semaphore(%arg27 : memref<!tpu.dma_semaphore, #tpu.memory_space<semaphore_mem>>) src(%arg9 : memref<8x1024xf32, #tpu.memory_space<vmem>>) dst(%dma_wait3A_483 : memref<8x1024xf32, #tpu.memory_space<hbm>>)
    %add3A_484 = arith.constant 32 : i32
    %add3A_485 = arith.addi %mul3A_2, %add3A_484 : i32
    %dma_start3A_486 = arith.constant 2 : i32
    %dma_start3A_487 = arith.constant 0 : i32
    %dma_start3A_488 = tpu.memref_slice %arg2[%dma_start3A_486, %add3A_485, %dma_start3A_487] : memref<4x2048x1024xf32, #tpu.memory_space<hbm>> -> memref<1x8x1024xf32, #tpu.memory_space<hbm>>
    %dma_start3A_489 = tpu.memref_squeeze %dma_start3A_488 : memref<1x8x1024xf32, #tpu.memory_space<hbm>> -> memref<8x1024xf32, #tpu.memory_space<hbm>>
    %dma_start3A_490 = arith.constant 0 : i32
    %dma_start3A_491 = tpu.memref_slice %arg2[%dma_start3A_486, %add3A_485, %dma_start3A_490] : memref<4x2048x1024xf32, #tpu.memory_space<hbm>> -> memref<1x8x1024xf32, #tpu.memory_space<hbm>>
    %dma_start3A_492 = tpu.memref_squeeze %dma_start3A_491 : memref<1x8x1024xf32, #tpu.memory_space<hbm>> -> memref<8x1024xf32, #tpu.memory_space<hbm>>
    tpu.enqueue_dma source(%dma_start3A_492 : memref<8x1024xf32, #tpu.memory_space<hbm>>) target(%arg9 : memref<8x1024xf32, #tpu.memory_space<vmem>>) target_semaphore(%arg19 : memref<!tpu.dma_semaphore, #tpu.memory_space<semaphore_mem>>)
    %dma_wait3A_493 = arith.constant 3 : i32
    %dma_wait3A_494 = arith.constant 0 : i32
    %dma_wait3A_495 = tpu.memref_slice %arg2[%dma_wait3A_493, %add3A_226, %dma_wait3A_494] : memref<4x2048x1024xf32, #tpu.memory_space<hbm>> -> memref<1x8x1024xf32, #tpu.memory_space<hbm>>
    %dma_wait3A_496 = tpu.memref_squeeze %dma_wait3A_495 : memref<1x8x1024xf32, #tpu.memory_space<hbm>> -> memref<8x1024xf32, #tpu.memory_space<hbm>>
    %dma_wait3A_497 = arith.constant 0 : i32
    %dma_wait3A_498 = tpu.memref_slice %arg2[%dma_wait3A_493, %add3A_226, %dma_wait3A_497] : memref<4x2048x1024xf32, #tpu.memory_space<hbm>> -> memref<1x8x1024xf32, #tpu.memory_space<hbm>>
    %dma_wait3A_499 = tpu.memref_squeeze %dma_wait3A_498 : memref<1x8x1024xf32, #tpu.memory_space<hbm>> -> memref<8x1024xf32, #tpu.memory_space<hbm>>
    tpu.wait_dma2 semaphore(%arg20 : memref<!tpu.dma_semaphore, #tpu.memory_space<semaphore_mem>>) src(%dma_wait3A_499 : memref<8x1024xf32, #tpu.memory_space<hbm>>) dst(%arg10 : memref<8x1024xf32, #tpu.memory_space<vmem>>)
    %parallel_loop3A_500 = arith.constant 0 : i32
    %parallel_loop3A_501 = arith.constant 512 : i32
    %parallel_loop3A_502 = arith.constant 1 : i32
    scf.for %parallel_loop3A_1200 = %parallel_loop3A_500 to %parallel_loop3A_501 step %parallel_loop3A_502  : i32 {
      %parallel_loop3A_1201 = arith.constant 64 : i32
      %parallel_loop3A_1202 = arith.divsi %parallel_loop3A_1200, %parallel_loop3A_1201 : i32
      %parallel_loop3A_1203 = arith.constant 0 : i32
      %parallel_loop3A_1204 = arith.cmpi sgt, %parallel_loop3A_1200, %parallel_loop3A_1203 : i32
      %parallel_loop3A_1205 = arith.extui %parallel_loop3A_1204 : i1 to i32
      %parallel_loop3A_1206 = arith.constant 0 : i32
      %parallel_loop3A_1207 = arith.cmpi slt, %parallel_loop3A_1200, %parallel_loop3A_1206 : i32
      %parallel_loop3A_1208 = arith.extui %parallel_loop3A_1207 : i1 to i32
      %parallel_loop3A_1209 = arith.subi %parallel_loop3A_1205, %parallel_loop3A_1208 : i32
      %parallel_loop3A_1210 = arith.constant 0 : i32
      %parallel_loop3A_1211 = arith.cmpi sgt, %parallel_loop3A_1201, %parallel_loop3A_1210 : i32
      %parallel_loop3A_1212 = arith.extui %parallel_loop3A_1211 : i1 to i32
      %parallel_loop3A_1213 = arith.constant 0 : i32
      %parallel_loop3A_1214 = arith.cmpi slt, %parallel_loop3A_1201, %parallel_loop3A_1213 : i32
      %parallel_loop3A_1215 = arith.extui %parallel_loop3A_1214 : i1 to i32
      %parallel_loop3A_1216 = arith.subi %parallel_loop3A_1212, %parallel_loop3A_1215 : i32
      %parallel_loop3A_1217 = arith.cmpi ne, %parallel_loop3A_1209, %parallel_loop3A_1216 : i32
      %parallel_loop3A_1218 = arith.remsi %parallel_loop3A_1200, %parallel_loop3A_1201 : i32
      %parallel_loop3A_1219 = arith.constant 0 : i32
      %parallel_loop3A_1220 = arith.cmpi ne, %parallel_loop3A_1218, %parallel_loop3A_1219 : i32
      %parallel_loop3A_1221 = arith.andi %parallel_loop3A_1217, %parallel_loop3A_1220 : i1
      %parallel_loop3A_1222 = arith.constant 1 : i32
      %parallel_loop3A_1223 = arith.subi %parallel_loop3A_1202, %parallel_loop3A_1222 : i32
      %parallel_loop3A_1224 = arith.select %parallel_loop3A_1221, %parallel_loop3A_1223, %parallel_loop3A_1202 : i32
      %parallel_loop3A_1225 = arith.constant 64 : i32
      %parallel_loop3A_1226 = arith.constant 0 : i32
      %parallel_loop3A_1227 = arith.cmpi eq, %parallel_loop3A_1225, %parallel_loop3A_1226 : i32
      %parallel_loop3A_1228 = arith.constant 1 : i32
      %parallel_loop3A_1229 = arith.select %parallel_loop3A_1227, %parallel_loop3A_1228, %parallel_loop3A_1225 : i32
      %parallel_loop3A_1230 = arith.remsi %parallel_loop3A_1200, %parallel_loop3A_1229 : i32
      %parallel_loop3A_1231 = arith.constant 0 : i32
      %parallel_loop3A_1232 = arith.cmpi ne, %parallel_loop3A_1230, %parallel_loop3A_1231 : i32
      %parallel_loop3A_1233 = arith.constant 0 : i32
      %parallel_loop3A_1234 = arith.cmpi slt, %parallel_loop3A_1230, %parallel_loop3A_1233 : i32
      %parallel_loop3A_1235 = arith.constant 0 : i32
      %parallel_loop3A_1236 = arith.cmpi slt, %parallel_loop3A_1229, %parallel_loop3A_1235 : i32
      %parallel_loop3A_1237 = arith.xori %parallel_loop3A_1234, %parallel_loop3A_1236 : i1
      %parallel_loop3A_1238 = arith.andi %parallel_loop3A_1237, %parallel_loop3A_1232 : i1
      %parallel_loop3A_1239 = arith.addi %parallel_loop3A_1230, %parallel_loop3A_1229 : i32
      %parallel_loop3A_1240 = arith.select %parallel_loop3A_1238, %parallel_loop3A_1239, %parallel_loop3A_1230 : i32
      %parallel_loop3A_1241 = arith.constant 16 : i32
      %parallel_loop3A_1242 = arith.muli %parallel_loop3A_1240, %parallel_loop3A_1241 : i32
      %parallel_loop3A_1243 = arith.index_cast %parallel_loop3A_1224 : i32 to index
      %parallel_loop3A_1244 = arith.index_cast %parallel_loop3A_1242 : i32 to index
      %parallel_loop3A_1245 = tpu.vector_load %arg5[%parallel_loop3A_1243, %parallel_loop3A_1244] {strides = array<i32>} : memref<8x1024xf32, #tpu.memory_space<vmem>>, vector<1x16xf32>,
      %parallel_loop3A_1246 = vector.shape_cast %parallel_loop3A_1245 : vector<1x16xf32> to vector<16xf32>
      %parallel_loop3A_1247 = arith.index_cast %parallel_loop3A_1224 : i32 to index
      %parallel_loop3A_1248 = arith.index_cast %parallel_loop3A_1242 : i32 to index
      %parallel_loop3A_1249 = tpu.vector_load %arg10[%parallel_loop3A_1247, %parallel_loop3A_1248] {strides = array<i32>} : memref<8x1024xf32, #tpu.memory_space<vmem>>, vector<1x16xf32>,
      %parallel_loop3A_1250 = vector.shape_cast %parallel_loop3A_1249 : vector<1x16xf32> to vector<16xf32>
      %parallel_loop3A_1251 = vector.shape_cast %parallel_loop3A_1246 : vector<16xf32> to vector<1x16xf32>
      tpu.vector_store %arg10[%parallel_loop3A_1247, %parallel_loop3A_1248], %parallel_loop3A_1251 {add = true, strides = array<i32>} : memref<8x1024xf32, #tpu.memory_space<vmem>>, vector<1x16xf32>,
    } {sc.loop_unroll_factor = 8 : i64, sc.parallel_access}
    %add3A_503 = arith.constant 32 : i32
    %add3A_504 = arith.addi %mul3A_2, %add3A_503 : i32
    %dma_start3A_505 = arith.constant 0 : i32
    %dma_start3A_506 = tpu.memref_slice %arg3[%add3A_504, %dma_start3A_505] : memref<2048x1024xf32, #tpu.memory_space<hbm>> -> memref<8x1024xf32, #tpu.memory_space<hbm>>
    %dma_start3A_507 = arith.constant 0 : i32
    %dma_start3A_508 = tpu.memref_slice %arg3[%add3A_504, %dma_start3A_507] : memref<2048x1024xf32, #tpu.memory_space<hbm>> -> memref<8x1024xf32, #tpu.memory_space<hbm>>
    tpu.enqueue_dma source(%dma_start3A_508 : memref<8x1024xf32, #tpu.memory_space<hbm>>) target(%arg5 : memref<8x1024xf32, #tpu.memory_space<vmem>>) target_semaphore(%arg15 : memref<!tpu.dma_semaphore, #tpu.memory_space<semaphore_mem>>)
    %add3A_509 = arith.constant 16 : i32
    %add3A_510 = arith.addi %mul3A_2, %add3A_509 : i32
    %dma_start3A_511 = arith.constant 3 : i32
    %dma_start3A_512 = arith.constant 0 : i32
    %dma_start3A_513 = tpu.memref_slice %arg4[%dma_start3A_511, %add3A_510, %dma_start3A_512] : memref<4x2048x1024xf32, #tpu.memory_space<hbm>> -> memref<1x8x1024xf32, #tpu.memory_space<hbm>>
    %dma_start3A_514 = tpu.memref_squeeze %dma_start3A_513 : memref<1x8x1024xf32, #tpu.memory_space<hbm>> -> memref<8x1024xf32, #tpu.memory_space<hbm>>
    %dma_start3A_515 = arith.constant 0 : i32
    %dma_start3A_516 = tpu.memref_slice %arg4[%dma_start3A_511, %add3A_510, %dma_start3A_515] : memref<4x2048x1024xf32, #tpu.memory_space<hbm>> -> memref<1x8x1024xf32, #tpu.memory_space<hbm>>
    %dma_start3A_517 = tpu.memref_squeeze %dma_start3A_516 : memref<1x8x1024xf32, #tpu.memory_space<hbm>> -> memref<8x1024xf32, #tpu.memory_space<hbm>>
    tpu.enqueue_dma source(%arg10 : memref<8x1024xf32, #tpu.memory_space<vmem>>) target(%dma_start3A_517 : memref<8x1024xf32, #tpu.memory_space<hbm>>) target_semaphore(%arg28 : memref<!tpu.dma_semaphore, #tpu.memory_space<semaphore_mem>>)
    %dma_wait3A_518 = arith.constant 3 : i32
    %dma_wait3A_519 = arith.constant 0 : i32
    %dma_wait3A_520 = tpu.memref_slice %arg4[%dma_wait3A_518, %add3A_510, %dma_wait3A_519] : memref<4x2048x1024xf32, #tpu.memory_space<hbm>> -> memref<1x8x1024xf32, #tpu.memory_space<hbm>>
    %dma_wait3A_521 = tpu.memref_squeeze %dma_wait3A_520 : memref<1x8x1024xf32, #tpu.memory_space<hbm>> -> memref<8x1024xf32, #tpu.memory_space<hbm>>
    %dma_wait3A_522 = arith.constant 0 : i32
    %dma_wait3A_523 = tpu.memref_slice %arg4[%dma_wait3A_518, %add3A_510, %dma_wait3A_522] : memref<4x2048x1024xf32, #tpu.memory_space<hbm>> -> memref<1x8x1024xf32, #tpu.memory_space<hbm>>
    %dma_wait3A_524 = tpu.memref_squeeze %dma_wait3A_523 : memref<1x8x1024xf32, #tpu.memory_space<hbm>> -> memref<8x1024xf32, #tpu.memory_space<hbm>>
    tpu.wait_dma2 semaphore(%arg28 : memref<!tpu.dma_semaphore, #tpu.memory_space<semaphore_mem>>) src(%arg10 : memref<8x1024xf32, #tpu.memory_space<vmem>>) dst(%dma_wait3A_524 : memref<8x1024xf32, #tpu.memory_space<hbm>>)
    %add3A_525 = arith.constant 32 : i32
    %add3A_526 = arith.addi %mul3A_2, %add3A_525 : i32
    %dma_start3A_527 = arith.constant 3 : i32
    %dma_start3A_528 = arith.constant 0 : i32
    %dma_start3A_529 = tpu.memref_slice %arg2[%dma_start3A_527, %add3A_526, %dma_start3A_528] : memref<4x2048x1024xf32, #tpu.memory_space<hbm>> -> memref<1x8x1024xf32, #tpu.memory_space<hbm>>
    %dma_start3A_530 = tpu.memref_squeeze %dma_start3A_529 : memref<1x8x1024xf32, #tpu.memory_space<hbm>> -> memref<8x1024xf32, #tpu.memory_space<hbm>>
    %dma_start3A_531 = arith.constant 0 : i32
    %dma_start3A_532 = tpu.memref_slice %arg2[%dma_start3A_527, %add3A_526, %dma_start3A_531] : memref<4x2048x1024xf32, #tpu.memory_space<hbm>> -> memref<1x8x1024xf32, #tpu.memory_space<hbm>>
    %dma_start3A_533 = tpu.memref_squeeze %dma_start3A_532 : memref<1x8x1024xf32, #tpu.memory_space<hbm>> -> memref<8x1024xf32, #tpu.memory_space<hbm>>
    tpu.enqueue_dma source(%dma_start3A_533 : memref<8x1024xf32, #tpu.memory_space<hbm>>) target(%arg10 : memref<8x1024xf32, #tpu.memory_space<vmem>>) target_semaphore(%arg20 : memref<!tpu.dma_semaphore, #tpu.memory_space<semaphore_mem>>)
    %dma_wait3A_534 = arith.constant 0 : i32
    %dma_wait3A_535 = tpu.memref_slice %arg3[%add3A_354, %dma_wait3A_534] : memref<2048x1024xf32, #tpu.memory_space<hbm>> -> memref<8x1024xf32, #tpu.memory_space<hbm>>
    %dma_wait3A_536 = arith.constant 0 : i32
    %dma_wait3A_537 = tpu.memref_slice %arg3[%add3A_354, %dma_wait3A_536] : memref<2048x1024xf32, #tpu.memory_space<hbm>> -> memref<8x1024xf32, #tpu.memory_space<hbm>>
    tpu.wait_dma2 semaphore(%arg16 : memref<!tpu.dma_semaphore, #tpu.memory_space<semaphore_mem>>) src(%dma_wait3A_537 : memref<8x1024xf32, #tpu.memory_space<hbm>>) dst(%arg6 : memref<8x1024xf32, #tpu.memory_space<vmem>>)
    %dma_wait3A_538 = arith.constant 0 : i32
    %dma_wait3A_539 = arith.constant 0 : i32
    %dma_wait3A_540 = tpu.memref_slice %arg2[%dma_wait3A_538, %add3A_265, %dma_wait3A_539] : memref<4x2048x1024xf32, #tpu.memory_space<hbm>> -> memref<1x8x1024xf32, #tpu.memory_space<hbm>>
    %dma_wait3A_541 = tpu.memref_squeeze %dma_wait3A_540 : memref<1x8x1024xf32, #tpu.memory_space<hbm>> -> memref<8x1024xf32, #tpu.memory_space<hbm>>
    %dma_wait3A_542 = arith.constant 0 : i32
    %dma_wait3A_543 = tpu.memref_slice %arg2[%dma_wait3A_538, %add3A_265, %dma_wait3A_542] : memref<4x2048x1024xf32, #tpu.memory_space<hbm>> -> memref<1x8x1024xf32, #tpu.memory_space<hbm>>
    %dma_wait3A_544 = tpu.memref_squeeze %dma_wait3A_543 : memref<1x8x1024xf32, #tpu.memory_space<hbm>> -> memref<8x1024xf32, #tpu.memory_space<hbm>>
    tpu.wait_dma2 semaphore(%arg21 : memref<!tpu.dma_semaphore, #tpu.memory_space<semaphore_mem>>) src(%dma_wait3A_544 : memref<8x1024xf32, #tpu.memory_space<hbm>>) dst(%arg11 : memref<8x1024xf32, #tpu.memory_space<vmem>>)
    %parallel_loop3A_545 = arith.constant 0 : i32
    %parallel_loop3A_546 = arith.constant 512 : i32
    %parallel_loop3A_547 = arith.constant 1 : i32
    scf.for %parallel_loop3A_1200 = %parallel_loop3A_545 to %parallel_loop3A_546 step %parallel_loop3A_547  : i32 {
      %parallel_loop3A_1201 = arith.constant 64 : i32
      %parallel_loop3A_1202 = arith.divsi %parallel_loop3A_1200, %parallel_loop3A_1201 : i32
      %parallel_loop3A_1203 = arith.constant 0 : i32
      %parallel_loop3A_1204 = arith.cmpi sgt, %parallel_loop3A_1200, %parallel_loop3A_1203 : i32
      %parallel_loop3A_1205 = arith.extui %parallel_loop3A_1204 : i1 to i32
      %parallel_loop3A_1206 = arith.constant 0 : i32
      %parallel_loop3A_1207 = arith.cmpi slt, %parallel_loop3A_1200, %parallel_loop3A_1206 : i32
      %parallel_loop3A_1208 = arith.extui %parallel_loop3A_1207 : i1 to i32
      %parallel_loop3A_1209 = arith.subi %parallel_loop3A_1205, %parallel_loop3A_1208 : i32
      %parallel_loop3A_1210 = arith.constant 0 : i32
      %parallel_loop3A_1211 = arith.cmpi sgt, %parallel_loop3A_1201, %parallel_loop3A_1210 : i32
      %parallel_loop3A_1212 = arith.extui %parallel_loop3A_1211 : i1 to i32
      %parallel_loop3A_1213 = arith.constant 0 : i32
      %parallel_loop3A_1214 = arith.cmpi slt, %parallel_loop3A_1201, %parallel_loop3A_1213 : i32
      %parallel_loop3A_1215 = arith.extui %parallel_loop3A_1214 : i1 to i32
      %parallel_loop3A_1216 = arith.subi %parallel_loop3A_1212, %parallel_loop3A_1215 : i32
      %parallel_loop3A_1217 = arith.cmpi ne, %parallel_loop3A_1209, %parallel_loop3A_1216 : i32
      %parallel_loop3A_1218 = arith.remsi %parallel_loop3A_1200, %parallel_loop3A_1201 : i32
      %parallel_loop3A_1219 = arith.constant 0 : i32
      %parallel_loop3A_1220 = arith.cmpi ne, %parallel_loop3A_1218, %parallel_loop3A_1219 : i32
      %parallel_loop3A_1221 = arith.andi %parallel_loop3A_1217, %parallel_loop3A_1220 : i1
      %parallel_loop3A_1222 = arith.constant 1 : i32
      %parallel_loop3A_1223 = arith.subi %parallel_loop3A_1202, %parallel_loop3A_1222 : i32
      %parallel_loop3A_1224 = arith.select %parallel_loop3A_1221, %parallel_loop3A_1223, %parallel_loop3A_1202 : i32
      %parallel_loop3A_1225 = arith.constant 64 : i32
      %parallel_loop3A_1226 = arith.constant 0 : i32
      %parallel_loop3A_1227 = arith.cmpi eq, %parallel_loop3A_1225, %parallel_loop3A_1226 : i32
      %parallel_loop3A_1228 = arith.constant 1 : i32
      %parallel_loop3A_1229 = arith.select %parallel_loop3A_1227, %parallel_loop3A_1228, %parallel_loop3A_1225 : i32
      %parallel_loop3A_1230 = arith.remsi %parallel_loop3A_1200, %parallel_loop3A_1229 : i32
      %parallel_loop3A_1231 = arith.constant 0 : i32
      %parallel_loop3A_1232 = arith.cmpi ne, %parallel_loop3A_1230, %parallel_loop3A_1231 : i32
      %parallel_loop3A_1233 = arith.constant 0 : i32
      %parallel_loop3A_1234 = arith.cmpi slt, %parallel_loop3A_1230, %parallel_loop3A_1233 : i32
      %parallel_loop3A_1235 = arith.constant 0 : i32
      %parallel_loop3A_1236 = arith.cmpi slt, %parallel_loop3A_1229, %parallel_loop3A_1235 : i32
      %parallel_loop3A_1237 = arith.xori %parallel_loop3A_1234, %parallel_loop3A_1236 : i1
      %parallel_loop3A_1238 = arith.andi %parallel_loop3A_1237, %parallel_loop3A_1232 : i1
      %parallel_loop3A_1239 = arith.addi %parallel_loop3A_1230, %parallel_loop3A_1229 : i32
      %parallel_loop3A_1240 = arith.select %parallel_loop3A_1238, %parallel_loop3A_1239, %parallel_loop3A_1230 : i32
      %parallel_loop3A_1241 = arith.constant 16 : i32
      %parallel_loop3A_1242 = arith.muli %parallel_loop3A_1240, %parallel_loop3A_1241 : i32
      %parallel_loop3A_1243 = arith.index_cast %parallel_loop3A_1224 : i32 to index
      %parallel_loop3A_1244 = arith.index_cast %parallel_loop3A_1242 : i32 to index
      %parallel_loop3A_1245 = tpu.vector_load %arg6[%parallel_loop3A_1243, %parallel_loop3A_1244] {strides = array<i32>} : memref<8x1024xf32, #tpu.memory_space<vmem>>, vector<1x16xf32>,
      %parallel_loop3A_1246 = vector.shape_cast %parallel_loop3A_1245 : vector<1x16xf32> to vector<16xf32>
      %parallel_loop3A_1247 = arith.index_cast %parallel_loop3A_1224 : i32 to index
      %parallel_loop3A_1248 = arith.index_cast %parallel_loop3A_1242 : i32 to index
      %parallel_loop3A_1249 = tpu.vector_load %arg11[%parallel_loop3A_1247, %parallel_loop3A_1248] {strides = array<i32>} : memref<8x1024xf32, #tpu.memory_space<vmem>>, vector<1x16xf32>,
      %parallel_loop3A_1250 = vector.shape_cast %parallel_loop3A_1249 : vector<1x16xf32> to vector<16xf32>
      %parallel_loop3A_1251 = vector.shape_cast %parallel_loop3A_1246 : vector<16xf32> to vector<1x16xf32>
      tpu.vector_store %arg11[%parallel_loop3A_1247, %parallel_loop3A_1248], %parallel_loop3A_1251 {add = true, strides = array<i32>} : memref<8x1024xf32, #tpu.memory_space<vmem>>, vector<1x16xf32>,
    } {sc.loop_unroll_factor = 8 : i64, sc.parallel_access}
    %add3A_548 = arith.constant 24 : i32
    %add3A_549 = arith.addi %mul3A_2, %add3A_548 : i32
    %dma_start3A_550 = arith.constant 0 : i32
    %dma_start3A_551 = arith.constant 0 : i32
    %dma_start3A_552 = tpu.memref_slice %arg4[%dma_start3A_550, %add3A_549, %dma_start3A_551] : memref<4x2048x1024xf32, #tpu.memory_space<hbm>> -> memref<1x8x1024xf32, #tpu.memory_space<hbm>>
    %dma_start3A_553 = tpu.memref_squeeze %dma_start3A_552 : memref<1x8x1024xf32, #tpu.memory_space<hbm>> -> memref<8x1024xf32, #tpu.memory_space<hbm>>
    %dma_start3A_554 = arith.constant 0 : i32
    %dma_start3A_555 = tpu.memref_slice %arg4[%dma_start3A_550, %add3A_549, %dma_start3A_554] : memref<4x2048x1024xf32, #tpu.memory_space<hbm>> -> memref<1x8x1024xf32, #tpu.memory_space<hbm>>
    %dma_start3A_556 = tpu.memref_squeeze %dma_start3A_555 : memref<1x8x1024xf32, #tpu.memory_space<hbm>> -> memref<8x1024xf32, #tpu.memory_space<hbm>>
    tpu.enqueue_dma source(%arg11 : memref<8x1024xf32, #tpu.memory_space<vmem>>) target(%dma_start3A_556 : memref<8x1024xf32, #tpu.memory_space<hbm>>) target_semaphore(%arg29 : memref<!tpu.dma_semaphore, #tpu.memory_space<semaphore_mem>>)
    %dma_wait3A_557 = arith.constant 0 : i32
    %dma_wait3A_558 = arith.constant 0 : i32
    %dma_wait3A_559 = tpu.memref_slice %arg4[%dma_wait3A_557, %add3A_549, %dma_wait3A_558] : memref<4x2048x1024xf32, #tpu.memory_space<hbm>> -> memref<1x8x1024xf32, #tpu.memory_space<hbm>>
    %dma_wait3A_560 = tpu.memref_squeeze %dma_wait3A_559 : memref<1x8x1024xf32, #tpu.memory_space<hbm>> -> memref<8x1024xf32, #tpu.memory_space<hbm>>
    %dma_wait3A_561 = arith.constant 0 : i32
    %dma_wait3A_562 = tpu.memref_slice %arg4[%dma_wait3A_557, %add3A_549, %dma_wait3A_561] : memref<4x2048x1024xf32, #tpu.memory_space<hbm>> -> memref<1x8x1024xf32, #tpu.memory_space<hbm>>
    %dma_wait3A_563 = tpu.memref_squeeze %dma_wait3A_562 : memref<1x8x1024xf32, #tpu.memory_space<hbm>> -> memref<8x1024xf32, #tpu.memory_space<hbm>>
    tpu.wait_dma2 semaphore(%arg29 : memref<!tpu.dma_semaphore, #tpu.memory_space<semaphore_mem>>) src(%arg11 : memref<8x1024xf32, #tpu.memory_space<vmem>>) dst(%dma_wait3A_563 : memref<8x1024xf32, #tpu.memory_space<hbm>>)
    %add3A_564 = arith.constant 40 : i32
    %add3A_565 = arith.addi %mul3A_2, %add3A_564 : i32
    %dma_start3A_566 = arith.constant 0 : i32
    %dma_start3A_567 = arith.constant 0 : i32
    %dma_start3A_568 = tpu.memref_slice %arg2[%dma_start3A_566, %add3A_565, %dma_start3A_567] : memref<4x2048x1024xf32, #tpu.memory_space<hbm>> -> memref<1x8x1024xf32, #tpu.memory_space<hbm>>
    %dma_start3A_569 = tpu.memref_squeeze %dma_start3A_568 : memref<1x8x1024xf32, #tpu.memory_space<hbm>> -> memref<8x1024xf32, #tpu.memory_space<hbm>>
    %dma_start3A_570 = arith.constant 0 : i32
    %dma_start3A_571 = tpu.memref_slice %arg2[%dma_start3A_566, %add3A_565, %dma_start3A_570] : memref<4x2048x1024xf32, #tpu.memory_space<hbm>> -> memref<1x8x1024xf32, #tpu.memory_space<hbm>>
    %dma_start3A_572 = tpu.memref_squeeze %dma_start3A_571 : memref<1x8x1024xf32, #tpu.memory_space<hbm>> -> memref<8x1024xf32, #tpu.memory_space<hbm>>
    tpu.enqueue_dma source(%dma_start3A_572 : memref<8x1024xf32, #tpu.memory_space<hbm>>) target(%arg11 : memref<8x1024xf32, #tpu.memory_space<vmem>>) target_semaphore(%arg21 : memref<!tpu.dma_semaphore, #tpu.memory_space<semaphore_mem>>)
    %dma_wait3A_573 = arith.constant 1 : i32
    %dma_wait3A_574 = arith.constant 0 : i32
    %dma_wait3A_575 = tpu.memref_slice %arg2[%dma_wait3A_573, %add3A_300, %dma_wait3A_574] : memref<4x2048x1024xf32, #tpu.memory_space<hbm>> -> memref<1x8x1024xf32, #tpu.memory_space<hbm>>
    %dma_wait3A_576 = tpu.memref_squeeze %dma_wait3A_575 : memref<1x8x1024xf32, #tpu.memory_space<hbm>> -> memref<8x1024xf32, #tpu.memory_space<hbm>>
    %dma_wait3A_577 = arith.constant 0 : i32
    %dma_wait3A_578 = tpu.memref_slice %arg2[%dma_wait3A_573, %add3A_300, %dma_wait3A_577] : memref<4x2048x1024xf32, #tpu.memory_space<hbm>> -> memref<1x8x1024xf32, #tpu.memory_space<hbm>>
    %dma_wait3A_579 = tpu.memref_squeeze %dma_wait3A_578 : memref<1x8x1024xf32, #tpu.memory_space<hbm>> -> memref<8x1024xf32, #tpu.memory_space<hbm>>
    tpu.wait_dma2 semaphore(%arg22 : memref<!tpu.dma_semaphore, #tpu.memory_space<semaphore_mem>>) src(%dma_wait3A_579 : memref<8x1024xf32, #tpu.memory_space<hbm>>) dst(%arg12 : memref<8x1024xf32, #tpu.memory_space<vmem>>)
    %parallel_loop3A_580 = arith.constant 0 : i32
    %parallel_loop3A_581 = arith.constant 512 : i32
    %parallel_loop3A_582 = arith.constant 1 : i32
    scf.for %parallel_loop3A_1200 = %parallel_loop3A_580 to %parallel_loop3A_581 step %parallel_loop3A_582  : i32 {
      %parallel_loop3A_1201 = arith.constant 64 : i32
      %parallel_loop3A_1202 = arith.divsi %parallel_loop3A_1200, %parallel_loop3A_1201 : i32
      %parallel_loop3A_1203 = arith.constant 0 : i32
      %parallel_loop3A_1204 = arith.cmpi sgt, %parallel_loop3A_1200, %parallel_loop3A_1203 : i32
      %parallel_loop3A_1205 = arith.extui %parallel_loop3A_1204 : i1 to i32
      %parallel_loop3A_1206 = arith.constant 0 : i32
      %parallel_loop3A_1207 = arith.cmpi slt, %parallel_loop3A_1200, %parallel_loop3A_1206 : i32
      %parallel_loop3A_1208 = arith.extui %parallel_loop3A_1207 : i1 to i32
      %parallel_loop3A_1209 = arith.subi %parallel_loop3A_1205, %parallel_loop3A_1208 : i32
      %parallel_loop3A_1210 = arith.constant 0 : i32
      %parallel_loop3A_1211 = arith.cmpi sgt, %parallel_loop3A_1201, %parallel_loop3A_1210 : i32
      %parallel_loop3A_1212 = arith.extui %parallel_loop3A_1211 : i1 to i32
      %parallel_loop3A_1213 = arith.constant 0 : i32
      %parallel_loop3A_1214 = arith.cmpi slt, %parallel_loop3A_1201, %parallel_loop3A_1213 : i32
      %parallel_loop3A_1215 = arith.extui %parallel_loop3A_1214 : i1 to i32
      %parallel_loop3A_1216 = arith.subi %parallel_loop3A_1212, %parallel_loop3A_1215 : i32
      %parallel_loop3A_1217 = arith.cmpi ne, %parallel_loop3A_1209, %parallel_loop3A_1216 : i32
      %parallel_loop3A_1218 = arith.remsi %parallel_loop3A_1200, %parallel_loop3A_1201 : i32
      %parallel_loop3A_1219 = arith.constant 0 : i32
      %parallel_loop3A_1220 = arith.cmpi ne, %parallel_loop3A_1218, %parallel_loop3A_1219 : i32
      %parallel_loop3A_1221 = arith.andi %parallel_loop3A_1217, %parallel_loop3A_1220 : i1
      %parallel_loop3A_1222 = arith.constant 1 : i32
      %parallel_loop3A_1223 = arith.subi %parallel_loop3A_1202, %parallel_loop3A_1222 : i32
      %parallel_loop3A_1224 = arith.select %parallel_loop3A_1221, %parallel_loop3A_1223, %parallel_loop3A_1202 : i32
      %parallel_loop3A_1225 = arith.constant 64 : i32
      %parallel_loop3A_1226 = arith.constant 0 : i32
      %parallel_loop3A_1227 = arith.cmpi eq, %parallel_loop3A_1225, %parallel_loop3A_1226 : i32
      %parallel_loop3A_1228 = arith.constant 1 : i32
      %parallel_loop3A_1229 = arith.select %parallel_loop3A_1227, %parallel_loop3A_1228, %parallel_loop3A_1225 : i32
      %parallel_loop3A_1230 = arith.remsi %parallel_loop3A_1200, %parallel_loop3A_1229 : i32
      %parallel_loop3A_1231 = arith.constant 0 : i32
      %parallel_loop3A_1232 = arith.cmpi ne, %parallel_loop3A_1230, %parallel_loop3A_1231 : i32
      %parallel_loop3A_1233 = arith.constant 0 : i32
      %parallel_loop3A_1234 = arith.cmpi slt, %parallel_loop3A_1230, %parallel_loop3A_1233 : i32
      %parallel_loop3A_1235 = arith.constant 0 : i32
      %parallel_loop3A_1236 = arith.cmpi slt, %parallel_loop3A_1229, %parallel_loop3A_1235 : i32
      %parallel_loop3A_1237 = arith.xori %parallel_loop3A_1234, %parallel_loop3A_1236 : i1
      %parallel_loop3A_1238 = arith.andi %parallel_loop3A_1237, %parallel_loop3A_1232 : i1
      %parallel_loop3A_1239 = arith.addi %parallel_loop3A_1230, %parallel_loop3A_1229 : i32
      %parallel_loop3A_1240 = arith.select %parallel_loop3A_1238, %parallel_loop3A_1239, %parallel_loop3A_1230 : i32
      %parallel_loop3A_1241 = arith.constant 16 : i32
      %parallel_loop3A_1242 = arith.muli %parallel_loop3A_1240, %parallel_loop3A_1241 : i32
      %parallel_loop3A_1243 = arith.index_cast %parallel_loop3A_1224 : i32 to index
      %parallel_loop3A_1244 = arith.index_cast %parallel_loop3A_1242 : i32 to index
      %parallel_loop3A_1245 = tpu.vector_load %arg6[%parallel_loop3A_1243, %parallel_loop3A_1244] {strides = array<i32>} : memref<8x1024xf32, #tpu.memory_space<vmem>>, vector<1x16xf32>,
      %parallel_loop3A_1246 = vector.shape_cast %parallel_loop3A_1245 : vector<1x16xf32> to vector<16xf32>
      %parallel_loop3A_1247 = arith.index_cast %parallel_loop3A_1224 : i32 to index
      %parallel_loop3A_1248 = arith.index_cast %parallel_loop3A_1242 : i32 to index
      %parallel_loop3A_1249 = tpu.vector_load %arg12[%parallel_loop3A_1247, %parallel_loop3A_1248] {strides = array<i32>} : memref<8x1024xf32, #tpu.memory_space<vmem>>, vector<1x16xf32>,
      %parallel_loop3A_1250 = vector.shape_cast %parallel_loop3A_1249 : vector<1x16xf32> to vector<16xf32>
      %parallel_loop3A_1251 = vector.shape_cast %parallel_loop3A_1246 : vector<16xf32> to vector<1x16xf32>
      tpu.vector_store %arg12[%parallel_loop3A_1247, %parallel_loop3A_1248], %parallel_loop3A_1251 {add = true, strides = array<i32>} : memref<8x1024xf32, #tpu.memory_space<vmem>>, vector<1x16xf32>,
    } {sc.loop_unroll_factor = 8 : i64, sc.parallel_access}
    %add3A_583 = arith.constant 24 : i32
    %add3A_584 = arith.addi %mul3A_2, %add3A_583 : i32
    %dma_start3A_585 = arith.constant 1 : i32
    %dma_start3A_586 = arith.constant 0 : i32
    %dma_start3A_587 = tpu.memref_slice %arg4[%dma_start3A_585, %add3A_584, %dma_start3A_586] : memref<4x2048x1024xf32, #tpu.memory_space<hbm>> -> memref<1x8x1024xf32, #tpu.memory_space<hbm>>
    %dma_start3A_588 = tpu.memref_squeeze %dma_start3A_587 : memref<1x8x1024xf32, #tpu.memory_space<hbm>> -> memref<8x1024xf32, #tpu.memory_space<hbm>>
    %dma_start3A_589 = arith.constant 0 : i32
    %dma_start3A_590 = tpu.memref_slice %arg4[%dma_start3A_585, %add3A_584, %dma_start3A_589] : memref<4x2048x1024xf32, #tpu.memory_space<hbm>> -> memref<1x8x1024xf32, #tpu.memory_space<hbm>>
    %dma_start3A_591 = tpu.memref_squeeze %dma_start3A_590 : memref<1x8x1024xf32, #tpu.memory_space<hbm>> -> memref<8x1024xf32, #tpu.memory_space<hbm>>
    tpu.enqueue_dma source(%arg12 : memref<8x1024xf32, #tpu.memory_space<vmem>>) target(%dma_start3A_591 : memref<8x1024xf32, #tpu.memory_space<hbm>>) target_semaphore(%arg30 : memref<!tpu.dma_semaphore, #tpu.memory_space<semaphore_mem>>)
    %dma_wait3A_592 = arith.constant 1 : i32
    %dma_wait3A_593 = arith.constant 0 : i32
    %dma_wait3A_594 = tpu.memref_slice %arg4[%dma_wait3A_592, %add3A_584, %dma_wait3A_593] : memref<4x2048x1024xf32, #tpu.memory_space<hbm>> -> memref<1x8x1024xf32, #tpu.memory_space<hbm>>
    %dma_wait3A_595 = tpu.memref_squeeze %dma_wait3A_594 : memref<1x8x1024xf32, #tpu.memory_space<hbm>> -> memref<8x1024xf32, #tpu.memory_space<hbm>>
    %dma_wait3A_596 = arith.constant 0 : i32
    %dma_wait3A_597 = tpu.memref_slice %arg4[%dma_wait3A_592, %add3A_584, %dma_wait3A_596] : memref<4x2048x1024xf32, #tpu.memory_space<hbm>> -> memref<1x8x1024xf32, #tpu.memory_space<hbm>>
    %dma_wait3A_598 = tpu.memref_squeeze %dma_wait3A_597 : memref<1x8x1024xf32, #tpu.memory_space<hbm>> -> memref<8x1024xf32, #tpu.memory_space<hbm>>
    tpu.wait_dma2 semaphore(%arg30 : memref<!tpu.dma_semaphore, #tpu.memory_space<semaphore_mem>>) src(%arg12 : memref<8x1024xf32, #tpu.memory_space<vmem>>) dst(%dma_wait3A_598 : memref<8x1024xf32, #tpu.memory_space<hbm>>)
    %add3A_599 = arith.constant 40 : i32
    %add3A_600 = arith.addi %mul3A_2, %add3A_599 : i32
    %dma_start3A_601 = arith.constant 1 : i32
    %dma_start3A_602 = arith.constant 0 : i32
    %dma_start3A_603 = tpu.memref_slice %arg2[%dma_start3A_601, %add3A_600, %dma_start3A_602] : memref<4x2048x1024xf32, #tpu.memory_space<hbm>> -> memref<1x8x1024xf32, #tpu.memory_space<hbm>>
    %dma_start3A_604 = tpu.memref_squeeze %dma_start3A_603 : memref<1x8x1024xf32, #tpu.memory_space<hbm>> -> memref<8x1024xf32, #tpu.memory_space<hbm>>
    %dma_start3A_605 = arith.constant 0 : i32
    %dma_start3A_606 = tpu.memref_slice %arg2[%dma_start3A_601, %add3A_600, %dma_start3A_605] : memref<4x2048x1024xf32, #tpu.memory_space<hbm>> -> memref<1x8x1024xf32, #tpu.memory_space<hbm>>
    %dma_start3A_607 = tpu.memref_squeeze %dma_start3A_606 : memref<1x8x1024xf32, #tpu.memory_space<hbm>> -> memref<8x1024xf32, #tpu.memory_space<hbm>>
    tpu.enqueue_dma source(%dma_start3A_607 : memref<8x1024xf32, #tpu.memory_space<hbm>>) target(%arg12 : memref<8x1024xf32, #tpu.memory_space<vmem>>) target_semaphore(%arg22 : memref<!tpu.dma_semaphore, #tpu.memory_space<semaphore_mem>>)
    %dma_wait3A_608 = arith.constant 2 : i32
    %dma_wait3A_609 = arith.constant 0 : i32
    %dma_wait3A_610 = tpu.memref_slice %arg2[%dma_wait3A_608, %add3A_335, %dma_wait3A_609] : memref<4x2048x1024xf32, #tpu.memory_space<hbm>> -> memref<1x8x1024xf32, #tpu.memory_space<hbm>>
    %dma_wait3A_611 = tpu.memref_squeeze %dma_wait3A_610 : memref<1x8x1024xf32, #tpu.memory_space<hbm>> -> memref<8x1024xf32, #tpu.memory_space<hbm>>
    %dma_wait3A_612 = arith.constant 0 : i32
    %dma_wait3A_613 = tpu.memref_slice %arg2[%dma_wait3A_608, %add3A_335, %dma_wait3A_612] : memref<4x2048x1024xf32, #tpu.memory_space<hbm>> -> memref<1x8x1024xf32, #tpu.memory_space<hbm>>
    %dma_wait3A_614 = tpu.memref_squeeze %dma_wait3A_613 : memref<1x8x1024xf32, #tpu.memory_space<hbm>> -> memref<8x1024xf32, #tpu.memory_space<hbm>>
    tpu.wait_dma2 semaphore(%arg23 : memref<!tpu.dma_semaphore, #tpu.memory_space<semaphore_mem>>) src(%dma_wait3A_614 : memref<8x1024xf32, #tpu.memory_space<hbm>>) dst(%arg13 : memref<8x1024xf32, #tpu.memory_space<vmem>>)
    %parallel_loop3A_615 = arith.constant 0 : i32
    %parallel_loop3A_616 = arith.constant 512 : i32
    %parallel_loop3A_617 = arith.constant 1 : i32
    scf.for %parallel_loop3A_1200 = %parallel_loop3A_615 to %parallel_loop3A_616 step %parallel_loop3A_617  : i32 {
      %parallel_loop3A_1201 = arith.constant 64 : i32
      %parallel_loop3A_1202 = arith.divsi %parallel_loop3A_1200, %parallel_loop3A_1201 : i32
      %parallel_loop3A_1203 = arith.constant 0 : i32
      %parallel_loop3A_1204 = arith.cmpi sgt, %parallel_loop3A_1200, %parallel_loop3A_1203 : i32
      %parallel_loop3A_1205 = arith.extui %parallel_loop3A_1204 : i1 to i32
      %parallel_loop3A_1206 = arith.constant 0 : i32
      %parallel_loop3A_1207 = arith.cmpi slt, %parallel_loop3A_1200, %parallel_loop3A_1206 : i32
      %parallel_loop3A_1208 = arith.extui %parallel_loop3A_1207 : i1 to i32
      %parallel_loop3A_1209 = arith.subi %parallel_loop3A_1205, %parallel_loop3A_1208 : i32
      %parallel_loop3A_1210 = arith.constant 0 : i32
      %parallel_loop3A_1211 = arith.cmpi sgt, %parallel_loop3A_1201, %parallel_loop3A_1210 : i32
      %parallel_loop3A_1212 = arith.extui %parallel_loop3A_1211 : i1 to i32
      %parallel_loop3A_1213 = arith.constant 0 : i32
      %parallel_loop3A_1214 = arith.cmpi slt, %parallel_loop3A_1201, %parallel_loop3A_1213 : i32
      %parallel_loop3A_1215 = arith.extui %parallel_loop3A_1214 : i1 to i32
      %parallel_loop3A_1216 = arith.subi %parallel_loop3A_1212, %parallel_loop3A_1215 : i32
      %parallel_loop3A_1217 = arith.cmpi ne, %parallel_loop3A_1209, %parallel_loop3A_1216 : i32
      %parallel_loop3A_1218 = arith.remsi %parallel_loop3A_1200, %parallel_loop3A_1201 : i32
      %parallel_loop3A_1219 = arith.constant 0 : i32
      %parallel_loop3A_1220 = arith.cmpi ne, %parallel_loop3A_1218, %parallel_loop3A_1219 : i32
      %parallel_loop3A_1221 = arith.andi %parallel_loop3A_1217, %parallel_loop3A_1220 : i1
      %parallel_loop3A_1222 = arith.constant 1 : i32
      %parallel_loop3A_1223 = arith.subi %parallel_loop3A_1202, %parallel_loop3A_1222 : i32
      %parallel_loop3A_1224 = arith.select %parallel_loop3A_1221, %parallel_loop3A_1223, %parallel_loop3A_1202 : i32
      %parallel_loop3A_1225 = arith.constant 64 : i32
      %parallel_loop3A_1226 = arith.constant 0 : i32
      %parallel_loop3A_1227 = arith.cmpi eq, %parallel_loop3A_1225, %parallel_loop3A_1226 : i32
      %parallel_loop3A_1228 = arith.constant 1 : i32
      %parallel_loop3A_1229 = arith.select %parallel_loop3A_1227, %parallel_loop3A_1228, %parallel_loop3A_1225 : i32
      %parallel_loop3A_1230 = arith.remsi %parallel_loop3A_1200, %parallel_loop3A_1229 : i32
      %parallel_loop3A_1231 = arith.constant 0 : i32
      %parallel_loop3A_1232 = arith.cmpi ne, %parallel_loop3A_1230, %parallel_loop3A_1231 : i32
      %parallel_loop3A_1233 = arith.constant 0 : i32
      %parallel_loop3A_1234 = arith.cmpi slt, %parallel_loop3A_1230, %parallel_loop3A_1233 : i32
      %parallel_loop3A_1235 = arith.constant 0 : i32
      %parallel_loop3A_1236 = arith.cmpi slt, %parallel_loop3A_1229, %parallel_loop3A_1235 : i32
      %parallel_loop3A_1237 = arith.xori %parallel_loop3A_1234, %parallel_loop3A_1236 : i1
      %parallel_loop3A_1238 = arith.andi %parallel_loop3A_1237, %parallel_loop3A_1232 : i1
      %parallel_loop3A_1239 = arith.addi %parallel_loop3A_1230, %parallel_loop3A_1229 : i32
      %parallel_loop3A_1240 = arith.select %parallel_loop3A_1238, %parallel_loop3A_1239, %parallel_loop3A_1230 : i32
      %parallel_loop3A_1241 = arith.constant 16 : i32
      %parallel_loop3A_1242 = arith.muli %parallel_loop3A_1240, %parallel_loop3A_1241 : i32
      %parallel_loop3A_1243 = arith.index_cast %parallel_loop3A_1224 : i32 to index
      %parallel_loop3A_1244 = arith.index_cast %parallel_loop3A_1242 : i32 to index
      %parallel_loop3A_1245 = tpu.vector_load %arg6[%parallel_loop3A_1243, %parallel_loop3A_1244] {strides = array<i32>} : memref<8x1024xf32, #tpu.memory_space<vmem>>, vector<1x16xf32>,
      %parallel_loop3A_1246 = vector.shape_cast %parallel_loop3A_1245 : vector<1x16xf32> to vector<16xf32>
      %parallel_loop3A_1247 = arith.index_cast %parallel_loop3A_1224 : i32 to index
      %parallel_loop3A_1248 = arith.index_cast %parallel_loop3A_1242 : i32 to index
      %parallel_loop3A_1249 = tpu.vector_load %arg13[%parallel_loop3A_1247, %parallel_loop3A_1248] {strides = array<i32>} : memref<8x1024xf32, #tpu.memory_space<vmem>>, vector<1x16xf32>,
      %parallel_loop3A_1250 = vector.shape_cast %parallel_loop3A_1249 : vector<1x16xf32> to vector<16xf32>
      %parallel_loop3A_1251 = vector.shape_cast %parallel_loop3A_1246 : vector<16xf32> to vector<1x16xf32>
      tpu.vector_store %arg13[%parallel_loop3A_1247, %parallel_loop3A_1248], %parallel_loop3A_1251 {add = true, strides = array<i32>} : memref<8x1024xf32, #tpu.memory_space<vmem>>, vector<1x16xf32>,
    } {sc.loop_unroll_factor = 8 : i64, sc.parallel_access}
    %add3A_618 = arith.constant 24 : i32
    %add3A_619 = arith.addi %mul3A_2, %add3A_618 : i32
    %dma_start3A_620 = arith.constant 2 : i32
    %dma_start3A_621 = arith.constant 0 : i32
    %dma_start3A_622 = tpu.memref_slice %arg4[%dma_start3A_620, %add3A_619, %dma_start3A_621] : memref<4x2048x1024xf32, #tpu.memory_space<hbm>> -> memref<1x8x1024xf32, #tpu.memory_space<hbm>>
    %dma_start3A_623 = tpu.memref_squeeze %dma_start3A_622 : memref<1x8x1024xf32, #tpu.memory_space<hbm>> -> memref<8x1024xf32, #tpu.memory_space<hbm>>
    %dma_start3A_624 = arith.constant 0 : i32
    %dma_start3A_625 = tpu.memref_slice %arg4[%dma_start3A_620, %add3A_619, %dma_start3A_624] : memref<4x2048x1024xf32, #tpu.memory_space<hbm>> -> memref<1x8x1024xf32, #tpu.memory_space<hbm>>
    %dma_start3A_626 = tpu.memref_squeeze %dma_start3A_625 : memref<1x8x1024xf32, #tpu.memory_space<hbm>> -> memref<8x1024xf32, #tpu.memory_space<hbm>>
    tpu.enqueue_dma source(%arg13 : memref<8x1024xf32, #tpu.memory_space<vmem>>) target(%dma_start3A_626 : memref<8x1024xf32, #tpu.memory_space<hbm>>) target_semaphore(%arg31 : memref<!tpu.dma_semaphore, #tpu.memory_space<semaphore_mem>>)
    %dma_wait3A_627 = arith.constant 2 : i32
    %dma_wait3A_628 = arith.constant 0 : i32
    %dma_wait3A_629 = tpu.memref_slice %arg4[%dma_wait3A_627, %add3A_619, %dma_wait3A_628] : memref<4x2048x1024xf32, #tpu.memory_space<hbm>> -> memref<1x8x1024xf32, #tpu.memory_space<hbm>>
    %dma_wait3A_630 = tpu.memref_squeeze %dma_wait3A_629 : memref<1x8x1024xf32, #tpu.memory_space<hbm>> -> memref<8x1024xf32, #tpu.memory_space<hbm>>
    %dma_wait3A_631 = arith.constant 0 : i32
    %dma_wait3A_632 = tpu.memref_slice %arg4[%dma_wait3A_627, %add3A_619, %dma_wait3A_631] : memref<4x2048x1024xf32, #tpu.memory_space<hbm>> -> memref<1x8x1024xf32, #tpu.memory_space<hbm>>
    %dma_wait3A_633 = tpu.memref_squeeze %dma_wait3A_632 : memref<1x8x1024xf32, #tpu.memory_space<hbm>> -> memref<8x1024xf32, #tpu.memory_space<hbm>>
    tpu.wait_dma2 semaphore(%arg31 : memref<!tpu.dma_semaphore, #tpu.memory_space<semaphore_mem>>) src(%arg13 : memref<8x1024xf32, #tpu.memory_space<vmem>>) dst(%dma_wait3A_633 : memref<8x1024xf32, #tpu.memory_space<hbm>>)
    %add3A_634 = arith.constant 40 : i32
    %add3A_635 = arith.addi %mul3A_2, %add3A_634 : i32
    %dma_start3A_636 = arith.constant 2 : i32
    %dma_start3A_637 = arith.constant 0 : i32
    %dma_start3A_638 = tpu.memref_slice %arg2[%dma_start3A_636, %add3A_635, %dma_start3A_637] : memref<4x2048x1024xf32, #tpu.memory_space<hbm>> -> memref<1x8x1024xf32, #tpu.memory_space<hbm>>
    %dma_start3A_639 = tpu.memref_squeeze %dma_start3A_638 : memref<1x8x1024xf32, #tpu.memory_space<hbm>> -> memref<8x1024xf32, #tpu.memory_space<hbm>>
    %dma_start3A_640 = arith.constant 0 : i32
    %dma_start3A_641 = tpu.memref_slice %arg2[%dma_start3A_636, %add3A_635, %dma_start3A_640] : memref<4x2048x1024xf32, #tpu.memory_space<hbm>> -> memref<1x8x1024xf32, #tpu.memory_space<hbm>>
    %dma_start3A_642 = tpu.memref_squeeze %dma_start3A_641 : memref<1x8x1024xf32, #tpu.memory_space<hbm>> -> memref<8x1024xf32, #tpu.memory_space<hbm>>
    tpu.enqueue_dma source(%dma_start3A_642 : memref<8x1024xf32, #tpu.memory_space<hbm>>) target(%arg13 : memref<8x1024xf32, #tpu.memory_space<vmem>>) target_semaphore(%arg23 : memref<!tpu.dma_semaphore, #tpu.memory_space<semaphore_mem>>)
    %dma_wait3A_643 = arith.constant 3 : i32
    %dma_wait3A_644 = arith.constant 0 : i32
    %dma_wait3A_645 = tpu.memref_slice %arg2[%dma_wait3A_643, %add3A_376, %dma_wait3A_644] : memref<4x2048x1024xf32, #tpu.memory_space<hbm>> -> memref<1x8x1024xf32, #tpu.memory_space<hbm>>
    %dma_wait3A_646 = tpu.memref_squeeze %dma_wait3A_645 : memref<1x8x1024xf32, #tpu.memory_space<hbm>> -> memref<8x1024xf32, #tpu.memory_space<hbm>>
    %dma_wait3A_647 = arith.constant 0 : i32
    %dma_wait3A_648 = tpu.memref_slice %arg2[%dma_wait3A_643, %add3A_376, %dma_wait3A_647] : memref<4x2048x1024xf32, #tpu.memory_space<hbm>> -> memref<1x8x1024xf32, #tpu.memory_space<hbm>>
    %dma_wait3A_649 = tpu.memref_squeeze %dma_wait3A_648 : memref<1x8x1024xf32, #tpu.memory_space<hbm>> -> memref<8x1024xf32, #tpu.memory_space<hbm>>
    tpu.wait_dma2 semaphore(%arg24 : memref<!tpu.dma_semaphore, #tpu.memory_space<semaphore_mem>>) src(%dma_wait3A_649 : memref<8x1024xf32, #tpu.memory_space<hbm>>) dst(%arg14 : memref<8x1024xf32, #tpu.memory_space<vmem>>)
    %parallel_loop3A_650 = arith.constant 0 : i32
    %parallel_loop3A_651 = arith.constant 512 : i32
    %parallel_loop3A_652 = arith.constant 1 : i32
    scf.for %parallel_loop3A_1200 = %parallel_loop3A_650 to %parallel_loop3A_651 step %parallel_loop3A_652  : i32 {
      %parallel_loop3A_1201 = arith.constant 64 : i32
      %parallel_loop3A_1202 = arith.divsi %parallel_loop3A_1200, %parallel_loop3A_1201 : i32
      %parallel_loop3A_1203 = arith.constant 0 : i32
      %parallel_loop3A_1204 = arith.cmpi sgt, %parallel_loop3A_1200, %parallel_loop3A_1203 : i32
      %parallel_loop3A_1205 = arith.extui %parallel_loop3A_1204 : i1 to i32
      %parallel_loop3A_1206 = arith.constant 0 : i32
      %parallel_loop3A_1207 = arith.cmpi slt, %parallel_loop3A_1200, %parallel_loop3A_1206 : i32
      %parallel_loop3A_1208 = arith.extui %parallel_loop3A_1207 : i1 to i32
      %parallel_loop3A_1209 = arith.subi %parallel_loop3A_1205, %parallel_loop3A_1208 : i32
      %parallel_loop3A_1210 = arith.constant 0 : i32
      %parallel_loop3A_1211 = arith.cmpi sgt, %parallel_loop3A_1201, %parallel_loop3A_1210 : i32
      %parallel_loop3A_1212 = arith.extui %parallel_loop3A_1211 : i1 to i32
      %parallel_loop3A_1213 = arith.constant 0 : i32
      %parallel_loop3A_1214 = arith.cmpi slt, %parallel_loop3A_1201, %parallel_loop3A_1213 : i32
      %parallel_loop3A_1215 = arith.extui %parallel_loop3A_1214 : i1 to i32
      %parallel_loop3A_1216 = arith.subi %parallel_loop3A_1212, %parallel_loop3A_1215 : i32
      %parallel_loop3A_1217 = arith.cmpi ne, %parallel_loop3A_1209, %parallel_loop3A_1216 : i32
      %parallel_loop3A_1218 = arith.remsi %parallel_loop3A_1200, %parallel_loop3A_1201 : i32
      %parallel_loop3A_1219 = arith.constant 0 : i32
      %parallel_loop3A_1220 = arith.cmpi ne, %parallel_loop3A_1218, %parallel_loop3A_1219 : i32
      %parallel_loop3A_1221 = arith.andi %parallel_loop3A_1217, %parallel_loop3A_1220 : i1
      %parallel_loop3A_1222 = arith.constant 1 : i32
      %parallel_loop3A_1223 = arith.subi %parallel_loop3A_1202, %parallel_loop3A_1222 : i32
      %parallel_loop3A_1224 = arith.select %parallel_loop3A_1221, %parallel_loop3A_1223, %parallel_loop3A_1202 : i32
      %parallel_loop3A_1225 = arith.constant 64 : i32
      %parallel_loop3A_1226 = arith.constant 0 : i32
      %parallel_loop3A_1227 = arith.cmpi eq, %parallel_loop3A_1225, %parallel_loop3A_1226 : i32
      %parallel_loop3A_1228 = arith.constant 1 : i32
      %parallel_loop3A_1229 = arith.select %parallel_loop3A_1227, %parallel_loop3A_1228, %parallel_loop3A_1225 : i32
      %parallel_loop3A_1230 = arith.remsi %parallel_loop3A_1200, %parallel_loop3A_1229 : i32
      %parallel_loop3A_1231 = arith.constant 0 : i32
      %parallel_loop3A_1232 = arith.cmpi ne, %parallel_loop3A_1230, %parallel_loop3A_1231 : i32
      %parallel_loop3A_1233 = arith.constant 0 : i32
      %parallel_loop3A_1234 = arith.cmpi slt, %parallel_loop3A_1230, %parallel_loop3A_1233 : i32
      %parallel_loop3A_1235 = arith.constant 0 : i32
      %parallel_loop3A_1236 = arith.cmpi slt, %parallel_loop3A_1229, %parallel_loop3A_1235 : i32
      %parallel_loop3A_1237 = arith.xori %parallel_loop3A_1234, %parallel_loop3A_1236 : i1
      %parallel_loop3A_1238 = arith.andi %parallel_loop3A_1237, %parallel_loop3A_1232 : i1
      %parallel_loop3A_1239 = arith.addi %parallel_loop3A_1230, %parallel_loop3A_1229 : i32
      %parallel_loop3A_1240 = arith.select %parallel_loop3A_1238, %parallel_loop3A_1239, %parallel_loop3A_1230 : i32
      %parallel_loop3A_1241 = arith.constant 16 : i32
      %parallel_loop3A_1242 = arith.muli %parallel_loop3A_1240, %parallel_loop3A_1241 : i32
      %parallel_loop3A_1243 = arith.index_cast %parallel_loop3A_1224 : i32 to index
      %parallel_loop3A_1244 = arith.index_cast %parallel_loop3A_1242 : i32 to index
      %parallel_loop3A_1245 = tpu.vector_load %arg6[%parallel_loop3A_1243, %parallel_loop3A_1244] {strides = array<i32>} : memref<8x1024xf32, #tpu.memory_space<vmem>>, vector<1x16xf32>,
      %parallel_loop3A_1246 = vector.shape_cast %parallel_loop3A_1245 : vector<1x16xf32> to vector<16xf32>
      %parallel_loop3A_1247 = arith.index_cast %parallel_loop3A_1224 : i32 to index
      %parallel_loop3A_1248 = arith.index_cast %parallel_loop3A_1242 : i32 to index
      %parallel_loop3A_1249 = tpu.vector_load %arg14[%parallel_loop3A_1247, %parallel_loop3A_1248] {strides = array<i32>} : memref<8x1024xf32, #tpu.memory_space<vmem>>, vector<1x16xf32>,
      %parallel_loop3A_1250 = vector.shape_cast %parallel_loop3A_1249 : vector<1x16xf32> to vector<16xf32>
      %parallel_loop3A_1251 = vector.shape_cast %parallel_loop3A_1246 : vector<16xf32> to vector<1x16xf32>
      tpu.vector_store %arg14[%parallel_loop3A_1247, %parallel_loop3A_1248], %parallel_loop3A_1251 {add = true, strides = array<i32>} : memref<8x1024xf32, #tpu.memory_space<vmem>>, vector<1x16xf32>,
    } {sc.loop_unroll_factor = 8 : i64, sc.parallel_access}
    %add3A_653 = arith.constant 40 : i32
    %add3A_654 = arith.addi %mul3A_2, %add3A_653 : i32
    %dma_start3A_655 = arith.constant 0 : i32
    %dma_start3A_656 = tpu.memref_slice %arg3[%add3A_654, %dma_start3A_655] : memref<2048x1024xf32, #tpu.memory_space<hbm>> -> memref<8x1024xf32, #tpu.memory_space<hbm>>
    %dma_start3A_657 = arith.constant 0 : i32
    %dma_start3A_658 = tpu.memref_slice %arg3[%add3A_654, %dma_start3A_657] : memref<2048x1024xf32, #tpu.memory_space<hbm>> -> memref<8x1024xf32, #tpu.memory_space<hbm>>
    tpu.enqueue_dma source(%dma_start3A_658 : memref<8x1024xf32, #tpu.memory_space<hbm>>) target(%arg6 : memref<8x1024xf32, #tpu.memory_space<vmem>>) target_semaphore(%arg16 : memref<!tpu.dma_semaphore, #tpu.memory_space<semaphore_mem>>)
    %add3A_659 = arith.constant 24 : i32
    %add3A_660 = arith.addi %mul3A_2, %add3A_659 : i32
    %dma_start3A_661 = arith.constant 3 : i32
    %dma_start3A_662 = arith.constant 0 : i32
    %dma_start3A_663 = tpu.memref_slice %arg4[%dma_start3A_661, %add3A_660, %dma_start3A_662] : memref<4x2048x1024xf32, #tpu.memory_space<hbm>> -> memref<1x8x1024xf32, #tpu.memory_space<hbm>>
    %dma_start3A_664 = tpu.memref_squeeze %dma_start3A_663 : memref<1x8x1024xf32, #tpu.memory_space<hbm>> -> memref<8x1024xf32, #tpu.memory_space<hbm>>
    %dma_start3A_665 = arith.constant 0 : i32
    %dma_start3A_666 = tpu.memref_slice %arg4[%dma_start3A_661, %add3A_660, %dma_start3A_665] : memref<4x2048x1024xf32, #tpu.memory_space<hbm>> -> memref<1x8x1024xf32, #tpu.memory_space<hbm>>
    %dma_start3A_667 = tpu.memref_squeeze %dma_start3A_666 : memref<1x8x1024xf32, #tpu.memory_space<hbm>> -> memref<8x1024xf32, #tpu.memory_space<hbm>>
    tpu.enqueue_dma source(%arg14 : memref<8x1024xf32, #tpu.memory_space<vmem>>) target(%dma_start3A_667 : memref<8x1024xf32, #tpu.memory_space<hbm>>) target_semaphore(%arg32 : memref<!tpu.dma_semaphore, #tpu.memory_space<semaphore_mem>>)
    %dma_wait3A_668 = arith.constant 3 : i32
    %dma_wait3A_669 = arith.constant 0 : i32
    %dma_wait3A_670 = tpu.memref_slice %arg4[%dma_wait3A_668, %add3A_660, %dma_wait3A_669] : memref<4x2048x1024xf32, #tpu.memory_space<hbm>> -> memref<1x8x1024xf32, #tpu.memory_space<hbm>>
    %dma_wait3A_671 = tpu.memref_squeeze %dma_wait3A_670 : memref<1x8x1024xf32, #tpu.memory_space<hbm>> -> memref<8x1024xf32, #tpu.memory_space<hbm>>
    %dma_wait3A_672 = arith.constant 0 : i32
    %dma_wait3A_673 = tpu.memref_slice %arg4[%dma_wait3A_668, %add3A_660, %dma_wait3A_672] : memref<4x2048x1024xf32, #tpu.memory_space<hbm>> -> memref<1x8x1024xf32, #tpu.memory_space<hbm>>
    %dma_wait3A_674 = tpu.memref_squeeze %dma_wait3A_673 : memref<1x8x1024xf32, #tpu.memory_space<hbm>> -> memref<8x1024xf32, #tpu.memory_space<hbm>>
    tpu.wait_dma2 semaphore(%arg32 : memref<!tpu.dma_semaphore, #tpu.memory_space<semaphore_mem>>) src(%arg14 : memref<8x1024xf32, #tpu.memory_space<vmem>>) dst(%dma_wait3A_674 : memref<8x1024xf32, #tpu.memory_space<hbm>>)
    %add3A_675 = arith.constant 40 : i32
    %add3A_676 = arith.addi %mul3A_2, %add3A_675 : i32
    %dma_start3A_677 = arith.constant 3 : i32
    %dma_start3A_678 = arith.constant 0 : i32
    %dma_start3A_679 = tpu.memref_slice %arg2[%dma_start3A_677, %add3A_676, %dma_start3A_678] : memref<4x2048x1024xf32, #tpu.memory_space<hbm>> -> memref<1x8x1024xf32, #tpu.memory_space<hbm>>
    %dma_start3A_680 = tpu.memref_squeeze %dma_start3A_679 : memref<1x8x1024xf32, #tpu.memory_space<hbm>> -> memref<8x1024xf32, #tpu.memory_space<hbm>>
    %dma_start3A_681 = arith.constant 0 : i32
    %dma_start3A_682 = tpu.memref_slice %arg2[%dma_start3A_677, %add3A_676, %dma_start3A_681] : memref<4x2048x1024xf32, #tpu.memory_space<hbm>> -> memref<1x8x1024xf32, #tpu.memory_space<hbm>>
    %dma_start3A_683 = tpu.memref_squeeze %dma_start3A_682 : memref<1x8x1024xf32, #tpu.memory_space<hbm>> -> memref<8x1024xf32, #tpu.memory_space<hbm>>
    tpu.enqueue_dma source(%dma_start3A_683 : memref<8x1024xf32, #tpu.memory_space<hbm>>) target(%arg14 : memref<8x1024xf32, #tpu.memory_space<vmem>>) target_semaphore(%arg24 : memref<!tpu.dma_semaphore, #tpu.memory_space<semaphore_mem>>)
    %dma_wait3A_684 = arith.constant 0 : i32
    %dma_wait3A_685 = tpu.memref_slice %arg3[%add3A_504, %dma_wait3A_684] : memref<2048x1024xf32, #tpu.memory_space<hbm>> -> memref<8x1024xf32, #tpu.memory_space<hbm>>
    %dma_wait3A_686 = arith.constant 0 : i32
    %dma_wait3A_687 = tpu.memref_slice %arg3[%add3A_504, %dma_wait3A_686] : memref<2048x1024xf32, #tpu.memory_space<hbm>> -> memref<8x1024xf32, #tpu.memory_space<hbm>>
    tpu.wait_dma2 semaphore(%arg15 : memref<!tpu.dma_semaphore, #tpu.memory_space<semaphore_mem>>) src(%dma_wait3A_687 : memref<8x1024xf32, #tpu.memory_space<hbm>>) dst(%arg5 : memref<8x1024xf32, #tpu.memory_space<vmem>>)
    %dma_wait3A_688 = arith.constant 0 : i32
    %dma_wait3A_689 = arith.constant 0 : i32
    %dma_wait3A_690 = tpu.memref_slice %arg2[%dma_wait3A_688, %add3A_415, %dma_wait3A_689] : memref<4x2048x1024xf32, #tpu.memory_space<hbm>> -> memref<1x8x1024xf32, #tpu.memory_space<hbm>>
    %dma_wait3A_691 = tpu.memref_squeeze %dma_wait3A_690 : memref<1x8x1024xf32, #tpu.memory_space<hbm>> -> memref<8x1024xf32, #tpu.memory_space<hbm>>
    %dma_wait3A_692 = arith.constant 0 : i32
    %dma_wait3A_693 = tpu.memref_slice %arg2[%dma_wait3A_688, %add3A_415, %dma_wait3A_692] : memref<4x2048x1024xf32, #tpu.memory_space<hbm>> -> memref<1x8x1024xf32, #tpu.memory_space<hbm>>
    %dma_wait3A_694 = tpu.memref_squeeze %dma_wait3A_693 : memref<1x8x1024xf32, #tpu.memory_space<hbm>> -> memref<8x1024xf32, #tpu.memory_space<hbm>>
    tpu.wait_dma2 semaphore(%arg17 : memref<!tpu.dma_semaphore, #tpu.memory_space<semaphore_mem>>) src(%dma_wait3A_694 : memref<8x1024xf32, #tpu.memory_space<hbm>>) dst(%arg7 : memref<8x1024xf32, #tpu.memory_space<vmem>>)
    %parallel_loop3A_695 = arith.constant 0 : i32
    %parallel_loop3A_696 = arith.constant 512 : i32
    %parallel_loop3A_697 = arith.constant 1 : i32
    scf.for %parallel_loop3A_1200 = %parallel_loop3A_695 to %parallel_loop3A_696 step %parallel_loop3A_697  : i32 {
      %parallel_loop3A_1201 = arith.constant 64 : i32
      %parallel_loop3A_1202 = arith.divsi %parallel_loop3A_1200, %parallel_loop3A_1201 : i32
      %parallel_loop3A_1203 = arith.constant 0 : i32
      %parallel_loop3A_1204 = arith.cmpi sgt, %parallel_loop3A_1200, %parallel_loop3A_1203 : i32
      %parallel_loop3A_1205 = arith.extui %parallel_loop3A_1204 : i1 to i32
      %parallel_loop3A_1206 = arith.constant 0 : i32
      %parallel_loop3A_1207 = arith.cmpi slt, %parallel_loop3A_1200, %parallel_loop3A_1206 : i32
      %parallel_loop3A_1208 = arith.extui %parallel_loop3A_1207 : i1 to i32
      %parallel_loop3A_1209 = arith.subi %parallel_loop3A_1205, %parallel_loop3A_1208 : i32
      %parallel_loop3A_1210 = arith.constant 0 : i32
      %parallel_loop3A_1211 = arith.cmpi sgt, %parallel_loop3A_1201, %parallel_loop3A_1210 : i32
      %parallel_loop3A_1212 = arith.extui %parallel_loop3A_1211 : i1 to i32
      %parallel_loop3A_1213 = arith.constant 0 : i32
      %parallel_loop3A_1214 = arith.cmpi slt, %parallel_loop3A_1201, %parallel_loop3A_1213 : i32
      %parallel_loop3A_1215 = arith.extui %parallel_loop3A_1214 : i1 to i32
      %parallel_loop3A_1216 = arith.subi %parallel_loop3A_1212, %parallel_loop3A_1215 : i32
      %parallel_loop3A_1217 = arith.cmpi ne, %parallel_loop3A_1209, %parallel_loop3A_1216 : i32
      %parallel_loop3A_1218 = arith.remsi %parallel_loop3A_1200, %parallel_loop3A_1201 : i32
      %parallel_loop3A_1219 = arith.constant 0 : i32
      %parallel_loop3A_1220 = arith.cmpi ne, %parallel_loop3A_1218, %parallel_loop3A_1219 : i32
      %parallel_loop3A_1221 = arith.andi %parallel_loop3A_1217, %parallel_loop3A_1220 : i1
      %parallel_loop3A_1222 = arith.constant 1 : i32
      %parallel_loop3A_1223 = arith.subi %parallel_loop3A_1202, %parallel_loop3A_1222 : i32
      %parallel_loop3A_1224 = arith.select %parallel_loop3A_1221, %parallel_loop3A_1223, %parallel_loop3A_1202 : i32
      %parallel_loop3A_1225 = arith.constant 64 : i32
      %parallel_loop3A_1226 = arith.constant 0 : i32
      %parallel_loop3A_1227 = arith.cmpi eq, %parallel_loop3A_1225, %parallel_loop3A_1226 : i32
      %parallel_loop3A_1228 = arith.constant 1 : i32
      %parallel_loop3A_1229 = arith.select %parallel_loop3A_1227, %parallel_loop3A_1228, %parallel_loop3A_1225 : i32
      %parallel_loop3A_1230 = arith.remsi %parallel_loop3A_1200, %parallel_loop3A_1229 : i32
      %parallel_loop3A_1231 = arith.constant 0 : i32
      %parallel_loop3A_1232 = arith.cmpi ne, %parallel_loop3A_1230, %parallel_loop3A_1231 : i32
      %parallel_loop3A_1233 = arith.constant 0 : i32
      %parallel_loop3A_1234 = arith.cmpi slt, %parallel_loop3A_1230, %parallel_loop3A_1233 : i32
      %parallel_loop3A_1235 = arith.constant 0 : i32
      %parallel_loop3A_1236 = arith.cmpi slt, %parallel_loop3A_1229, %parallel_loop3A_1235 : i32
      %parallel_loop3A_1237 = arith.xori %parallel_loop3A_1234, %parallel_loop3A_1236 : i1
      %parallel_loop3A_1238 = arith.andi %parallel_loop3A_1237, %parallel_loop3A_1232 : i1
      %parallel_loop3A_1239 = arith.addi %parallel_loop3A_1230, %parallel_loop3A_1229 : i32
      %parallel_loop3A_1240 = arith.select %parallel_loop3A_1238, %parallel_loop3A_1239, %parallel_loop3A_1230 : i32
      %parallel_loop3A_1241 = arith.constant 16 : i32
      %parallel_loop3A_1242 = arith.muli %parallel_loop3A_1240, %parallel_loop3A_1241 : i32
      %parallel_loop3A_1243 = arith.index_cast %parallel_loop3A_1224 : i32 to index
      %parallel_loop3A_1244 = arith.index_cast %parallel_loop3A_1242 : i32 to index
      %parallel_loop3A_1245 = tpu.vector_load %arg5[%parallel_loop3A_1243, %parallel_loop3A_1244] {strides = array<i32>} : memref<8x1024xf32, #tpu.memory_space<vmem>>, vector<1x16xf32>,
      %parallel_loop3A_1246 = vector.shape_cast %parallel_loop3A_1245 : vector<1x16xf32> to vector<16xf32>
      %parallel_loop3A_1247 = arith.index_cast %parallel_loop3A_1224 : i32 to index
      %parallel_loop3A_1248 = arith.index_cast %parallel_loop3A_1242 : i32 to index
      %parallel_loop3A_1249 = tpu.vector_load %arg7[%parallel_loop3A_1247, %parallel_loop3A_1248] {strides = array<i32>} : memref<8x1024xf32, #tpu.memory_space<vmem>>, vector<1x16xf32>,
      %parallel_loop3A_1250 = vector.shape_cast %parallel_loop3A_1249 : vector<1x16xf32> to vector<16xf32>
      %parallel_loop3A_1251 = vector.shape_cast %parallel_loop3A_1246 : vector<16xf32> to vector<1x16xf32>
      tpu.vector_store %arg7[%parallel_loop3A_1247, %parallel_loop3A_1248], %parallel_loop3A_1251 {add = true, strides = array<i32>} : memref<8x1024xf32, #tpu.memory_space<vmem>>, vector<1x16xf32>,
    } {sc.loop_unroll_factor = 8 : i64, sc.parallel_access}
    %add3A_698 = arith.constant 32 : i32
    %add3A_699 = arith.addi %mul3A_2, %add3A_698 : i32
    %dma_start3A_700 = arith.constant 0 : i32
    %dma_start3A_701 = arith.constant 0 : i32
    %dma_start3A_702 = tpu.memref_slice %arg4[%dma_start3A_700, %add3A_699, %dma_start3A_701] : memref<4x2048x1024xf32, #tpu.memory_space<hbm>> -> memref<1x8x1024xf32, #tpu.memory_space<hbm>>
    %dma_start3A_703 = tpu.memref_squeeze %dma_start3A_702 : memref<1x8x1024xf32, #tpu.memory_space<hbm>> -> memref<8x1024xf32, #tpu.memory_space<hbm>>
    %dma_start3A_704 = arith.constant 0 : i32
    %dma_start3A_705 = tpu.memref_slice %arg4[%dma_start3A_700, %add3A_699, %dma_start3A_704] : memref<4x2048x1024xf32, #tpu.memory_space<hbm>> -> memref<1x8x1024xf32, #tpu.memory_space<hbm>>
    %dma_start3A_706 = tpu.memref_squeeze %dma_start3A_705 : memref<1x8x1024xf32, #tpu.memory_space<hbm>> -> memref<8x1024xf32, #tpu.memory_space<hbm>>
    tpu.enqueue_dma source(%arg7 : memref<8x1024xf32, #tpu.memory_space<vmem>>) target(%dma_start3A_706 : memref<8x1024xf32, #tpu.memory_space<hbm>>) target_semaphore(%arg25 : memref<!tpu.dma_semaphore, #tpu.memory_space<semaphore_mem>>)
    %dma_wait3A_707 = arith.constant 0 : i32
    %dma_wait3A_708 = arith.constant 0 : i32
    %dma_wait3A_709 = tpu.memref_slice %arg4[%dma_wait3A_707, %add3A_699, %dma_wait3A_708] : memref<4x2048x1024xf32, #tpu.memory_space<hbm>> -> memref<1x8x1024xf32, #tpu.memory_space<hbm>>
    %dma_wait3A_710 = tpu.memref_squeeze %dma_wait3A_709 : memref<1x8x1024xf32, #tpu.memory_space<hbm>> -> memref<8x1024xf32, #tpu.memory_space<hbm>>
    %dma_wait3A_711 = arith.constant 0 : i32
    %dma_wait3A_712 = tpu.memref_slice %arg4[%dma_wait3A_707, %add3A_699, %dma_wait3A_711] : memref<4x2048x1024xf32, #tpu.memory_space<hbm>> -> memref<1x8x1024xf32, #tpu.memory_space<hbm>>
    %dma_wait3A_713 = tpu.memref_squeeze %dma_wait3A_712 : memref<1x8x1024xf32, #tpu.memory_space<hbm>> -> memref<8x1024xf32, #tpu.memory_space<hbm>>
    tpu.wait_dma2 semaphore(%arg25 : memref<!tpu.dma_semaphore, #tpu.memory_space<semaphore_mem>>) src(%arg7 : memref<8x1024xf32, #tpu.memory_space<vmem>>) dst(%dma_wait3A_713 : memref<8x1024xf32, #tpu.memory_space<hbm>>)
    %add3A_714 = arith.constant 48 : i32
    %add3A_715 = arith.addi %mul3A_2, %add3A_714 : i32
    %dma_start3A_716 = arith.constant 0 : i32
    %dma_start3A_717 = arith.constant 0 : i32
    %dma_start3A_718 = tpu.memref_slice %arg2[%dma_start3A_716, %add3A_715, %dma_start3A_717] : memref<4x2048x1024xf32, #tpu.memory_space<hbm>> -> memref<1x8x1024xf32, #tpu.memory_space<hbm>>
    %dma_start3A_719 = tpu.memref_squeeze %dma_start3A_718 : memref<1x8x1024xf32, #tpu.memory_space<hbm>> -> memref<8x1024xf32, #tpu.memory_space<hbm>>
    %dma_start3A_720 = arith.constant 0 : i32
    %dma_start3A_721 = tpu.memref_slice %arg2[%dma_start3A_716, %add3A_715, %dma_start3A_720] : memref<4x2048x1024xf32, #tpu.memory_space<hbm>> -> memref<1x8x1024xf32, #tpu.memory_space<hbm>>
    %dma_start3A_722 = tpu.memref_squeeze %dma_start3A_721 : memref<1x8x1024xf32, #tpu.memory_space<hbm>> -> memref<8x1024xf32, #tpu.memory_space<hbm>>
    tpu.enqueue_dma source(%dma_start3A_722 : memref<8x1024xf32, #tpu.memory_space<hbm>>) target(%arg7 : memref<8x1024xf32, #tpu.memory_space<vmem>>) target_semaphore(%arg17 : memref<!tpu.dma_semaphore, #tpu.memory_space<semaphore_mem>>)
    %dma_wait3A_723 = arith.constant 1 : i32
    %dma_wait3A_724 = arith.constant 0 : i32
    %dma_wait3A_725 = tpu.memref_slice %arg2[%dma_wait3A_723, %add3A_450, %dma_wait3A_724] : memref<4x2048x1024xf32, #tpu.memory_space<hbm>> -> memref<1x8x1024xf32, #tpu.memory_space<hbm>>
    %dma_wait3A_726 = tpu.memref_squeeze %dma_wait3A_725 : memref<1x8x1024xf32, #tpu.memory_space<hbm>> -> memref<8x1024xf32, #tpu.memory_space<hbm>>
    %dma_wait3A_727 = arith.constant 0 : i32
    %dma_wait3A_728 = tpu.memref_slice %arg2[%dma_wait3A_723, %add3A_450, %dma_wait3A_727] : memref<4x2048x1024xf32, #tpu.memory_space<hbm>> -> memref<1x8x1024xf32, #tpu.memory_space<hbm>>
    %dma_wait3A_729 = tpu.memref_squeeze %dma_wait3A_728 : memref<1x8x1024xf32, #tpu.memory_space<hbm>> -> memref<8x1024xf32, #tpu.memory_space<hbm>>
    tpu.wait_dma2 semaphore(%arg18 : memref<!tpu.dma_semaphore, #tpu.memory_space<semaphore_mem>>) src(%dma_wait3A_729 : memref<8x1024xf32, #tpu.memory_space<hbm>>) dst(%arg8 : memref<8x1024xf32, #tpu.memory_space<vmem>>)
    %parallel_loop3A_730 = arith.constant 0 : i32
    %parallel_loop3A_731 = arith.constant 512 : i32
    %parallel_loop3A_732 = arith.constant 1 : i32
    scf.for %parallel_loop3A_1200 = %parallel_loop3A_730 to %parallel_loop3A_731 step %parallel_loop3A_732  : i32 {
      %parallel_loop3A_1201 = arith.constant 64 : i32
      %parallel_loop3A_1202 = arith.divsi %parallel_loop3A_1200, %parallel_loop3A_1201 : i32
      %parallel_loop3A_1203 = arith.constant 0 : i32
      %parallel_loop3A_1204 = arith.cmpi sgt, %parallel_loop3A_1200, %parallel_loop3A_1203 : i32
      %parallel_loop3A_1205 = arith.extui %parallel_loop3A_1204 : i1 to i32
      %parallel_loop3A_1206 = arith.constant 0 : i32
      %parallel_loop3A_1207 = arith.cmpi slt, %parallel_loop3A_1200, %parallel_loop3A_1206 : i32
      %parallel_loop3A_1208 = arith.extui %parallel_loop3A_1207 : i1 to i32
      %parallel_loop3A_1209 = arith.subi %parallel_loop3A_1205, %parallel_loop3A_1208 : i32
      %parallel_loop3A_1210 = arith.constant 0 : i32
      %parallel_loop3A_1211 = arith.cmpi sgt, %parallel_loop3A_1201, %parallel_loop3A_1210 : i32
      %parallel_loop3A_1212 = arith.extui %parallel_loop3A_1211 : i1 to i32
      %parallel_loop3A_1213 = arith.constant 0 : i32
      %parallel_loop3A_1214 = arith.cmpi slt, %parallel_loop3A_1201, %parallel_loop3A_1213 : i32
      %parallel_loop3A_1215 = arith.extui %parallel_loop3A_1214 : i1 to i32
      %parallel_loop3A_1216 = arith.subi %parallel_loop3A_1212, %parallel_loop3A_1215 : i32
      %parallel_loop3A_1217 = arith.cmpi ne, %parallel_loop3A_1209, %parallel_loop3A_1216 : i32
      %parallel_loop3A_1218 = arith.remsi %parallel_loop3A_1200, %parallel_loop3A_1201 : i32
      %parallel_loop3A_1219 = arith.constant 0 : i32
      %parallel_loop3A_1220 = arith.cmpi ne, %parallel_loop3A_1218, %parallel_loop3A_1219 : i32
      %parallel_loop3A_1221 = arith.andi %parallel_loop3A_1217, %parallel_loop3A_1220 : i1
      %parallel_loop3A_1222 = arith.constant 1 : i32
      %parallel_loop3A_1223 = arith.subi %parallel_loop3A_1202, %parallel_loop3A_1222 : i32
      %parallel_loop3A_1224 = arith.select %parallel_loop3A_1221, %parallel_loop3A_1223, %parallel_loop3A_1202 : i32
      %parallel_loop3A_1225 = arith.constant 64 : i32
      %parallel_loop3A_1226 = arith.constant 0 : i32
      %parallel_loop3A_1227 = arith.cmpi eq, %parallel_loop3A_1225, %parallel_loop3A_1226 : i32
      %parallel_loop3A_1228 = arith.constant 1 : i32
      %parallel_loop3A_1229 = arith.select %parallel_loop3A_1227, %parallel_loop3A_1228, %parallel_loop3A_1225 : i32
      %parallel_loop3A_1230 = arith.remsi %parallel_loop3A_1200, %parallel_loop3A_1229 : i32
      %parallel_loop3A_1231 = arith.constant 0 : i32
      %parallel_loop3A_1232 = arith.cmpi ne, %parallel_loop3A_1230, %parallel_loop3A_1231 : i32
      %parallel_loop3A_1233 = arith.constant 0 : i32
      %parallel_loop3A_1234 = arith.cmpi slt, %parallel_loop3A_1230, %parallel_loop3A_1233 : i32
      %parallel_loop3A_1235 = arith.constant 0 : i32
      %parallel_loop3A_1236 = arith.cmpi slt, %parallel_loop3A_1229, %parallel_loop3A_1235 : i32
      %parallel_loop3A_1237 = arith.xori %parallel_loop3A_1234, %parallel_loop3A_1236 : i1
      %parallel_loop3A_1238 = arith.andi %parallel_loop3A_1237, %parallel_loop3A_1232 : i1
      %parallel_loop3A_1239 = arith.addi %parallel_loop3A_1230, %parallel_loop3A_1229 : i32
      %parallel_loop3A_1240 = arith.select %parallel_loop3A_1238, %parallel_loop3A_1239, %parallel_loop3A_1230 : i32
      %parallel_loop3A_1241 = arith.constant 16 : i32
      %parallel_loop3A_1242 = arith.muli %parallel_loop3A_1240, %parallel_loop3A_1241 : i32
      %parallel_loop3A_1243 = arith.index_cast %parallel_loop3A_1224 : i32 to index
      %parallel_loop3A_1244 = arith.index_cast %parallel_loop3A_1242 : i32 to index
      %parallel_loop3A_1245 = tpu.vector_load %arg5[%parallel_loop3A_1243, %parallel_loop3A_1244] {strides = array<i32>} : memref<8x1024xf32, #tpu.memory_space<vmem>>, vector<1x16xf32>,
      %parallel_loop3A_1246 = vector.shape_cast %parallel_loop3A_1245 : vector<1x16xf32> to vector<16xf32>
      %parallel_loop3A_1247 = arith.index_cast %parallel_loop3A_1224 : i32 to index
      %parallel_loop3A_1248 = arith.index_cast %parallel_loop3A_1242 : i32 to index
      %parallel_loop3A_1249 = tpu.vector_load %arg8[%parallel_loop3A_1247, %parallel_loop3A_1248] {strides = array<i32>} : memref<8x1024xf32, #tpu.memory_space<vmem>>, vector<1x16xf32>,
      %parallel_loop3A_1250 = vector.shape_cast %parallel_loop3A_1249 : vector<1x16xf32> to vector<16xf32>
      %parallel_loop3A_1251 = vector.shape_cast %parallel_loop3A_1246 : vector<16xf32> to vector<1x16xf32>
      tpu.vector_store %arg8[%parallel_loop3A_1247, %parallel_loop3A_1248], %parallel_loop3A_1251 {add = true, strides = array<i32>} : memref<8x1024xf32, #tpu.memory_space<vmem>>, vector<1x16xf32>,
    } {sc.loop_unroll_factor = 8 : i64, sc.parallel_access}
    %add3A_733 = arith.constant 32 : i32
    %add3A_734 = arith.addi %mul3A_2, %add3A_733 : i32
    %dma_start3A_735 = arith.constant 1 : i32
    %dma_start3A_736 = arith.constant 0 : i32
    %dma_start3A_737 = tpu.memref_slice %arg4[%dma_start3A_735, %add3A_734, %dma_start3A_736] : memref<4x2048x1024xf32, #tpu.memory_space<hbm>> -> memref<1x8x1024xf32, #tpu.memory_space<hbm>>
    %dma_start3A_738 = tpu.memref_squeeze %dma_start3A_737 : memref<1x8x1024xf32, #tpu.memory_space<hbm>> -> memref<8x1024xf32, #tpu.memory_space<hbm>>
    %dma_start3A_739 = arith.constant 0 : i32
    %dma_start3A_740 = tpu.memref_slice %arg4[%dma_start3A_735, %add3A_734, %dma_start3A_739] : memref<4x2048x1024xf32, #tpu.memory_space<hbm>> -> memref<1x8x1024xf32, #tpu.memory_space<hbm>>
    %dma_start3A_741 = tpu.memref_squeeze %dma_start3A_740 : memref<1x8x1024xf32, #tpu.memory_space<hbm>> -> memref<8x1024xf32, #tpu.memory_space<hbm>>
    tpu.enqueue_dma source(%arg8 : memref<8x1024xf32, #tpu.memory_space<vmem>>) target(%dma_start3A_741 : memref<8x1024xf32, #tpu.memory_space<hbm>>) target_semaphore(%arg26 : memref<!tpu.dma_semaphore, #tpu.memory_space<semaphore_mem>>)
    %dma_wait3A_742 = arith.constant 1 : i32
    %dma_wait3A_743 = arith.constant 0 : i32
    %dma_wait3A_744 = tpu.memref_slice %arg4[%dma_wait3A_742, %add3A_734, %dma_wait3A_743] : memref<4x2048x1024xf32, #tpu.memory_space<hbm>> -> memref<1x8x1024xf32, #tpu.memory_space<hbm>>
    %dma_wait3A_745 = tpu.memref_squeeze %dma_wait3A_744 : memref<1x8x1024xf32, #tpu.memory_space<hbm>> -> memref<8x1024xf32, #tpu.memory_space<hbm>>
    %dma_wait3A_746 = arith.constant 0 : i32
    %dma_wait3A_747 = tpu.memref_slice %arg4[%dma_wait3A_742, %add3A_734, %dma_wait3A_746] : memref<4x2048x1024xf32, #tpu.memory_space<hbm>> -> memref<1x8x1024xf32, #tpu.memory_space<hbm>>
    %dma_wait3A_748 = tpu.memref_squeeze %dma_wait3A_747 : memref<1x8x1024xf32, #tpu.memory_space<hbm>> -> memref<8x1024xf32, #tpu.memory_space<hbm>>
    tpu.wait_dma2 semaphore(%arg26 : memref<!tpu.dma_semaphore, #tpu.memory_space<semaphore_mem>>) src(%arg8 : memref<8x1024xf32, #tpu.memory_space<vmem>>) dst(%dma_wait3A_748 : memref<8x1024xf32, #tpu.memory_space<hbm>>)
    %add3A_749 = arith.constant 48 : i32
    %add3A_750 = arith.addi %mul3A_2, %add3A_749 : i32
    %dma_start3A_751 = arith.constant 1 : i32
    %dma_start3A_752 = arith.constant 0 : i32
    %dma_start3A_753 = tpu.memref_slice %arg2[%dma_start3A_751, %add3A_750, %dma_start3A_752] : memref<4x2048x1024xf32, #tpu.memory_space<hbm>> -> memref<1x8x1024xf32, #tpu.memory_space<hbm>>
    %dma_start3A_754 = tpu.memref_squeeze %dma_start3A_753 : memref<1x8x1024xf32, #tpu.memory_space<hbm>> -> memref<8x1024xf32, #tpu.memory_space<hbm>>
    %dma_start3A_755 = arith.constant 0 : i32
    %dma_start3A_756 = tpu.memref_slice %arg2[%dma_start3A_751, %add3A_750, %dma_start3A_755] : memref<4x2048x1024xf32, #tpu.memory_space<hbm>> -> memref<1x8x1024xf32, #tpu.memory_space<hbm>>
    %dma_start3A_757 = tpu.memref_squeeze %dma_start3A_756 : memref<1x8x1024xf32, #tpu.memory_space<hbm>> -> memref<8x1024xf32, #tpu.memory_space<hbm>>
    tpu.enqueue_dma source(%dma_start3A_757 : memref<8x1024xf32, #tpu.memory_space<hbm>>) target(%arg8 : memref<8x1024xf32, #tpu.memory_space<vmem>>) target_semaphore(%arg18 : memref<!tpu.dma_semaphore, #tpu.memory_space<semaphore_mem>>)
    %dma_wait3A_758 = arith.constant 2 : i32
    %dma_wait3A_759 = arith.constant 0 : i32
    %dma_wait3A_760 = tpu.memref_slice %arg2[%dma_wait3A_758, %add3A_485, %dma_wait3A_759] : memref<4x2048x1024xf32, #tpu.memory_space<hbm>> -> memref<1x8x1024xf32, #tpu.memory_space<hbm>>
    %dma_wait3A_761 = tpu.memref_squeeze %dma_wait3A_760 : memref<1x8x1024xf32, #tpu.memory_space<hbm>> -> memref<8x1024xf32, #tpu.memory_space<hbm>>
    %dma_wait3A_762 = arith.constant 0 : i32
    %dma_wait3A_763 = tpu.memref_slice %arg2[%dma_wait3A_758, %add3A_485, %dma_wait3A_762] : memref<4x2048x1024xf32, #tpu.memory_space<hbm>> -> memref<1x8x1024xf32, #tpu.memory_space<hbm>>
    %dma_wait3A_764 = tpu.memref_squeeze %dma_wait3A_763 : memref<1x8x1024xf32, #tpu.memory_space<hbm>> -> memref<8x1024xf32, #tpu.memory_space<hbm>>
    tpu.wait_dma2 semaphore(%arg19 : memref<!tpu.dma_semaphore, #tpu.memory_space<semaphore_mem>>) src(%dma_wait3A_764 : memref<8x1024xf32, #tpu.memory_space<hbm>>) dst(%arg9 : memref<8x1024xf32, #tpu.memory_space<vmem>>)
    %parallel_loop3A_765 = arith.constant 0 : i32
    %parallel_loop3A_766 = arith.constant 512 : i32
    %parallel_loop3A_767 = arith.constant 1 : i32
    scf.for %parallel_loop3A_1200 = %parallel_loop3A_765 to %parallel_loop3A_766 step %parallel_loop3A_767  : i32 {
      %parallel_loop3A_1201 = arith.constant 64 : i32
      %parallel_loop3A_1202 = arith.divsi %parallel_loop3A_1200, %parallel_loop3A_1201 : i32
      %parallel_loop3A_1203 = arith.constant 0 : i32
      %parallel_loop3A_1204 = arith.cmpi sgt, %parallel_loop3A_1200, %parallel_loop3A_1203 : i32
      %parallel_loop3A_1205 = arith.extui %parallel_loop3A_1204 : i1 to i32
      %parallel_loop3A_1206 = arith.constant 0 : i32
      %parallel_loop3A_1207 = arith.cmpi slt, %parallel_loop3A_1200, %parallel_loop3A_1206 : i32
      %parallel_loop3A_1208 = arith.extui %parallel_loop3A_1207 : i1 to i32
      %parallel_loop3A_1209 = arith.subi %parallel_loop3A_1205, %parallel_loop3A_1208 : i32
      %parallel_loop3A_1210 = arith.constant 0 : i32
      %parallel_loop3A_1211 = arith.cmpi sgt, %parallel_loop3A_1201, %parallel_loop3A_1210 : i32
      %parallel_loop3A_1212 = arith.extui %parallel_loop3A_1211 : i1 to i32
      %parallel_loop3A_1213 = arith.constant 0 : i32
      %parallel_loop3A_1214 = arith.cmpi slt, %parallel_loop3A_1201, %parallel_loop3A_1213 : i32
      %parallel_loop3A_1215 = arith.extui %parallel_loop3A_1214 : i1 to i32
      %parallel_loop3A_1216 = arith.subi %parallel_loop3A_1212, %parallel_loop3A_1215 : i32
      %parallel_loop3A_1217 = arith.cmpi ne, %parallel_loop3A_1209, %parallel_loop3A_1216 : i32
      %parallel_loop3A_1218 = arith.remsi %parallel_loop3A_1200, %parallel_loop3A_1201 : i32
      %parallel_loop3A_1219 = arith.constant 0 : i32
      %parallel_loop3A_1220 = arith.cmpi ne, %parallel_loop3A_1218, %parallel_loop3A_1219 : i32
      %parallel_loop3A_1221 = arith.andi %parallel_loop3A_1217, %parallel_loop3A_1220 : i1
      %parallel_loop3A_1222 = arith.constant 1 : i32
      %parallel_loop3A_1223 = arith.subi %parallel_loop3A_1202, %parallel_loop3A_1222 : i32
      %parallel_loop3A_1224 = arith.select %parallel_loop3A_1221, %parallel_loop3A_1223, %parallel_loop3A_1202 : i32
      %parallel_loop3A_1225 = arith.constant 64 : i32
      %parallel_loop3A_1226 = arith.constant 0 : i32
      %parallel_loop3A_1227 = arith.cmpi eq, %parallel_loop3A_1225, %parallel_loop3A_1226 : i32
      %parallel_loop3A_1228 = arith.constant 1 : i32
      %parallel_loop3A_1229 = arith.select %parallel_loop3A_1227, %parallel_loop3A_1228, %parallel_loop3A_1225 : i32
      %parallel_loop3A_1230 = arith.remsi %parallel_loop3A_1200, %parallel_loop3A_1229 : i32
      %parallel_loop3A_1231 = arith.constant 0 : i32
      %parallel_loop3A_1232 = arith.cmpi ne, %parallel_loop3A_1230, %parallel_loop3A_1231 : i32
      %parallel_loop3A_1233 = arith.constant 0 : i32
      %parallel_loop3A_1234 = arith.cmpi slt, %parallel_loop3A_1230, %parallel_loop3A_1233 : i32
      %parallel_loop3A_1235 = arith.constant 0 : i32
      %parallel_loop3A_1236 = arith.cmpi slt, %parallel_loop3A_1229, %parallel_loop3A_1235 : i32
      %parallel_loop3A_1237 = arith.xori %parallel_loop3A_1234, %parallel_loop3A_1236 : i1
      %parallel_loop3A_1238 = arith.andi %parallel_loop3A_1237, %parallel_loop3A_1232 : i1
      %parallel_loop3A_1239 = arith.addi %parallel_loop3A_1230, %parallel_loop3A_1229 : i32
      %parallel_loop3A_1240 = arith.select %parallel_loop3A_1238, %parallel_loop3A_1239, %parallel_loop3A_1230 : i32
      %parallel_loop3A_1241 = arith.constant 16 : i32
      %parallel_loop3A_1242 = arith.muli %parallel_loop3A_1240, %parallel_loop3A_1241 : i32
      %parallel_loop3A_1243 = arith.index_cast %parallel_loop3A_1224 : i32 to index
      %parallel_loop3A_1244 = arith.index_cast %parallel_loop3A_1242 : i32 to index
      %parallel_loop3A_1245 = tpu.vector_load %arg5[%parallel_loop3A_1243, %parallel_loop3A_1244] {strides = array<i32>} : memref<8x1024xf32, #tpu.memory_space<vmem>>, vector<1x16xf32>,
      %parallel_loop3A_1246 = vector.shape_cast %parallel_loop3A_1245 : vector<1x16xf32> to vector<16xf32>
      %parallel_loop3A_1247 = arith.index_cast %parallel_loop3A_1224 : i32 to index
      %parallel_loop3A_1248 = arith.index_cast %parallel_loop3A_1242 : i32 to index
      %parallel_loop3A_1249 = tpu.vector_load %arg9[%parallel_loop3A_1247, %parallel_loop3A_1248] {strides = array<i32>} : memref<8x1024xf32, #tpu.memory_space<vmem>>, vector<1x16xf32>,
      %parallel_loop3A_1250 = vector.shape_cast %parallel_loop3A_1249 : vector<1x16xf32> to vector<16xf32>
      %parallel_loop3A_1251 = vector.shape_cast %parallel_loop3A_1246 : vector<16xf32> to vector<1x16xf32>
      tpu.vector_store %arg9[%parallel_loop3A_1247, %parallel_loop3A_1248], %parallel_loop3A_1251 {add = true, strides = array<i32>} : memref<8x1024xf32, #tpu.memory_space<vmem>>, vector<1x16xf32>,
    } {sc.loop_unroll_factor = 8 : i64, sc.parallel_access}
    %add3A_768 = arith.constant 32 : i32
    %add3A_769 = arith.addi %mul3A_2, %add3A_768 : i32
    %dma_start3A_770 = arith.constant 2 : i32
    %dma_start3A_771 = arith.constant 0 : i32
    %dma_start3A_772 = tpu.memref_slice %arg4[%dma_start3A_770, %add3A_769, %dma_start3A_771] : memref<4x2048x1024xf32, #tpu.memory_space<hbm>> -> memref<1x8x1024xf32, #tpu.memory_space<hbm>>
    %dma_start3A_773 = tpu.memref_squeeze %dma_start3A_772 : memref<1x8x1024xf32, #tpu.memory_space<hbm>> -> memref<8x1024xf32, #tpu.memory_space<hbm>>
    %dma_start3A_774 = arith.constant 0 : i32
    %dma_start3A_775 = tpu.memref_slice %arg4[%dma_start3A_770, %add3A_769, %dma_start3A_774] : memref<4x2048x1024xf32, #tpu.memory_space<hbm>> -> memref<1x8x1024xf32, #tpu.memory_space<hbm>>
    %dma_start3A_776 = tpu.memref_squeeze %dma_start3A_775 : memref<1x8x1024xf32, #tpu.memory_space<hbm>> -> memref<8x1024xf32, #tpu.memory_space<hbm>>
    tpu.enqueue_dma source(%arg9 : memref<8x1024xf32, #tpu.memory_space<vmem>>) target(%dma_start3A_776 : memref<8x1024xf32, #tpu.memory_space<hbm>>) target_semaphore(%arg27 : memref<!tpu.dma_semaphore, #tpu.memory_space<semaphore_mem>>)
    %dma_wait3A_777 = arith.constant 2 : i32
    %dma_wait3A_778 = arith.constant 0 : i32
    %dma_wait3A_779 = tpu.memref_slice %arg4[%dma_wait3A_777, %add3A_769, %dma_wait3A_778] : memref<4x2048x1024xf32, #tpu.memory_space<hbm>> -> memref<1x8x1024xf32, #tpu.memory_space<hbm>>
    %dma_wait3A_780 = tpu.memref_squeeze %dma_wait3A_779 : memref<1x8x1024xf32, #tpu.memory_space<hbm>> -> memref<8x1024xf32, #tpu.memory_space<hbm>>
    %dma_wait3A_781 = arith.constant 0 : i32
    %dma_wait3A_782 = tpu.memref_slice %arg4[%dma_wait3A_777, %add3A_769, %dma_wait3A_781] : memref<4x2048x1024xf32, #tpu.memory_space<hbm>> -> memref<1x8x1024xf32, #tpu.memory_space<hbm>>
    %dma_wait3A_783 = tpu.memref_squeeze %dma_wait3A_782 : memref<1x8x1024xf32, #tpu.memory_space<hbm>> -> memref<8x1024xf32, #tpu.memory_space<hbm>>
    tpu.wait_dma2 semaphore(%arg27 : memref<!tpu.dma_semaphore, #tpu.memory_space<semaphore_mem>>) src(%arg9 : memref<8x1024xf32, #tpu.memory_space<vmem>>) dst(%dma_wait3A_783 : memref<8x1024xf32, #tpu.memory_space<hbm>>)
    %add3A_784 = arith.constant 48 : i32
    %add3A_785 = arith.addi %mul3A_2, %add3A_784 : i32
    %dma_start3A_786 = arith.constant 2 : i32
    %dma_start3A_787 = arith.constant 0 : i32
    %dma_start3A_788 = tpu.memref_slice %arg2[%dma_start3A_786, %add3A_785, %dma_start3A_787] : memref<4x2048x1024xf32, #tpu.memory_space<hbm>> -> memref<1x8x1024xf32, #tpu.memory_space<hbm>>
    %dma_start3A_789 = tpu.memref_squeeze %dma_start3A_788 : memref<1x8x1024xf32, #tpu.memory_space<hbm>> -> memref<8x1024xf32, #tpu.memory_space<hbm>>
    %dma_start3A_790 = arith.constant 0 : i32
    %dma_start3A_791 = tpu.memref_slice %arg2[%dma_start3A_786, %add3A_785, %dma_start3A_790] : memref<4x2048x1024xf32, #tpu.memory_space<hbm>> -> memref<1x8x1024xf32, #tpu.memory_space<hbm>>
    %dma_start3A_792 = tpu.memref_squeeze %dma_start3A_791 : memref<1x8x1024xf32, #tpu.memory_space<hbm>> -> memref<8x1024xf32, #tpu.memory_space<hbm>>
    tpu.enqueue_dma source(%dma_start3A_792 : memref<8x1024xf32, #tpu.memory_space<hbm>>) target(%arg9 : memref<8x1024xf32, #tpu.memory_space<vmem>>) target_semaphore(%arg19 : memref<!tpu.dma_semaphore, #tpu.memory_space<semaphore_mem>>)
    %dma_wait3A_793 = arith.constant 3 : i32
    %dma_wait3A_794 = arith.constant 0 : i32
    %dma_wait3A_795 = tpu.memref_slice %arg2[%dma_wait3A_793, %add3A_526, %dma_wait3A_794] : memref<4x2048x1024xf32, #tpu.memory_space<hbm>> -> memref<1x8x1024xf32, #tpu.memory_space<hbm>>
    %dma_wait3A_796 = tpu.memref_squeeze %dma_wait3A_795 : memref<1x8x1024xf32, #tpu.memory_space<hbm>> -> memref<8x1024xf32, #tpu.memory_space<hbm>>
    %dma_wait3A_797 = arith.constant 0 : i32
    %dma_wait3A_798 = tpu.memref_slice %arg2[%dma_wait3A_793, %add3A_526, %dma_wait3A_797] : memref<4x2048x1024xf32, #tpu.memory_space<hbm>> -> memref<1x8x1024xf32, #tpu.memory_space<hbm>>
    %dma_wait3A_799 = tpu.memref_squeeze %dma_wait3A_798 : memref<1x8x1024xf32, #tpu.memory_space<hbm>> -> memref<8x1024xf32, #tpu.memory_space<hbm>>
    tpu.wait_dma2 semaphore(%arg20 : memref<!tpu.dma_semaphore, #tpu.memory_space<semaphore_mem>>) src(%dma_wait3A_799 : memref<8x1024xf32, #tpu.memory_space<hbm>>) dst(%arg10 : memref<8x1024xf32, #tpu.memory_space<vmem>>)
    %parallel_loop3A_800 = arith.constant 0 : i32
    %parallel_loop3A_801 = arith.constant 512 : i32
    %parallel_loop3A_802 = arith.constant 1 : i32
    scf.for %parallel_loop3A_1200 = %parallel_loop3A_800 to %parallel_loop3A_801 step %parallel_loop3A_802  : i32 {
      %parallel_loop3A_1201 = arith.constant 64 : i32
      %parallel_loop3A_1202 = arith.divsi %parallel_loop3A_1200, %parallel_loop3A_1201 : i32
      %parallel_loop3A_1203 = arith.constant 0 : i32
      %parallel_loop3A_1204 = arith.cmpi sgt, %parallel_loop3A_1200, %parallel_loop3A_1203 : i32
      %parallel_loop3A_1205 = arith.extui %parallel_loop3A_1204 : i1 to i32
      %parallel_loop3A_1206 = arith.constant 0 : i32
      %parallel_loop3A_1207 = arith.cmpi slt, %parallel_loop3A_1200, %parallel_loop3A_1206 : i32
      %parallel_loop3A_1208 = arith.extui %parallel_loop3A_1207 : i1 to i32
      %parallel_loop3A_1209 = arith.subi %parallel_loop3A_1205, %parallel_loop3A_1208 : i32
      %parallel_loop3A_1210 = arith.constant 0 : i32
      %parallel_loop3A_1211 = arith.cmpi sgt, %parallel_loop3A_1201, %parallel_loop3A_1210 : i32
      %parallel_loop3A_1212 = arith.extui %parallel_loop3A_1211 : i1 to i32
      %parallel_loop3A_1213 = arith.constant 0 : i32
      %parallel_loop3A_1214 = arith.cmpi slt, %parallel_loop3A_1201, %parallel_loop3A_1213 : i32
      %parallel_loop3A_1215 = arith.extui %parallel_loop3A_1214 : i1 to i32
      %parallel_loop3A_1216 = arith.subi %parallel_loop3A_1212, %parallel_loop3A_1215 : i32
      %parallel_loop3A_1217 = arith.cmpi ne, %parallel_loop3A_1209, %parallel_loop3A_1216 : i32
      %parallel_loop3A_1218 = arith.remsi %parallel_loop3A_1200, %parallel_loop3A_1201 : i32
      %parallel_loop3A_1219 = arith.constant 0 : i32
      %parallel_loop3A_1220 = arith.cmpi ne, %parallel_loop3A_1218, %parallel_loop3A_1219 : i32
      %parallel_loop3A_1221 = arith.andi %parallel_loop3A_1217, %parallel_loop3A_1220 : i1
      %parallel_loop3A_1222 = arith.constant 1 : i32
      %parallel_loop3A_1223 = arith.subi %parallel_loop3A_1202, %parallel_loop3A_1222 : i32
      %parallel_loop3A_1224 = arith.select %parallel_loop3A_1221, %parallel_loop3A_1223, %parallel_loop3A_1202 : i32
      %parallel_loop3A_1225 = arith.constant 64 : i32
      %parallel_loop3A_1226 = arith.constant 0 : i32
      %parallel_loop3A_1227 = arith.cmpi eq, %parallel_loop3A_1225, %parallel_loop3A_1226 : i32
      %parallel_loop3A_1228 = arith.constant 1 : i32
      %parallel_loop3A_1229 = arith.select %parallel_loop3A_1227, %parallel_loop3A_1228, %parallel_loop3A_1225 : i32
      %parallel_loop3A_1230 = arith.remsi %parallel_loop3A_1200, %parallel_loop3A_1229 : i32
      %parallel_loop3A_1231 = arith.constant 0 : i32
      %parallel_loop3A_1232 = arith.cmpi ne, %parallel_loop3A_1230, %parallel_loop3A_1231 : i32
      %parallel_loop3A_1233 = arith.constant 0 : i32
      %parallel_loop3A_1234 = arith.cmpi slt, %parallel_loop3A_1230, %parallel_loop3A_1233 : i32
      %parallel_loop3A_1235 = arith.constant 0 : i32
      %parallel_loop3A_1236 = arith.cmpi slt, %parallel_loop3A_1229, %parallel_loop3A_1235 : i32
      %parallel_loop3A_1237 = arith.xori %parallel_loop3A_1234, %parallel_loop3A_1236 : i1
      %parallel_loop3A_1238 = arith.andi %parallel_loop3A_1237, %parallel_loop3A_1232 : i1
      %parallel_loop3A_1239 = arith.addi %parallel_loop3A_1230, %parallel_loop3A_1229 : i32
      %parallel_loop3A_1240 = arith.select %parallel_loop3A_1238, %parallel_loop3A_1239, %parallel_loop3A_1230 : i32
      %parallel_loop3A_1241 = arith.constant 16 : i32
      %parallel_loop3A_1242 = arith.muli %parallel_loop3A_1240, %parallel_loop3A_1241 : i32
      %parallel_loop3A_1243 = arith.index_cast %parallel_loop3A_1224 : i32 to index
      %parallel_loop3A_1244 = arith.index_cast %parallel_loop3A_1242 : i32 to index
      %parallel_loop3A_1245 = tpu.vector_load %arg5[%parallel_loop3A_1243, %parallel_loop3A_1244] {strides = array<i32>} : memref<8x1024xf32, #tpu.memory_space<vmem>>, vector<1x16xf32>,
      %parallel_loop3A_1246 = vector.shape_cast %parallel_loop3A_1245 : vector<1x16xf32> to vector<16xf32>
      %parallel_loop3A_1247 = arith.index_cast %parallel_loop3A_1224 : i32 to index
      %parallel_loop3A_1248 = arith.index_cast %parallel_loop3A_1242 : i32 to index
      %parallel_loop3A_1249 = tpu.vector_load %arg10[%parallel_loop3A_1247, %parallel_loop3A_1248] {strides = array<i32>} : memref<8x1024xf32, #tpu.memory_space<vmem>>, vector<1x16xf32>,
      %parallel_loop3A_1250 = vector.shape_cast %parallel_loop3A_1249 : vector<1x16xf32> to vector<16xf32>
      %parallel_loop3A_1251 = vector.shape_cast %parallel_loop3A_1246 : vector<16xf32> to vector<1x16xf32>
      tpu.vector_store %arg10[%parallel_loop3A_1247, %parallel_loop3A_1248], %parallel_loop3A_1251 {add = true, strides = array<i32>} : memref<8x1024xf32, #tpu.memory_space<vmem>>, vector<1x16xf32>,
    } {sc.loop_unroll_factor = 8 : i64, sc.parallel_access}
    %add3A_803 = arith.constant 48 : i32
    %add3A_804 = arith.addi %mul3A_2, %add3A_803 : i32
    %dma_start3A_805 = arith.constant 0 : i32
    %dma_start3A_806 = tpu.memref_slice %arg3[%add3A_804, %dma_start3A_805] : memref<2048x1024xf32, #tpu.memory_space<hbm>> -> memref<8x1024xf32, #tpu.memory_space<hbm>>
    %dma_start3A_807 = arith.constant 0 : i32
    %dma_start3A_808 = tpu.memref_slice %arg3[%add3A_804, %dma_start3A_807] : memref<2048x1024xf32, #tpu.memory_space<hbm>> -> memref<8x1024xf32, #tpu.memory_space<hbm>>
    tpu.enqueue_dma source(%dma_start3A_808 : memref<8x1024xf32, #tpu.memory_space<hbm>>) target(%arg5 : memref<8x1024xf32, #tpu.memory_space<vmem>>) target_semaphore(%arg15 : memref<!tpu.dma_semaphore, #tpu.memory_space<semaphore_mem>>)
    %add3A_809 = arith.constant 32 : i32
    %add3A_810 = arith.addi %mul3A_2, %add3A_809 : i32
    %dma_start3A_811 = arith.constant 3 : i32
    %dma_start3A_812 = arith.constant 0 : i32
    %dma_start3A_813 = tpu.memref_slice %arg4[%dma_start3A_811, %add3A_810, %dma_start3A_812] : memref<4x2048x1024xf32, #tpu.memory_space<hbm>> -> memref<1x8x1024xf32, #tpu.memory_space<hbm>>
    %dma_start3A_814 = tpu.memref_squeeze %dma_start3A_813 : memref<1x8x1024xf32, #tpu.memory_space<hbm>> -> memref<8x1024xf32, #tpu.memory_space<hbm>>
    %dma_start3A_815 = arith.constant 0 : i32
    %dma_start3A_816 = tpu.memref_slice %arg4[%dma_start3A_811, %add3A_810, %dma_start3A_815] : memref<4x2048x1024xf32, #tpu.memory_space<hbm>> -> memref<1x8x1024xf32, #tpu.memory_space<hbm>>
    %dma_start3A_817 = tpu.memref_squeeze %dma_start3A_816 : memref<1x8x1024xf32, #tpu.memory_space<hbm>> -> memref<8x1024xf32, #tpu.memory_space<hbm>>
    tpu.enqueue_dma source(%arg10 : memref<8x1024xf32, #tpu.memory_space<vmem>>) target(%dma_start3A_817 : memref<8x1024xf32, #tpu.memory_space<hbm>>) target_semaphore(%arg28 : memref<!tpu.dma_semaphore, #tpu.memory_space<semaphore_mem>>)
    %dma_wait3A_818 = arith.constant 3 : i32
    %dma_wait3A_819 = arith.constant 0 : i32
    %dma_wait3A_820 = tpu.memref_slice %arg4[%dma_wait3A_818, %add3A_810, %dma_wait3A_819] : memref<4x2048x1024xf32, #tpu.memory_space<hbm>> -> memref<1x8x1024xf32, #tpu.memory_space<hbm>>
    %dma_wait3A_821 = tpu.memref_squeeze %dma_wait3A_820 : memref<1x8x1024xf32, #tpu.memory_space<hbm>> -> memref<8x1024xf32, #tpu.memory_space<hbm>>
    %dma_wait3A_822 = arith.constant 0 : i32
    %dma_wait3A_823 = tpu.memref_slice %arg4[%dma_wait3A_818, %add3A_810, %dma_wait3A_822] : memref<4x2048x1024xf32, #tpu.memory_space<hbm>> -> memref<1x8x1024xf32, #tpu.memory_space<hbm>>
    %dma_wait3A_824 = tpu.memref_squeeze %dma_wait3A_823 : memref<1x8x1024xf32, #tpu.memory_space<hbm>> -> memref<8x1024xf32, #tpu.memory_space<hbm>>
    tpu.wait_dma2 semaphore(%arg28 : memref<!tpu.dma_semaphore, #tpu.memory_space<semaphore_mem>>) src(%arg10 : memref<8x1024xf32, #tpu.memory_space<vmem>>) dst(%dma_wait3A_824 : memref<8x1024xf32, #tpu.memory_space<hbm>>)
    %add3A_825 = arith.constant 48 : i32
    %add3A_826 = arith.addi %mul3A_2, %add3A_825 : i32
    %dma_start3A_827 = arith.constant 3 : i32
    %dma_start3A_828 = arith.constant 0 : i32
    %dma_start3A_829 = tpu.memref_slice %arg2[%dma_start3A_827, %add3A_826, %dma_start3A_828] : memref<4x2048x1024xf32, #tpu.memory_space<hbm>> -> memref<1x8x1024xf32, #tpu.memory_space<hbm>>
    %dma_start3A_830 = tpu.memref_squeeze %dma_start3A_829 : memref<1x8x1024xf32, #tpu.memory_space<hbm>> -> memref<8x1024xf32, #tpu.memory_space<hbm>>
    %dma_start3A_831 = arith.constant 0 : i32
    %dma_start3A_832 = tpu.memref_slice %arg2[%dma_start3A_827, %add3A_826, %dma_start3A_831] : memref<4x2048x1024xf32, #tpu.memory_space<hbm>> -> memref<1x8x1024xf32, #tpu.memory_space<hbm>>
    %dma_start3A_833 = tpu.memref_squeeze %dma_start3A_832 : memref<1x8x1024xf32, #tpu.memory_space<hbm>> -> memref<8x1024xf32, #tpu.memory_space<hbm>>
    tpu.enqueue_dma source(%dma_start3A_833 : memref<8x1024xf32, #tpu.memory_space<hbm>>) target(%arg10 : memref<8x1024xf32, #tpu.memory_space<vmem>>) target_semaphore(%arg20 : memref<!tpu.dma_semaphore, #tpu.memory_space<semaphore_mem>>)
    %dma_wait3A_834 = arith.constant 0 : i32
    %dma_wait3A_835 = tpu.memref_slice %arg3[%add3A_654, %dma_wait3A_834] : memref<2048x1024xf32, #tpu.memory_space<hbm>> -> memref<8x1024xf32, #tpu.memory_space<hbm>>
    %dma_wait3A_836 = arith.constant 0 : i32
    %dma_wait3A_837 = tpu.memref_slice %arg3[%add3A_654, %dma_wait3A_836] : memref<2048x1024xf32, #tpu.memory_space<hbm>> -> memref<8x1024xf32, #tpu.memory_space<hbm>>
    tpu.wait_dma2 semaphore(%arg16 : memref<!tpu.dma_semaphore, #tpu.memory_space<semaphore_mem>>) src(%dma_wait3A_837 : memref<8x1024xf32, #tpu.memory_space<hbm>>) dst(%arg6 : memref<8x1024xf32, #tpu.memory_space<vmem>>)
    %dma_wait3A_838 = arith.constant 0 : i32
    %dma_wait3A_839 = arith.constant 0 : i32
    %dma_wait3A_840 = tpu.memref_slice %arg2[%dma_wait3A_838, %add3A_565, %dma_wait3A_839] : memref<4x2048x1024xf32, #tpu.memory_space<hbm>> -> memref<1x8x1024xf32, #tpu.memory_space<hbm>>
    %dma_wait3A_841 = tpu.memref_squeeze %dma_wait3A_840 : memref<1x8x1024xf32, #tpu.memory_space<hbm>> -> memref<8x1024xf32, #tpu.memory_space<hbm>>
    %dma_wait3A_842 = arith.constant 0 : i32
    %dma_wait3A_843 = tpu.memref_slice %arg2[%dma_wait3A_838, %add3A_565, %dma_wait3A_842] : memref<4x2048x1024xf32, #tpu.memory_space<hbm>> -> memref<1x8x1024xf32, #tpu.memory_space<hbm>>
    %dma_wait3A_844 = tpu.memref_squeeze %dma_wait3A_843 : memref<1x8x1024xf32, #tpu.memory_space<hbm>> -> memref<8x1024xf32, #tpu.memory_space<hbm>>
    tpu.wait_dma2 semaphore(%arg21 : memref<!tpu.dma_semaphore, #tpu.memory_space<semaphore_mem>>) src(%dma_wait3A_844 : memref<8x1024xf32, #tpu.memory_space<hbm>>) dst(%arg11 : memref<8x1024xf32, #tpu.memory_space<vmem>>)
    %parallel_loop3A_845 = arith.constant 0 : i32
    %parallel_loop3A_846 = arith.constant 512 : i32
    %parallel_loop3A_847 = arith.constant 1 : i32
    scf.for %parallel_loop3A_1200 = %parallel_loop3A_845 to %parallel_loop3A_846 step %parallel_loop3A_847  : i32 {
      %parallel_loop3A_1201 = arith.constant 64 : i32
      %parallel_loop3A_1202 = arith.divsi %parallel_loop3A_1200, %parallel_loop3A_1201 : i32
      %parallel_loop3A_1203 = arith.constant 0 : i32
      %parallel_loop3A_1204 = arith.cmpi sgt, %parallel_loop3A_1200, %parallel_loop3A_1203 : i32
      %parallel_loop3A_1205 = arith.extui %parallel_loop3A_1204 : i1 to i32
      %parallel_loop3A_1206 = arith.constant 0 : i32
      %parallel_loop3A_1207 = arith.cmpi slt, %parallel_loop3A_1200, %parallel_loop3A_1206 : i32
      %parallel_loop3A_1208 = arith.extui %parallel_loop3A_1207 : i1 to i32
      %parallel_loop3A_1209 = arith.subi %parallel_loop3A_1205, %parallel_loop3A_1208 : i32
      %parallel_loop3A_1210 = arith.constant 0 : i32
      %parallel_loop3A_1211 = arith.cmpi sgt, %parallel_loop3A_1201, %parallel_loop3A_1210 : i32
      %parallel_loop3A_1212 = arith.extui %parallel_loop3A_1211 : i1 to i32
      %parallel_loop3A_1213 = arith.constant 0 : i32
      %parallel_loop3A_1214 = arith.cmpi slt, %parallel_loop3A_1201, %parallel_loop3A_1213 : i32
      %parallel_loop3A_1215 = arith.extui %parallel_loop3A_1214 : i1 to i32
      %parallel_loop3A_1216 = arith.subi %parallel_loop3A_1212, %parallel_loop3A_1215 : i32
      %parallel_loop3A_1217 = arith.cmpi ne, %parallel_loop3A_1209, %parallel_loop3A_1216 : i32
      %parallel_loop3A_1218 = arith.remsi %parallel_loop3A_1200, %parallel_loop3A_1201 : i32
      %parallel_loop3A_1219 = arith.constant 0 : i32
      %parallel_loop3A_1220 = arith.cmpi ne, %parallel_loop3A_1218, %parallel_loop3A_1219 : i32
      %parallel_loop3A_1221 = arith.andi %parallel_loop3A_1217, %parallel_loop3A_1220 : i1
      %parallel_loop3A_1222 = arith.constant 1 : i32
      %parallel_loop3A_1223 = arith.subi %parallel_loop3A_1202, %parallel_loop3A_1222 : i32
      %parallel_loop3A_1224 = arith.select %parallel_loop3A_1221, %parallel_loop3A_1223, %parallel_loop3A_1202 : i32
      %parallel_loop3A_1225 = arith.constant 64 : i32
      %parallel_loop3A_1226 = arith.constant 0 : i32
      %parallel_loop3A_1227 = arith.cmpi eq, %parallel_loop3A_1225, %parallel_loop3A_1226 : i32
      %parallel_loop3A_1228 = arith.constant 1 : i32
      %parallel_loop3A_1229 = arith.select %parallel_loop3A_1227, %parallel_loop3A_1228, %parallel_loop3A_1225 : i32
      %parallel_loop3A_1230 = arith.remsi %parallel_loop3A_1200, %parallel_loop3A_1229 : i32
      %parallel_loop3A_1231 = arith.constant 0 : i32
      %parallel_loop3A_1232 = arith.cmpi ne, %parallel_loop3A_1230, %parallel_loop3A_1231 : i32
      %parallel_loop3A_1233 = arith.constant 0 : i32
      %parallel_loop3A_1234 = arith.cmpi slt, %parallel_loop3A_1230, %parallel_loop3A_1233 : i32
      %parallel_loop3A_1235 = arith.constant 0 : i32
      %parallel_loop3A_1236 = arith.cmpi slt, %parallel_loop3A_1229, %parallel_loop3A_1235 : i32
      %parallel_loop3A_1237 = arith.xori %parallel_loop3A_1234, %parallel_loop3A_1236 : i1
      %parallel_loop3A_1238 = arith.andi %parallel_loop3A_1237, %parallel_loop3A_1232 : i1
      %parallel_loop3A_1239 = arith.addi %parallel_loop3A_1230, %parallel_loop3A_1229 : i32
      %parallel_loop3A_1240 = arith.select %parallel_loop3A_1238, %parallel_loop3A_1239, %parallel_loop3A_1230 : i32
      %parallel_loop3A_1241 = arith.constant 16 : i32
      %parallel_loop3A_1242 = arith.muli %parallel_loop3A_1240, %parallel_loop3A_1241 : i32
      %parallel_loop3A_1243 = arith.index_cast %parallel_loop3A_1224 : i32 to index
      %parallel_loop3A_1244 = arith.index_cast %parallel_loop3A_1242 : i32 to index
      %parallel_loop3A_1245 = tpu.vector_load %arg6[%parallel_loop3A_1243, %parallel_loop3A_1244] {strides = array<i32>} : memref<8x1024xf32, #tpu.memory_space<vmem>>, vector<1x16xf32>,
      %parallel_loop3A_1246 = vector.shape_cast %parallel_loop3A_1245 : vector<1x16xf32> to vector<16xf32>
      %parallel_loop3A_1247 = arith.index_cast %parallel_loop3A_1224 : i32 to index
      %parallel_loop3A_1248 = arith.index_cast %parallel_loop3A_1242 : i32 to index
      %parallel_loop3A_1249 = tpu.vector_load %arg11[%parallel_loop3A_1247, %parallel_loop3A_1248] {strides = array<i32>} : memref<8x1024xf32, #tpu.memory_space<vmem>>, vector<1x16xf32>,
      %parallel_loop3A_1250 = vector.shape_cast %parallel_loop3A_1249 : vector<1x16xf32> to vector<16xf32>
      %parallel_loop3A_1251 = vector.shape_cast %parallel_loop3A_1246 : vector<16xf32> to vector<1x16xf32>
      tpu.vector_store %arg11[%parallel_loop3A_1247, %parallel_loop3A_1248], %parallel_loop3A_1251 {add = true, strides = array<i32>} : memref<8x1024xf32, #tpu.memory_space<vmem>>, vector<1x16xf32>,
    } {sc.loop_unroll_factor = 8 : i64, sc.parallel_access}
    %add3A_848 = arith.constant 40 : i32
    %add3A_849 = arith.addi %mul3A_2, %add3A_848 : i32
    %dma_start3A_850 = arith.constant 0 : i32
    %dma_start3A_851 = arith.constant 0 : i32
    %dma_start3A_852 = tpu.memref_slice %arg4[%dma_start3A_850, %add3A_849, %dma_start3A_851] : memref<4x2048x1024xf32, #tpu.memory_space<hbm>> -> memref<1x8x1024xf32, #tpu.memory_space<hbm>>
    %dma_start3A_853 = tpu.memref_squeeze %dma_start3A_852 : memref<1x8x1024xf32, #tpu.memory_space<hbm>> -> memref<8x1024xf32, #tpu.memory_space<hbm>>
    %dma_start3A_854 = arith.constant 0 : i32
    %dma_start3A_855 = tpu.memref_slice %arg4[%dma_start3A_850, %add3A_849, %dma_start3A_854] : memref<4x2048x1024xf32, #tpu.memory_space<hbm>> -> memref<1x8x1024xf32, #tpu.memory_space<hbm>>
    %dma_start3A_856 = tpu.memref_squeeze %dma_start3A_855 : memref<1x8x1024xf32, #tpu.memory_space<hbm>> -> memref<8x1024xf32, #tpu.memory_space<hbm>>
    tpu.enqueue_dma source(%arg11 : memref<8x1024xf32, #tpu.memory_space<vmem>>) target(%dma_start3A_856 : memref<8x1024xf32, #tpu.memory_space<hbm>>) target_semaphore(%arg29 : memref<!tpu.dma_semaphore, #tpu.memory_space<semaphore_mem>>)
    %dma_wait3A_857 = arith.constant 0 : i32
    %dma_wait3A_858 = arith.constant 0 : i32
    %dma_wait3A_859 = tpu.memref_slice %arg4[%dma_wait3A_857, %add3A_849, %dma_wait3A_858] : memref<4x2048x1024xf32, #tpu.memory_space<hbm>> -> memref<1x8x1024xf32, #tpu.memory_space<hbm>>
    %dma_wait3A_860 = tpu.memref_squeeze %dma_wait3A_859 : memref<1x8x1024xf32, #tpu.memory_space<hbm>> -> memref<8x1024xf32, #tpu.memory_space<hbm>>
    %dma_wait3A_861 = arith.constant 0 : i32
    %dma_wait3A_862 = tpu.memref_slice %arg4[%dma_wait3A_857, %add3A_849, %dma_wait3A_861] : memref<4x2048x1024xf32, #tpu.memory_space<hbm>> -> memref<1x8x1024xf32, #tpu.memory_space<hbm>>
    %dma_wait3A_863 = tpu.memref_squeeze %dma_wait3A_862 : memref<1x8x1024xf32, #tpu.memory_space<hbm>> -> memref<8x1024xf32, #tpu.memory_space<hbm>>
    tpu.wait_dma2 semaphore(%arg29 : memref<!tpu.dma_semaphore, #tpu.memory_space<semaphore_mem>>) src(%arg11 : memref<8x1024xf32, #tpu.memory_space<vmem>>) dst(%dma_wait3A_863 : memref<8x1024xf32, #tpu.memory_space<hbm>>)
    %add3A_864 = arith.constant 56 : i32
    %add3A_865 = arith.addi %mul3A_2, %add3A_864 : i32
    %dma_start3A_866 = arith.constant 0 : i32
    %dma_start3A_867 = arith.constant 0 : i32
    %dma_start3A_868 = tpu.memref_slice %arg2[%dma_start3A_866, %add3A_865, %dma_start3A_867] : memref<4x2048x1024xf32, #tpu.memory_space<hbm>> -> memref<1x8x1024xf32, #tpu.memory_space<hbm>>
    %dma_start3A_869 = tpu.memref_squeeze %dma_start3A_868 : memref<1x8x1024xf32, #tpu.memory_space<hbm>> -> memref<8x1024xf32, #tpu.memory_space<hbm>>
    %dma_start3A_870 = arith.constant 0 : i32
    %dma_start3A_871 = tpu.memref_slice %arg2[%dma_start3A_866, %add3A_865, %dma_start3A_870] : memref<4x2048x1024xf32, #tpu.memory_space<hbm>> -> memref<1x8x1024xf32, #tpu.memory_space<hbm>>
    %dma_start3A_872 = tpu.memref_squeeze %dma_start3A_871 : memref<1x8x1024xf32, #tpu.memory_space<hbm>> -> memref<8x1024xf32, #tpu.memory_space<hbm>>
    tpu.enqueue_dma source(%dma_start3A_872 : memref<8x1024xf32, #tpu.memory_space<hbm>>) target(%arg11 : memref<8x1024xf32, #tpu.memory_space<vmem>>) target_semaphore(%arg21 : memref<!tpu.dma_semaphore, #tpu.memory_space<semaphore_mem>>)
    %dma_wait3A_873 = arith.constant 1 : i32
    %dma_wait3A_874 = arith.constant 0 : i32
    %dma_wait3A_875 = tpu.memref_slice %arg2[%dma_wait3A_873, %add3A_600, %dma_wait3A_874] : memref<4x2048x1024xf32, #tpu.memory_space<hbm>> -> memref<1x8x1024xf32, #tpu.memory_space<hbm>>
    %dma_wait3A_876 = tpu.memref_squeeze %dma_wait3A_875 : memref<1x8x1024xf32, #tpu.memory_space<hbm>> -> memref<8x1024xf32, #tpu.memory_space<hbm>>
    %dma_wait3A_877 = arith.constant 0 : i32
    %dma_wait3A_878 = tpu.memref_slice %arg2[%dma_wait3A_873, %add3A_600, %dma_wait3A_877] : memref<4x2048x1024xf32, #tpu.memory_space<hbm>> -> memref<1x8x1024xf32, #tpu.memory_space<hbm>>
    %dma_wait3A_879 = tpu.memref_squeeze %dma_wait3A_878 : memref<1x8x1024xf32, #tpu.memory_space<hbm>> -> memref<8x1024xf32, #tpu.memory_space<hbm>>
    tpu.wait_dma2 semaphore(%arg22 : memref<!tpu.dma_semaphore, #tpu.memory_space<semaphore_mem>>) src(%dma_wait3A_879 : memref<8x1024xf32, #tpu.memory_space<hbm>>) dst(%arg12 : memref<8x1024xf32, #tpu.memory_space<vmem>>)
    %parallel_loop3A_880 = arith.constant 0 : i32
    %parallel_loop3A_881 = arith.constant 512 : i32
    %parallel_loop3A_882 = arith.constant 1 : i32
    scf.for %parallel_loop3A_1200 = %parallel_loop3A_880 to %parallel_loop3A_881 step %parallel_loop3A_882  : i32 {
      %parallel_loop3A_1201 = arith.constant 64 : i32
      %parallel_loop3A_1202 = arith.divsi %parallel_loop3A_1200, %parallel_loop3A_1201 : i32
      %parallel_loop3A_1203 = arith.constant 0 : i32
      %parallel_loop3A_1204 = arith.cmpi sgt, %parallel_loop3A_1200, %parallel_loop3A_1203 : i32
      %parallel_loop3A_1205 = arith.extui %parallel_loop3A_1204 : i1 to i32
      %parallel_loop3A_1206 = arith.constant 0 : i32
      %parallel_loop3A_1207 = arith.cmpi slt, %parallel_loop3A_1200, %parallel_loop3A_1206 : i32
      %parallel_loop3A_1208 = arith.extui %parallel_loop3A_1207 : i1 to i32
      %parallel_loop3A_1209 = arith.subi %parallel_loop3A_1205, %parallel_loop3A_1208 : i32
      %parallel_loop3A_1210 = arith.constant 0 : i32
      %parallel_loop3A_1211 = arith.cmpi sgt, %parallel_loop3A_1201, %parallel_loop3A_1210 : i32
      %parallel_loop3A_1212 = arith.extui %parallel_loop3A_1211 : i1 to i32
      %parallel_loop3A_1213 = arith.constant 0 : i32
      %parallel_loop3A_1214 = arith.cmpi slt, %parallel_loop3A_1201, %parallel_loop3A_1213 : i32
      %parallel_loop3A_1215 = arith.extui %parallel_loop3A_1214 : i1 to i32
      %parallel_loop3A_1216 = arith.subi %parallel_loop3A_1212, %parallel_loop3A_1215 : i32
      %parallel_loop3A_1217 = arith.cmpi ne, %parallel_loop3A_1209, %parallel_loop3A_1216 : i32
      %parallel_loop3A_1218 = arith.remsi %parallel_loop3A_1200, %parallel_loop3A_1201 : i32
      %parallel_loop3A_1219 = arith.constant 0 : i32
      %parallel_loop3A_1220 = arith.cmpi ne, %parallel_loop3A_1218, %parallel_loop3A_1219 : i32
      %parallel_loop3A_1221 = arith.andi %parallel_loop3A_1217, %parallel_loop3A_1220 : i1
      %parallel_loop3A_1222 = arith.constant 1 : i32
      %parallel_loop3A_1223 = arith.subi %parallel_loop3A_1202, %parallel_loop3A_1222 : i32
      %parallel_loop3A_1224 = arith.select %parallel_loop3A_1221, %parallel_loop3A_1223, %parallel_loop3A_1202 : i32
      %parallel_loop3A_1225 = arith.constant 64 : i32
      %parallel_loop3A_1226 = arith.constant 0 : i32
      %parallel_loop3A_1227 = arith.cmpi eq, %parallel_loop3A_1225, %parallel_loop3A_1226 : i32
      %parallel_loop3A_1228 = arith.constant 1 : i32
      %parallel_loop3A_1229 = arith.select %parallel_loop3A_1227, %parallel_loop3A_1228, %parallel_loop3A_1225 : i32
      %parallel_loop3A_1230 = arith.remsi %parallel_loop3A_1200, %parallel_loop3A_1229 : i32
      %parallel_loop3A_1231 = arith.constant 0 : i32
      %parallel_loop3A_1232 = arith.cmpi ne, %parallel_loop3A_1230, %parallel_loop3A_1231 : i32
      %parallel_loop3A_1233 = arith.constant 0 : i32
      %parallel_loop3A_1234 = arith.cmpi slt, %parallel_loop3A_1230, %parallel_loop3A_1233 : i32
      %parallel_loop3A_1235 = arith.constant 0 : i32
      %parallel_loop3A_1236 = arith.cmpi slt, %parallel_loop3A_1229, %parallel_loop3A_1235 : i32
      %parallel_loop3A_1237 = arith.xori %parallel_loop3A_1234, %parallel_loop3A_1236 : i1
      %parallel_loop3A_1238 = arith.andi %parallel_loop3A_1237, %parallel_loop3A_1232 : i1
      %parallel_loop3A_1239 = arith.addi %parallel_loop3A_1230, %parallel_loop3A_1229 : i32
      %parallel_loop3A_1240 = arith.select %parallel_loop3A_1238, %parallel_loop3A_1239, %parallel_loop3A_1230 : i32
      %parallel_loop3A_1241 = arith.constant 16 : i32
      %parallel_loop3A_1242 = arith.muli %parallel_loop3A_1240, %parallel_loop3A_1241 : i32
      %parallel_loop3A_1243 = arith.index_cast %parallel_loop3A_1224 : i32 to index
      %parallel_loop3A_1244 = arith.index_cast %parallel_loop3A_1242 : i32 to index
      %parallel_loop3A_1245 = tpu.vector_load %arg6[%parallel_loop3A_1243, %parallel_loop3A_1244] {strides = array<i32>} : memref<8x1024xf32, #tpu.memory_space<vmem>>, vector<1x16xf32>,
      %parallel_loop3A_1246 = vector.shape_cast %parallel_loop3A_1245 : vector<1x16xf32> to vector<16xf32>
      %parallel_loop3A_1247 = arith.index_cast %parallel_loop3A_1224 : i32 to index
      %parallel_loop3A_1248 = arith.index_cast %parallel_loop3A_1242 : i32 to index
      %parallel_loop3A_1249 = tpu.vector_load %arg12[%parallel_loop3A_1247, %parallel_loop3A_1248] {strides = array<i32>} : memref<8x1024xf32, #tpu.memory_space<vmem>>, vector<1x16xf32>,
      %parallel_loop3A_1250 = vector.shape_cast %parallel_loop3A_1249 : vector<1x16xf32> to vector<16xf32>
      %parallel_loop3A_1251 = vector.shape_cast %parallel_loop3A_1246 : vector<16xf32> to vector<1x16xf32>
      tpu.vector_store %arg12[%parallel_loop3A_1247, %parallel_loop3A_1248], %parallel_loop3A_1251 {add = true, strides = array<i32>} : memref<8x1024xf32, #tpu.memory_space<vmem>>, vector<1x16xf32>,
    } {sc.loop_unroll_factor = 8 : i64, sc.parallel_access}
    %add3A_883 = arith.constant 40 : i32
    %add3A_884 = arith.addi %mul3A_2, %add3A_883 : i32
    %dma_start3A_885 = arith.constant 1 : i32
    %dma_start3A_886 = arith.constant 0 : i32
    %dma_start3A_887 = tpu.memref_slice %arg4[%dma_start3A_885, %add3A_884, %dma_start3A_886] : memref<4x2048x1024xf32, #tpu.memory_space<hbm>> -> memref<1x8x1024xf32, #tpu.memory_space<hbm>>
    %dma_start3A_888 = tpu.memref_squeeze %dma_start3A_887 : memref<1x8x1024xf32, #tpu.memory_space<hbm>> -> memref<8x1024xf32, #tpu.memory_space<hbm>>
    %dma_start3A_889 = arith.constant 0 : i32
    %dma_start3A_890 = tpu.memref_slice %arg4[%dma_start3A_885, %add3A_884, %dma_start3A_889] : memref<4x2048x1024xf32, #tpu.memory_space<hbm>> -> memref<1x8x1024xf32, #tpu.memory_space<hbm>>
    %dma_start3A_891 = tpu.memref_squeeze %dma_start3A_890 : memref<1x8x1024xf32, #tpu.memory_space<hbm>> -> memref<8x1024xf32, #tpu.memory_space<hbm>>
    tpu.enqueue_dma source(%arg12 : memref<8x1024xf32, #tpu.memory_space<vmem>>) target(%dma_start3A_891 : memref<8x1024xf32, #tpu.memory_space<hbm>>) target_semaphore(%arg30 : memref<!tpu.dma_semaphore, #tpu.memory_space<semaphore_mem>>)
    %dma_wait3A_892 = arith.constant 1 : i32
    %dma_wait3A_893 = arith.constant 0 : i32
    %dma_wait3A_894 = tpu.memref_slice %arg4[%dma_wait3A_892, %add3A_884, %dma_wait3A_893] : memref<4x2048x1024xf32, #tpu.memory_space<hbm>> -> memref<1x8x1024xf32, #tpu.memory_space<hbm>>
    %dma_wait3A_895 = tpu.memref_squeeze %dma_wait3A_894 : memref<1x8x1024xf32, #tpu.memory_space<hbm>> -> memref<8x1024xf32, #tpu.memory_space<hbm>>
    %dma_wait3A_896 = arith.constant 0 : i32
    %dma_wait3A_897 = tpu.memref_slice %arg4[%dma_wait3A_892, %add3A_884, %dma_wait3A_896] : memref<4x2048x1024xf32, #tpu.memory_space<hbm>> -> memref<1x8x1024xf32, #tpu.memory_space<hbm>>
    %dma_wait3A_898 = tpu.memref_squeeze %dma_wait3A_897 : memref<1x8x1024xf32, #tpu.memory_space<hbm>> -> memref<8x1024xf32, #tpu.memory_space<hbm>>
    tpu.wait_dma2 semaphore(%arg30 : memref<!tpu.dma_semaphore, #tpu.memory_space<semaphore_mem>>) src(%arg12 : memref<8x1024xf32, #tpu.memory_space<vmem>>) dst(%dma_wait3A_898 : memref<8x1024xf32, #tpu.memory_space<hbm>>)
    %add3A_899 = arith.constant 56 : i32
    %add3A_900 = arith.addi %mul3A_2, %add3A_899 : i32
    %dma_start3A_901 = arith.constant 1 : i32
    %dma_start3A_902 = arith.constant 0 : i32
    %dma_start3A_903 = tpu.memref_slice %arg2[%dma_start3A_901, %add3A_900, %dma_start3A_902] : memref<4x2048x1024xf32, #tpu.memory_space<hbm>> -> memref<1x8x1024xf32, #tpu.memory_space<hbm>>
    %dma_start3A_904 = tpu.memref_squeeze %dma_start3A_903 : memref<1x8x1024xf32, #tpu.memory_space<hbm>> -> memref<8x1024xf32, #tpu.memory_space<hbm>>
    %dma_start3A_905 = arith.constant 0 : i32
    %dma_start3A_906 = tpu.memref_slice %arg2[%dma_start3A_901, %add3A_900, %dma_start3A_905] : memref<4x2048x1024xf32, #tpu.memory_space<hbm>> -> memref<1x8x1024xf32, #tpu.memory_space<hbm>>
    %dma_start3A_907 = tpu.memref_squeeze %dma_start3A_906 : memref<1x8x1024xf32, #tpu.memory_space<hbm>> -> memref<8x1024xf32, #tpu.memory_space<hbm>>
    tpu.enqueue_dma source(%dma_start3A_907 : memref<8x1024xf32, #tpu.memory_space<hbm>>) target(%arg12 : memref<8x1024xf32, #tpu.memory_space<vmem>>) target_semaphore(%arg22 : memref<!tpu.dma_semaphore, #tpu.memory_space<semaphore_mem>>)
    %dma_wait3A_908 = arith.constant 2 : i32
    %dma_wait3A_909 = arith.constant 0 : i32
    %dma_wait3A_910 = tpu.memref_slice %arg2[%dma_wait3A_908, %add3A_635, %dma_wait3A_909] : memref<4x2048x1024xf32, #tpu.memory_space<hbm>> -> memref<1x8x1024xf32, #tpu.memory_space<hbm>>
    %dma_wait3A_911 = tpu.memref_squeeze %dma_wait3A_910 : memref<1x8x1024xf32, #tpu.memory_space<hbm>> -> memref<8x1024xf32, #tpu.memory_space<hbm>>
    %dma_wait3A_912 = arith.constant 0 : i32
    %dma_wait3A_913 = tpu.memref_slice %arg2[%dma_wait3A_908, %add3A_635, %dma_wait3A_912] : memref<4x2048x1024xf32, #tpu.memory_space<hbm>> -> memref<1x8x1024xf32, #tpu.memory_space<hbm>>
    %dma_wait3A_914 = tpu.memref_squeeze %dma_wait3A_913 : memref<1x8x1024xf32, #tpu.memory_space<hbm>> -> memref<8x1024xf32, #tpu.memory_space<hbm>>
    tpu.wait_dma2 semaphore(%arg23 : memref<!tpu.dma_semaphore, #tpu.memory_space<semaphore_mem>>) src(%dma_wait3A_914 : memref<8x1024xf32, #tpu.memory_space<hbm>>) dst(%arg13 : memref<8x1024xf32, #tpu.memory_space<vmem>>)
    %parallel_loop3A_915 = arith.constant 0 : i32
    %parallel_loop3A_916 = arith.constant 512 : i32
    %parallel_loop3A_917 = arith.constant 1 : i32
    scf.for %parallel_loop3A_1200 = %parallel_loop3A_915 to %parallel_loop3A_916 step %parallel_loop3A_917  : i32 {
      %parallel_loop3A_1201 = arith.constant 64 : i32
      %parallel_loop3A_1202 = arith.divsi %parallel_loop3A_1200, %parallel_loop3A_1201 : i32
      %parallel_loop3A_1203 = arith.constant 0 : i32
      %parallel_loop3A_1204 = arith.cmpi sgt, %parallel_loop3A_1200, %parallel_loop3A_1203 : i32
      %parallel_loop3A_1205 = arith.extui %parallel_loop3A_1204 : i1 to i32
      %parallel_loop3A_1206 = arith.constant 0 : i32
      %parallel_loop3A_1207 = arith.cmpi slt, %parallel_loop3A_1200, %parallel_loop3A_1206 : i32
      %parallel_loop3A_1208 = arith.extui %parallel_loop3A_1207 : i1 to i32
      %parallel_loop3A_1209 = arith.subi %parallel_loop3A_1205, %parallel_loop3A_1208 : i32
      %parallel_loop3A_1210 = arith.constant 0 : i32
      %parallel_loop3A_1211 = arith.cmpi sgt, %parallel_loop3A_1201, %parallel_loop3A_1210 : i32
      %parallel_loop3A_1212 = arith.extui %parallel_loop3A_1211 : i1 to i32
      %parallel_loop3A_1213 = arith.constant 0 : i32
      %parallel_loop3A_1214 = arith.cmpi slt, %parallel_loop3A_1201, %parallel_loop3A_1213 : i32
      %parallel_loop3A_1215 = arith.extui %parallel_loop3A_1214 : i1 to i32
      %parallel_loop3A_1216 = arith.subi %parallel_loop3A_1212, %parallel_loop3A_1215 : i32
      %parallel_loop3A_1217 = arith.cmpi ne, %parallel_loop3A_1209, %parallel_loop3A_1216 : i32
      %parallel_loop3A_1218 = arith.remsi %parallel_loop3A_1200, %parallel_loop3A_1201 : i32
      %parallel_loop3A_1219 = arith.constant 0 : i32
      %parallel_loop3A_1220 = arith.cmpi ne, %parallel_loop3A_1218, %parallel_loop3A_1219 : i32
      %parallel_loop3A_1221 = arith.andi %parallel_loop3A_1217, %parallel_loop3A_1220 : i1
      %parallel_loop3A_1222 = arith.constant 1 : i32
      %parallel_loop3A_1223 = arith.subi %parallel_loop3A_1202, %parallel_loop3A_1222 : i32
      %parallel_loop3A_1224 = arith.select %parallel_loop3A_1221, %parallel_loop3A_1223, %parallel_loop3A_1202 : i32
      %parallel_loop3A_1225 = arith.constant 64 : i32
      %parallel_loop3A_1226 = arith.constant 0 : i32
      %parallel_loop3A_1227 = arith.cmpi eq, %parallel_loop3A_1225, %parallel_loop3A_1226 : i32
      %parallel_loop3A_1228 = arith.constant 1 : i32
      %parallel_loop3A_1229 = arith.select %parallel_loop3A_1227, %parallel_loop3A_1228, %parallel_loop3A_1225 : i32
      %parallel_loop3A_1230 = arith.remsi %parallel_loop3A_1200, %parallel_loop3A_1229 : i32
      %parallel_loop3A_1231 = arith.constant 0 : i32
      %parallel_loop3A_1232 = arith.cmpi ne, %parallel_loop3A_1230, %parallel_loop3A_1231 : i32
      %parallel_loop3A_1233 = arith.constant 0 : i32
      %parallel_loop3A_1234 = arith.cmpi slt, %parallel_loop3A_1230, %parallel_loop3A_1233 : i32
      %parallel_loop3A_1235 = arith.constant 0 : i32
      %parallel_loop3A_1236 = arith.cmpi slt, %parallel_loop3A_1229, %parallel_loop3A_1235 : i32
      %parallel_loop3A_1237 = arith.xori %parallel_loop3A_1234, %parallel_loop3A_1236 : i1
      %parallel_loop3A_1238 = arith.andi %parallel_loop3A_1237, %parallel_loop3A_1232 : i1
      %parallel_loop3A_1239 = arith.addi %parallel_loop3A_1230, %parallel_loop3A_1229 : i32
      %parallel_loop3A_1240 = arith.select %parallel_loop3A_1238, %parallel_loop3A_1239, %parallel_loop3A_1230 : i32
      %parallel_loop3A_1241 = arith.constant 16 : i32
      %parallel_loop3A_1242 = arith.muli %parallel_loop3A_1240, %parallel_loop3A_1241 : i32
      %parallel_loop3A_1243 = arith.index_cast %parallel_loop3A_1224 : i32 to index
      %parallel_loop3A_1244 = arith.index_cast %parallel_loop3A_1242 : i32 to index
      %parallel_loop3A_1245 = tpu.vector_load %arg6[%parallel_loop3A_1243, %parallel_loop3A_1244] {strides = array<i32>} : memref<8x1024xf32, #tpu.memory_space<vmem>>, vector<1x16xf32>,
      %parallel_loop3A_1246 = vector.shape_cast %parallel_loop3A_1245 : vector<1x16xf32> to vector<16xf32>
      %parallel_loop3A_1247 = arith.index_cast %parallel_loop3A_1224 : i32 to index
      %parallel_loop3A_1248 = arith.index_cast %parallel_loop3A_1242 : i32 to index
      %parallel_loop3A_1249 = tpu.vector_load %arg13[%parallel_loop3A_1247, %parallel_loop3A_1248] {strides = array<i32>} : memref<8x1024xf32, #tpu.memory_space<vmem>>, vector<1x16xf32>,
      %parallel_loop3A_1250 = vector.shape_cast %parallel_loop3A_1249 : vector<1x16xf32> to vector<16xf32>
      %parallel_loop3A_1251 = vector.shape_cast %parallel_loop3A_1246 : vector<16xf32> to vector<1x16xf32>
      tpu.vector_store %arg13[%parallel_loop3A_1247, %parallel_loop3A_1248], %parallel_loop3A_1251 {add = true, strides = array<i32>} : memref<8x1024xf32, #tpu.memory_space<vmem>>, vector<1x16xf32>,
    } {sc.loop_unroll_factor = 8 : i64, sc.parallel_access}
    %add3A_918 = arith.constant 40 : i32
    %add3A_919 = arith.addi %mul3A_2, %add3A_918 : i32
    %dma_start3A_920 = arith.constant 2 : i32
    %dma_start3A_921 = arith.constant 0 : i32
    %dma_start3A_922 = tpu.memref_slice %arg4[%dma_start3A_920, %add3A_919, %dma_start3A_921] : memref<4x2048x1024xf32, #tpu.memory_space<hbm>> -> memref<1x8x1024xf32, #tpu.memory_space<hbm>>
    %dma_start3A_923 = tpu.memref_squeeze %dma_start3A_922 : memref<1x8x1024xf32, #tpu.memory_space<hbm>> -> memref<8x1024xf32, #tpu.memory_space<hbm>>
    %dma_start3A_924 = arith.constant 0 : i32
    %dma_start3A_925 = tpu.memref_slice %arg4[%dma_start3A_920, %add3A_919, %dma_start3A_924] : memref<4x2048x1024xf32, #tpu.memory_space<hbm>> -> memref<1x8x1024xf32, #tpu.memory_space<hbm>>
    %dma_start3A_926 = tpu.memref_squeeze %dma_start3A_925 : memref<1x8x1024xf32, #tpu.memory_space<hbm>> -> memref<8x1024xf32, #tpu.memory_space<hbm>>
    tpu.enqueue_dma source(%arg13 : memref<8x1024xf32, #tpu.memory_space<vmem>>) target(%dma_start3A_926 : memref<8x1024xf32, #tpu.memory_space<hbm>>) target_semaphore(%arg31 : memref<!tpu.dma_semaphore, #tpu.memory_space<semaphore_mem>>)
    %dma_wait3A_927 = arith.constant 2 : i32
    %dma_wait3A_928 = arith.constant 0 : i32
    %dma_wait3A_929 = tpu.memref_slice %arg4[%dma_wait3A_927, %add3A_919, %dma_wait3A_928] : memref<4x2048x1024xf32, #tpu.memory_space<hbm>> -> memref<1x8x1024xf32, #tpu.memory_space<hbm>>
    %dma_wait3A_930 = tpu.memref_squeeze %dma_wait3A_929 : memref<1x8x1024xf32, #tpu.memory_space<hbm>> -> memref<8x1024xf32, #tpu.memory_space<hbm>>
    %dma_wait3A_931 = arith.constant 0 : i32
    %dma_wait3A_932 = tpu.memref_slice %arg4[%dma_wait3A_927, %add3A_919, %dma_wait3A_931] : memref<4x2048x1024xf32, #tpu.memory_space<hbm>> -> memref<1x8x1024xf32, #tpu.memory_space<hbm>>
    %dma_wait3A_933 = tpu.memref_squeeze %dma_wait3A_932 : memref<1x8x1024xf32, #tpu.memory_space<hbm>> -> memref<8x1024xf32, #tpu.memory_space<hbm>>
    tpu.wait_dma2 semaphore(%arg31 : memref<!tpu.dma_semaphore, #tpu.memory_space<semaphore_mem>>) src(%arg13 : memref<8x1024xf32, #tpu.memory_space<vmem>>) dst(%dma_wait3A_933 : memref<8x1024xf32, #tpu.memory_space<hbm>>)
    %add3A_934 = arith.constant 56 : i32
    %add3A_935 = arith.addi %mul3A_2, %add3A_934 : i32
    %dma_start3A_936 = arith.constant 2 : i32
    %dma_start3A_937 = arith.constant 0 : i32
    %dma_start3A_938 = tpu.memref_slice %arg2[%dma_start3A_936, %add3A_935, %dma_start3A_937] : memref<4x2048x1024xf32, #tpu.memory_space<hbm>> -> memref<1x8x1024xf32, #tpu.memory_space<hbm>>
    %dma_start3A_939 = tpu.memref_squeeze %dma_start3A_938 : memref<1x8x1024xf32, #tpu.memory_space<hbm>> -> memref<8x1024xf32, #tpu.memory_space<hbm>>
    %dma_start3A_940 = arith.constant 0 : i32
    %dma_start3A_941 = tpu.memref_slice %arg2[%dma_start3A_936, %add3A_935, %dma_start3A_940] : memref<4x2048x1024xf32, #tpu.memory_space<hbm>> -> memref<1x8x1024xf32, #tpu.memory_space<hbm>>
    %dma_start3A_942 = tpu.memref_squeeze %dma_start3A_941 : memref<1x8x1024xf32, #tpu.memory_space<hbm>> -> memref<8x1024xf32, #tpu.memory_space<hbm>>
    tpu.enqueue_dma source(%dma_start3A_942 : memref<8x1024xf32, #tpu.memory_space<hbm>>) target(%arg13 : memref<8x1024xf32, #tpu.memory_space<vmem>>) target_semaphore(%arg23 : memref<!tpu.dma_semaphore, #tpu.memory_space<semaphore_mem>>)
    %dma_wait3A_943 = arith.constant 3 : i32
    %dma_wait3A_944 = arith.constant 0 : i32
    %dma_wait3A_945 = tpu.memref_slice %arg2[%dma_wait3A_943, %add3A_676, %dma_wait3A_944] : memref<4x2048x1024xf32, #tpu.memory_space<hbm>> -> memref<1x8x1024xf32, #tpu.memory_space<hbm>>
    %dma_wait3A_946 = tpu.memref_squeeze %dma_wait3A_945 : memref<1x8x1024xf32, #tpu.memory_space<hbm>> -> memref<8x1024xf32, #tpu.memory_space<hbm>>
    %dma_wait3A_947 = arith.constant 0 : i32
    %dma_wait3A_948 = tpu.memref_slice %arg2[%dma_wait3A_943, %add3A_676, %dma_wait3A_947] : memref<4x2048x1024xf32, #tpu.memory_space<hbm>> -> memref<1x8x1024xf32, #tpu.memory_space<hbm>>
    %dma_wait3A_949 = tpu.memref_squeeze %dma_wait3A_948 : memref<1x8x1024xf32, #tpu.memory_space<hbm>> -> memref<8x1024xf32, #tpu.memory_space<hbm>>
    tpu.wait_dma2 semaphore(%arg24 : memref<!tpu.dma_semaphore, #tpu.memory_space<semaphore_mem>>) src(%dma_wait3A_949 : memref<8x1024xf32, #tpu.memory_space<hbm>>) dst(%arg14 : memref<8x1024xf32, #tpu.memory_space<vmem>>)
    %parallel_loop3A_950 = arith.constant 0 : i32
    %parallel_loop3A_951 = arith.constant 512 : i32
    %parallel_loop3A_952 = arith.constant 1 : i32
    scf.for %parallel_loop3A_1200 = %parallel_loop3A_950 to %parallel_loop3A_951 step %parallel_loop3A_952  : i32 {
      %parallel_loop3A_1201 = arith.constant 64 : i32
      %parallel_loop3A_1202 = arith.divsi %parallel_loop3A_1200, %parallel_loop3A_1201 : i32
      %parallel_loop3A_1203 = arith.constant 0 : i32
      %parallel_loop3A_1204 = arith.cmpi sgt, %parallel_loop3A_1200, %parallel_loop3A_1203 : i32
      %parallel_loop3A_1205 = arith.extui %parallel_loop3A_1204 : i1 to i32
      %parallel_loop3A_1206 = arith.constant 0 : i32
      %parallel_loop3A_1207 = arith.cmpi slt, %parallel_loop3A_1200, %parallel_loop3A_1206 : i32
      %parallel_loop3A_1208 = arith.extui %parallel_loop3A_1207 : i1 to i32
      %parallel_loop3A_1209 = arith.subi %parallel_loop3A_1205, %parallel_loop3A_1208 : i32
      %parallel_loop3A_1210 = arith.constant 0 : i32
      %parallel_loop3A_1211 = arith.cmpi sgt, %parallel_loop3A_1201, %parallel_loop3A_1210 : i32
      %parallel_loop3A_1212 = arith.extui %parallel_loop3A_1211 : i1 to i32
      %parallel_loop3A_1213 = arith.constant 0 : i32
      %parallel_loop3A_1214 = arith.cmpi slt, %parallel_loop3A_1201, %parallel_loop3A_1213 : i32
      %parallel_loop3A_1215 = arith.extui %parallel_loop3A_1214 : i1 to i32
      %parallel_loop3A_1216 = arith.subi %parallel_loop3A_1212, %parallel_loop3A_1215 : i32
      %parallel_loop3A_1217 = arith.cmpi ne, %parallel_loop3A_1209, %parallel_loop3A_1216 : i32
      %parallel_loop3A_1218 = arith.remsi %parallel_loop3A_1200, %parallel_loop3A_1201 : i32
      %parallel_loop3A_1219 = arith.constant 0 : i32
      %parallel_loop3A_1220 = arith.cmpi ne, %parallel_loop3A_1218, %parallel_loop3A_1219 : i32
      %parallel_loop3A_1221 = arith.andi %parallel_loop3A_1217, %parallel_loop3A_1220 : i1
      %parallel_loop3A_1222 = arith.constant 1 : i32
      %parallel_loop3A_1223 = arith.subi %parallel_loop3A_1202, %parallel_loop3A_1222 : i32
      %parallel_loop3A_1224 = arith.select %parallel_loop3A_1221, %parallel_loop3A_1223, %parallel_loop3A_1202 : i32
      %parallel_loop3A_1225 = arith.constant 64 : i32
      %parallel_loop3A_1226 = arith.constant 0 : i32
      %parallel_loop3A_1227 = arith.cmpi eq, %parallel_loop3A_1225, %parallel_loop3A_1226 : i32
      %parallel_loop3A_1228 = arith.constant 1 : i32
      %parallel_loop3A_1229 = arith.select %parallel_loop3A_1227, %parallel_loop3A_1228, %parallel_loop3A_1225 : i32
      %parallel_loop3A_1230 = arith.remsi %parallel_loop3A_1200, %parallel_loop3A_1229 : i32
      %parallel_loop3A_1231 = arith.constant 0 : i32
      %parallel_loop3A_1232 = arith.cmpi ne, %parallel_loop3A_1230, %parallel_loop3A_1231 : i32
      %parallel_loop3A_1233 = arith.constant 0 : i32
      %parallel_loop3A_1234 = arith.cmpi slt, %parallel_loop3A_1230, %parallel_loop3A_1233 : i32
      %parallel_loop3A_1235 = arith.constant 0 : i32
      %parallel_loop3A_1236 = arith.cmpi slt, %parallel_loop3A_1229, %parallel_loop3A_1235 : i32
      %parallel_loop3A_1237 = arith.xori %parallel_loop3A_1234, %parallel_loop3A_1236 : i1
      %parallel_loop3A_1238 = arith.andi %parallel_loop3A_1237, %parallel_loop3A_1232 : i1
      %parallel_loop3A_1239 = arith.addi %parallel_loop3A_1230, %parallel_loop3A_1229 : i32
      %parallel_loop3A_1240 = arith.select %parallel_loop3A_1238, %parallel_loop3A_1239, %parallel_loop3A_1230 : i32
      %parallel_loop3A_1241 = arith.constant 16 : i32
      %parallel_loop3A_1242 = arith.muli %parallel_loop3A_1240, %parallel_loop3A_1241 : i32
      %parallel_loop3A_1243 = arith.index_cast %parallel_loop3A_1224 : i32 to index
      %parallel_loop3A_1244 = arith.index_cast %parallel_loop3A_1242 : i32 to index
      %parallel_loop3A_1245 = tpu.vector_load %arg6[%parallel_loop3A_1243, %parallel_loop3A_1244] {strides = array<i32>} : memref<8x1024xf32, #tpu.memory_space<vmem>>, vector<1x16xf32>,
      %parallel_loop3A_1246 = vector.shape_cast %parallel_loop3A_1245 : vector<1x16xf32> to vector<16xf32>
      %parallel_loop3A_1247 = arith.index_cast %parallel_loop3A_1224 : i32 to index
      %parallel_loop3A_1248 = arith.index_cast %parallel_loop3A_1242 : i32 to index
      %parallel_loop3A_1249 = tpu.vector_load %arg14[%parallel_loop3A_1247, %parallel_loop3A_1248] {strides = array<i32>} : memref<8x1024xf32, #tpu.memory_space<vmem>>, vector<1x16xf32>,
      %parallel_loop3A_1250 = vector.shape_cast %parallel_loop3A_1249 : vector<1x16xf32> to vector<16xf32>
      %parallel_loop3A_1251 = vector.shape_cast %parallel_loop3A_1246 : vector<16xf32> to vector<1x16xf32>
      tpu.vector_store %arg14[%parallel_loop3A_1247, %parallel_loop3A_1248], %parallel_loop3A_1251 {add = true, strides = array<i32>} : memref<8x1024xf32, #tpu.memory_space<vmem>>, vector<1x16xf32>,
    } {sc.loop_unroll_factor = 8 : i64, sc.parallel_access}
    %add3A_953 = arith.constant 56 : i32
    %add3A_954 = arith.addi %mul3A_2, %add3A_953 : i32
    %dma_start3A_955 = arith.constant 0 : i32
    %dma_start3A_956 = tpu.memref_slice %arg3[%add3A_954, %dma_start3A_955] : memref<2048x1024xf32, #tpu.memory_space<hbm>> -> memref<8x1024xf32, #tpu.memory_space<hbm>>
    %dma_start3A_957 = arith.constant 0 : i32
    %dma_start3A_958 = tpu.memref_slice %arg3[%add3A_954, %dma_start3A_957] : memref<2048x1024xf32, #tpu.memory_space<hbm>> -> memref<8x1024xf32, #tpu.memory_space<hbm>>
    tpu.enqueue_dma source(%dma_start3A_958 : memref<8x1024xf32, #tpu.memory_space<hbm>>) target(%arg6 : memref<8x1024xf32, #tpu.memory_space<vmem>>) target_semaphore(%arg16 : memref<!tpu.dma_semaphore, #tpu.memory_space<semaphore_mem>>)
    %add3A_959 = arith.constant 40 : i32
    %add3A_960 = arith.addi %mul3A_2, %add3A_959 : i32
    %dma_start3A_961 = arith.constant 3 : i32
    %dma_start3A_962 = arith.constant 0 : i32
    %dma_start3A_963 = tpu.memref_slice %arg4[%dma_start3A_961, %add3A_960, %dma_start3A_962] : memref<4x2048x1024xf32, #tpu.memory_space<hbm>> -> memref<1x8x1024xf32, #tpu.memory_space<hbm>>
    %dma_start3A_964 = tpu.memref_squeeze %dma_start3A_963 : memref<1x8x1024xf32, #tpu.memory_space<hbm>> -> memref<8x1024xf32, #tpu.memory_space<hbm>>
    %dma_start3A_965 = arith.constant 0 : i32
    %dma_start3A_966 = tpu.memref_slice %arg4[%dma_start3A_961, %add3A_960, %dma_start3A_965] : memref<4x2048x1024xf32, #tpu.memory_space<hbm>> -> memref<1x8x1024xf32, #tpu.memory_space<hbm>>
    %dma_start3A_967 = tpu.memref_squeeze %dma_start3A_966 : memref<1x8x1024xf32, #tpu.memory_space<hbm>> -> memref<8x1024xf32, #tpu.memory_space<hbm>>
    tpu.enqueue_dma source(%arg14 : memref<8x1024xf32, #tpu.memory_space<vmem>>) target(%dma_start3A_967 : memref<8x1024xf32, #tpu.memory_space<hbm>>) target_semaphore(%arg32 : memref<!tpu.dma_semaphore, #tpu.memory_space<semaphore_mem>>)
    %dma_wait3A_968 = arith.constant 3 : i32
    %dma_wait3A_969 = arith.constant 0 : i32
    %dma_wait3A_970 = tpu.memref_slice %arg4[%dma_wait3A_968, %add3A_960, %dma_wait3A_969] : memref<4x2048x1024xf32, #tpu.memory_space<hbm>> -> memref<1x8x1024xf32, #tpu.memory_space<hbm>>
    %dma_wait3A_971 = tpu.memref_squeeze %dma_wait3A_970 : memref<1x8x1024xf32, #tpu.memory_space<hbm>> -> memref<8x1024xf32, #tpu.memory_space<hbm>>
    %dma_wait3A_972 = arith.constant 0 : i32
    %dma_wait3A_973 = tpu.memref_slice %arg4[%dma_wait3A_968, %add3A_960, %dma_wait3A_972] : memref<4x2048x1024xf32, #tpu.memory_space<hbm>> -> memref<1x8x1024xf32, #tpu.memory_space<hbm>>
    %dma_wait3A_974 = tpu.memref_squeeze %dma_wait3A_973 : memref<1x8x1024xf32, #tpu.memory_space<hbm>> -> memref<8x1024xf32, #tpu.memory_space<hbm>>
    tpu.wait_dma2 semaphore(%arg32 : memref<!tpu.dma_semaphore, #tpu.memory_space<semaphore_mem>>) src(%arg14 : memref<8x1024xf32, #tpu.memory_space<vmem>>) dst(%dma_wait3A_974 : memref<8x1024xf32, #tpu.memory_space<hbm>>)
    %add3A_975 = arith.constant 56 : i32
    %add3A_976 = arith.addi %mul3A_2, %add3A_975 : i32
    %dma_start3A_977 = arith.constant 3 : i32
    %dma_start3A_978 = arith.constant 0 : i32
    %dma_start3A_979 = tpu.memref_slice %arg2[%dma_start3A_977, %add3A_976, %dma_start3A_978] : memref<4x2048x1024xf32, #tpu.memory_space<hbm>> -> memref<1x8x1024xf32, #tpu.memory_space<hbm>>
    %dma_start3A_980 = tpu.memref_squeeze %dma_start3A_979 : memref<1x8x1024xf32, #tpu.memory_space<hbm>> -> memref<8x1024xf32, #tpu.memory_space<hbm>>
    %dma_start3A_981 = arith.constant 0 : i32
    %dma_start3A_982 = tpu.memref_slice %arg2[%dma_start3A_977, %add3A_976, %dma_start3A_981] : memref<4x2048x1024xf32, #tpu.memory_space<hbm>> -> memref<1x8x1024xf32, #tpu.memory_space<hbm>>
    %dma_start3A_983 = tpu.memref_squeeze %dma_start3A_982 : memref<1x8x1024xf32, #tpu.memory_space<hbm>> -> memref<8x1024xf32, #tpu.memory_space<hbm>>
    tpu.enqueue_dma source(%dma_start3A_983 : memref<8x1024xf32, #tpu.memory_space<hbm>>) target(%arg14 : memref<8x1024xf32, #tpu.memory_space<vmem>>) target_semaphore(%arg24 : memref<!tpu.dma_semaphore, #tpu.memory_space<semaphore_mem>>)
    %dma_wait3A_984 = arith.constant 0 : i32
    %dma_wait3A_985 = tpu.memref_slice %arg3[%add3A_804, %dma_wait3A_984] : memref<2048x1024xf32, #tpu.memory_space<hbm>> -> memref<8x1024xf32, #tpu.memory_space<hbm>>
    %dma_wait3A_986 = arith.constant 0 : i32
    %dma_wait3A_987 = tpu.memref_slice %arg3[%add3A_804, %dma_wait3A_986] : memref<2048x1024xf32, #tpu.memory_space<hbm>> -> memref<8x1024xf32, #tpu.memory_space<hbm>>
    tpu.wait_dma2 semaphore(%arg15 : memref<!tpu.dma_semaphore, #tpu.memory_space<semaphore_mem>>) src(%dma_wait3A_987 : memref<8x1024xf32, #tpu.memory_space<hbm>>) dst(%arg5 : memref<8x1024xf32, #tpu.memory_space<vmem>>)
    %dma_wait3A_988 = arith.constant 0 : i32
    %dma_wait3A_989 = arith.constant 0 : i32
    %dma_wait3A_990 = tpu.memref_slice %arg2[%dma_wait3A_988, %add3A_715, %dma_wait3A_989] : memref<4x2048x1024xf32, #tpu.memory_space<hbm>> -> memref<1x8x1024xf32, #tpu.memory_space<hbm>>
    %dma_wait3A_991 = tpu.memref_squeeze %dma_wait3A_990 : memref<1x8x1024xf32, #tpu.memory_space<hbm>> -> memref<8x1024xf32, #tpu.memory_space<hbm>>
    %dma_wait3A_992 = arith.constant 0 : i32
    %dma_wait3A_993 = tpu.memref_slice %arg2[%dma_wait3A_988, %add3A_715, %dma_wait3A_992] : memref<4x2048x1024xf32, #tpu.memory_space<hbm>> -> memref<1x8x1024xf32, #tpu.memory_space<hbm>>
    %dma_wait3A_994 = tpu.memref_squeeze %dma_wait3A_993 : memref<1x8x1024xf32, #tpu.memory_space<hbm>> -> memref<8x1024xf32, #tpu.memory_space<hbm>>
    tpu.wait_dma2 semaphore(%arg17 : memref<!tpu.dma_semaphore, #tpu.memory_space<semaphore_mem>>) src(%dma_wait3A_994 : memref<8x1024xf32, #tpu.memory_space<hbm>>) dst(%arg7 : memref<8x1024xf32, #tpu.memory_space<vmem>>)
    %parallel_loop3A_995 = arith.constant 0 : i32
    %parallel_loop3A_996 = arith.constant 512 : i32
    %parallel_loop3A_997 = arith.constant 1 : i32
    scf.for %parallel_loop3A_1200 = %parallel_loop3A_995 to %parallel_loop3A_996 step %parallel_loop3A_997  : i32 {
      %parallel_loop3A_1201 = arith.constant 64 : i32
      %parallel_loop3A_1202 = arith.divsi %parallel_loop3A_1200, %parallel_loop3A_1201 : i32
      %parallel_loop3A_1203 = arith.constant 0 : i32
      %parallel_loop3A_1204 = arith.cmpi sgt, %parallel_loop3A_1200, %parallel_loop3A_1203 : i32
      %parallel_loop3A_1205 = arith.extui %parallel_loop3A_1204 : i1 to i32
      %parallel_loop3A_1206 = arith.constant 0 : i32
      %parallel_loop3A_1207 = arith.cmpi slt, %parallel_loop3A_1200, %parallel_loop3A_1206 : i32
      %parallel_loop3A_1208 = arith.extui %parallel_loop3A_1207 : i1 to i32
      %parallel_loop3A_1209 = arith.subi %parallel_loop3A_1205, %parallel_loop3A_1208 : i32
      %parallel_loop3A_1210 = arith.constant 0 : i32
      %parallel_loop3A_1211 = arith.cmpi sgt, %parallel_loop3A_1201, %parallel_loop3A_1210 : i32
      %parallel_loop3A_1212 = arith.extui %parallel_loop3A_1211 : i1 to i32
      %parallel_loop3A_1213 = arith.constant 0 : i32
      %parallel_loop3A_1214 = arith.cmpi slt, %parallel_loop3A_1201, %parallel_loop3A_1213 : i32
      %parallel_loop3A_1215 = arith.extui %parallel_loop3A_1214 : i1 to i32
      %parallel_loop3A_1216 = arith.subi %parallel_loop3A_1212, %parallel_loop3A_1215 : i32
      %parallel_loop3A_1217 = arith.cmpi ne, %parallel_loop3A_1209, %parallel_loop3A_1216 : i32
      %parallel_loop3A_1218 = arith.remsi %parallel_loop3A_1200, %parallel_loop3A_1201 : i32
      %parallel_loop3A_1219 = arith.constant 0 : i32
      %parallel_loop3A_1220 = arith.cmpi ne, %parallel_loop3A_1218, %parallel_loop3A_1219 : i32
      %parallel_loop3A_1221 = arith.andi %parallel_loop3A_1217, %parallel_loop3A_1220 : i1
      %parallel_loop3A_1222 = arith.constant 1 : i32
      %parallel_loop3A_1223 = arith.subi %parallel_loop3A_1202, %parallel_loop3A_1222 : i32
      %parallel_loop3A_1224 = arith.select %parallel_loop3A_1221, %parallel_loop3A_1223, %parallel_loop3A_1202 : i32
      %parallel_loop3A_1225 = arith.constant 64 : i32
      %parallel_loop3A_1226 = arith.constant 0 : i32
      %parallel_loop3A_1227 = arith.cmpi eq, %parallel_loop3A_1225, %parallel_loop3A_1226 : i32
      %parallel_loop3A_1228 = arith.constant 1 : i32
      %parallel_loop3A_1229 = arith.select %parallel_loop3A_1227, %parallel_loop3A_1228, %parallel_loop3A_1225 : i32
      %parallel_loop3A_1230 = arith.remsi %parallel_loop3A_1200, %parallel_loop3A_1229 : i32
      %parallel_loop3A_1231 = arith.constant 0 : i32
      %parallel_loop3A_1232 = arith.cmpi ne, %parallel_loop3A_1230, %parallel_loop3A_1231 : i32
      %parallel_loop3A_1233 = arith.constant 0 : i32
      %parallel_loop3A_1234 = arith.cmpi slt, %parallel_loop3A_1230, %parallel_loop3A_1233 : i32
      %parallel_loop3A_1235 = arith.constant 0 : i32
      %parallel_loop3A_1236 = arith.cmpi slt, %parallel_loop3A_1229, %parallel_loop3A_1235 : i32
      %parallel_loop3A_1237 = arith.xori %parallel_loop3A_1234, %parallel_loop3A_1236 : i1
      %parallel_loop3A_1238 = arith.andi %parallel_loop3A_1237, %parallel_loop3A_1232 : i1
      %parallel_loop3A_1239 = arith.addi %parallel_loop3A_1230, %parallel_loop3A_1229 : i32
      %parallel_loop3A_1240 = arith.select %parallel_loop3A_1238, %parallel_loop3A_1239, %parallel_loop3A_1230 : i32
      %parallel_loop3A_1241 = arith.constant 16 : i32
      %parallel_loop3A_1242 = arith.muli %parallel_loop3A_1240, %parallel_loop3A_1241 : i32
      %parallel_loop3A_1243 = arith.index_cast %parallel_loop3A_1224 : i32 to index
      %parallel_loop3A_1244 = arith.index_cast %parallel_loop3A_1242 : i32 to index
      %parallel_loop3A_1245 = tpu.vector_load %arg5[%parallel_loop3A_1243, %parallel_loop3A_1244] {strides = array<i32>} : memref<8x1024xf32, #tpu.memory_space<vmem>>, vector<1x16xf32>,
      %parallel_loop3A_1246 = vector.shape_cast %parallel_loop3A_1245 : vector<1x16xf32> to vector<16xf32>
      %parallel_loop3A_1247 = arith.index_cast %parallel_loop3A_1224 : i32 to index
      %parallel_loop3A_1248 = arith.index_cast %parallel_loop3A_1242 : i32 to index
      %parallel_loop3A_1249 = tpu.vector_load %arg7[%parallel_loop3A_1247, %parallel_loop3A_1248] {strides = array<i32>} : memref<8x1024xf32, #tpu.memory_space<vmem>>, vector<1x16xf32>,
      %parallel_loop3A_1250 = vector.shape_cast %parallel_loop3A_1249 : vector<1x16xf32> to vector<16xf32>
      %parallel_loop3A_1251 = vector.shape_cast %parallel_loop3A_1246 : vector<16xf32> to vector<1x16xf32>
      tpu.vector_store %arg7[%parallel_loop3A_1247, %parallel_loop3A_1248], %parallel_loop3A_1251 {add = true, strides = array<i32>} : memref<8x1024xf32, #tpu.memory_space<vmem>>, vector<1x16xf32>,
    } {sc.loop_unroll_factor = 8 : i64, sc.parallel_access}
    %add3A_998 = arith.constant 48 : i32
    %add3A_999 = arith.addi %mul3A_2, %add3A_998 : i32
    %dma_start3A_1000 = arith.constant 0 : i32
    %dma_start3A_1001 = arith.constant 0 : i32
    %dma_start3A_1002 = tpu.memref_slice %arg4[%dma_start3A_1000, %add3A_999, %dma_start3A_1001] : memref<4x2048x1024xf32, #tpu.memory_space<hbm>> -> memref<1x8x1024xf32, #tpu.memory_space<hbm>>
    %dma_start3A_1003 = tpu.memref_squeeze %dma_start3A_1002 : memref<1x8x1024xf32, #tpu.memory_space<hbm>> -> memref<8x1024xf32, #tpu.memory_space<hbm>>
    %dma_start3A_1004 = arith.constant 0 : i32
    %dma_start3A_1005 = tpu.memref_slice %arg4[%dma_start3A_1000, %add3A_999, %dma_start3A_1004] : memref<4x2048x1024xf32, #tpu.memory_space<hbm>> -> memref<1x8x1024xf32, #tpu.memory_space<hbm>>
    %dma_start3A_1006 = tpu.memref_squeeze %dma_start3A_1005 : memref<1x8x1024xf32, #tpu.memory_space<hbm>> -> memref<8x1024xf32, #tpu.memory_space<hbm>>
    tpu.enqueue_dma source(%arg7 : memref<8x1024xf32, #tpu.memory_space<vmem>>) target(%dma_start3A_1006 : memref<8x1024xf32, #tpu.memory_space<hbm>>) target_semaphore(%arg25 : memref<!tpu.dma_semaphore, #tpu.memory_space<semaphore_mem>>)
    %dma_wait3A_1007 = arith.constant 1 : i32
    %dma_wait3A_1008 = arith.constant 0 : i32
    %dma_wait3A_1009 = tpu.memref_slice %arg2[%dma_wait3A_1007, %add3A_750, %dma_wait3A_1008] : memref<4x2048x1024xf32, #tpu.memory_space<hbm>> -> memref<1x8x1024xf32, #tpu.memory_space<hbm>>
    %dma_wait3A_1010 = tpu.memref_squeeze %dma_wait3A_1009 : memref<1x8x1024xf32, #tpu.memory_space<hbm>> -> memref<8x1024xf32, #tpu.memory_space<hbm>>
    %dma_wait3A_1011 = arith.constant 0 : i32
    %dma_wait3A_1012 = tpu.memref_slice %arg2[%dma_wait3A_1007, %add3A_750, %dma_wait3A_1011] : memref<4x2048x1024xf32, #tpu.memory_space<hbm>> -> memref<1x8x1024xf32, #tpu.memory_space<hbm>>
    %dma_wait3A_1013 = tpu.memref_squeeze %dma_wait3A_1012 : memref<1x8x1024xf32, #tpu.memory_space<hbm>> -> memref<8x1024xf32, #tpu.memory_space<hbm>>
    tpu.wait_dma2 semaphore(%arg18 : memref<!tpu.dma_semaphore, #tpu.memory_space<semaphore_mem>>) src(%dma_wait3A_1013 : memref<8x1024xf32, #tpu.memory_space<hbm>>) dst(%arg8 : memref<8x1024xf32, #tpu.memory_space<vmem>>)
    %parallel_loop3A_1014 = arith.constant 0 : i32
    %parallel_loop3A_1015 = arith.constant 512 : i32
    %parallel_loop3A_1016 = arith.constant 1 : i32
    scf.for %parallel_loop3A_1200 = %parallel_loop3A_1014 to %parallel_loop3A_1015 step %parallel_loop3A_1016  : i32 {
      %parallel_loop3A_1201 = arith.constant 64 : i32
      %parallel_loop3A_1202 = arith.divsi %parallel_loop3A_1200, %parallel_loop3A_1201 : i32
      %parallel_loop3A_1203 = arith.constant 0 : i32
      %parallel_loop3A_1204 = arith.cmpi sgt, %parallel_loop3A_1200, %parallel_loop3A_1203 : i32
      %parallel_loop3A_1205 = arith.extui %parallel_loop3A_1204 : i1 to i32
      %parallel_loop3A_1206 = arith.constant 0 : i32
      %parallel_loop3A_1207 = arith.cmpi slt, %parallel_loop3A_1200, %parallel_loop3A_1206 : i32
      %parallel_loop3A_1208 = arith.extui %parallel_loop3A_1207 : i1 to i32
      %parallel_loop3A_1209 = arith.subi %parallel_loop3A_1205, %parallel_loop3A_1208 : i32
      %parallel_loop3A_1210 = arith.constant 0 : i32
      %parallel_loop3A_1211 = arith.cmpi sgt, %parallel_loop3A_1201, %parallel_loop3A_1210 : i32
      %parallel_loop3A_1212 = arith.extui %parallel_loop3A_1211 : i1 to i32
      %parallel_loop3A_1213 = arith.constant 0 : i32
      %parallel_loop3A_1214 = arith.cmpi slt, %parallel_loop3A_1201, %parallel_loop3A_1213 : i32
      %parallel_loop3A_1215 = arith.extui %parallel_loop3A_1214 : i1 to i32
      %parallel_loop3A_1216 = arith.subi %parallel_loop3A_1212, %parallel_loop3A_1215 : i32
      %parallel_loop3A_1217 = arith.cmpi ne, %parallel_loop3A_1209, %parallel_loop3A_1216 : i32
      %parallel_loop3A_1218 = arith.remsi %parallel_loop3A_1200, %parallel_loop3A_1201 : i32
      %parallel_loop3A_1219 = arith.constant 0 : i32
      %parallel_loop3A_1220 = arith.cmpi ne, %parallel_loop3A_1218, %parallel_loop3A_1219 : i32
      %parallel_loop3A_1221 = arith.andi %parallel_loop3A_1217, %parallel_loop3A_1220 : i1
      %parallel_loop3A_1222 = arith.constant 1 : i32
      %parallel_loop3A_1223 = arith.subi %parallel_loop3A_1202, %parallel_loop3A_1222 : i32
      %parallel_loop3A_1224 = arith.select %parallel_loop3A_1221, %parallel_loop3A_1223, %parallel_loop3A_1202 : i32
      %parallel_loop3A_1225 = arith.constant 64 : i32
      %parallel_loop3A_1226 = arith.constant 0 : i32
      %parallel_loop3A_1227 = arith.cmpi eq, %parallel_loop3A_1225, %parallel_loop3A_1226 : i32
      %parallel_loop3A_1228 = arith.constant 1 : i32
      %parallel_loop3A_1229 = arith.select %parallel_loop3A_1227, %parallel_loop3A_1228, %parallel_loop3A_1225 : i32
      %parallel_loop3A_1230 = arith.remsi %parallel_loop3A_1200, %parallel_loop3A_1229 : i32
      %parallel_loop3A_1231 = arith.constant 0 : i32
      %parallel_loop3A_1232 = arith.cmpi ne, %parallel_loop3A_1230, %parallel_loop3A_1231 : i32
      %parallel_loop3A_1233 = arith.constant 0 : i32
      %parallel_loop3A_1234 = arith.cmpi slt, %parallel_loop3A_1230, %parallel_loop3A_1233 : i32
      %parallel_loop3A_1235 = arith.constant 0 : i32
      %parallel_loop3A_1236 = arith.cmpi slt, %parallel_loop3A_1229, %parallel_loop3A_1235 : i32
      %parallel_loop3A_1237 = arith.xori %parallel_loop3A_1234, %parallel_loop3A_1236 : i1
      %parallel_loop3A_1238 = arith.andi %parallel_loop3A_1237, %parallel_loop3A_1232 : i1
      %parallel_loop3A_1239 = arith.addi %parallel_loop3A_1230, %parallel_loop3A_1229 : i32
      %parallel_loop3A_1240 = arith.select %parallel_loop3A_1238, %parallel_loop3A_1239, %parallel_loop3A_1230 : i32
      %parallel_loop3A_1241 = arith.constant 16 : i32
      %parallel_loop3A_1242 = arith.muli %parallel_loop3A_1240, %parallel_loop3A_1241 : i32
      %parallel_loop3A_1243 = arith.index_cast %parallel_loop3A_1224 : i32 to index
      %parallel_loop3A_1244 = arith.index_cast %parallel_loop3A_1242 : i32 to index
      %parallel_loop3A_1245 = tpu.vector_load %arg5[%parallel_loop3A_1243, %parallel_loop3A_1244] {strides = array<i32>} : memref<8x1024xf32, #tpu.memory_space<vmem>>, vector<1x16xf32>,
      %parallel_loop3A_1246 = vector.shape_cast %parallel_loop3A_1245 : vector<1x16xf32> to vector<16xf32>
      %parallel_loop3A_1247 = arith.index_cast %parallel_loop3A_1224 : i32 to index
      %parallel_loop3A_1248 = arith.index_cast %parallel_loop3A_1242 : i32 to index
      %parallel_loop3A_1249 = tpu.vector_load %arg8[%parallel_loop3A_1247, %parallel_loop3A_1248] {strides = array<i32>} : memref<8x1024xf32, #tpu.memory_space<vmem>>, vector<1x16xf32>,
      %parallel_loop3A_1250 = vector.shape_cast %parallel_loop3A_1249 : vector<1x16xf32> to vector<16xf32>
      %parallel_loop3A_1251 = vector.shape_cast %parallel_loop3A_1246 : vector<16xf32> to vector<1x16xf32>
      tpu.vector_store %arg8[%parallel_loop3A_1247, %parallel_loop3A_1248], %parallel_loop3A_1251 {add = true, strides = array<i32>} : memref<8x1024xf32, #tpu.memory_space<vmem>>, vector<1x16xf32>,
    } {sc.loop_unroll_factor = 8 : i64, sc.parallel_access}
    %add3A_1017 = arith.constant 48 : i32
    %add3A_1018 = arith.addi %mul3A_2, %add3A_1017 : i32
    %dma_start3A_1019 = arith.constant 1 : i32
    %dma_start3A_1020 = arith.constant 0 : i32
    %dma_start3A_1021 = tpu.memref_slice %arg4[%dma_start3A_1019, %add3A_1018, %dma_start3A_1020] : memref<4x2048x1024xf32, #tpu.memory_space<hbm>> -> memref<1x8x1024xf32, #tpu.memory_space<hbm>>
    %dma_start3A_1022 = tpu.memref_squeeze %dma_start3A_1021 : memref<1x8x1024xf32, #tpu.memory_space<hbm>> -> memref<8x1024xf32, #tpu.memory_space<hbm>>
    %dma_start3A_1023 = arith.constant 0 : i32
    %dma_start3A_1024 = tpu.memref_slice %arg4[%dma_start3A_1019, %add3A_1018, %dma_start3A_1023] : memref<4x2048x1024xf32, #tpu.memory_space<hbm>> -> memref<1x8x1024xf32, #tpu.memory_space<hbm>>
    %dma_start3A_1025 = tpu.memref_squeeze %dma_start3A_1024 : memref<1x8x1024xf32, #tpu.memory_space<hbm>> -> memref<8x1024xf32, #tpu.memory_space<hbm>>
    tpu.enqueue_dma source(%arg8 : memref<8x1024xf32, #tpu.memory_space<vmem>>) target(%dma_start3A_1025 : memref<8x1024xf32, #tpu.memory_space<hbm>>) target_semaphore(%arg26 : memref<!tpu.dma_semaphore, #tpu.memory_space<semaphore_mem>>)
    %dma_wait3A_1026 = arith.constant 2 : i32
    %dma_wait3A_1027 = arith.constant 0 : i32
    %dma_wait3A_1028 = tpu.memref_slice %arg2[%dma_wait3A_1026, %add3A_785, %dma_wait3A_1027] : memref<4x2048x1024xf32, #tpu.memory_space<hbm>> -> memref<1x8x1024xf32, #tpu.memory_space<hbm>>
    %dma_wait3A_1029 = tpu.memref_squeeze %dma_wait3A_1028 : memref<1x8x1024xf32, #tpu.memory_space<hbm>> -> memref<8x1024xf32, #tpu.memory_space<hbm>>
    %dma_wait3A_1030 = arith.constant 0 : i32
    %dma_wait3A_1031 = tpu.memref_slice %arg2[%dma_wait3A_1026, %add3A_785, %dma_wait3A_1030] : memref<4x2048x1024xf32, #tpu.memory_space<hbm>> -> memref<1x8x1024xf32, #tpu.memory_space<hbm>>
    %dma_wait3A_1032 = tpu.memref_squeeze %dma_wait3A_1031 : memref<1x8x1024xf32, #tpu.memory_space<hbm>> -> memref<8x1024xf32, #tpu.memory_space<hbm>>
    tpu.wait_dma2 semaphore(%arg19 : memref<!tpu.dma_semaphore, #tpu.memory_space<semaphore_mem>>) src(%dma_wait3A_1032 : memref<8x1024xf32, #tpu.memory_space<hbm>>) dst(%arg9 : memref<8x1024xf32, #tpu.memory_space<vmem>>)
    %parallel_loop3A_1033 = arith.constant 0 : i32
    %parallel_loop3A_1034 = arith.constant 512 : i32
    %parallel_loop3A_1035 = arith.constant 1 : i32
    scf.for %parallel_loop3A_1200 = %parallel_loop3A_1033 to %parallel_loop3A_1034 step %parallel_loop3A_1035  : i32 {
      %parallel_loop3A_1201 = arith.constant 64 : i32
      %parallel_loop3A_1202 = arith.divsi %parallel_loop3A_1200, %parallel_loop3A_1201 : i32
      %parallel_loop3A_1203 = arith.constant 0 : i32
      %parallel_loop3A_1204 = arith.cmpi sgt, %parallel_loop3A_1200, %parallel_loop3A_1203 : i32
      %parallel_loop3A_1205 = arith.extui %parallel_loop3A_1204 : i1 to i32
      %parallel_loop3A_1206 = arith.constant 0 : i32
      %parallel_loop3A_1207 = arith.cmpi slt, %parallel_loop3A_1200, %parallel_loop3A_1206 : i32
      %parallel_loop3A_1208 = arith.extui %parallel_loop3A_1207 : i1 to i32
      %parallel_loop3A_1209 = arith.subi %parallel_loop3A_1205, %parallel_loop3A_1208 : i32
      %parallel_loop3A_1210 = arith.constant 0 : i32
      %parallel_loop3A_1211 = arith.cmpi sgt, %parallel_loop3A_1201, %parallel_loop3A_1210 : i32
      %parallel_loop3A_1212 = arith.extui %parallel_loop3A_1211 : i1 to i32
      %parallel_loop3A_1213 = arith.constant 0 : i32
      %parallel_loop3A_1214 = arith.cmpi slt, %parallel_loop3A_1201, %parallel_loop3A_1213 : i32
      %parallel_loop3A_1215 = arith.extui %parallel_loop3A_1214 : i1 to i32
      %parallel_loop3A_1216 = arith.subi %parallel_loop3A_1212, %parallel_loop3A_1215 : i32
      %parallel_loop3A_1217 = arith.cmpi ne, %parallel_loop3A_1209, %parallel_loop3A_1216 : i32
      %parallel_loop3A_1218 = arith.remsi %parallel_loop3A_1200, %parallel_loop3A_1201 : i32
      %parallel_loop3A_1219 = arith.constant 0 : i32
      %parallel_loop3A_1220 = arith.cmpi ne, %parallel_loop3A_1218, %parallel_loop3A_1219 : i32
      %parallel_loop3A_1221 = arith.andi %parallel_loop3A_1217, %parallel_loop3A_1220 : i1
      %parallel_loop3A_1222 = arith.constant 1 : i32
      %parallel_loop3A_1223 = arith.subi %parallel_loop3A_1202, %parallel_loop3A_1222 : i32
      %parallel_loop3A_1224 = arith.select %parallel_loop3A_1221, %parallel_loop3A_1223, %parallel_loop3A_1202 : i32
      %parallel_loop3A_1225 = arith.constant 64 : i32
      %parallel_loop3A_1226 = arith.constant 0 : i32
      %parallel_loop3A_1227 = arith.cmpi eq, %parallel_loop3A_1225, %parallel_loop3A_1226 : i32
      %parallel_loop3A_1228 = arith.constant 1 : i32
      %parallel_loop3A_1229 = arith.select %parallel_loop3A_1227, %parallel_loop3A_1228, %parallel_loop3A_1225 : i32
      %parallel_loop3A_1230 = arith.remsi %parallel_loop3A_1200, %parallel_loop3A_1229 : i32
      %parallel_loop3A_1231 = arith.constant 0 : i32
      %parallel_loop3A_1232 = arith.cmpi ne, %parallel_loop3A_1230, %parallel_loop3A_1231 : i32
      %parallel_loop3A_1233 = arith.constant 0 : i32
      %parallel_loop3A_1234 = arith.cmpi slt, %parallel_loop3A_1230, %parallel_loop3A_1233 : i32
      %parallel_loop3A_1235 = arith.constant 0 : i32
      %parallel_loop3A_1236 = arith.cmpi slt, %parallel_loop3A_1229, %parallel_loop3A_1235 : i32
      %parallel_loop3A_1237 = arith.xori %parallel_loop3A_1234, %parallel_loop3A_1236 : i1
      %parallel_loop3A_1238 = arith.andi %parallel_loop3A_1237, %parallel_loop3A_1232 : i1
      %parallel_loop3A_1239 = arith.addi %parallel_loop3A_1230, %parallel_loop3A_1229 : i32
      %parallel_loop3A_1240 = arith.select %parallel_loop3A_1238, %parallel_loop3A_1239, %parallel_loop3A_1230 : i32
      %parallel_loop3A_1241 = arith.constant 16 : i32
      %parallel_loop3A_1242 = arith.muli %parallel_loop3A_1240, %parallel_loop3A_1241 : i32
      %parallel_loop3A_1243 = arith.index_cast %parallel_loop3A_1224 : i32 to index
      %parallel_loop3A_1244 = arith.index_cast %parallel_loop3A_1242 : i32 to index
      %parallel_loop3A_1245 = tpu.vector_load %arg5[%parallel_loop3A_1243, %parallel_loop3A_1244] {strides = array<i32>} : memref<8x1024xf32, #tpu.memory_space<vmem>>, vector<1x16xf32>,
      %parallel_loop3A_1246 = vector.shape_cast %parallel_loop3A_1245 : vector<1x16xf32> to vector<16xf32>
      %parallel_loop3A_1247 = arith.index_cast %parallel_loop3A_1224 : i32 to index
      %parallel_loop3A_1248 = arith.index_cast %parallel_loop3A_1242 : i32 to index
      %parallel_loop3A_1249 = tpu.vector_load %arg9[%parallel_loop3A_1247, %parallel_loop3A_1248] {strides = array<i32>} : memref<8x1024xf32, #tpu.memory_space<vmem>>, vector<1x16xf32>,
      %parallel_loop3A_1250 = vector.shape_cast %parallel_loop3A_1249 : vector<1x16xf32> to vector<16xf32>
      %parallel_loop3A_1251 = vector.shape_cast %parallel_loop3A_1246 : vector<16xf32> to vector<1x16xf32>
      tpu.vector_store %arg9[%parallel_loop3A_1247, %parallel_loop3A_1248], %parallel_loop3A_1251 {add = true, strides = array<i32>} : memref<8x1024xf32, #tpu.memory_space<vmem>>, vector<1x16xf32>,
    } {sc.loop_unroll_factor = 8 : i64, sc.parallel_access}
    %add3A_1036 = arith.constant 48 : i32
    %add3A_1037 = arith.addi %mul3A_2, %add3A_1036 : i32
    %dma_start3A_1038 = arith.constant 2 : i32
    %dma_start3A_1039 = arith.constant 0 : i32
    %dma_start3A_1040 = tpu.memref_slice %arg4[%dma_start3A_1038, %add3A_1037, %dma_start3A_1039] : memref<4x2048x1024xf32, #tpu.memory_space<hbm>> -> memref<1x8x1024xf32, #tpu.memory_space<hbm>>
    %dma_start3A_1041 = tpu.memref_squeeze %dma_start3A_1040 : memref<1x8x1024xf32, #tpu.memory_space<hbm>> -> memref<8x1024xf32, #tpu.memory_space<hbm>>
    %dma_start3A_1042 = arith.constant 0 : i32
    %dma_start3A_1043 = tpu.memref_slice %arg4[%dma_start3A_1038, %add3A_1037, %dma_start3A_1042] : memref<4x2048x1024xf32, #tpu.memory_space<hbm>> -> memref<1x8x1024xf32, #tpu.memory_space<hbm>>
    %dma_start3A_1044 = tpu.memref_squeeze %dma_start3A_1043 : memref<1x8x1024xf32, #tpu.memory_space<hbm>> -> memref<8x1024xf32, #tpu.memory_space<hbm>>
    tpu.enqueue_dma source(%arg9 : memref<8x1024xf32, #tpu.memory_space<vmem>>) target(%dma_start3A_1044 : memref<8x1024xf32, #tpu.memory_space<hbm>>) target_semaphore(%arg27 : memref<!tpu.dma_semaphore, #tpu.memory_space<semaphore_mem>>)
    %dma_wait3A_1045 = arith.constant 3 : i32
    %dma_wait3A_1046 = arith.constant 0 : i32
    %dma_wait3A_1047 = tpu.memref_slice %arg2[%dma_wait3A_1045, %add3A_826, %dma_wait3A_1046] : memref<4x2048x1024xf32, #tpu.memory_space<hbm>> -> memref<1x8x1024xf32, #tpu.memory_space<hbm>>
    %dma_wait3A_1048 = tpu.memref_squeeze %dma_wait3A_1047 : memref<1x8x1024xf32, #tpu.memory_space<hbm>> -> memref<8x1024xf32, #tpu.memory_space<hbm>>
    %dma_wait3A_1049 = arith.constant 0 : i32
    %dma_wait3A_1050 = tpu.memref_slice %arg2[%dma_wait3A_1045, %add3A_826, %dma_wait3A_1049] : memref<4x2048x1024xf32, #tpu.memory_space<hbm>> -> memref<1x8x1024xf32, #tpu.memory_space<hbm>>
    %dma_wait3A_1051 = tpu.memref_squeeze %dma_wait3A_1050 : memref<1x8x1024xf32, #tpu.memory_space<hbm>> -> memref<8x1024xf32, #tpu.memory_space<hbm>>
    tpu.wait_dma2 semaphore(%arg20 : memref<!tpu.dma_semaphore, #tpu.memory_space<semaphore_mem>>) src(%dma_wait3A_1051 : memref<8x1024xf32, #tpu.memory_space<hbm>>) dst(%arg10 : memref<8x1024xf32, #tpu.memory_space<vmem>>)
    %parallel_loop3A_1052 = arith.constant 0 : i32
    %parallel_loop3A_1053 = arith.constant 512 : i32
    %parallel_loop3A_1054 = arith.constant 1 : i32
    scf.for %parallel_loop3A_1200 = %parallel_loop3A_1052 to %parallel_loop3A_1053 step %parallel_loop3A_1054  : i32 {
      %parallel_loop3A_1201 = arith.constant 64 : i32
      %parallel_loop3A_1202 = arith.divsi %parallel_loop3A_1200, %parallel_loop3A_1201 : i32
      %parallel_loop3A_1203 = arith.constant 0 : i32
      %parallel_loop3A_1204 = arith.cmpi sgt, %parallel_loop3A_1200, %parallel_loop3A_1203 : i32
      %parallel_loop3A_1205 = arith.extui %parallel_loop3A_1204 : i1 to i32
      %parallel_loop3A_1206 = arith.constant 0 : i32
      %parallel_loop3A_1207 = arith.cmpi slt, %parallel_loop3A_1200, %parallel_loop3A_1206 : i32
      %parallel_loop3A_1208 = arith.extui %parallel_loop3A_1207 : i1 to i32
      %parallel_loop3A_1209 = arith.subi %parallel_loop3A_1205, %parallel_loop3A_1208 : i32
      %parallel_loop3A_1210 = arith.constant 0 : i32
      %parallel_loop3A_1211 = arith.cmpi sgt, %parallel_loop3A_1201, %parallel_loop3A_1210 : i32
      %parallel_loop3A_1212 = arith.extui %parallel_loop3A_1211 : i1 to i32
      %parallel_loop3A_1213 = arith.constant 0 : i32
      %parallel_loop3A_1214 = arith.cmpi slt, %parallel_loop3A_1201, %parallel_loop3A_1213 : i32
      %parallel_loop3A_1215 = arith.extui %parallel_loop3A_1214 : i1 to i32
      %parallel_loop3A_1216 = arith.subi %parallel_loop3A_1212, %parallel_loop3A_1215 : i32
      %parallel_loop3A_1217 = arith.cmpi ne, %parallel_loop3A_1209, %parallel_loop3A_1216 : i32
      %parallel_loop3A_1218 = arith.remsi %parallel_loop3A_1200, %parallel_loop3A_1201 : i32
      %parallel_loop3A_1219 = arith.constant 0 : i32
      %parallel_loop3A_1220 = arith.cmpi ne, %parallel_loop3A_1218, %parallel_loop3A_1219 : i32
      %parallel_loop3A_1221 = arith.andi %parallel_loop3A_1217, %parallel_loop3A_1220 : i1
      %parallel_loop3A_1222 = arith.constant 1 : i32
      %parallel_loop3A_1223 = arith.subi %parallel_loop3A_1202, %parallel_loop3A_1222 : i32
      %parallel_loop3A_1224 = arith.select %parallel_loop3A_1221, %parallel_loop3A_1223, %parallel_loop3A_1202 : i32
      %parallel_loop3A_1225 = arith.constant 64 : i32
      %parallel_loop3A_1226 = arith.constant 0 : i32
      %parallel_loop3A_1227 = arith.cmpi eq, %parallel_loop3A_1225, %parallel_loop3A_1226 : i32
      %parallel_loop3A_1228 = arith.constant 1 : i32
      %parallel_loop3A_1229 = arith.select %parallel_loop3A_1227, %parallel_loop3A_1228, %parallel_loop3A_1225 : i32
      %parallel_loop3A_1230 = arith.remsi %parallel_loop3A_1200, %parallel_loop3A_1229 : i32
      %parallel_loop3A_1231 = arith.constant 0 : i32
      %parallel_loop3A_1232 = arith.cmpi ne, %parallel_loop3A_1230, %parallel_loop3A_1231 : i32
      %parallel_loop3A_1233 = arith.constant 0 : i32
      %parallel_loop3A_1234 = arith.cmpi slt, %parallel_loop3A_1230, %parallel_loop3A_1233 : i32
      %parallel_loop3A_1235 = arith.constant 0 : i32
      %parallel_loop3A_1236 = arith.cmpi slt, %parallel_loop3A_1229, %parallel_loop3A_1235 : i32
      %parallel_loop3A_1237 = arith.xori %parallel_loop3A_1234, %parallel_loop3A_1236 : i1
      %parallel_loop3A_1238 = arith.andi %parallel_loop3A_1237, %parallel_loop3A_1232 : i1
      %parallel_loop3A_1239 = arith.addi %parallel_loop3A_1230, %parallel_loop3A_1229 : i32
      %parallel_loop3A_1240 = arith.select %parallel_loop3A_1238, %parallel_loop3A_1239, %parallel_loop3A_1230 : i32
      %parallel_loop3A_1241 = arith.constant 16 : i32
      %parallel_loop3A_1242 = arith.muli %parallel_loop3A_1240, %parallel_loop3A_1241 : i32
      %parallel_loop3A_1243 = arith.index_cast %parallel_loop3A_1224 : i32 to index
      %parallel_loop3A_1244 = arith.index_cast %parallel_loop3A_1242 : i32 to index
      %parallel_loop3A_1245 = tpu.vector_load %arg5[%parallel_loop3A_1243, %parallel_loop3A_1244] {strides = array<i32>} : memref<8x1024xf32, #tpu.memory_space<vmem>>, vector<1x16xf32>,
      %parallel_loop3A_1246 = vector.shape_cast %parallel_loop3A_1245 : vector<1x16xf32> to vector<16xf32>
      %parallel_loop3A_1247 = arith.index_cast %parallel_loop3A_1224 : i32 to index
      %parallel_loop3A_1248 = arith.index_cast %parallel_loop3A_1242 : i32 to index
      %parallel_loop3A_1249 = tpu.vector_load %arg10[%parallel_loop3A_1247, %parallel_loop3A_1248] {strides = array<i32>} : memref<8x1024xf32, #tpu.memory_space<vmem>>, vector<1x16xf32>,
      %parallel_loop3A_1250 = vector.shape_cast %parallel_loop3A_1249 : vector<1x16xf32> to vector<16xf32>
      %parallel_loop3A_1251 = vector.shape_cast %parallel_loop3A_1246 : vector<16xf32> to vector<1x16xf32>
      tpu.vector_store %arg10[%parallel_loop3A_1247, %parallel_loop3A_1248], %parallel_loop3A_1251 {add = true, strides = array<i32>} : memref<8x1024xf32, #tpu.memory_space<vmem>>, vector<1x16xf32>,
    } {sc.loop_unroll_factor = 8 : i64, sc.parallel_access}
    %add3A_1055 = arith.constant 48 : i32
    %add3A_1056 = arith.addi %mul3A_2, %add3A_1055 : i32
    %dma_start3A_1057 = arith.constant 3 : i32
    %dma_start3A_1058 = arith.constant 0 : i32
    %dma_start3A_1059 = tpu.memref_slice %arg4[%dma_start3A_1057, %add3A_1056, %dma_start3A_1058] : memref<4x2048x1024xf32, #tpu.memory_space<hbm>> -> memref<1x8x1024xf32, #tpu.memory_space<hbm>>
    %dma_start3A_1060 = tpu.memref_squeeze %dma_start3A_1059 : memref<1x8x1024xf32, #tpu.memory_space<hbm>> -> memref<8x1024xf32, #tpu.memory_space<hbm>>
    %dma_start3A_1061 = arith.constant 0 : i32
    %dma_start3A_1062 = tpu.memref_slice %arg4[%dma_start3A_1057, %add3A_1056, %dma_start3A_1061] : memref<4x2048x1024xf32, #tpu.memory_space<hbm>> -> memref<1x8x1024xf32, #tpu.memory_space<hbm>>
    %dma_start3A_1063 = tpu.memref_squeeze %dma_start3A_1062 : memref<1x8x1024xf32, #tpu.memory_space<hbm>> -> memref<8x1024xf32, #tpu.memory_space<hbm>>
    tpu.enqueue_dma source(%arg10 : memref<8x1024xf32, #tpu.memory_space<vmem>>) target(%dma_start3A_1063 : memref<8x1024xf32, #tpu.memory_space<hbm>>) target_semaphore(%arg28 : memref<!tpu.dma_semaphore, #tpu.memory_space<semaphore_mem>>)
    %dma_wait3A_1064 = arith.constant 0 : i32
    %dma_wait3A_1065 = tpu.memref_slice %arg3[%add3A_954, %dma_wait3A_1064] : memref<2048x1024xf32, #tpu.memory_space<hbm>> -> memref<8x1024xf32, #tpu.memory_space<hbm>>
    %dma_wait3A_1066 = arith.constant 0 : i32
    %dma_wait3A_1067 = tpu.memref_slice %arg3[%add3A_954, %dma_wait3A_1066] : memref<2048x1024xf32, #tpu.memory_space<hbm>> -> memref<8x1024xf32, #tpu.memory_space<hbm>>
    tpu.wait_dma2 semaphore(%arg16 : memref<!tpu.dma_semaphore, #tpu.memory_space<semaphore_mem>>) src(%dma_wait3A_1067 : memref<8x1024xf32, #tpu.memory_space<hbm>>) dst(%arg6 : memref<8x1024xf32, #tpu.memory_space<vmem>>)
    %dma_wait3A_1068 = arith.constant 0 : i32
    %dma_wait3A_1069 = arith.constant 0 : i32
    %dma_wait3A_1070 = tpu.memref_slice %arg2[%dma_wait3A_1068, %add3A_865, %dma_wait3A_1069] : memref<4x2048x1024xf32, #tpu.memory_space<hbm>> -> memref<1x8x1024xf32, #tpu.memory_space<hbm>>
    %dma_wait3A_1071 = tpu.memref_squeeze %dma_wait3A_1070 : memref<1x8x1024xf32, #tpu.memory_space<hbm>> -> memref<8x1024xf32, #tpu.memory_space<hbm>>
    %dma_wait3A_1072 = arith.constant 0 : i32
    %dma_wait3A_1073 = tpu.memref_slice %arg2[%dma_wait3A_1068, %add3A_865, %dma_wait3A_1072] : memref<4x2048x1024xf32, #tpu.memory_space<hbm>> -> memref<1x8x1024xf32, #tpu.memory_space<hbm>>
    %dma_wait3A_1074 = tpu.memref_squeeze %dma_wait3A_1073 : memref<1x8x1024xf32, #tpu.memory_space<hbm>> -> memref<8x1024xf32, #tpu.memory_space<hbm>>
    tpu.wait_dma2 semaphore(%arg21 : memref<!tpu.dma_semaphore, #tpu.memory_space<semaphore_mem>>) src(%dma_wait3A_1074 : memref<8x1024xf32, #tpu.memory_space<hbm>>) dst(%arg11 : memref<8x1024xf32, #tpu.memory_space<vmem>>)
    %parallel_loop3A_1075 = arith.constant 0 : i32
    %parallel_loop3A_1076 = arith.constant 512 : i32
    %parallel_loop3A_1077 = arith.constant 1 : i32
    scf.for %parallel_loop3A_1200 = %parallel_loop3A_1075 to %parallel_loop3A_1076 step %parallel_loop3A_1077  : i32 {
      %parallel_loop3A_1201 = arith.constant 64 : i32
      %parallel_loop3A_1202 = arith.divsi %parallel_loop3A_1200, %parallel_loop3A_1201 : i32
      %parallel_loop3A_1203 = arith.constant 0 : i32
      %parallel_loop3A_1204 = arith.cmpi sgt, %parallel_loop3A_1200, %parallel_loop3A_1203 : i32
      %parallel_loop3A_1205 = arith.extui %parallel_loop3A_1204 : i1 to i32
      %parallel_loop3A_1206 = arith.constant 0 : i32
      %parallel_loop3A_1207 = arith.cmpi slt, %parallel_loop3A_1200, %parallel_loop3A_1206 : i32
      %parallel_loop3A_1208 = arith.extui %parallel_loop3A_1207 : i1 to i32
      %parallel_loop3A_1209 = arith.subi %parallel_loop3A_1205, %parallel_loop3A_1208 : i32
      %parallel_loop3A_1210 = arith.constant 0 : i32
      %parallel_loop3A_1211 = arith.cmpi sgt, %parallel_loop3A_1201, %parallel_loop3A_1210 : i32
      %parallel_loop3A_1212 = arith.extui %parallel_loop3A_1211 : i1 to i32
      %parallel_loop3A_1213 = arith.constant 0 : i32
      %parallel_loop3A_1214 = arith.cmpi slt, %parallel_loop3A_1201, %parallel_loop3A_1213 : i32
      %parallel_loop3A_1215 = arith.extui %parallel_loop3A_1214 : i1 to i32
      %parallel_loop3A_1216 = arith.subi %parallel_loop3A_1212, %parallel_loop3A_1215 : i32
      %parallel_loop3A_1217 = arith.cmpi ne, %parallel_loop3A_1209, %parallel_loop3A_1216 : i32
      %parallel_loop3A_1218 = arith.remsi %parallel_loop3A_1200, %parallel_loop3A_1201 : i32
      %parallel_loop3A_1219 = arith.constant 0 : i32
      %parallel_loop3A_1220 = arith.cmpi ne, %parallel_loop3A_1218, %parallel_loop3A_1219 : i32
      %parallel_loop3A_1221 = arith.andi %parallel_loop3A_1217, %parallel_loop3A_1220 : i1
      %parallel_loop3A_1222 = arith.constant 1 : i32
      %parallel_loop3A_1223 = arith.subi %parallel_loop3A_1202, %parallel_loop3A_1222 : i32
      %parallel_loop3A_1224 = arith.select %parallel_loop3A_1221, %parallel_loop3A_1223, %parallel_loop3A_1202 : i32
      %parallel_loop3A_1225 = arith.constant 64 : i32
      %parallel_loop3A_1226 = arith.constant 0 : i32
      %parallel_loop3A_1227 = arith.cmpi eq, %parallel_loop3A_1225, %parallel_loop3A_1226 : i32
      %parallel_loop3A_1228 = arith.constant 1 : i32
      %parallel_loop3A_1229 = arith.select %parallel_loop3A_1227, %parallel_loop3A_1228, %parallel_loop3A_1225 : i32
      %parallel_loop3A_1230 = arith.remsi %parallel_loop3A_1200, %parallel_loop3A_1229 : i32
      %parallel_loop3A_1231 = arith.constant 0 : i32
      %parallel_loop3A_1232 = arith.cmpi ne, %parallel_loop3A_1230, %parallel_loop3A_1231 : i32
      %parallel_loop3A_1233 = arith.constant 0 : i32
      %parallel_loop3A_1234 = arith.cmpi slt, %parallel_loop3A_1230, %parallel_loop3A_1233 : i32
      %parallel_loop3A_1235 = arith.constant 0 : i32
      %parallel_loop3A_1236 = arith.cmpi slt, %parallel_loop3A_1229, %parallel_loop3A_1235 : i32
      %parallel_loop3A_1237 = arith.xori %parallel_loop3A_1234, %parallel_loop3A_1236 : i1
      %parallel_loop3A_1238 = arith.andi %parallel_loop3A_1237, %parallel_loop3A_1232 : i1
      %parallel_loop3A_1239 = arith.addi %parallel_loop3A_1230, %parallel_loop3A_1229 : i32
      %parallel_loop3A_1240 = arith.select %parallel_loop3A_1238, %parallel_loop3A_1239, %parallel_loop3A_1230 : i32
      %parallel_loop3A_1241 = arith.constant 16 : i32
      %parallel_loop3A_1242 = arith.muli %parallel_loop3A_1240, %parallel_loop3A_1241 : i32
      %parallel_loop3A_1243 = arith.index_cast %parallel_loop3A_1224 : i32 to index
      %parallel_loop3A_1244 = arith.index_cast %parallel_loop3A_1242 : i32 to index
      %parallel_loop3A_1245 = tpu.vector_load %arg6[%parallel_loop3A_1243, %parallel_loop3A_1244] {strides = array<i32>} : memref<8x1024xf32, #tpu.memory_space<vmem>>, vector<1x16xf32>,
      %parallel_loop3A_1246 = vector.shape_cast %parallel_loop3A_1245 : vector<1x16xf32> to vector<16xf32>
      %parallel_loop3A_1247 = arith.index_cast %parallel_loop3A_1224 : i32 to index
      %parallel_loop3A_1248 = arith.index_cast %parallel_loop3A_1242 : i32 to index
      %parallel_loop3A_1249 = tpu.vector_load %arg11[%parallel_loop3A_1247, %parallel_loop3A_1248] {strides = array<i32>} : memref<8x1024xf32, #tpu.memory_space<vmem>>, vector<1x16xf32>,
      %parallel_loop3A_1250 = vector.shape_cast %parallel_loop3A_1249 : vector<1x16xf32> to vector<16xf32>
      %parallel_loop3A_1251 = vector.shape_cast %parallel_loop3A_1246 : vector<16xf32> to vector<1x16xf32>
      tpu.vector_store %arg11[%parallel_loop3A_1247, %parallel_loop3A_1248], %parallel_loop3A_1251 {add = true, strides = array<i32>} : memref<8x1024xf32, #tpu.memory_space<vmem>>, vector<1x16xf32>,
    } {sc.loop_unroll_factor = 8 : i64, sc.parallel_access}
    %add3A_1078 = arith.constant 56 : i32
    %add3A_1079 = arith.addi %mul3A_2, %add3A_1078 : i32
    %dma_start3A_1080 = arith.constant 0 : i32
    %dma_start3A_1081 = arith.constant 0 : i32
    %dma_start3A_1082 = tpu.memref_slice %arg4[%dma_start3A_1080, %add3A_1079, %dma_start3A_1081] : memref<4x2048x1024xf32, #tpu.memory_space<hbm>> -> memref<1x8x1024xf32, #tpu.memory_space<hbm>>
    %dma_start3A_1083 = tpu.memref_squeeze %dma_start3A_1082 : memref<1x8x1024xf32, #tpu.memory_space<hbm>> -> memref<8x1024xf32, #tpu.memory_space<hbm>>
    %dma_start3A_1084 = arith.constant 0 : i32
    %dma_start3A_1085 = tpu.memref_slice %arg4[%dma_start3A_1080, %add3A_1079, %dma_start3A_1084] : memref<4x2048x1024xf32, #tpu.memory_space<hbm>> -> memref<1x8x1024xf32, #tpu.memory_space<hbm>>
    %dma_start3A_1086 = tpu.memref_squeeze %dma_start3A_1085 : memref<1x8x1024xf32, #tpu.memory_space<hbm>> -> memref<8x1024xf32, #tpu.memory_space<hbm>>
    tpu.enqueue_dma source(%arg11 : memref<8x1024xf32, #tpu.memory_space<vmem>>) target(%dma_start3A_1086 : memref<8x1024xf32, #tpu.memory_space<hbm>>) target_semaphore(%arg29 : memref<!tpu.dma_semaphore, #tpu.memory_space<semaphore_mem>>)
    %dma_wait3A_1087 = arith.constant 1 : i32
    %dma_wait3A_1088 = arith.constant 0 : i32
    %dma_wait3A_1089 = tpu.memref_slice %arg2[%dma_wait3A_1087, %add3A_900, %dma_wait3A_1088] : memref<4x2048x1024xf32, #tpu.memory_space<hbm>> -> memref<1x8x1024xf32, #tpu.memory_space<hbm>>
    %dma_wait3A_1090 = tpu.memref_squeeze %dma_wait3A_1089 : memref<1x8x1024xf32, #tpu.memory_space<hbm>> -> memref<8x1024xf32, #tpu.memory_space<hbm>>
    %dma_wait3A_1091 = arith.constant 0 : i32
    %dma_wait3A_1092 = tpu.memref_slice %arg2[%dma_wait3A_1087, %add3A_900, %dma_wait3A_1091] : memref<4x2048x1024xf32, #tpu.memory_space<hbm>> -> memref<1x8x1024xf32, #tpu.memory_space<hbm>>
    %dma_wait3A_1093 = tpu.memref_squeeze %dma_wait3A_1092 : memref<1x8x1024xf32, #tpu.memory_space<hbm>> -> memref<8x1024xf32, #tpu.memory_space<hbm>>
    tpu.wait_dma2 semaphore(%arg22 : memref<!tpu.dma_semaphore, #tpu.memory_space<semaphore_mem>>) src(%dma_wait3A_1093 : memref<8x1024xf32, #tpu.memory_space<hbm>>) dst(%arg12 : memref<8x1024xf32, #tpu.memory_space<vmem>>)
    %parallel_loop3A_1094 = arith.constant 0 : i32
    %parallel_loop3A_1095 = arith.constant 512 : i32
    %parallel_loop3A_1096 = arith.constant 1 : i32
    scf.for %parallel_loop3A_1200 = %parallel_loop3A_1094 to %parallel_loop3A_1095 step %parallel_loop3A_1096  : i32 {
      %parallel_loop3A_1201 = arith.constant 64 : i32
      %parallel_loop3A_1202 = arith.divsi %parallel_loop3A_1200, %parallel_loop3A_1201 : i32
      %parallel_loop3A_1203 = arith.constant 0 : i32
      %parallel_loop3A_1204 = arith.cmpi sgt, %parallel_loop3A_1200, %parallel_loop3A_1203 : i32
      %parallel_loop3A_1205 = arith.extui %parallel_loop3A_1204 : i1 to i32
      %parallel_loop3A_1206 = arith.constant 0 : i32
      %parallel_loop3A_1207 = arith.cmpi slt, %parallel_loop3A_1200, %parallel_loop3A_1206 : i32
      %parallel_loop3A_1208 = arith.extui %parallel_loop3A_1207 : i1 to i32
      %parallel_loop3A_1209 = arith.subi %parallel_loop3A_1205, %parallel_loop3A_1208 : i32
      %parallel_loop3A_1210 = arith.constant 0 : i32
      %parallel_loop3A_1211 = arith.cmpi sgt, %parallel_loop3A_1201, %parallel_loop3A_1210 : i32
      %parallel_loop3A_1212 = arith.extui %parallel_loop3A_1211 : i1 to i32
      %parallel_loop3A_1213 = arith.constant 0 : i32
      %parallel_loop3A_1214 = arith.cmpi slt, %parallel_loop3A_1201, %parallel_loop3A_1213 : i32
      %parallel_loop3A_1215 = arith.extui %parallel_loop3A_1214 : i1 to i32
      %parallel_loop3A_1216 = arith.subi %parallel_loop3A_1212, %parallel_loop3A_1215 : i32
      %parallel_loop3A_1217 = arith.cmpi ne, %parallel_loop3A_1209, %parallel_loop3A_1216 : i32
      %parallel_loop3A_1218 = arith.remsi %parallel_loop3A_1200, %parallel_loop3A_1201 : i32
      %parallel_loop3A_1219 = arith.constant 0 : i32
      %parallel_loop3A_1220 = arith.cmpi ne, %parallel_loop3A_1218, %parallel_loop3A_1219 : i32
      %parallel_loop3A_1221 = arith.andi %parallel_loop3A_1217, %parallel_loop3A_1220 : i1
      %parallel_loop3A_1222 = arith.constant 1 : i32
      %parallel_loop3A_1223 = arith.subi %parallel_loop3A_1202, %parallel_loop3A_1222 : i32
      %parallel_loop3A_1224 = arith.select %parallel_loop3A_1221, %parallel_loop3A_1223, %parallel_loop3A_1202 : i32
      %parallel_loop3A_1225 = arith.constant 64 : i32
      %parallel_loop3A_1226 = arith.constant 0 : i32
      %parallel_loop3A_1227 = arith.cmpi eq, %parallel_loop3A_1225, %parallel_loop3A_1226 : i32
      %parallel_loop3A_1228 = arith.constant 1 : i32
      %parallel_loop3A_1229 = arith.select %parallel_loop3A_1227, %parallel_loop3A_1228, %parallel_loop3A_1225 : i32
      %parallel_loop3A_1230 = arith.remsi %parallel_loop3A_1200, %parallel_loop3A_1229 : i32
      %parallel_loop3A_1231 = arith.constant 0 : i32
      %parallel_loop3A_1232 = arith.cmpi ne, %parallel_loop3A_1230, %parallel_loop3A_1231 : i32
      %parallel_loop3A_1233 = arith.constant 0 : i32
      %parallel_loop3A_1234 = arith.cmpi slt, %parallel_loop3A_1230, %parallel_loop3A_1233 : i32
      %parallel_loop3A_1235 = arith.constant 0 : i32
      %parallel_loop3A_1236 = arith.cmpi slt, %parallel_loop3A_1229, %parallel_loop3A_1235 : i32
      %parallel_loop3A_1237 = arith.xori %parallel_loop3A_1234, %parallel_loop3A_1236 : i1
      %parallel_loop3A_1238 = arith.andi %parallel_loop3A_1237, %parallel_loop3A_1232 : i1
      %parallel_loop3A_1239 = arith.addi %parallel_loop3A_1230, %parallel_loop3A_1229 : i32
      %parallel_loop3A_1240 = arith.select %parallel_loop3A_1238, %parallel_loop3A_1239, %parallel_loop3A_1230 : i32
      %parallel_loop3A_1241 = arith.constant 16 : i32
      %parallel_loop3A_1242 = arith.muli %parallel_loop3A_1240, %parallel_loop3A_1241 : i32
      %parallel_loop3A_1243 = arith.index_cast %parallel_loop3A_1224 : i32 to index
      %parallel_loop3A_1244 = arith.index_cast %parallel_loop3A_1242 : i32 to index
      %parallel_loop3A_1245 = tpu.vector_load %arg6[%parallel_loop3A_1243, %parallel_loop3A_1244] {strides = array<i32>} : memref<8x1024xf32, #tpu.memory_space<vmem>>, vector<1x16xf32>,
      %parallel_loop3A_1246 = vector.shape_cast %parallel_loop3A_1245 : vector<1x16xf32> to vector<16xf32>
      %parallel_loop3A_1247 = arith.index_cast %parallel_loop3A_1224 : i32 to index
      %parallel_loop3A_1248 = arith.index_cast %parallel_loop3A_1242 : i32 to index
      %parallel_loop3A_1249 = tpu.vector_load %arg12[%parallel_loop3A_1247, %parallel_loop3A_1248] {strides = array<i32>} : memref<8x1024xf32, #tpu.memory_space<vmem>>, vector<1x16xf32>,
      %parallel_loop3A_1250 = vector.shape_cast %parallel_loop3A_1249 : vector<1x16xf32> to vector<16xf32>
      %parallel_loop3A_1251 = vector.shape_cast %parallel_loop3A_1246 : vector<16xf32> to vector<1x16xf32>
      tpu.vector_store %arg12[%parallel_loop3A_1247, %parallel_loop3A_1248], %parallel_loop3A_1251 {add = true, strides = array<i32>} : memref<8x1024xf32, #tpu.memory_space<vmem>>, vector<1x16xf32>,
    } {sc.loop_unroll_factor = 8 : i64, sc.parallel_access}
    %add3A_1097 = arith.constant 56 : i32
    %add3A_1098 = arith.addi %mul3A_2, %add3A_1097 : i32
    %dma_start3A_1099 = arith.constant 1 : i32
    %dma_start3A_1100 = arith.constant 0 : i32
    %dma_start3A_1101 = tpu.memref_slice %arg4[%dma_start3A_1099, %add3A_1098, %dma_start3A_1100] : memref<4x2048x1024xf32, #tpu.memory_space<hbm>> -> memref<1x8x1024xf32, #tpu.memory_space<hbm>>
    %dma_start3A_1102 = tpu.memref_squeeze %dma_start3A_1101 : memref<1x8x1024xf32, #tpu.memory_space<hbm>> -> memref<8x1024xf32, #tpu.memory_space<hbm>>
    %dma_start3A_1103 = arith.constant 0 : i32
    %dma_start3A_1104 = tpu.memref_slice %arg4[%dma_start3A_1099, %add3A_1098, %dma_start3A_1103] : memref<4x2048x1024xf32, #tpu.memory_space<hbm>> -> memref<1x8x1024xf32, #tpu.memory_space<hbm>>
    %dma_start3A_1105 = tpu.memref_squeeze %dma_start3A_1104 : memref<1x8x1024xf32, #tpu.memory_space<hbm>> -> memref<8x1024xf32, #tpu.memory_space<hbm>>
    tpu.enqueue_dma source(%arg12 : memref<8x1024xf32, #tpu.memory_space<vmem>>) target(%dma_start3A_1105 : memref<8x1024xf32, #tpu.memory_space<hbm>>) target_semaphore(%arg30 : memref<!tpu.dma_semaphore, #tpu.memory_space<semaphore_mem>>)
    %dma_wait3A_1106 = arith.constant 2 : i32
    %dma_wait3A_1107 = arith.constant 0 : i32
    %dma_wait3A_1108 = tpu.memref_slice %arg2[%dma_wait3A_1106, %add3A_935, %dma_wait3A_1107] : memref<4x2048x1024xf32, #tpu.memory_space<hbm>> -> memref<1x8x1024xf32, #tpu.memory_space<hbm>>
    %dma_wait3A_1109 = tpu.memref_squeeze %dma_wait3A_1108 : memref<1x8x1024xf32, #tpu.memory_space<hbm>> -> memref<8x1024xf32, #tpu.memory_space<hbm>>
    %dma_wait3A_1110 = arith.constant 0 : i32
    %dma_wait3A_1111 = tpu.memref_slice %arg2[%dma_wait3A_1106, %add3A_935, %dma_wait3A_1110] : memref<4x2048x1024xf32, #tpu.memory_space<hbm>> -> memref<1x8x1024xf32, #tpu.memory_space<hbm>>
    %dma_wait3A_1112 = tpu.memref_squeeze %dma_wait3A_1111 : memref<1x8x1024xf32, #tpu.memory_space<hbm>> -> memref<8x1024xf32, #tpu.memory_space<hbm>>
    tpu.wait_dma2 semaphore(%arg23 : memref<!tpu.dma_semaphore, #tpu.memory_space<semaphore_mem>>) src(%dma_wait3A_1112 : memref<8x1024xf32, #tpu.memory_space<hbm>>) dst(%arg13 : memref<8x1024xf32, #tpu.memory_space<vmem>>)
    %parallel_loop3A_1113 = arith.constant 0 : i32
    %parallel_loop3A_1114 = arith.constant 512 : i32
    %parallel_loop3A_1115 = arith.constant 1 : i32
    scf.for %parallel_loop3A_1200 = %parallel_loop3A_1113 to %parallel_loop3A_1114 step %parallel_loop3A_1115  : i32 {
      %parallel_loop3A_1201 = arith.constant 64 : i32
      %parallel_loop3A_1202 = arith.divsi %parallel_loop3A_1200, %parallel_loop3A_1201 : i32
      %parallel_loop3A_1203 = arith.constant 0 : i32
      %parallel_loop3A_1204 = arith.cmpi sgt, %parallel_loop3A_1200, %parallel_loop3A_1203 : i32
      %parallel_loop3A_1205 = arith.extui %parallel_loop3A_1204 : i1 to i32
      %parallel_loop3A_1206 = arith.constant 0 : i32
      %parallel_loop3A_1207 = arith.cmpi slt, %parallel_loop3A_1200, %parallel_loop3A_1206 : i32
      %parallel_loop3A_1208 = arith.extui %parallel_loop3A_1207 : i1 to i32
      %parallel_loop3A_1209 = arith.subi %parallel_loop3A_1205, %parallel_loop3A_1208 : i32
      %parallel_loop3A_1210 = arith.constant 0 : i32
      %parallel_loop3A_1211 = arith.cmpi sgt, %parallel_loop3A_1201, %parallel_loop3A_1210 : i32
      %parallel_loop3A_1212 = arith.extui %parallel_loop3A_1211 : i1 to i32
      %parallel_loop3A_1213 = arith.constant 0 : i32
      %parallel_loop3A_1214 = arith.cmpi slt, %parallel_loop3A_1201, %parallel_loop3A_1213 : i32
      %parallel_loop3A_1215 = arith.extui %parallel_loop3A_1214 : i1 to i32
      %parallel_loop3A_1216 = arith.subi %parallel_loop3A_1212, %parallel_loop3A_1215 : i32
      %parallel_loop3A_1217 = arith.cmpi ne, %parallel_loop3A_1209, %parallel_loop3A_1216 : i32
      %parallel_loop3A_1218 = arith.remsi %parallel_loop3A_1200, %parallel_loop3A_1201 : i32
      %parallel_loop3A_1219 = arith.constant 0 : i32
      %parallel_loop3A_1220 = arith.cmpi ne, %parallel_loop3A_1218, %parallel_loop3A_1219 : i32
      %parallel_loop3A_1221 = arith.andi %parallel_loop3A_1217, %parallel_loop3A_1220 : i1
      %parallel_loop3A_1222 = arith.constant 1 : i32
      %parallel_loop3A_1223 = arith.subi %parallel_loop3A_1202, %parallel_loop3A_1222 : i32
      %parallel_loop3A_1224 = arith.select %parallel_loop3A_1221, %parallel_loop3A_1223, %parallel_loop3A_1202 : i32
      %parallel_loop3A_1225 = arith.constant 64 : i32
      %parallel_loop3A_1226 = arith.constant 0 : i32
      %parallel_loop3A_1227 = arith.cmpi eq, %parallel_loop3A_1225, %parallel_loop3A_1226 : i32
      %parallel_loop3A_1228 = arith.constant 1 : i32
      %parallel_loop3A_1229 = arith.select %parallel_loop3A_1227, %parallel_loop3A_1228, %parallel_loop3A_1225 : i32
      %parallel_loop3A_1230 = arith.remsi %parallel_loop3A_1200, %parallel_loop3A_1229 : i32
      %parallel_loop3A_1231 = arith.constant 0 : i32
      %parallel_loop3A_1232 = arith.cmpi ne, %parallel_loop3A_1230, %parallel_loop3A_1231 : i32
      %parallel_loop3A_1233 = arith.constant 0 : i32
      %parallel_loop3A_1234 = arith.cmpi slt, %parallel_loop3A_1230, %parallel_loop3A_1233 : i32
      %parallel_loop3A_1235 = arith.constant 0 : i32
      %parallel_loop3A_1236 = arith.cmpi slt, %parallel_loop3A_1229, %parallel_loop3A_1235 : i32
      %parallel_loop3A_1237 = arith.xori %parallel_loop3A_1234, %parallel_loop3A_1236 : i1
      %parallel_loop3A_1238 = arith.andi %parallel_loop3A_1237, %parallel_loop3A_1232 : i1
      %parallel_loop3A_1239 = arith.addi %parallel_loop3A_1230, %parallel_loop3A_1229 : i32
      %parallel_loop3A_1240 = arith.select %parallel_loop3A_1238, %parallel_loop3A_1239, %parallel_loop3A_1230 : i32
      %parallel_loop3A_1241 = arith.constant 16 : i32
      %parallel_loop3A_1242 = arith.muli %parallel_loop3A_1240, %parallel_loop3A_1241 : i32
      %parallel_loop3A_1243 = arith.index_cast %parallel_loop3A_1224 : i32 to index
      %parallel_loop3A_1244 = arith.index_cast %parallel_loop3A_1242 : i32 to index
      %parallel_loop3A_1245 = tpu.vector_load %arg6[%parallel_loop3A_1243, %parallel_loop3A_1244] {strides = array<i32>} : memref<8x1024xf32, #tpu.memory_space<vmem>>, vector<1x16xf32>,
      %parallel_loop3A_1246 = vector.shape_cast %parallel_loop3A_1245 : vector<1x16xf32> to vector<16xf32>
      %parallel_loop3A_1247 = arith.index_cast %parallel_loop3A_1224 : i32 to index
      %parallel_loop3A_1248 = arith.index_cast %parallel_loop3A_1242 : i32 to index
      %parallel_loop3A_1249 = tpu.vector_load %arg13[%parallel_loop3A_1247, %parallel_loop3A_1248] {strides = array<i32>} : memref<8x1024xf32, #tpu.memory_space<vmem>>, vector<1x16xf32>,
      %parallel_loop3A_1250 = vector.shape_cast %parallel_loop3A_1249 : vector<1x16xf32> to vector<16xf32>
      %parallel_loop3A_1251 = vector.shape_cast %parallel_loop3A_1246 : vector<16xf32> to vector<1x16xf32>
      tpu.vector_store %arg13[%parallel_loop3A_1247, %parallel_loop3A_1248], %parallel_loop3A_1251 {add = true, strides = array<i32>} : memref<8x1024xf32, #tpu.memory_space<vmem>>, vector<1x16xf32>,
    } {sc.loop_unroll_factor = 8 : i64, sc.parallel_access}
    %add3A_1116 = arith.constant 56 : i32
    %add3A_1117 = arith.addi %mul3A_2, %add3A_1116 : i32
    %dma_start3A_1118 = arith.constant 2 : i32
    %dma_start3A_1119 = arith.constant 0 : i32
    %dma_start3A_1120 = tpu.memref_slice %arg4[%dma_start3A_1118, %add3A_1117, %dma_start3A_1119] : memref<4x2048x1024xf32, #tpu.memory_space<hbm>> -> memref<1x8x1024xf32, #tpu.memory_space<hbm>>
    %dma_start3A_1121 = tpu.memref_squeeze %dma_start3A_1120 : memref<1x8x1024xf32, #tpu.memory_space<hbm>> -> memref<8x1024xf32, #tpu.memory_space<hbm>>
    %dma_start3A_1122 = arith.constant 0 : i32
    %dma_start3A_1123 = tpu.memref_slice %arg4[%dma_start3A_1118, %add3A_1117, %dma_start3A_1122] : memref<4x2048x1024xf32, #tpu.memory_space<hbm>> -> memref<1x8x1024xf32, #tpu.memory_space<hbm>>
    %dma_start3A_1124 = tpu.memref_squeeze %dma_start3A_1123 : memref<1x8x1024xf32, #tpu.memory_space<hbm>> -> memref<8x1024xf32, #tpu.memory_space<hbm>>
    tpu.enqueue_dma source(%arg13 : memref<8x1024xf32, #tpu.memory_space<vmem>>) target(%dma_start3A_1124 : memref<8x1024xf32, #tpu.memory_space<hbm>>) target_semaphore(%arg31 : memref<!tpu.dma_semaphore, #tpu.memory_space<semaphore_mem>>)
    %dma_wait3A_1125 = arith.constant 3 : i32
    %dma_wait3A_1126 = arith.constant 0 : i32
    %dma_wait3A_1127 = tpu.memref_slice %arg2[%dma_wait3A_1125, %add3A_976, %dma_wait3A_1126] : memref<4x2048x1024xf32, #tpu.memory_space<hbm>> -> memref<1x8x1024xf32, #tpu.memory_space<hbm>>
    %dma_wait3A_1128 = tpu.memref_squeeze %dma_wait3A_1127 : memref<1x8x1024xf32, #tpu.memory_space<hbm>> -> memref<8x1024xf32, #tpu.memory_space<hbm>>
    %dma_wait3A_1129 = arith.constant 0 : i32
    %dma_wait3A_1130 = tpu.memref_slice %arg2[%dma_wait3A_1125, %add3A_976, %dma_wait3A_1129] : memref<4x2048x1024xf32, #tpu.memory_space<hbm>> -> memref<1x8x1024xf32, #tpu.memory_space<hbm>>
    %dma_wait3A_1131 = tpu.memref_squeeze %dma_wait3A_1130 : memref<1x8x1024xf32, #tpu.memory_space<hbm>> -> memref<8x1024xf32, #tpu.memory_space<hbm>>
    tpu.wait_dma2 semaphore(%arg24 : memref<!tpu.dma_semaphore, #tpu.memory_space<semaphore_mem>>) src(%dma_wait3A_1131 : memref<8x1024xf32, #tpu.memory_space<hbm>>) dst(%arg14 : memref<8x1024xf32, #tpu.memory_space<vmem>>)
    %parallel_loop3A_1132 = arith.constant 0 : i32
    %parallel_loop3A_1133 = arith.constant 512 : i32
    %parallel_loop3A_1134 = arith.constant 1 : i32
    scf.for %parallel_loop3A_1200 = %parallel_loop3A_1132 to %parallel_loop3A_1133 step %parallel_loop3A_1134  : i32 {
      %parallel_loop3A_1201 = arith.constant 64 : i32
      %parallel_loop3A_1202 = arith.divsi %parallel_loop3A_1200, %parallel_loop3A_1201 : i32
      %parallel_loop3A_1203 = arith.constant 0 : i32
      %parallel_loop3A_1204 = arith.cmpi sgt, %parallel_loop3A_1200, %parallel_loop3A_1203 : i32
      %parallel_loop3A_1205 = arith.extui %parallel_loop3A_1204 : i1 to i32
      %parallel_loop3A_1206 = arith.constant 0 : i32
      %parallel_loop3A_1207 = arith.cmpi slt, %parallel_loop3A_1200, %parallel_loop3A_1206 : i32
      %parallel_loop3A_1208 = arith.extui %parallel_loop3A_1207 : i1 to i32
      %parallel_loop3A_1209 = arith.subi %parallel_loop3A_1205, %parallel_loop3A_1208 : i32
      %parallel_loop3A_1210 = arith.constant 0 : i32
      %parallel_loop3A_1211 = arith.cmpi sgt, %parallel_loop3A_1201, %parallel_loop3A_1210 : i32
      %parallel_loop3A_1212 = arith.extui %parallel_loop3A_1211 : i1 to i32
      %parallel_loop3A_1213 = arith.constant 0 : i32
      %parallel_loop3A_1214 = arith.cmpi slt, %parallel_loop3A_1201, %parallel_loop3A_1213 : i32
      %parallel_loop3A_1215 = arith.extui %parallel_loop3A_1214 : i1 to i32
      %parallel_loop3A_1216 = arith.subi %parallel_loop3A_1212, %parallel_loop3A_1215 : i32
      %parallel_loop3A_1217 = arith.cmpi ne, %parallel_loop3A_1209, %parallel_loop3A_1216 : i32
      %parallel_loop3A_1218 = arith.remsi %parallel_loop3A_1200, %parallel_loop3A_1201 : i32
      %parallel_loop3A_1219 = arith.constant 0 : i32
      %parallel_loop3A_1220 = arith.cmpi ne, %parallel_loop3A_1218, %parallel_loop3A_1219 : i32
      %parallel_loop3A_1221 = arith.andi %parallel_loop3A_1217, %parallel_loop3A_1220 : i1
      %parallel_loop3A_1222 = arith.constant 1 : i32
      %parallel_loop3A_1223 = arith.subi %parallel_loop3A_1202, %parallel_loop3A_1222 : i32
      %parallel_loop3A_1224 = arith.select %parallel_loop3A_1221, %parallel_loop3A_1223, %parallel_loop3A_1202 : i32
      %parallel_loop3A_1225 = arith.constant 64 : i32
      %parallel_loop3A_1226 = arith.constant 0 : i32
      %parallel_loop3A_1227 = arith.cmpi eq, %parallel_loop3A_1225, %parallel_loop3A_1226 : i32
      %parallel_loop3A_1228 = arith.constant 1 : i32
      %parallel_loop3A_1229 = arith.select %parallel_loop3A_1227, %parallel_loop3A_1228, %parallel_loop3A_1225 : i32
      %parallel_loop3A_1230 = arith.remsi %parallel_loop3A_1200, %parallel_loop3A_1229 : i32
      %parallel_loop3A_1231 = arith.constant 0 : i32
      %parallel_loop3A_1232 = arith.cmpi ne, %parallel_loop3A_1230, %parallel_loop3A_1231 : i32
      %parallel_loop3A_1233 = arith.constant 0 : i32
      %parallel_loop3A_1234 = arith.cmpi slt, %parallel_loop3A_1230, %parallel_loop3A_1233 : i32
      %parallel_loop3A_1235 = arith.constant 0 : i32
      %parallel_loop3A_1236 = arith.cmpi slt, %parallel_loop3A_1229, %parallel_loop3A_1235 : i32
      %parallel_loop3A_1237 = arith.xori %parallel_loop3A_1234, %parallel_loop3A_1236 : i1
      %parallel_loop3A_1238 = arith.andi %parallel_loop3A_1237, %parallel_loop3A_1232 : i1
      %parallel_loop3A_1239 = arith.addi %parallel_loop3A_1230, %parallel_loop3A_1229 : i32
      %parallel_loop3A_1240 = arith.select %parallel_loop3A_1238, %parallel_loop3A_1239, %parallel_loop3A_1230 : i32
      %parallel_loop3A_1241 = arith.constant 16 : i32
      %parallel_loop3A_1242 = arith.muli %parallel_loop3A_1240, %parallel_loop3A_1241 : i32
      %parallel_loop3A_1243 = arith.index_cast %parallel_loop3A_1224 : i32 to index
      %parallel_loop3A_1244 = arith.index_cast %parallel_loop3A_1242 : i32 to index
      %parallel_loop3A_1245 = tpu.vector_load %arg6[%parallel_loop3A_1243, %parallel_loop3A_1244] {strides = array<i32>} : memref<8x1024xf32, #tpu.memory_space<vmem>>, vector<1x16xf32>,
      %parallel_loop3A_1246 = vector.shape_cast %parallel_loop3A_1245 : vector<1x16xf32> to vector<16xf32>
      %parallel_loop3A_1247 = arith.index_cast %parallel_loop3A_1224 : i32 to index
      %parallel_loop3A_1248 = arith.index_cast %parallel_loop3A_1242 : i32 to index
      %parallel_loop3A_1249 = tpu.vector_load %arg14[%parallel_loop3A_1247, %parallel_loop3A_1248] {strides = array<i32>} : memref<8x1024xf32, #tpu.memory_space<vmem>>, vector<1x16xf32>,
      %parallel_loop3A_1250 = vector.shape_cast %parallel_loop3A_1249 : vector<1x16xf32> to vector<16xf32>
      %parallel_loop3A_1251 = vector.shape_cast %parallel_loop3A_1246 : vector<16xf32> to vector<1x16xf32>
      tpu.vector_store %arg14[%parallel_loop3A_1247, %parallel_loop3A_1248], %parallel_loop3A_1251 {add = true, strides = array<i32>} : memref<8x1024xf32, #tpu.memory_space<vmem>>, vector<1x16xf32>,
    } {sc.loop_unroll_factor = 8 : i64, sc.parallel_access}
    %add3A_1135 = arith.constant 56 : i32
    %add3A_1136 = arith.addi %mul3A_2, %add3A_1135 : i32
    %dma_start3A_1137 = arith.constant 3 : i32
    %dma_start3A_1138 = arith.constant 0 : i32
    %dma_start3A_1139 = tpu.memref_slice %arg4[%dma_start3A_1137, %add3A_1136, %dma_start3A_1138] : memref<4x2048x1024xf32, #tpu.memory_space<hbm>> -> memref<1x8x1024xf32, #tpu.memory_space<hbm>>
    %dma_start3A_1140 = tpu.memref_squeeze %dma_start3A_1139 : memref<1x8x1024xf32, #tpu.memory_space<hbm>> -> memref<8x1024xf32, #tpu.memory_space<hbm>>
    %dma_start3A_1141 = arith.constant 0 : i32
    %dma_start3A_1142 = tpu.memref_slice %arg4[%dma_start3A_1137, %add3A_1136, %dma_start3A_1141] : memref<4x2048x1024xf32, #tpu.memory_space<hbm>> -> memref<1x8x1024xf32, #tpu.memory_space<hbm>>
    %dma_start3A_1143 = tpu.memref_squeeze %dma_start3A_1142 : memref<1x8x1024xf32, #tpu.memory_space<hbm>> -> memref<8x1024xf32, #tpu.memory_space<hbm>>
    tpu.enqueue_dma source(%arg14 : memref<8x1024xf32, #tpu.memory_space<vmem>>) target(%dma_start3A_1143 : memref<8x1024xf32, #tpu.memory_space<hbm>>) target_semaphore(%arg32 : memref<!tpu.dma_semaphore, #tpu.memory_space<semaphore_mem>>)
    %dma_wait3A_1144 = arith.constant 0 : i32
    %dma_wait3A_1145 = arith.constant 0 : i32
    %dma_wait3A_1146 = tpu.memref_slice %arg4[%dma_wait3A_1144, %add3A_999, %dma_wait3A_1145] : memref<4x2048x1024xf32, #tpu.memory_space<hbm>> -> memref<1x8x1024xf32, #tpu.memory_space<hbm>>
    %dma_wait3A_1147 = tpu.memref_squeeze %dma_wait3A_1146 : memref<1x8x1024xf32, #tpu.memory_space<hbm>> -> memref<8x1024xf32, #tpu.memory_space<hbm>>
    %dma_wait3A_1148 = arith.constant 0 : i32
    %dma_wait3A_1149 = tpu.memref_slice %arg4[%dma_wait3A_1144, %add3A_999, %dma_wait3A_1148] : memref<4x2048x1024xf32, #tpu.memory_space<hbm>> -> memref<1x8x1024xf32, #tpu.memory_space<hbm>>
    %dma_wait3A_1150 = tpu.memref_squeeze %dma_wait3A_1149 : memref<1x8x1024xf32, #tpu.memory_space<hbm>> -> memref<8x1024xf32, #tpu.memory_space<hbm>>
    tpu.wait_dma2 semaphore(%arg25 : memref<!tpu.dma_semaphore, #tpu.memory_space<semaphore_mem>>) src(%arg7 : memref<8x1024xf32, #tpu.memory_space<vmem>>) dst(%dma_wait3A_1150 : memref<8x1024xf32, #tpu.memory_space<hbm>>)
    %dma_wait3A_1151 = arith.constant 1 : i32
    %dma_wait3A_1152 = arith.constant 0 : i32
    %dma_wait3A_1153 = tpu.memref_slice %arg4[%dma_wait3A_1151, %add3A_1018, %dma_wait3A_1152] : memref<4x2048x1024xf32, #tpu.memory_space<hbm>> -> memref<1x8x1024xf32, #tpu.memory_space<hbm>>
    %dma_wait3A_1154 = tpu.memref_squeeze %dma_wait3A_1153 : memref<1x8x1024xf32, #tpu.memory_space<hbm>> -> memref<8x1024xf32, #tpu.memory_space<hbm>>
    %dma_wait3A_1155 = arith.constant 0 : i32
    %dma_wait3A_1156 = tpu.memref_slice %arg4[%dma_wait3A_1151, %add3A_1018, %dma_wait3A_1155] : memref<4x2048x1024xf32, #tpu.memory_space<hbm>> -> memref<1x8x1024xf32, #tpu.memory_space<hbm>>
    %dma_wait3A_1157 = tpu.memref_squeeze %dma_wait3A_1156 : memref<1x8x1024xf32, #tpu.memory_space<hbm>> -> memref<8x1024xf32, #tpu.memory_space<hbm>>
    tpu.wait_dma2 semaphore(%arg26 : memref<!tpu.dma_semaphore, #tpu.memory_space<semaphore_mem>>) src(%arg8 : memref<8x1024xf32, #tpu.memory_space<vmem>>) dst(%dma_wait3A_1157 : memref<8x1024xf32, #tpu.memory_space<hbm>>)
    %dma_wait3A_1158 = arith.constant 2 : i32
    %dma_wait3A_1159 = arith.constant 0 : i32
    %dma_wait3A_1160 = tpu.memref_slice %arg4[%dma_wait3A_1158, %add3A_1037, %dma_wait3A_1159] : memref<4x2048x1024xf32, #tpu.memory_space<hbm>> -> memref<1x8x1024xf32, #tpu.memory_space<hbm>>
    %dma_wait3A_1161 = tpu.memref_squeeze %dma_wait3A_1160 : memref<1x8x1024xf32, #tpu.memory_space<hbm>> -> memref<8x1024xf32, #tpu.memory_space<hbm>>
    %dma_wait3A_1162 = arith.constant 0 : i32
    %dma_wait3A_1163 = tpu.memref_slice %arg4[%dma_wait3A_1158, %add3A_1037, %dma_wait3A_1162] : memref<4x2048x1024xf32, #tpu.memory_space<hbm>> -> memref<1x8x1024xf32, #tpu.memory_space<hbm>>
    %dma_wait3A_1164 = tpu.memref_squeeze %dma_wait3A_1163 : memref<1x8x1024xf32, #tpu.memory_space<hbm>> -> memref<8x1024xf32, #tpu.memory_space<hbm>>
    tpu.wait_dma2 semaphore(%arg27 : memref<!tpu.dma_semaphore, #tpu.memory_space<semaphore_mem>>) src(%arg9 : memref<8x1024xf32, #tpu.memory_space<vmem>>) dst(%dma_wait3A_1164 : memref<8x1024xf32, #tpu.memory_space<hbm>>)
    %dma_wait3A_1165 = arith.constant 3 : i32
    %dma_wait3A_1166 = arith.constant 0 : i32
    %dma_wait3A_1167 = tpu.memref_slice %arg4[%dma_wait3A_1165, %add3A_1056, %dma_wait3A_1166] : memref<4x2048x1024xf32, #tpu.memory_space<hbm>> -> memref<1x8x1024xf32, #tpu.memory_space<hbm>>
    %dma_wait3A_1168 = tpu.memref_squeeze %dma_wait3A_1167 : memref<1x8x1024xf32, #tpu.memory_space<hbm>> -> memref<8x1024xf32, #tpu.memory_space<hbm>>
    %dma_wait3A_1169 = arith.constant 0 : i32
    %dma_wait3A_1170 = tpu.memref_slice %arg4[%dma_wait3A_1165, %add3A_1056, %dma_wait3A_1169] : memref<4x2048x1024xf32, #tpu.memory_space<hbm>> -> memref<1x8x1024xf32, #tpu.memory_space<hbm>>
    %dma_wait3A_1171 = tpu.memref_squeeze %dma_wait3A_1170 : memref<1x8x1024xf32, #tpu.memory_space<hbm>> -> memref<8x1024xf32, #tpu.memory_space<hbm>>
    tpu.wait_dma2 semaphore(%arg28 : memref<!tpu.dma_semaphore, #tpu.memory_space<semaphore_mem>>) src(%arg10 : memref<8x1024xf32, #tpu.memory_space<vmem>>) dst(%dma_wait3A_1171 : memref<8x1024xf32, #tpu.memory_space<hbm>>)
    %dma_wait3A_1172 = arith.constant 0 : i32
    %dma_wait3A_1173 = arith.constant 0 : i32
    %dma_wait3A_1174 = tpu.memref_slice %arg4[%dma_wait3A_1172, %add3A_1079, %dma_wait3A_1173] : memref<4x2048x1024xf32, #tpu.memory_space<hbm>> -> memref<1x8x1024xf32, #tpu.memory_space<hbm>>
    %dma_wait3A_1175 = tpu.memref_squeeze %dma_wait3A_1174 : memref<1x8x1024xf32, #tpu.memory_space<hbm>> -> memref<8x1024xf32, #tpu.memory_space<hbm>>
    %dma_wait3A_1176 = arith.constant 0 : i32
    %dma_wait3A_1177 = tpu.memref_slice %arg4[%dma_wait3A_1172, %add3A_1079, %dma_wait3A_1176] : memref<4x2048x1024xf32, #tpu.memory_space<hbm>> -> memref<1x8x1024xf32, #tpu.memory_space<hbm>>
    %dma_wait3A_1178 = tpu.memref_squeeze %dma_wait3A_1177 : memref<1x8x1024xf32, #tpu.memory_space<hbm>> -> memref<8x1024xf32, #tpu.memory_space<hbm>>
    tpu.wait_dma2 semaphore(%arg29 : memref<!tpu.dma_semaphore, #tpu.memory_space<semaphore_mem>>) src(%arg11 : memref<8x1024xf32, #tpu.memory_space<vmem>>) dst(%dma_wait3A_1178 : memref<8x1024xf32, #tpu.memory_space<hbm>>)
    %dma_wait3A_1179 = arith.constant 1 : i32
    %dma_wait3A_1180 = arith.constant 0 : i32
    %dma_wait3A_1181 = tpu.memref_slice %arg4[%dma_wait3A_1179, %add3A_1098, %dma_wait3A_1180] : memref<4x2048x1024xf32, #tpu.memory_space<hbm>> -> memref<1x8x1024xf32, #tpu.memory_space<hbm>>
    %dma_wait3A_1182 = tpu.memref_squeeze %dma_wait3A_1181 : memref<1x8x1024xf32, #tpu.memory_space<hbm>> -> memref<8x1024xf32, #tpu.memory_space<hbm>>
    %dma_wait3A_1183 = arith.constant 0 : i32
    %dma_wait3A_1184 = tpu.memref_slice %arg4[%dma_wait3A_1179, %add3A_1098, %dma_wait3A_1183] : memref<4x2048x1024xf32, #tpu.memory_space<hbm>> -> memref<1x8x1024xf32, #tpu.memory_space<hbm>>
    %dma_wait3A_1185 = tpu.memref_squeeze %dma_wait3A_1184 : memref<1x8x1024xf32, #tpu.memory_space<hbm>> -> memref<8x1024xf32, #tpu.memory_space<hbm>>
    tpu.wait_dma2 semaphore(%arg30 : memref<!tpu.dma_semaphore, #tpu.memory_space<semaphore_mem>>) src(%arg12 : memref<8x1024xf32, #tpu.memory_space<vmem>>) dst(%dma_wait3A_1185 : memref<8x1024xf32, #tpu.memory_space<hbm>>)
    %dma_wait3A_1186 = arith.constant 2 : i32
    %dma_wait3A_1187 = arith.constant 0 : i32
    %dma_wait3A_1188 = tpu.memref_slice %arg4[%dma_wait3A_1186, %add3A_1117, %dma_wait3A_1187] : memref<4x2048x1024xf32, #tpu.memory_space<hbm>> -> memref<1x8x1024xf32, #tpu.memory_space<hbm>>
    %dma_wait3A_1189 = tpu.memref_squeeze %dma_wait3A_1188 : memref<1x8x1024xf32, #tpu.memory_space<hbm>> -> memref<8x1024xf32, #tpu.memory_space<hbm>>
    %dma_wait3A_1190 = arith.constant 0 : i32
    %dma_wait3A_1191 = tpu.memref_slice %arg4[%dma_wait3A_1186, %add3A_1117, %dma_wait3A_1190] : memref<4x2048x1024xf32, #tpu.memory_space<hbm>> -> memref<1x8x1024xf32, #tpu.memory_space<hbm>>
    %dma_wait3A_1192 = tpu.memref_squeeze %dma_wait3A_1191 : memref<1x8x1024xf32, #tpu.memory_space<hbm>> -> memref<8x1024xf32, #tpu.memory_space<hbm>>
    tpu.wait_dma2 semaphore(%arg31 : memref<!tpu.dma_semaphore, #tpu.memory_space<semaphore_mem>>) src(%arg13 : memref<8x1024xf32, #tpu.memory_space<vmem>>) dst(%dma_wait3A_1192 : memref<8x1024xf32, #tpu.memory_space<hbm>>)
    %dma_wait3A_1193 = arith.constant 3 : i32
    %dma_wait3A_1194 = arith.constant 0 : i32
    %dma_wait3A_1195 = tpu.memref_slice %arg4[%dma_wait3A_1193, %add3A_1136, %dma_wait3A_1194] : memref<4x2048x1024xf32, #tpu.memory_space<hbm>> -> memref<1x8x1024xf32, #tpu.memory_space<hbm>>
    %dma_wait3A_1196 = tpu.memref_squeeze %dma_wait3A_1195 : memref<1x8x1024xf32, #tpu.memory_space<hbm>> -> memref<8x1024xf32, #tpu.memory_space<hbm>>
    %dma_wait3A_1197 = arith.constant 0 : i32
    %dma_wait3A_1198 = tpu.memref_slice %arg4[%dma_wait3A_1193, %add3A_1136, %dma_wait3A_1197] : memref<4x2048x1024xf32, #tpu.memory_space<hbm>> -> memref<1x8x1024xf32, #tpu.memory_space<hbm>>
    %dma_wait3A_1199 = tpu.memref_squeeze %dma_wait3A_1198 : memref<1x8x1024xf32, #tpu.memory_space<hbm>> -> memref<8x1024xf32, #tpu.memory_space<hbm>>
    tpu.wait_dma2 semaphore(%arg32 : memref<!tpu.dma_semaphore, #tpu.memory_space<semaphore_mem>>) src(%arg14 : memref<8x1024xf32, #tpu.memory_space<vmem>>) dst(%dma_wait3A_1199 : memref<8x1024xf32, #tpu.memory_space<hbm>>)
    return
  }
}

</mosaic_0001>

<sc_bundles>
// kernel: kernel.3.cloned.1.call-start
scs
__scs_entry_jumppad:
0x0: {  	(pc) =	sbr.rel $0x88, $3  }
0x1: {  	(tag) =	ssettag $0x0;
	lr =	simm.s32 $0x1  }
0x2: {  	[smem:$0x3F9F] =	sst lr;
	_ =	strace $0xD0000000  }
0x3: {  	_ = 	snop  }
0x4: {  	_ = 	snop  }
0x5: {  	_ = 	snop  }
0x6: {  	_ = 	snop  }
0x7: {  	_ = 	snop  }
__scs_overlays_trampoline_lowered:
0x8: {  	[smem:$0x3FAE] =	sst s0  }
0x9: {  	[smem:$0x3FAF] =	sst s1  }
0xa: {  	[smem:$0x3FB0] =	sst s2  }
0xb: {  	[smem:$0x3FB1] =	sst s3  }
0xc: {  	[smem:$0x3FB2] =	sst s4  }
0xd: {  	[smem:$0x3FB3] =	sst s5  }
0xe: {  	[smem:$0x3FB4] =	sst s6  }
0xf: {  	[smem:$0x3FB5] =	sst s7  }
0x10: {  	[smem:$0x3FB6] =	sst s8  }
0x11: {  	[smem:$0x3FB7] =	sst s9;
	s0 =	simm.s32 @!p0 $0x0  }
0x12: {  	s1 =	sld [smem:$0x3F9D];
	s0 =	simm.s32 @p0 $0x1  }
0x13: {  	[smem:$0x3FB8] =	sst s0;
	s0 =	simm.s32 @!p1 $0x0  }
0x14: {  	s2 =	sld [smem:$0x3F9C];
	s0 =	simm.s32 @p1 $0x1  }
0x15: {  	[smem:$0x3FB9] =	sst s0;
	s0 =	simm.s32 @!p2 $0x0  }
0x16: {  	s3 =	sld [smem:$0x3FDB];
	s0 =	simm.s32 @p2 $0x1  }
0x17: {  	s4 =	simm.s32 $0x1BF5;
	[smem:$0x3FBB] =	sst s0  }
0x18: {  	s0 =	sld [smem:$0x3F9E];
	_ =	swait.ge [sflag:s4], $0x0  }
0x19: {  	s7 =	sld [smem:$0x3F9F]  }
0x1a: {  	s8 =	sadd.s32 $0xFFFFE003, lr  }
0x1b: {  	s9 =	sadd.s32 $0xFFFFFEF7, lr;
	s5 =	simm.s32 $0xFFFFFFFF;
	p2 =	slt.u32 s8, $0xFFFFF086  }
0x1c: {  	p1 =	slt.u32 s9, $0xF7A;
	s5 =	simm.s32 @!p2 $0x0  }
0x1d: {  	s5 =	simm.s32 @p1 $0x1;
	p0 =	seq.s32 s7, s2  }
0x1e: {  	s7 =	smul.u32 @!p0 $0xF7A, s2;
	p2 =	seq.s32 @!p0 s5, $0x0  }
0x1f: {  	s9 =	smul.u32 $0xF7A, s1;
	s8 =	simm.s32 @!p0 $0x1BF5;
	p2 =	por !p2, p0  }
0x20: {  	[sflag:s8] =	ssyncset.s32 @!p0 $0xFFFFF086;
	s6 =	sadd.s32 @!p0 s3, s7;
	s7 =	simm.s32 @!p0 $0x108  }
0x21: {  	s3 =	sadd.s32 s3, s9;
	s6 =	sadd.s32 @!p0 $0x88, s6;
	s7 =	simm.s32 @p2 $0x1082  }
0x22: {  	[simem:s7], [sflag:s8] =	dma.local @!p0 [hbm:s6], $0xF7A  }
0x23: {  	s9 =	sor.u32 $0xD0000000, s2;
	s6 =	simm.s32 $0x108;
	_ =	swait.ge @!p0 [sflag:s8], $0x0  }
0x24: {  	s3 =	sadd.s32 $0x88, s3;
	s6 =	simm.s32 @!p1 $0x1082;
	[sflag:s4] =	ssyncset.s32 $0xFFFFF086  }
0x25: {  	[simem:s6], [sflag:s4] =	dma.local [hbm:s3], $0xF7A  }
0x26: {  	[smem:$0x3F9F] =	sst s1;
	(tag) =	ssettag s2;
	_ =	strace s9  }
0x27: {  	s1 =	sld [smem:$0x3FAF]  }
0x28: {  	s2 =	sld [smem:$0x3FB0]  }
0x29: {  	s4 =	sld [smem:$0x3FB2]  }
0x2a: {  	p0 =	seq.s32 s5, $0x0;
	s5 =	sld [smem:$0x3FB3]  }
0x2b: {  	s6 =	sld [smem:$0x3FB4]  }
0x2c: {  	s7 =	sld [smem:$0x3FB5]  }
0x2d: {  	s3 =	simm.s32 $0x108;
	s8 =	sld [smem:$0x3FB6]  }
0x2e: {  	s3 =	simm.s32 @!p0 $0x1082;
	s9 =	sld [smem:$0x3FB7]  }
0x2f: {  	lr =	sadd.s32 s0, s3;
	s0 =	sld [smem:$0x3FAE]  }
0x30: {  	s3 =	sld [smem:$0x3FB1]  }
0x31: {  	[smem:$0x3FBA] =	sst s10  }
0x32: {  	s10 =	sld [smem:$0x3FB8];
	_ =	sdelay $0x3  }
0x33: {  	p0 =	seq.s32 s10, $0x1;
	s10 =	sld [smem:$0x3FBA];
	_ =	sdelay $0x3  }
0x34: {  	[smem:$0x3FBA] =	sst s10  }
0x35: {  	s10 =	sld [smem:$0x3FB9];
	_ =	sdelay $0x3  }
0x36: {  	p1 =	seq.s32 s10, $0x1;
	s10 =	sld [smem:$0x3FBA];
	_ =	sdelay $0x3  }
0x37: {  	[smem:$0x3FBA] =	sst s10  }
0x38: {  	s10 =	sld [smem:$0x3FBB]  }
0x39: {  	_ = 	snop;
	(pc) =	sbr.ind lr, $3  }
0x3a: {  	_ = 	snop  }
0x3b: {  	_ = 	snop  }
0x3c: {  	p2 =	seq.s32 s10, $0x1;
	s10 =	sld [smem:$0x3FBA]  }
0x3d: {  	_ =	shalt  }
0x3e: {  	_ =	shalt  }
0x3f: {  	_ =	shalt  }
0x40: {  	_ =	shalt  }
0x41: {  	_ =	shalt  }
0x42: {  	_ =	shalt  }
0x43: {  	_ =	shalt  }
0x44: {  	_ =	shalt  }
0x45: {  	_ =	shalt  }
0x46: {  	_ =	shalt  }
0x47: {  	_ =	shalt  }
0x48: {  	_ =	shalt  }
0x49: {  	_ =	shalt  }
0x4a: {  	_ =	shalt  }
0x4b: {  	_ =	shalt  }
0x4c: {  	_ =	shalt  }
0x4d: {  	_ =	shalt  }
0x4e: {  	_ =	shalt  }
0x4f: {  	_ =	shalt  }
0x50: {  	_ =	shalt  }
0x51: {  	_ =	shalt  }
0x52: {  	_ =	shalt  }
0x53: {  	_ =	shalt  }
0x54: {  	_ =	shalt  }
0x55: {  	_ =	shalt  }
0x56: {  	_ =	shalt  }
0x57: {  	_ =	shalt  }
0x58: {  	_ =	shalt  }
0x59: {  	_ =	shalt  }
0x5a: {  	_ =	shalt  }
0x5b: {  	_ =	shalt  }
0x5c: {  	_ =	shalt  }
0x5d: {  	_ =	shalt  }
0x5e: {  	_ =	shalt  }
0x5f: {  	_ =	shalt  }
0x60: {  	_ =	shalt  }
0x61: {  	_ =	shalt  }
0x62: {  	_ =	shalt  }
0x63: {  	_ =	shalt  }
0x64: {  	_ =	shalt  }
0x65: {  	_ =	shalt  }
0x66: {  	_ =	shalt  }
0x67: {  	_ =	shalt  }
0x68: {  	_ =	shalt  }
0x69: {  	_ =	shalt  }
0x6a: {  	_ =	shalt  }
0x6b: {  	_ =	shalt  }
0x6c: {  	_ =	shalt  }
0x6d: {  	_ =	shalt  }
0x6e: {  	_ =	shalt  }
0x6f: {  	_ =	shalt  }
0x70: {  	_ =	shalt  }
0x71: {  	_ =	shalt  }
0x72: {  	_ =	shalt  }
0x73: {  	_ =	shalt  }
0x74: {  	_ =	shalt  }
0x75: {  	_ =	shalt  }
0x76: {  	_ =	shalt  }
0x77: {  	_ =	shalt  }
0x78: {  	_ =	shalt  }
0x79: {  	_ =	shalt  }
0x7a: {  	_ =	shalt  }
0x7b: {  	_ =	shalt  }
0x7c: {  	_ =	shalt  }
0x7d: {  	_ =	shalt  }
0x7e: {  	_ =	shalt  }
0x7f: {  	_ =	shalt  }
0x80: {  	_ =	shalt  }
0x81: {  	_ =	shalt  }
0x82: {  	_ =	shalt  }
0x83: {  	_ =	shalt  }
0x84: {  	_ =	shalt  }
0x85: {  	_ =	shalt  }
0x86: {  	_ =	shalt  }
0x87: {  	_ =	shalt  }
.Lfunc_end0:
.L_simem_size_0:
called_computation_lowered:
.L_overlay_start_0:
0x88: {  	s2 =	sld [smem:$0x3FD9]  }
0x89: {  	s3 =	sld [smem:$0x3FFE];
	_ =	sdelay $0x1  }
0x8a: {  	s1 =	srdreg.scid  }
0x8b: {  	s0 =	sand.u32 $0x1, s1  }
0x8c: {  	s18 =	sshll.u32 s0, $0xA;
	s2 =	sadd.s32 s3, s2  }
0x8d: {  	s2 =	sadd.s32 s2, s18  }
0x8e: {  	[smem:$0x3FC6] =	sst s2  }
0x8f: {  	_ = 	snop  }
0x90: {  	s2 =	sld [smem:$0x3FC9]  }
0x91: {  	s19 =	sld [smem:$0x3FC8]  }
0x92: {  	s4 =	sld [smem:$0x3FD0];
	(tm) =	ssettm $0x1  }
0x93: {  	s5 =	sld [smem:$0x3FFB];
	_ =	sdelay $0x3  }
0x94: {  	_ =	strace s5  }
0x95: {  	s5 =	sld [smem:$0x3FFC];
	_ =	sdelay $0x3  }
0x96: {  	_ =	strace s5  }
0x97: {  	s5 =	sld [smem:$0x3FFD];
	_ =	sdelay $0x3  }
0x98: {  	_ =	strace s5  }
0x99: {  	_ =	strace $0x8FFFFFFF  }
0x9a: {  	s20 =	sld [smem:$0x3FDB];
	_ =	sdelay $0x1  }
0x9b: {  	s6 =	simm.s32 $_scs_section_size  }
0x9c: {  	s7 =	simm.s32 $_size__tile_overlayer_lowered;
	s8 =	simm.s32 $_tile_overlayer_lowered  }
0x9d: {  	s23 =	simm.s32 $0x1BFF;
	s22 =	sshll.u32 s8, $0x1;
	s5 =	sadd.s32 s6, s20  }
0x9e: {  	s9 =	simm.s32 $0x0;
	s21 =	sshll.u32 s7, $0x1;
	s7 =	sadd.s32 s22, s5  }
0x9f: {  	[timem:s9], [sflag:s23] =	dma.local [hbm:s7], s21  }
0xa0: {  	_ =	swait.ge [sflag:s23], s21  }
0xa1: {  	s6 =	ssub.s32 $0x0, s21;
	[sflag:s23] =	ssyncset.done $0x0  }
0xa2: {  	[sflag:s23] =	ssyncadd.s32 s6;
	_ =	sdelay $0x1  }
0xa3: {  	s24 =	simm.s32 $0x1B8B  }
0xa4: {  	_ =	swait.ge [sflag:s24], $0x1  }
0xa5: {  	[sflag:s24] =	ssyncset.done $0x0  }
0xa6: {  	s25 =	simm.s32 $0x1B8E;
	[sflag:s24] =	ssyncadd.s32 $0xFFFFFFFF  }
0xa7: {  	s26 =	simm.s32 $execute0_lowered;
	[smem:$0x3FD2] =	sst s25  }
0xa8: {  	s6 =	sshll.u32 s26, $0x1;
	_ =	strace $0x80000046;
	[dreg:$0x1] =	wrdreg $0xFFFFFFFF  }
0xa9: {  	s28 =	simm.s32 $_size_execute0_lowered;
	s5 =	sadd.s32 s5, s6;
	[dreg:$0x0] =	wrdreg $0x0  }
0xaa: {  	s6 =	sshll.u32 s28, $0x1;
	[dreg:$0x2] =	wrdreg s5  }
0xab: {  	[dreg:$0x3] =	wrdreg s6  }
0xac: {  	[dreg:$0x4] =	wrdreg $0xC0  }
0xad: {  	_ =	task [dreg:s9], $0x5FFFF  }
0xae: {  	[dreg:$0x1] =	wrdreg $0xFFFFFFFF  }
0xaf: {  	[dreg:$0x0] =	wrdreg $0x60  }
0xb0: {  	[dreg:$0x2] =	wrdreg s2  }
0xb1: {  	[dreg:$0x3] =	wrdreg s19  }
0xb2: {  	[dreg:$0x4] =	wrdreg s4  }
0xb3: {  	[dreg:$0x5] =	wrdreg $0x9  }
0xb4: {  	_ =	task.clear_ibuf [dreg:s9], $0x6FFFF;
	_ =	strace $0x90000046  }
0xb5: {  	s29 =	simm.s32 $0x9;
	_ =	strace $0x80000048  }
0xb6: {  	_ =	swait.ge [sflag:s29], $0x1  }
0xb7: {  	[sflag:s29] =	ssyncadd.s32 $0xFFFFFFFF  }
0xb8: {  	_ =	strace $0x90000048  }
0xb9: {  	_ =	sfence  }
0xba: {  	s30 =	sld [smem:$0x0];
	_ =	sdelay $0x2  }
0xbb: {  	s31 =	sshll.u32 s1, $0xD;
	s1 =	sshrl.u32 s1, $0x2  }
0xbc: {  	s3 =	sand.u32 $0x4000, s31;
	s1 =	sadd.s32 s1, s30  }
0xbd: {  	s0 =	sor.u32 s3, s0;
	s1 =	sshll.u32 s1, $0x11  }
0xbe: {  	s0 =	sor.u32 s1, s0  }
0xbf: {  	s0 =	sadd.s32 $0x8F2B, s0  }
0xc0: {  	[sflag:s0] =	ssyncadd.remote.s32 $0x1  }
0xc1: {  	_ =	sfence.sel $0xFFFF  }
0xc2: {  	[dreg:$0x0] =	wrdreg $0xFFFFFFFF;
	(pc) =	sbr.abs _section_cstart, $3  }
0xc3: {  	[dreg:$0x1] =	wrdreg $0xFFFFFFFF  }
0xc4: {  	_ =	task.clear_ibuf [dreg:s9], $0x2FFFF;
	_ =	strace $0x9FFFFFFF  }
0xc5: {  	(tm) =	ssettm $0x7FFFFFFF  }
tec
execute0_lowered:
.L_overlay_start_1:
0x0: {  	(tag) =	ssettag $0x1  }
0x1: {  	s3 =	srdreg.scid  }
0x2: {  	s2 =	rddreg [dreg:$0x0];
	s5 =	stileid.u32;
	s3 =	sand.u32 $0x1, s3  }
0x3: {  	s5 =	sshll.u32 s5, $0xE;
	s6 =	ssub.s32 $0x2, s3;
	s3 =	sshll.u32 s3, $0xD  }
0x4: {  	s4 =	rddreg [dreg:$0x1];
	s5 =	sor.u32 s3, s5  }
0x5: {  	s0 =	rddreg [dreg:$0x2];
	s1 =	simm.s32 $0x0;
	s15 =	sor.u32 $0x400, s5  }
0x6: {  	[smem:$0x7FF] =	sst s1;
	s16 =	sor.u32 $0x40000, s5;
	s8 =	sadd.s32 s4, s15  }
0x7: {  	s18 =	sor.u32 $0x80000, s5;
	s17 =	sadd.s32 s2, s16;
	[dreg:$0x4] =	wrdreg s8  }
0x8: {  	s19 =	sor.u32 $0xC0000, s5;
	s9 =	sadd.s32 s2, s18;
	[dreg:$0x5] =	wrdreg s17  }
0x9: {  	s11 =	sadd.s32 s2, s19;
	[dreg:$0x6] =	wrdreg s9  }
0xa: {  	s10 =	sor.u32 $0x40400, s5;
	s20 =	sadd.s32 s2, s15;
	[dreg:$0x7] =	wrdreg s11  }
0xb: {  	s22 =	sor.u32 $0x80400, s5;
	s21 =	sadd.s32 s2, s10;
	[dreg:$0x8] =	wrdreg s20  }
0xc: {  	s12 =	sor.u32 $0xC0400, s5;
	s14 =	sadd.s32 s2, s22;
	[dreg:$0x9] =	wrdreg s21  }
0xd: {  	s13 =	sor.u32 $0x800, s5;
	s23 =	sadd.s32 s2, s12;
	[dreg:$0xa] =	wrdreg s14  }
0xe: {  	s7 =	sshrl.u32 s6, $0x1;
	s24 =	sadd.s32 s2, s13;
	[dreg:$0xb] =	wrdreg s23  }
0xf: {  	s3 =	ssub.s32 s6, s7;
	s7 =	sadd.s32 s0, s16;
	[dreg:$0xc] =	wrdreg s24  }
0x10: {  	s26 =	sadd.s32 s4, s13;
	[dreg:$0xd] =	wrdreg s7  }
0x11: {  	s6 =	sadd.s32 s0, s15;
	[dreg:$0xf] =	wrdreg s26  }
0x12: {  	s10 =	sadd.s32 s0, s10;
	[dreg:$0x11] =	wrdreg s6  }
0x13: {  	s25 =	sor.u32 $0x40800, s5;
	s12 =	sadd.s32 s0, s12;
	[dreg:$0x12] =	wrdreg s10  }
0x14: {  	s15 =	sadd.s32 s2, s25;
	[dreg:$0x14] =	wrdreg s12  }
0x15: {  	s8 =	sadd.s32 s0, s18;
	[dreg:$0x16] =	wrdreg s15  }
0x16: {  	s9 =	sadd.s32 s0, s19;
	[dreg:$0xe] =	wrdreg s8  }
0x17: {  	s11 =	sadd.s32 s0, s22;
	[dreg:$0x10] =	wrdreg s9  }
0x18: {  	s14 =	sadd.s32 s0, s13;
	[dreg:$0x13] =	wrdreg s11  }
0x19: {  	s16 =	sor.u32 $0x80800, s5;
	s7 =	sadd.s32 s0, s25;
	[dreg:$0x15] =	wrdreg s14  }
0x1a: {  	s17 =	sadd.s32 s2, s16;
	[dreg:$0x17] =	wrdreg s7  }
0x1b: {  	s18 =	sor.u32 $0xC0800, s5;
	s6 =	sadd.s32 s0, s16;
	[dreg:$0x18] =	wrdreg s17  }
0x1c: {  	[dreg:$0x19] =	wrdreg s6;
	s19 =	sadd.s32 s2, s18  }
0x1d: {  	s20 =	sor.u32 $0xC00, s5;
	s7 =	sadd.s32 s0, s18;
	[dreg:$0x1a] =	wrdreg s19  }
0x1e: {  	s21 =	sadd.s32 s2, s20;
	[dreg:$0x1b] =	wrdreg s7  }
0x1f: {  	s22 =	sadd.s32 s4, s20;
	[dreg:$0x1c] =	wrdreg s21  }
0x20: {  	s23 =	sor.u32 $0x40C00, s5;
	s6 =	sadd.s32 s0, s20;
	[dreg:$0x1d] =	wrdreg s22  }
0x21: {  	s24 =	sor.u32 $0x80C00, s5;
	s25 =	sadd.s32 s2, s23;
	[dreg:$0x1e] =	wrdreg s6  }
0x22: {  	s26 =	sadd.s32 s2, s24;
	[dreg:$0x1f] =	wrdreg s25  }
0x23: {  	s10 =	sor.u32 $0x1000, s5;
	s8 =	sadd.s32 s0, s24;
	[smem:$0x7D2] =	sst s26  }
0x24: {  	s12 =	sadd.s32 s2, s10;
	[smem:$0x7D3] =	sst s8  }
0x25: {  	s13 =	sadd.s32 s4, s10;
	[smem:$0x7D6] =	sst s12  }
0x26: {  	s15 =	sor.u32 $0x41000, s5;
	s14 =	sadd.s32 s0, s10;
	[smem:$0x7D7] =	sst s13  }
0x27: {  	s16 =	sadd.s32 s2, s15;
	[smem:$0x7D8] =	sst s14  }
0x28: {  	s9 =	sor.u32 $0xC0C00, s5;
	s6 =	sadd.s32 s0, s23;
	[smem:$0x7D9] =	sst s16  }
0x29: {  	s17 =	sor.u32 $0x81000, s5;
	s11 =	sadd.s32 s2, s9;
	[smem:$0x7D1] =	sst s6  }
0x2a: {  	s10 =	sor.u32 $0x1800, s5;
	s18 =	sadd.s32 s2, s17;
	[smem:$0x7D4] =	sst s11  }
0x2b: {  	s16 =	sadd.s32 s4, s10;
	[smem:$0x7DB] =	sst s18  }
0x2c: {  	s19 =	sor.u32 $0xC1000, s5;
	s6 =	sadd.s32 s0, s9;
	[smem:$0x7E7] =	sst s16  }
0x2d: {  	s21 =	sor.u32 $0x1400, s5;
	s20 =	sadd.s32 s2, s19;
	[smem:$0x7D5] =	sst s6  }
0x2e: {  	s22 =	sadd.s32 s2, s21;
	[smem:$0x7DD] =	sst s20  }
0x2f: {  	s23 =	sor.u32 $0x41400, s5;
	s24 =	sadd.s32 s4, s21;
	[smem:$0x7DF] =	sst s22  }
0x30: {  	s25 =	sadd.s32 s2, s23;
	[smem:$0x7E0] =	sst s24  }
0x31: {  	s26 =	sor.u32 $0x81400, s5;
	s7 =	sadd.s32 s0, s23;
	[smem:$0x7E2] =	sst s25  }
0x32: {  	s8 =	sadd.s32 s2, s26;
	[smem:$0x7E3] =	sst s7  }
0x33: {  	s9 =	sadd.s32 s4, s5;
	[smem:$0x7E4] =	sst s8  }
0x34: {  	s11 =	sor.u32 $0x1C00, s5;
	s6 =	sadd.s32 s0, s15;
	[smem:$0x7E6] =	sst s9  }
0x35: {  	s4 =	sadd.s32 s4, s11;
	[smem:$0x7DA] =	sst s6  }
0x36: {  	s23 =	sor.u32 $0xC1800, s5;
	s20 =	sadd.s32 s0, s5;
	[smem:$0x7E8] =	sst s4  }
0x37: {  	s15 =	sadd.s32 s2, s23;
	[smem:$0x7EC] =	sst s20  }
0x38: {  	s16 =	sadd.s32 s2, s11;
	[smem:$0x7F0] =	sst s15  }
0x39: {  	s22 =	sor.u32 $0x81800, s5;
	s6 =	sadd.s32 s0, s17;
	[smem:$0x7F1] =	sst s16  }
0x3a: {  	s14 =	sadd.s32 s2, s22;
	[smem:$0x7DC] =	sst s6  }
0x3b: {  	s17 =	sor.u32 $0xC1400, s5;
	s6 =	sadd.s32 s0, s19;
	[smem:$0x7EF] =	sst s14  }
0x3c: {  	s28 =	simm.s32 $0x8000;
	s18 =	sadd.s32 s2, s17;
	[smem:$0x7DE] =	sst s6  }
0x3d: {  	s29 =	simm.s32 $0xA000;
	s4 =	sadd.s32 s0, s17;
	[smem:$0x7E9] =	sst s18  }
0x3e: {  	s24 =	sor.u32 $0x41C00, s5;
	s19 =	sadd.s32 s2, s5;
	[smem:$0x7EA] =	sst s4  }
0x3f: {  	s30 =	simm.s32 $0xC000;
	s17 =	sadd.s32 s2, s24;
	[smem:$0x7EB] =	sst s19  }
0x40: {  	s31 =	simm.s32 $0xE000;
	s24 =	sadd.s32 s0, s24;
	[smem:$0x7F2] =	sst s17  }
0x41: {  	s25 =	sor.u32 $0x81C00, s5;
	s6 =	sadd.s32 s0, s21;
	[smem:$0x7FA] =	sst s24  }
0x42: {  	s12 =	simm.s32 $0x0;
	s18 =	sadd.s32 s2, s25;
	[smem:$0x7E1] =	sst s6  }
0x43: {  	s7 =	simm.s32 $0x10;
	s19 =	sadd.s32 s0, s10;
	[smem:$0x7F3] =	sst s18  }
0x44: {  	s8 =	simm.s32 $0x9;
	s25 =	sadd.s32 s0, s25;
	[smem:$0x7F5] =	sst s19  }
0x45: {  	s9 =	simm.s32 $0x11;
	s6 =	sadd.s32 s0, s26;
	[smem:$0x7FB] =	sst s25  }
0x46: {  	s21 =	sor.u32 $0x41800, s5;
	s26 =	sadd.s32 s2, s10;
	[smem:$0x7E5] =	sst s6  }
0x47: {  	s5 =	sor.u32 $0xC1C00, s5;
	s13 =	sadd.s32 s2, s21;
	[smem:$0x7ED] =	sst s26  }
0x48: {  	s15 =	simm.s32 $0x12000;
	s2 =	sadd.s32 s2, s5;
	[smem:$0x7EE] =	sst s13  }
0x49: {  	s4 =	simm.s32 $0x7;
	s20 =	sadd.s32 s0, s21;
	[smem:$0x7F4] =	sst s2  }
0x4a: {  	s21 =	sadd.s32 s0, s22;
	s22 =	sadd.s32 s0, s23;
	[smem:$0x7F6] =	sst s20  }
0x4b: {  	s23 =	sadd.s32 s0, s11;
	s0 =	sadd.s32 s0, s5;
	[smem:$0x7F7] =	sst s21  }
0x4c: {  	s25 =	simm.s32 $0x4000;
	s5 =	simm.s32 $0xF;
	[smem:$0x7F8] =	sst s22  }
0x4d: {  	s10 =	simm.s32 $0xA;
	s11 =	simm.s32 $0x12;
	[smem:$0x7F9] =	sst s23  }
0x4e: {  	[smem:$0x7FC] =	sst s0;
	s26 =	smax.u32 s3, $0x1;
	s0 =	simm.s32 $0x10000  }
0x4f: {  	s2 =	simm.s32 $0xE;
	s3 =	simm.s32 $0x2;
	s6 =	simm.s32 $0x8  }
0x50: {  	_ =	strace $0x80000047;
	[smem:$0x7FD] =	sst s26;
	s26 =	simm.s32 $0x6000  }
.LBB2_1:
0x51: {  	s13 =	sld [smem:$0x7E6];
	_ =	sdelay $0x1  }
0x52: {  	s24 =	rddreg [dreg:$0x4]  }
0x53: {  	[tilespmem:s1], [sflag:$0x1] =	stream.linear.gather [hbm4b:s13+s1], $0x2000, $0x38;
	[tilespmem:$0x14000] =	vst v63  }
0x54: {  	s14 =	simm.s32 $0x2000;
	s16 =	sld [smem:$0x7EB]  }
0x55: {  	[tilespmem:s14], [sflag:$0x2] =	stream.linear.gather [hbm4b:s24+s1], $0x2000, $0x38;
	[tilespmem:$0x14000] =	vst v63  }
0x56: {  	_ = 	snop  }
0x57: {  	[tilespmem:s25], [sflag:$0x3] =	stream.linear.gather [hbm4b:s16+s1], $0x2000, $0x38;
	[tilespmem:$0x14000] =	vst v63  }
0x58: {  	s17 =	rddreg [dreg:$0x5]  }
0x59: {  	[tilespmem:s26], [sflag:$0x4] =	stream.linear.gather [hbm4b:s17+s1], $0x2000, $0x38;
	[tilespmem:$0x14000] =	vst v63  }
0x5a: {  	s18 =	rddreg [dreg:$0x6]  }
0x5b: {  	[tilespmem:s28], [sflag:$0x5] =	stream.linear.gather [hbm4b:s18+s1], $0x2000, $0x38;
	[tilespmem:$0x14000] =	vst v63  }
0x5c: {  	s19 =	rddreg [dreg:$0x7]  }
0x5d: {  	[tilespmem:s29], [sflag:$0x6] =	stream.linear.gather [hbm4b:s19+s1], $0x2000, $0x38;
	[tilespmem:$0x14000] =	vst v63  }
0x5e: {  	s20 =	rddreg [dreg:$0x8]  }
0x5f: {  	[tilespmem:s30], [sflag:$0x7] =	stream.linear.gather [hbm4b:s20+s1], $0x2000, $0x38;
	[tilespmem:$0x14000] =	vst v63  }
0x60: {  	s21 =	rddreg [dreg:$0x9]  }
0x61: {  	[tilespmem:s31], [sflag:$0x8] =	stream.linear.gather [hbm4b:s21+s1], $0x2000, $0x38;
	[tilespmem:$0x14000] =	vst v63  }
0x62: {  	s22 =	rddreg [dreg:$0xa]  }
0x63: {  	[tilespmem:s0], [sflag:$0x9] =	stream.linear.gather [hbm4b:s22+s1], $0x2000, $0x38;
	[tilespmem:$0x14000] =	vst v63  }
0x64: {  	s23 =	rddreg [dreg:$0xb];
	s24 =	simm.s32 $0x1  }
0x65: {  	[tilespmem:s15], [sflag:$0xA] =	stream.linear.gather [hbm4b:s23+s1], $0x2000, $0x38;
	[tilespmem:$0x14000] =	vst v63  }
0x66: {  	_ =	swait.ge [sflag:s24], $0x2000  }
0x67: {  	[sflag:s24] =	ssyncset.done $0x0  }
0x68: {  	s25 =	simm.s32 $0x3;
	[sflag:s24] =	ssyncadd.s32 $0xFFFFE000  }
0x69: {  	s26 =	sand.u32 $0x1C00, s1;
	_ =	swait.ge [sflag:s25], $0x2000  }
0x6a: {  	s28 =	sor.u32 s26, s1;
	[sflag:s25] =	ssyncset.done $0x0  }
0x6b: {  	s14 =	sor.u32 $0x70, s28;
	s29 =	sand.u32 $0x380, s1;
	[sflag:s25] =	ssyncadd.s32 $0xFFFFE000  }
0x6c: {  	s15 =	sor.u32 s29, s26;
	v0 =	vld [tilespmem:s14+$0x0]  }
0x6d: {  	v3 =	vld [tilespmem:s15+$0x0]  }
0x6e: {  	v4 =	vld [tilespmem:s15+$0x10]  }
0x6f: {  	v5 =	vld [tilespmem:s15+$0x20]  }
0x70: {  	v6 =	vld [tilespmem:s15+$0x30]  }
0x71: {  	v2 =	vld [tilespmem:s15+$0x40]  }
0x72: {  	v1 =	vld [tilespmem:s15+$0x50]  }
0x73: {  	[tilespmem:s14+$0x4000] =	vst.add.f32.msk $0xffff, v0  }
0x74: {  	s13 =	sor.u32 $0x4000, s15;
	v0 =	vld [tilespmem:s15+$0x60]  }
0x75: {  	s30 =	sor.u32 $0x4010, s15;
	[tilespmem:s13+$0x0] =	vst.add.f32.msk $0xffff, v3  }
0x76: {  	s17 =	sor.u32 $0x4020, s15;
	s31 =	sor.u32 $0x4030, s15;
	s18 =	sor.u32 $0x4040, s15;
	[tilespmem:s30+$0x0] =	vst.add.f32.msk $0xffff, v4  }
0x77: {  	s16 =	sor.u32 $0x4050, s15;
	s25 =	simm.s32 $0x12000;
	s13 =	simm.s32 $0x0;
	[tilespmem:s17+$0x0] =	vst.add.f32.msk $0xffff, v5  }
0x78: {  	s17 =	sor.u32 $0x4060, s15;
	[tilespmem:s31+$0x0] =	vst.add.f32.msk $0xffff, v6;
	s14 =	simm.s32 $0x400;
	s15 =	simm.s32 $0x0  }
.LBB2_2:
0x79: {  	s19 =	sand.u32 $0x1C00, s14;
	s13 =	sadd.s32 $0x8, s13;
	[tilespmem:s18+$0x0] =	vst.add.f32.msk $0xffff, v2;
	s15 =	sadd.s32 $0x10, s15  }
0x7a: {  	s18 =	sand.u32 $0x380, s15;
	s20 =	sor.u32 s19, s15;
	p0 =	slt.u32 s13, $0x1F8;
	[tilespmem:s16+$0x0] =	vst.add.f32.msk $0xffff, v1  }
0x7b: {  	s19 =	sor.u32 s18, s19;
	s20 =	sor.u32 $0x70, s20;
	[tilespmem:s17+$0x0] =	vst.add.f32.msk $0xffff, v0  }
0x7c: {  	s21 =	sor.u32 $0x4000, s19;
	s22 =	sor.u32 $0x4010, s19;
	s23 =	sor.u32 $0x4020, s19;
	v0 =	vld [tilespmem:s20+$0x0]  }
0x7d: {  	s24 =	sor.u32 $0x4030, s19;
	s18 =	sor.u32 $0x4040, s19;
	s16 =	sor.u32 $0x4050, s19;
	v3 =	vld [tilespmem:s19+$0x0]  }
0x7e: {  	s17 =	sor.u32 $0x4060, s19;
	v4 =	vld [tilespmem:s19+$0x10]  }
0x7f: {  	v5 =	vld [tilespmem:s19+$0x20]  }
0x80: {  	v6 =	vld [tilespmem:s19+$0x30]  }
0x81: {  	[tilespmem:s20+$0x4000] =	vst.add.f32.msk $0xffff, v0  }
0x82: {  	v2 =	vld [tilespmem:s19+$0x40]  }
0x83: {  	v1 =	vld [tilespmem:s19+$0x50]  }
.Ltmp0:
0x84: {  	v0 =	vld [tilespmem:s19+$0x60];
	(pc) =	sbr.rel @p0 .LBB2_2-.Ltmp0, $4  }
0x85: {  	[tilespmem:s21+$0x0] =	vst.add.f32.msk $0xffff, v3  }
0x86: {  	[tilespmem:s22+$0x0] =	vst.add.f32.msk $0xffff, v4  }
0x87: {  	[tilespmem:s23+$0x0] =	vst.add.f32.msk $0xffff, v5  }
0x88: {  	s14 =	sadd.s32 $0x400, s14;
	[tilespmem:s24+$0x0] =	vst.add.f32.msk $0xffff, v6  }
0x89: {  	[tilespmem:s18+$0x0] =	vst.add.f32.msk $0xffff, v2  }
0x8a: {  	[tilespmem:s16+$0x0] =	vst.add.f32.msk $0xffff, v1  }
0x8b: {  	[tilespmem:s17+$0x0] =	vst.add.f32.msk $0xffff, v0  }
0x8c: {  	s14 =	sld [smem:$0x7EC];
	_ =	sdelay $0x1  }
0x8d: {  	s13 =	simm.s32 $0x0;
	s15 =	simm.s32 $0x4000;
	s0 =	simm.s32 $0xB  }
0x8e: {  	[hbm4b:s14+s13] =	stream.linear.scatter [tilespmem:s15], [sflag:$0xB], $0x2000, $0x38;
	[tilespmem:$0x14000] =	vst v63  }
0x8f: {  	_ =	swait.ge [sflag:s0], $0x2000  }
0x90: {  	[sflag:s0] =	ssyncset.done $0x0  }
0x91: {  	s23 =	simm.s32 $0x4;
	s22 =	rddreg [dreg:$0xc];
	[sflag:s0] =	ssyncadd.s32 $0xFFFFE000  }
0x92: {  	[tilespmem:s15], [sflag:$0x3] =	stream.linear.gather [hbm4b:s22+s13], $0x2000, $0x38;
	[tilespmem:$0x14000] =	vst v63  }
0x93: {  	s24 =	sand.u32 $0x1C00, s13;
	_ =	swait.ge [sflag:s23], $0x2000  }
0x94: {  	s26 =	sor.u32 s24, s13;
	[sflag:s23] =	ssyncset.done $0x0  }
0x95: {  	s28 =	sand.u32 $0x380, s13;
	s15 =	sor.u32 $0x70, s26;
	[sflag:s23] =	ssyncadd.s32 $0xFFFFE000  }
0x96: {  	s16 =	sor.u32 s28, s24;
	v0 =	vld [tilespmem:s15+$0x0]  }
0x97: {  	v3 =	vld [tilespmem:s16+$0x0]  }
0x98: {  	v4 =	vld [tilespmem:s16+$0x10]  }
0x99: {  	v5 =	vld [tilespmem:s16+$0x20]  }
0x9a: {  	v6 =	vld [tilespmem:s16+$0x30]  }
0x9b: {  	v2 =	vld [tilespmem:s16+$0x40]  }
0x9c: {  	v1 =	vld [tilespmem:s16+$0x50]  }
0x9d: {  	[tilespmem:s15+$0x6000] =	vst.add.f32.msk $0xffff, v0  }
0x9e: {  	s14 =	sor.u32 $0x6000, s16;
	v0 =	vld [tilespmem:s16+$0x60]  }
0x9f: {  	s29 =	sor.u32 $0x6010, s16;
	[tilespmem:s14+$0x0] =	vst.add.f32.msk $0xffff, v3  }
0xa0: {  	s30 =	sor.u32 $0x6020, s16;
	[tilespmem:s29+$0x0] =	vst.add.f32.msk $0xffff, v4  }
0xa1: {  	s31 =	sor.u32 $0x6030, s16;
	s18 =	sor.u32 $0x6040, s16;
	s17 =	sor.u32 $0x6050, s16;
	[tilespmem:s30+$0x0] =	vst.add.f32.msk $0xffff, v5  }
0xa2: {  	s14 =	simm.s32 $0x0;
	s16 =	sor.u32 $0x6060, s16;
	[tilespmem:s31+$0x0] =	vst.add.f32.msk $0xffff, v6;
	s15 =	simm.s32 $0x400  }
.LBB2_4:
0xa3: {  	s19 =	sand.u32 $0x1C00, s15;
	s14 =	sadd.s32 $0x8, s14;
	[tilespmem:s18+$0x0] =	vst.add.f32.msk $0xffff, v2;
	s13 =	sadd.s32 $0x10, s13  }
0xa4: {  	s18 =	sand.u32 $0x380, s13;
	s20 =	sor.u32 s19, s13;
	p0 =	slt.u32 s14, $0x1F8;
	[tilespmem:s17+$0x0] =	vst.add.f32.msk $0xffff, v1  }
0xa5: {  	s19 =	sor.u32 s18, s19;
	s20 =	sor.u32 $0x70, s20;
	[tilespmem:s16+$0x0] =	vst.add.f32.msk $0xffff, v0  }
0xa6: {  	s21 =	sor.u32 $0x6000, s19;
	s22 =	sor.u32 $0x6010, s19;
	s23 =	sor.u32 $0x6020, s19;
	v0 =	vld [tilespmem:s20+$0x0]  }
0xa7: {  	s24 =	sor.u32 $0x6030, s19;
	s18 =	sor.u32 $0x6040, s19;
	s17 =	sor.u32 $0x6050, s19;
	v3 =	vld [tilespmem:s19+$0x0]  }
0xa8: {  	s16 =	sor.u32 $0x6060, s19;
	v4 =	vld [tilespmem:s19+$0x10]  }
0xa9: {  	v5 =	vld [tilespmem:s19+$0x20]  }
0xaa: {  	v6 =	vld [tilespmem:s19+$0x30]  }
0xab: {  	[tilespmem:s20+$0x6000] =	vst.add.f32.msk $0xffff, v0  }
0xac: {  	v2 =	vld [tilespmem:s19+$0x40]  }
0xad: {  	v1 =	vld [tilespmem:s19+$0x50]  }
.Ltmp1:
0xae: {  	v0 =	vld [tilespmem:s19+$0x60];
	(pc) =	sbr.rel @p0 .LBB2_4-.Ltmp1, $4  }
0xaf: {  	[tilespmem:s21+$0x0] =	vst.add.f32.msk $0xffff, v3  }
0xb0: {  	[tilespmem:s22+$0x0] =	vst.add.f32.msk $0xffff, v4  }
0xb1: {  	[tilespmem:s23+$0x0] =	vst.add.f32.msk $0xffff, v5  }
0xb2: {  	s15 =	sadd.s32 $0x400, s15;
	[tilespmem:s24+$0x0] =	vst.add.f32.msk $0xffff, v6  }
0xb3: {  	[tilespmem:s18+$0x0] =	vst.add.f32.msk $0xffff, v2  }
0xb4: {  	[tilespmem:s17+$0x0] =	vst.add.f32.msk $0xffff, v1  }
0xb5: {  	[tilespmem:s16+$0x0] =	vst.add.f32.msk $0xffff, v0;
	s13 =	simm.s32 $0x0  }
0xb6: {  	s15 =	simm.s32 $0x6000;
	s0 =	simm.s32 $0xC;
	s14 =	rddreg [dreg:$0xd]  }
0xb7: {  	[hbm4b:s14+s13] =	stream.linear.scatter [tilespmem:s15], [sflag:$0xC], $0x2000, $0x38;
	[tilespmem:$0x14000] =	vst v63  }
0xb8: {  	_ =	swait.ge [sflag:s0], $0x2000  }
0xb9: {  	[sflag:s0] =	ssyncset.done $0x0  }
0xba: {  	s23 =	simm.s32 $0x5;
	s22 =	rddreg [dreg:$0x16];
	[sflag:s0] =	ssyncadd.s32 $0xFFFFE000  }
0xbb: {  	[tilespmem:s15], [sflag:$0x4] =	stream.linear.gather [hbm4b:s22+s13], $0x2000, $0x38;
	[tilespmem:$0x14000] =	vst v63  }
0xbc: {  	s24 =	sand.u32 $0x1C00, s13;
	_ =	swait.ge [sflag:s23], $0x2000  }
0xbd: {  	s26 =	sor.u32 s24, s13;
	[sflag:s23] =	ssyncset.done $0x0  }
0xbe: {  	s28 =	sand.u32 $0x380, s13;
	s15 =	sor.u32 $0x70, s26;
	[sflag:s23] =	ssyncadd.s32 $0xFFFFE000  }
0xbf: {  	s16 =	sor.u32 s28, s24;
	v0 =	vld [tilespmem:s15+$0x0]  }
0xc0: {  	v3 =	vld [tilespmem:s16+$0x0]  }
0xc1: {  	v4 =	vld [tilespmem:s16+$0x10]  }
0xc2: {  	v5 =	vld [tilespmem:s16+$0x20]  }
0xc3: {  	v6 =	vld [tilespmem:s16+$0x30]  }
0xc4: {  	v2 =	vld [tilespmem:s16+$0x40]  }
0xc5: {  	v1 =	vld [tilespmem:s16+$0x50]  }
0xc6: {  	[tilespmem:s15+$0x8000] =	vst.add.f32.msk $0xffff, v0  }
0xc7: {  	s14 =	sor.u32 $0x8000, s16;
	v0 =	vld [tilespmem:s16+$0x60]  }
0xc8: {  	s29 =	sor.u32 $0x8010, s16;
	[tilespmem:s14+$0x0] =	vst.add.f32.msk $0xffff, v3  }
0xc9: {  	s30 =	sor.u32 $0x8020, s16;
	[tilespmem:s29+$0x0] =	vst.add.f32.msk $0xffff, v4  }
0xca: {  	s31 =	sor.u32 $0x8030, s16;
	s18 =	sor.u32 $0x8040, s16;
	s17 =	sor.u32 $0x8050, s16;
	[tilespmem:s30+$0x0] =	vst.add.f32.msk $0xffff, v5  }
0xcb: {  	s14 =	simm.s32 $0x0;
	s16 =	sor.u32 $0x8060, s16;
	[tilespmem:s31+$0x0] =	vst.add.f32.msk $0xffff, v6;
	s15 =	simm.s32 $0x400  }
.LBB2_6:
0xcc: {  	s19 =	sand.u32 $0x1C00, s15;
	s14 =	sadd.s32 $0x8, s14;
	[tilespmem:s18+$0x0] =	vst.add.f32.msk $0xffff, v2;
	s13 =	sadd.s32 $0x10, s13  }
0xcd: {  	s18 =	sand.u32 $0x380, s13;
	s20 =	sor.u32 s19, s13;
	p0 =	slt.u32 s14, $0x1F8;
	[tilespmem:s17+$0x0] =	vst.add.f32.msk $0xffff, v1  }
0xce: {  	s19 =	sor.u32 s18, s19;
	s20 =	sor.u32 $0x70, s20;
	[tilespmem:s16+$0x0] =	vst.add.f32.msk $0xffff, v0  }
0xcf: {  	s21 =	sor.u32 $0x8000, s19;
	s22 =	sor.u32 $0x8010, s19;
	s23 =	sor.u32 $0x8020, s19;
	v0 =	vld [tilespmem:s20+$0x0]  }
0xd0: {  	s24 =	sor.u32 $0x8030, s19;
	s18 =	sor.u32 $0x8040, s19;
	s17 =	sor.u32 $0x8050, s19;
	v3 =	vld [tilespmem:s19+$0x0]  }
0xd1: {  	s16 =	sor.u32 $0x8060, s19;
	v4 =	vld [tilespmem:s19+$0x10]  }
0xd2: {  	v5 =	vld [tilespmem:s19+$0x20]  }
0xd3: {  	v6 =	vld [tilespmem:s19+$0x30]  }
0xd4: {  	[tilespmem:s20+$0x8000] =	vst.add.f32.msk $0xffff, v0  }
0xd5: {  	v2 =	vld [tilespmem:s19+$0x40]  }
0xd6: {  	v1 =	vld [tilespmem:s19+$0x50]  }
.Ltmp2:
0xd7: {  	v0 =	vld [tilespmem:s19+$0x60];
	(pc) =	sbr.rel @p0 .LBB2_6-.Ltmp2, $4  }
0xd8: {  	[tilespmem:s21+$0x0] =	vst.add.f32.msk $0xffff, v3  }
0xd9: {  	[tilespmem:s22+$0x0] =	vst.add.f32.msk $0xffff, v4  }
0xda: {  	[tilespmem:s23+$0x0] =	vst.add.f32.msk $0xffff, v5  }
0xdb: {  	s15 =	sadd.s32 $0x400, s15;
	[tilespmem:s24+$0x0] =	vst.add.f32.msk $0xffff, v6  }
0xdc: {  	[tilespmem:s18+$0x0] =	vst.add.f32.msk $0xffff, v2  }
0xdd: {  	[tilespmem:s17+$0x0] =	vst.add.f32.msk $0xffff, v1  }
0xde: {  	[tilespmem:s16+$0x0] =	vst.add.f32.msk $0xffff, v0;
	s13 =	simm.s32 $0x0  }
0xdf: {  	s15 =	simm.s32 $0x8000;
	s0 =	simm.s32 $0xD;
	s14 =	rddreg [dreg:$0xe]  }
0xe0: {  	[hbm4b:s14+s13] =	stream.linear.scatter [tilespmem:s15], [sflag:$0xD], $0x2000, $0x38;
	[tilespmem:$0x14000] =	vst v63  }
0xe1: {  	_ =	swait.ge [sflag:s0], $0x2000  }
0xe2: {  	[sflag:s0] =	ssyncset.done $0x0  }
0xe3: {  	s23 =	simm.s32 $0x6;
	s22 =	rddreg [dreg:$0x18];
	[sflag:s0] =	ssyncadd.s32 $0xFFFFE000  }
0xe4: {  	[tilespmem:s15], [sflag:$0x5] =	stream.linear.gather [hbm4b:s22+s13], $0x2000, $0x38;
	[tilespmem:$0x14000] =	vst v63  }
0xe5: {  	s24 =	sand.u32 $0x1C00, s13;
	_ =	swait.ge [sflag:s23], $0x2000  }
0xe6: {  	s26 =	sor.u32 s24, s13;
	[sflag:s23] =	ssyncset.done $0x0  }
0xe7: {  	s28 =	sand.u32 $0x380, s13;
	s15 =	sor.u32 $0x70, s26;
	[sflag:s23] =	ssyncadd.s32 $0xFFFFE000  }
0xe8: {  	s16 =	sor.u32 s28, s24;
	v0 =	vld [tilespmem:s15+$0x0]  }
0xe9: {  	v3 =	vld [tilespmem:s16+$0x0]  }
0xea: {  	v4 =	vld [tilespmem:s16+$0x10]  }
0xeb: {  	v5 =	vld [tilespmem:s16+$0x20]  }
0xec: {  	v6 =	vld [tilespmem:s16+$0x30]  }
0xed: {  	v2 =	vld [tilespmem:s16+$0x40]  }
0xee: {  	v1 =	vld [tilespmem:s16+$0x50]  }
0xef: {  	[tilespmem:s15+$0xA000] =	vst.add.f32.msk $0xffff, v0  }
0xf0: {  	s14 =	sor.u32 $0xA000, s16;
	v0 =	vld [tilespmem:s16+$0x60]  }
0xf1: {  	s29 =	sor.u32 $0xA010, s16;
	[tilespmem:s14+$0x0] =	vst.add.f32.msk $0xffff, v3  }
0xf2: {  	s30 =	sor.u32 $0xA020, s16;
	[tilespmem:s29+$0x0] =	vst.add.f32.msk $0xffff, v4  }
0xf3: {  	s31 =	sor.u32 $0xA030, s16;
	s18 =	sor.u32 $0xA040, s16;
	s17 =	sor.u32 $0xA050, s16;
	[tilespmem:s30+$0x0] =	vst.add.f32.msk $0xffff, v5  }
0xf4: {  	s14 =	simm.s32 $0x0;
	s16 =	sor.u32 $0xA060, s16;
	[tilespmem:s31+$0x0] =	vst.add.f32.msk $0xffff, v6;
	s15 =	simm.s32 $0x400  }
.LBB2_8:
0xf5: {  	s19 =	sand.u32 $0x1C00, s15;
	s14 =	sadd.s32 $0x8, s14;
	[tilespmem:s18+$0x0] =	vst.add.f32.msk $0xffff, v2;
	s13 =	sadd.s32 $0x10, s13  }
0xf6: {  	s18 =	sand.u32 $0x380, s13;
	s20 =	sor.u32 s19, s13;
	p0 =	slt.u32 s14, $0x1F8;
	[tilespmem:s17+$0x0] =	vst.add.f32.msk $0xffff, v1  }
0xf7: {  	s19 =	sor.u32 s18, s19;
	s20 =	sor.u32 $0x70, s20;
	[tilespmem:s16+$0x0] =	vst.add.f32.msk $0xffff, v0  }
0xf8: {  	s21 =	sor.u32 $0xA000, s19;
	s22 =	sor.u32 $0xA010, s19;
	s23 =	sor.u32 $0xA020, s19;
	v0 =	vld [tilespmem:s20+$0x0]  }
0xf9: {  	s24 =	sor.u32 $0xA030, s19;
	s18 =	sor.u32 $0xA040, s19;
	s17 =	sor.u32 $0xA050, s19;
	v3 =	vld [tilespmem:s19+$0x0]  }
0xfa: {  	s16 =	sor.u32 $0xA060, s19;
	v4 =	vld [tilespmem:s19+$0x10]  }
0xfb: {  	v5 =	vld [tilespmem:s19+$0x20]  }
0xfc: {  	v6 =	vld [tilespmem:s19+$0x30]  }
0xfd: {  	[tilespmem:s20+$0xA000] =	vst.add.f32.msk $0xffff, v0  }
0xfe: {  	v2 =	vld [tilespmem:s19+$0x40]  }
0xff: {  	v1 =	vld [tilespmem:s19+$0x50]  }
.Ltmp3:
0x100: {  	v0 =	vld [tilespmem:s19+$0x60];
	(pc) =	sbr.rel @p0 .LBB2_8-.Ltmp3, $4  }
0x101: {  	[tilespmem:s21+$0x0] =	vst.add.f32.msk $0xffff, v3  }
0x102: {  	[tilespmem:s22+$0x0] =	vst.add.f32.msk $0xffff, v4  }
0x103: {  	[tilespmem:s23+$0x0] =	vst.add.f32.msk $0xffff, v5  }
0x104: {  	s15 =	sadd.s32 $0x400, s15;
	[tilespmem:s24+$0x0] =	vst.add.f32.msk $0xffff, v6  }
0x105: {  	[tilespmem:s18+$0x0] =	vst.add.f32.msk $0xffff, v2  }
0x106: {  	[tilespmem:s17+$0x0] =	vst.add.f32.msk $0xffff, v1  }
0x107: {  	[tilespmem:s16+$0x0] =	vst.add.f32.msk $0xffff, v0  }
0x108: {  	s13 =	simm.s32 $0x0;
	s14 =	rddreg [dreg:$0xf]  }
0x109: {  	[tilespmem:s13], [sflag:$0x1] =	stream.linear.gather [hbm4b:s14+s13], $0x2000, $0x38;
	[tilespmem:$0x14000] =	vst v63  }
0x10a: {  	s15 =	simm.s32 $0xA000;
	s22 =	rddreg [dreg:$0x10]  }
0x10b: {  	[hbm4b:s22+s13] =	stream.linear.scatter [tilespmem:s15], [sflag:$0xE], $0x2000, $0x38;
	[tilespmem:$0x14000] =	vst v63  }
0x10c: {  	_ =	swait.ge [sflag:s2], $0x2000  }
0x10d: {  	[sflag:s2] =	ssyncset.done $0x0  }
0x10e: {  	s23 =	rddreg [dreg:$0x1a];
	[sflag:s2] =	ssyncadd.s32 $0xFFFFE000  }
0x10f: {  	[tilespmem:s15], [sflag:$0x6] =	stream.linear.gather [hbm4b:s23+s13], $0x2000, $0x38;
	[tilespmem:$0x14000] =	vst v63  }
0x110: {  	_ =	swait.ge [sflag:s3], $0x2000  }
0x111: {  	[sflag:s3] =	ssyncset.done $0x0  }
0x112: {  	[sflag:s3] =	ssyncadd.s32 $0xFFFFE000  }
0x113: {  	s24 =	sand.u32 $0x1C00, s13;
	_ =	swait.ge [sflag:s4], $0x2000  }
0x114: {  	s26 =	sor.u32 s24, s13;
	[sflag:s4] =	ssyncset.done $0x0  }
0x115: {  	s28 =	sand.u32 $0x380, s13;
	s15 =	sor.u32 $0x70, s26;
	[sflag:s4] =	ssyncadd.s32 $0xFFFFE000  }
0x116: {  	s16 =	sor.u32 s28, s24;
	v0 =	vld [tilespmem:s15+$0x2000]  }
0x117: {  	v3 =	vld [tilespmem:s16+$0x2000]  }
0x118: {  	v4 =	vld [tilespmem:s16+$0x2010]  }
0x119: {  	v5 =	vld [tilespmem:s16+$0x2020]  }
0x11a: {  	v6 =	vld [tilespmem:s16+$0x2030]  }
0x11b: {  	v2 =	vld [tilespmem:s16+$0x2040]  }
0x11c: {  	v1 =	vld [tilespmem:s16+$0x2050]  }
0x11d: {  	[tilespmem:s15+$0xC000] =	vst.add.f32.msk $0xffff, v0  }
0x11e: {  	s14 =	sor.u32 $0xC000, s16;
	v0 =	vld [tilespmem:s16+$0x2060]  }
0x11f: {  	s29 =	sor.u32 $0xC010, s16;
	[tilespmem:s14+$0x0] =	vst.add.f32.msk $0xffff, v3  }
0x120: {  	s30 =	sor.u32 $0xC020, s16;
	[tilespmem:s29+$0x0] =	vst.add.f32.msk $0xffff, v4  }
0x121: {  	s31 =	sor.u32 $0xC030, s16;
	s18 =	sor.u32 $0xC040, s16;
	s17 =	sor.u32 $0xC050, s16;
	[tilespmem:s30+$0x0] =	vst.add.f32.msk $0xffff, v5  }
0x122: {  	s14 =	simm.s32 $0x0;
	s16 =	sor.u32 $0xC060, s16;
	[tilespmem:s31+$0x0] =	vst.add.f32.msk $0xffff, v6;
	s15 =	simm.s32 $0x400  }
.LBB2_10:
0x123: {  	s19 =	sand.u32 $0x1C00, s15;
	s14 =	sadd.s32 $0x8, s14;
	[tilespmem:s18+$0x0] =	vst.add.f32.msk $0xffff, v2;
	s13 =	sadd.s32 $0x10, s13  }
0x124: {  	s18 =	sand.u32 $0x380, s13;
	s20 =	sor.u32 s19, s13;
	p0 =	slt.u32 s14, $0x1F8;
	[tilespmem:s17+$0x0] =	vst.add.f32.msk $0xffff, v1  }
0x125: {  	s19 =	sor.u32 s18, s19;
	s20 =	sor.u32 $0x70, s20;
	[tilespmem:s16+$0x0] =	vst.add.f32.msk $0xffff, v0  }
0x126: {  	s21 =	sor.u32 $0xC000, s19;
	s22 =	sor.u32 $0xC010, s19;
	s23 =	sor.u32 $0xC020, s19;
	v0 =	vld [tilespmem:s20+$0x2000]  }
0x127: {  	s24 =	sor.u32 $0xC030, s19;
	s18 =	sor.u32 $0xC040, s19;
	s17 =	sor.u32 $0xC050, s19;
	v3 =	vld [tilespmem:s19+$0x2000]  }
0x128: {  	s16 =	sor.u32 $0xC060, s19;
	v4 =	vld [tilespmem:s19+$0x2010]  }
0x129: {  	v5 =	vld [tilespmem:s19+$0x2020]  }
0x12a: {  	v6 =	vld [tilespmem:s19+$0x2030]  }
0x12b: {  	[tilespmem:s20+$0xC000] =	vst.add.f32.msk $0xffff, v0  }
0x12c: {  	v2 =	vld [tilespmem:s19+$0x2040]  }
0x12d: {  	v1 =	vld [tilespmem:s19+$0x2050]  }
.Ltmp4:
0x12e: {  	v0 =	vld [tilespmem:s19+$0x2060];
	(pc) =	sbr.rel @p0 .LBB2_10-.Ltmp4, $4  }
0x12f: {  	[tilespmem:s21+$0x0] =	vst.add.f32.msk $0xffff, v3  }
0x130: {  	[tilespmem:s22+$0x0] =	vst.add.f32.msk $0xffff, v4  }
0x131: {  	[tilespmem:s23+$0x0] =	vst.add.f32.msk $0xffff, v5  }
0x132: {  	s15 =	sadd.s32 $0x400, s15;
	[tilespmem:s24+$0x0] =	vst.add.f32.msk $0xffff, v6  }
0x133: {  	[tilespmem:s18+$0x0] =	vst.add.f32.msk $0xffff, v2  }
0x134: {  	[tilespmem:s17+$0x0] =	vst.add.f32.msk $0xffff, v1  }
0x135: {  	[tilespmem:s16+$0x0] =	vst.add.f32.msk $0xffff, v0  }
0x136: {  	s13 =	simm.s32 $0x0;
	s15 =	simm.s32 $0xC000;
	s14 =	rddreg [dreg:$0x11]  }
0x137: {  	[hbm4b:s14+s13] =	stream.linear.scatter [tilespmem:s15], [sflag:$0xF], $0x2000, $0x38;
	[tilespmem:$0x14000] =	vst v63  }
0x138: {  	_ =	swait.ge [sflag:s5], $0x2000  }
0x139: {  	[sflag:s5] =	ssyncset.done $0x0  }
0x13a: {  	s23 =	rddreg [dreg:$0x1c];
	[sflag:s5] =	ssyncadd.s32 $0xFFFFE000  }
0x13b: {  	[tilespmem:s15], [sflag:$0x7] =	stream.linear.gather [hbm4b:s23+s13], $0x2000, $0x38;
	[tilespmem:$0x14000] =	vst v63  }
0x13c: {  	s24 =	sand.u32 $0x1C00, s13;
	_ =	swait.ge [sflag:s6], $0x2000  }
0x13d: {  	s26 =	sor.u32 s24, s13;
	[sflag:s6] =	ssyncset.done $0x0  }
0x13e: {  	s28 =	sand.u32 $0x380, s13;
	s15 =	sor.u32 $0x70, s26;
	[sflag:s6] =	ssyncadd.s32 $0xFFFFE000  }
0x13f: {  	s16 =	sor.u32 s28, s24;
	v0 =	vld [tilespmem:s15+$0x2000]  }
0x140: {  	v3 =	vld [tilespmem:s16+$0x2000]  }
0x141: {  	v4 =	vld [tilespmem:s16+$0x2010]  }
0x142: {  	v5 =	vld [tilespmem:s16+$0x2020]  }
0x143: {  	v6 =	vld [tilespmem:s16+$0x2030]  }
0x144: {  	v2 =	vld [tilespmem:s16+$0x2040]  }
0x145: {  	v1 =	vld [tilespmem:s16+$0x2050]  }
0x146: {  	[tilespmem:s15+$0xE000] =	vst.add.f32.msk $0xffff, v0  }
0x147: {  	s14 =	sor.u32 $0xE000, s16;
	v0 =	vld [tilespmem:s16+$0x2060]  }
0x148: {  	s29 =	sor.u32 $0xE010, s16;
	[tilespmem:s14+$0x0] =	vst.add.f32.msk $0xffff, v3  }
0x149: {  	s30 =	sor.u32 $0xE020, s16;
	[tilespmem:s29+$0x0] =	vst.add.f32.msk $0xffff, v4  }
0x14a: {  	s31 =	sor.u32 $0xE030, s16;
	s18 =	sor.u32 $0xE040, s16;
	s17 =	sor.u32 $0xE050, s16;
	[tilespmem:s30+$0x0] =	vst.add.f32.msk $0xffff, v5  }
0x14b: {  	s14 =	simm.s32 $0x0;
	s16 =	sor.u32 $0xE060, s16;
	[tilespmem:s31+$0x0] =	vst.add.f32.msk $0xffff, v6;
	s15 =	simm.s32 $0x400  }
.LBB2_12:
0x14c: {  	s19 =	sand.u32 $0x1C00, s15;
	s14 =	sadd.s32 $0x8, s14;
	[tilespmem:s18+$0x0] =	vst.add.f32.msk $0xffff, v2;
	s13 =	sadd.s32 $0x10, s13  }
0x14d: {  	s18 =	sand.u32 $0x380, s13;
	s20 =	sor.u32 s19, s13;
	p0 =	slt.u32 s14, $0x1F8;
	[tilespmem:s17+$0x0] =	vst.add.f32.msk $0xffff, v1  }
0x14e: {  	s19 =	sor.u32 s18, s19;
	s20 =	sor.u32 $0x70, s20;
	[tilespmem:s16+$0x0] =	vst.add.f32.msk $0xffff, v0  }
0x14f: {  	s21 =	sor.u32 $0xE000, s19;
	s22 =	sor.u32 $0xE010, s19;
	s23 =	sor.u32 $0xE020, s19;
	v0 =	vld [tilespmem:s20+$0x2000]  }
0x150: {  	s24 =	sor.u32 $0xE030, s19;
	s18 =	sor.u32 $0xE040, s19;
	s17 =	sor.u32 $0xE050, s19;
	v3 =	vld [tilespmem:s19+$0x2000]  }
0x151: {  	s16 =	sor.u32 $0xE060, s19;
	v4 =	vld [tilespmem:s19+$0x2010]  }
0x152: {  	v5 =	vld [tilespmem:s19+$0x2020]  }
0x153: {  	v6 =	vld [tilespmem:s19+$0x2030]  }
0x154: {  	[tilespmem:s20+$0xE000] =	vst.add.f32.msk $0xffff, v0  }
0x155: {  	v2 =	vld [tilespmem:s19+$0x2040]  }
0x156: {  	v1 =	vld [tilespmem:s19+$0x2050]  }
.Ltmp5:
0x157: {  	v0 =	vld [tilespmem:s19+$0x2060];
	(pc) =	sbr.rel @p0 .LBB2_12-.Ltmp5, $4  }
0x158: {  	[tilespmem:s21+$0x0] =	vst.add.f32.msk $0xffff, v3  }
0x159: {  	[tilespmem:s22+$0x0] =	vst.add.f32.msk $0xffff, v4  }
0x15a: {  	[tilespmem:s23+$0x0] =	vst.add.f32.msk $0xffff, v5  }
0x15b: {  	s15 =	sadd.s32 $0x400, s15;
	[tilespmem:s24+$0x0] =	vst.add.f32.msk $0xffff, v6  }
0x15c: {  	[tilespmem:s18+$0x0] =	vst.add.f32.msk $0xffff, v2  }
0x15d: {  	[tilespmem:s17+$0x0] =	vst.add.f32.msk $0xffff, v1  }
0x15e: {  	[tilespmem:s16+$0x0] =	vst.add.f32.msk $0xffff, v0  }
0x15f: {  	s13 =	simm.s32 $0x0;
	s15 =	simm.s32 $0xE000;
	s14 =	rddreg [dreg:$0x12]  }
0x160: {  	[hbm4b:s14+s13] =	stream.linear.scatter [tilespmem:s15], [sflag:$0x10], $0x2000, $0x38;
	[tilespmem:$0x14000] =	vst v63  }
0x161: {  	_ =	swait.ge [sflag:s7], $0x2000  }
0x162: {  	[sflag:s7] =	ssyncset.done $0x0  }
0x163: {  	s23 =	rddreg [dreg:$0x1f];
	[sflag:s7] =	ssyncadd.s32 $0xFFFFE000  }
0x164: {  	[tilespmem:s15], [sflag:$0x8] =	stream.linear.gather [hbm4b:s23+s13], $0x2000, $0x38;
	[tilespmem:$0x14000] =	vst v63  }
0x165: {  	s24 =	sand.u32 $0x1C00, s13;
	_ =	swait.ge [sflag:s8], $0x2000  }
0x166: {  	s26 =	sor.u32 s24, s13;
	[sflag:s8] =	ssyncset.done $0x0  }
0x167: {  	s28 =	sand.u32 $0x380, s13;
	s15 =	sor.u32 $0x70, s26;
	[sflag:s8] =	ssyncadd.s32 $0xFFFFE000  }
0x168: {  	s16 =	sor.u32 s28, s24;
	v0 =	vld [tilespmem:s15+$0x2000]  }
0x169: {  	v3 =	vld [tilespmem:s16+$0x2000]  }
0x16a: {  	v4 =	vld [tilespmem:s16+$0x2010]  }
0x16b: {  	v5 =	vld [tilespmem:s16+$0x2020]  }
0x16c: {  	v6 =	vld [tilespmem:s16+$0x2030]  }
0x16d: {  	v2 =	vld [tilespmem:s16+$0x2040]  }
0x16e: {  	v1 =	vld [tilespmem:s16+$0x2050]  }
0x16f: {  	[tilespmem:s15+$0x10000] =	vst.add.f32.msk $0xffff, v0  }
0x170: {  	s14 =	sor.u32 $0x10000, s16;
	v0 =	vld [tilespmem:s16+$0x2060]  }
0x171: {  	s29 =	sor.u32 $0x10010, s16;
	[tilespmem:s14+$0x0] =	vst.add.f32.msk $0xffff, v3  }
0x172: {  	s30 =	sor.u32 $0x10020, s16;
	[tilespmem:s29+$0x0] =	vst.add.f32.msk $0xffff, v4  }
0x173: {  	s31 =	sor.u32 $0x10030, s16;
	s18 =	sor.u32 $0x10040, s16;
	s17 =	sor.u32 $0x10050, s16;
	[tilespmem:s30+$0x0] =	vst.add.f32.msk $0xffff, v5  }
0x174: {  	s14 =	simm.s32 $0x0;
	s16 =	sor.u32 $0x10060, s16;
	[tilespmem:s31+$0x0] =	vst.add.f32.msk $0xffff, v6;
	s15 =	simm.s32 $0x400  }
.LBB2_14:
0x175: {  	s19 =	sand.u32 $0x1C00, s15;
	s14 =	sadd.s32 $0x8, s14;
	[tilespmem:s18+$0x0] =	vst.add.f32.msk $0xffff, v2;
	s13 =	sadd.s32 $0x10, s13  }
0x176: {  	s18 =	sand.u32 $0x380, s13;
	s20 =	sor.u32 s19, s13;
	p0 =	slt.u32 s14, $0x1F8;
	[tilespmem:s17+$0x0] =	vst.add.f32.msk $0xffff, v1  }
0x177: {  	s19 =	sor.u32 s18, s19;
	s20 =	sor.u32 $0x70, s20;
	[tilespmem:s16+$0x0] =	vst.add.f32.msk $0xffff, v0  }
0x178: {  	s21 =	sor.u32 $0x10000, s19;
	s22 =	sor.u32 $0x10010, s19;
	s23 =	sor.u32 $0x10020, s19;
	v0 =	vld [tilespmem:s20+$0x2000]  }
0x179: {  	s24 =	sor.u32 $0x10030, s19;
	s18 =	sor.u32 $0x10040, s19;
	s17 =	sor.u32 $0x10050, s19;
	v3 =	vld [tilespmem:s19+$0x2000]  }
0x17a: {  	s16 =	sor.u32 $0x10060, s19;
	v4 =	vld [tilespmem:s19+$0x2010]  }
0x17b: {  	v5 =	vld [tilespmem:s19+$0x2020]  }
0x17c: {  	v6 =	vld [tilespmem:s19+$0x2030]  }
0x17d: {  	[tilespmem:s20+$0x10000] =	vst.add.f32.msk $0xffff, v0  }
0x17e: {  	v2 =	vld [tilespmem:s19+$0x2040]  }
0x17f: {  	v1 =	vld [tilespmem:s19+$0x2050]  }
.Ltmp6:
0x180: {  	v0 =	vld [tilespmem:s19+$0x2060];
	(pc) =	sbr.rel @p0 .LBB2_14-.Ltmp6, $4  }
0x181: {  	[tilespmem:s21+$0x0] =	vst.add.f32.msk $0xffff, v3  }
0x182: {  	[tilespmem:s22+$0x0] =	vst.add.f32.msk $0xffff, v4  }
0x183: {  	[tilespmem:s23+$0x0] =	vst.add.f32.msk $0xffff, v5  }
0x184: {  	s15 =	sadd.s32 $0x400, s15;
	[tilespmem:s24+$0x0] =	vst.add.f32.msk $0xffff, v6  }
0x185: {  	[tilespmem:s18+$0x0] =	vst.add.f32.msk $0xffff, v2  }
0x186: {  	[tilespmem:s17+$0x0] =	vst.add.f32.msk $0xffff, v1  }
0x187: {  	[tilespmem:s16+$0x0] =	vst.add.f32.msk $0xffff, v0  }
0x188: {  	s13 =	simm.s32 $0x0;
	s0 =	simm.s32 $0x10000;
	s14 =	rddreg [dreg:$0x13]  }
0x189: {  	[hbm4b:s14+s13] =	stream.linear.scatter [tilespmem:s0], [sflag:$0x11], $0x2000, $0x38;
	[tilespmem:$0x14000] =	vst v63  }
0x18a: {  	_ =	swait.ge [sflag:s9], $0x2000  }
0x18b: {  	s24 =	sld [smem:$0x7D2]  }
0x18c: {  	[sflag:s9] =	ssyncset.done $0x0  }
0x18d: {  	[sflag:s9] =	ssyncadd.s32 $0xFFFFE000  }
0x18e: {  	[tilespmem:s0], [sflag:$0x9] =	stream.linear.gather [hbm4b:s24+s13], $0x2000, $0x38;
	[tilespmem:$0x14000] =	vst v63  }
0x18f: {  	s26 =	sand.u32 $0x1C00, s13;
	_ =	swait.ge [sflag:s10], $0x2000  }
0x190: {  	s15 =	sor.u32 s26, s13;
	[sflag:s10] =	ssyncset.done $0x0  }
0x191: {  	s28 =	sand.u32 $0x380, s13;
	s15 =	sor.u32 $0x70, s15;
	[sflag:s10] =	ssyncadd.s32 $0xFFFFE000  }
0x192: {  	s16 =	sor.u32 s28, s26;
	v0 =	vld [tilespmem:s15+$0x2000]  }
0x193: {  	v3 =	vld [tilespmem:s16+$0x2000]  }
0x194: {  	v4 =	vld [tilespmem:s16+$0x2010]  }
0x195: {  	v5 =	vld [tilespmem:s16+$0x2020]  }
0x196: {  	v6 =	vld [tilespmem:s16+$0x2030]  }
0x197: {  	v2 =	vld [tilespmem:s16+$0x2040]  }
0x198: {  	v1 =	vld [tilespmem:s16+$0x2050]  }
0x199: {  	[tilespmem:s15+$0x12000] =	vst.add.f32.msk $0xffff, v0  }
0x19a: {  	s14 =	sor.u32 $0x12000, s16;
	v0 =	vld [tilespmem:s16+$0x2060]  }
0x19b: {  	s29 =	sor.u32 $0x12010, s16;
	[tilespmem:s14+$0x0] =	vst.add.f32.msk $0xffff, v3  }
0x19c: {  	s30 =	sor.u32 $0x12020, s16;
	[tilespmem:s29+$0x0] =	vst.add.f32.msk $0xffff, v4  }
0x19d: {  	s31 =	sor.u32 $0x12030, s16;
	s18 =	sor.u32 $0x12040, s16;
	s17 =	sor.u32 $0x12050, s16;
	[tilespmem:s30+$0x0] =	vst.add.f32.msk $0xffff, v5  }
0x19e: {  	s14 =	simm.s32 $0x0;
	s16 =	sor.u32 $0x12060, s16;
	[tilespmem:s31+$0x0] =	vst.add.f32.msk $0xffff, v6;
	s15 =	simm.s32 $0x400  }
.LBB2_16:
0x19f: {  	s19 =	sand.u32 $0x1C00, s15;
	s14 =	sadd.s32 $0x8, s14;
	[tilespmem:s18+$0x0] =	vst.add.f32.msk $0xffff, v2;
	s13 =	sadd.s32 $0x10, s13  }
0x1a0: {  	s18 =	sand.u32 $0x380, s13;
	s20 =	sor.u32 s19, s13;
	p0 =	slt.u32 s14, $0x1F8;
	[tilespmem:s17+$0x0] =	vst.add.f32.msk $0xffff, v1  }
0x1a1: {  	s19 =	sor.u32 s18, s19;
	s20 =	sor.u32 $0x70, s20;
	[tilespmem:s16+$0x0] =	vst.add.f32.msk $0xffff, v0  }
0x1a2: {  	s21 =	sor.u32 $0x12000, s19;
	s22 =	sor.u32 $0x12010, s19;
	s23 =	sor.u32 $0x12020, s19;
	v0 =	vld [tilespmem:s20+$0x2000]  }
0x1a3: {  	s24 =	sor.u32 $0x12030, s19;
	s18 =	sor.u32 $0x12040, s19;
	s17 =	sor.u32 $0x12050, s19;
	v3 =	vld [tilespmem:s19+$0x2000]  }
0x1a4: {  	s16 =	sor.u32 $0x12060, s19;
	v4 =	vld [tilespmem:s19+$0x2010]  }
0x1a5: {  	v5 =	vld [tilespmem:s19+$0x2020]  }
0x1a6: {  	v6 =	vld [tilespmem:s19+$0x2030]  }
0x1a7: {  	[tilespmem:s20+$0x12000] =	vst.add.f32.msk $0xffff, v0  }
0x1a8: {  	v2 =	vld [tilespmem:s19+$0x2040]  }
0x1a9: {  	v1 =	vld [tilespmem:s19+$0x2050]  }
.Ltmp7:
0x1aa: {  	v0 =	vld [tilespmem:s19+$0x2060];
	(pc) =	sbr.rel @p0 .LBB2_16-.Ltmp7, $4  }
0x1ab: {  	[tilespmem:s21+$0x0] =	vst.add.f32.msk $0xffff, v3  }
0x1ac: {  	[tilespmem:s22+$0x0] =	vst.add.f32.msk $0xffff, v4  }
0x1ad: {  	[tilespmem:s23+$0x0] =	vst.add.f32.msk $0xffff, v5  }
0x1ae: {  	s15 =	sadd.s32 $0x400, s15;
	[tilespmem:s24+$0x0] =	vst.add.f32.msk $0xffff, v6  }
0x1af: {  	[tilespmem:s18+$0x0] =	vst.add.f32.msk $0xffff, v2  }
0x1b0: {  	[tilespmem:s17+$0x0] =	vst.add.f32.msk $0xffff, v1  }
0x1b1: {  	[tilespmem:s16+$0x0] =	vst.add.f32.msk $0xffff, v0  }
0x1b2: {  	s13 =	simm.s32 $0x0;
	s15 =	simm.s32 $0x2000;
	s14 =	rddreg [dreg:$0x1d]  }
0x1b3: {  	[tilespmem:s15], [sflag:$0x2] =	stream.linear.gather [hbm4b:s14+s13], $0x2000, $0x38;
	[tilespmem:$0x14000] =	vst v63  }
0x1b4: {  	s21 =	rddreg [dreg:$0x14]  }
0x1b5: {  	[hbm4b:s21+s13] =	stream.linear.scatter [tilespmem:s25], [sflag:$0x12], $0x2000, $0x38;
	[tilespmem:$0x14000] =	vst v63  }
0x1b6: {  	_ =	swait.ge [sflag:s11], $0x2000  }
0x1b7: {  	s22 =	sld [smem:$0x7D4]  }
0x1b8: {  	[sflag:s11] =	ssyncset.done $0x0  }
0x1b9: {  	s0 =	simm.s32 $0x1;
	[sflag:s11] =	ssyncadd.s32 $0xFFFFE000  }
0x1ba: {  	[tilespmem:s25], [sflag:$0xA] =	stream.linear.gather [hbm4b:s22+s13], $0x2000, $0x38;
	[tilespmem:$0x14000] =	vst v63  }
0x1bb: {  	_ =	swait.ge [sflag:s0], $0x2000  }
0x1bc: {  	[sflag:s0] =	ssyncset.done $0x0  }
0x1bd: {  	s23 =	simm.s32 $0x3;
	[sflag:s0] =	ssyncadd.s32 $0xFFFFE000  }
0x1be: {  	s24 =	sand.u32 $0x1C00, s13;
	_ =	swait.ge [sflag:s23], $0x2000  }
0x1bf: {  	s26 =	sor.u32 s24, s13;
	[sflag:s23] =	ssyncset.done $0x0  }
0x1c0: {  	s28 =	sand.u32 $0x380, s13;
	s15 =	sor.u32 $0x70, s26;
	[sflag:s23] =	ssyncadd.s32 $0xFFFFE000  }
0x1c1: {  	s16 =	sor.u32 s28, s24;
	v0 =	vld [tilespmem:s15+$0x0]  }
0x1c2: {  	v3 =	vld [tilespmem:s16+$0x0]  }
0x1c3: {  	v4 =	vld [tilespmem:s16+$0x10]  }
0x1c4: {  	v5 =	vld [tilespmem:s16+$0x20]  }
0x1c5: {  	v6 =	vld [tilespmem:s16+$0x30]  }
0x1c6: {  	v2 =	vld [tilespmem:s16+$0x40]  }
0x1c7: {  	v1 =	vld [tilespmem:s16+$0x50]  }
0x1c8: {  	[tilespmem:s15+$0x4000] =	vst.add.f32.msk $0xffff, v0  }
0x1c9: {  	s14 =	sor.u32 $0x4000, s16;
	v0 =	vld [tilespmem:s16+$0x60]  }
0x1ca: {  	s29 =	sor.u32 $0x4010, s16;
	[tilespmem:s14+$0x0] =	vst.add.f32.msk $0xffff, v3  }
0x1cb: {  	s30 =	sor.u32 $0x4020, s16;
	[tilespmem:s29+$0x0] =	vst.add.f32.msk $0xffff, v4  }
0x1cc: {  	s31 =	sor.u32 $0x4030, s16;
	s18 =	sor.u32 $0x4040, s16;
	s17 =	sor.u32 $0x4050, s16;
	[tilespmem:s30+$0x0] =	vst.add.f32.msk $0xffff, v5  }
0x1cd: {  	s14 =	simm.s32 $0x0;
	s16 =	sor.u32 $0x4060, s16;
	[tilespmem:s31+$0x0] =	vst.add.f32.msk $0xffff, v6;
	s15 =	simm.s32 $0x400  }
.LBB2_18:
0x1ce: {  	s19 =	sand.u32 $0x1C00, s15;
	s14 =	sadd.s32 $0x8, s14;
	[tilespmem:s18+$0x0] =	vst.add.f32.msk $0xffff, v2;
	s13 =	sadd.s32 $0x10, s13  }
0x1cf: {  	s18 =	sand.u32 $0x380, s13;
	s20 =	sor.u32 s19, s13;
	p0 =	slt.u32 s14, $0x1F8;
	[tilespmem:s17+$0x0] =	vst.add.f32.msk $0xffff, v1  }
0x1d0: {  	s19 =	sor.u32 s18, s19;
	s20 =	sor.u32 $0x70, s20;
	[tilespmem:s16+$0x0] =	vst.add.f32.msk $0xffff, v0  }
0x1d1: {  	s21 =	sor.u32 $0x4000, s19;
	s22 =	sor.u32 $0x4010, s19;
	s23 =	sor.u32 $0x4020, s19;
	v0 =	vld [tilespmem:s20+$0x0]  }
0x1d2: {  	s24 =	sor.u32 $0x4030, s19;
	s18 =	sor.u32 $0x4040, s19;
	s17 =	sor.u32 $0x4050, s19;
	v3 =	vld [tilespmem:s19+$0x0]  }
0x1d3: {  	s16 =	sor.u32 $0x4060, s19;
	v4 =	vld [tilespmem:s19+$0x10]  }
0x1d4: {  	v5 =	vld [tilespmem:s19+$0x20]  }
0x1d5: {  	v6 =	vld [tilespmem:s19+$0x30]  }
0x1d6: {  	[tilespmem:s20+$0x4000] =	vst.add.f32.msk $0xffff, v0  }
0x1d7: {  	v2 =	vld [tilespmem:s19+$0x40]  }
0x1d8: {  	v1 =	vld [tilespmem:s19+$0x50]  }
.Ltmp8:
0x1d9: {  	v0 =	vld [tilespmem:s19+$0x60];
	(pc) =	sbr.rel @p0 .LBB2_18-.Ltmp8, $4  }
0x1da: {  	[tilespmem:s21+$0x0] =	vst.add.f32.msk $0xffff, v3  }
0x1db: {  	[tilespmem:s22+$0x0] =	vst.add.f32.msk $0xffff, v4  }
0x1dc: {  	[tilespmem:s23+$0x0] =	vst.add.f32.msk $0xffff, v5  }
0x1dd: {  	s15 =	sadd.s32 $0x400, s15;
	[tilespmem:s24+$0x0] =	vst.add.f32.msk $0xffff, v6  }
0x1de: {  	[tilespmem:s18+$0x0] =	vst.add.f32.msk $0xffff, v2  }
0x1df: {  	[tilespmem:s17+$0x0] =	vst.add.f32.msk $0xffff, v1  }
0x1e0: {  	[tilespmem:s16+$0x0] =	vst.add.f32.msk $0xffff, v0;
	s13 =	simm.s32 $0x0  }
0x1e1: {  	s15 =	simm.s32 $0x4000;
	s0 =	simm.s32 $0xB;
	s14 =	rddreg [dreg:$0x15]  }
0x1e2: {  	[hbm4b:s14+s13] =	stream.linear.scatter [tilespmem:s15], [sflag:$0xB], $0x2000, $0x38;
	[tilespmem:$0x14000] =	vst v63  }
0x1e3: {  	_ =	swait.ge [sflag:s0], $0x2000  }
0x1e4: {  	s22 =	sld [smem:$0x7D6]  }
0x1e5: {  	[sflag:s0] =	ssyncset.done $0x0  }
0x1e6: {  	s23 =	simm.s32 $0x4;
	[sflag:s0] =	ssyncadd.s32 $0xFFFFE000  }
0x1e7: {  	[tilespmem:s15], [sflag:$0x3] =	stream.linear.gather [hbm4b:s22+s13], $0x2000, $0x38;
	[tilespmem:$0x14000] =	vst v63  }
0x1e8: {  	s24 =	sand.u32 $0x1C00, s13;
	_ =	swait.ge [sflag:s23], $0x2000  }
0x1e9: {  	s26 =	sor.u32 s24, s13;
	[sflag:s23] =	ssyncset.done $0x0  }
0x1ea: {  	s28 =	sand.u32 $0x380, s13;
	s15 =	sor.u32 $0x70, s26;
	[sflag:s23] =	ssyncadd.s32 $0xFFFFE000  }
0x1eb: {  	s16 =	sor.u32 s28, s24;
	v0 =	vld [tilespmem:s15+$0x0]  }
0x1ec: {  	v3 =	vld [tilespmem:s16+$0x0]  }
0x1ed: {  	v4 =	vld [tilespmem:s16+$0x10]  }
0x1ee: {  	v5 =	vld [tilespmem:s16+$0x20]  }
0x1ef: {  	v6 =	vld [tilespmem:s16+$0x30]  }
0x1f0: {  	v2 =	vld [tilespmem:s16+$0x40]  }
0x1f1: {  	v1 =	vld [tilespmem:s16+$0x50]  }
0x1f2: {  	[tilespmem:s15+$0x6000] =	vst.add.f32.msk $0xffff, v0  }
0x1f3: {  	s14 =	sor.u32 $0x6000, s16;
	v0 =	vld [tilespmem:s16+$0x60]  }
0x1f4: {  	s29 =	sor.u32 $0x6010, s16;
	[tilespmem:s14+$0x0] =	vst.add.f32.msk $0xffff, v3  }
0x1f5: {  	s30 =	sor.u32 $0x6020, s16;
	[tilespmem:s29+$0x0] =	vst.add.f32.msk $0xffff, v4  }
0x1f6: {  	s31 =	sor.u32 $0x6030, s16;
	s18 =	sor.u32 $0x6040, s16;
	s17 =	sor.u32 $0x6050, s16;
	[tilespmem:s30+$0x0] =	vst.add.f32.msk $0xffff, v5  }
0x1f7: {  	s14 =	simm.s32 $0x0;
	s16 =	sor.u32 $0x6060, s16;
	[tilespmem:s31+$0x0] =	vst.add.f32.msk $0xffff, v6;
	s15 =	simm.s32 $0x400  }
.LBB2_20:
0x1f8: {  	s19 =	sand.u32 $0x1C00, s15;
	s14 =	sadd.s32 $0x8, s14;
	[tilespmem:s18+$0x0] =	vst.add.f32.msk $0xffff, v2;
	s13 =	sadd.s32 $0x10, s13  }
0x1f9: {  	s18 =	sand.u32 $0x380, s13;
	s20 =	sor.u32 s19, s13;
	p0 =	slt.u32 s14, $0x1F8;
	[tilespmem:s17+$0x0] =	vst.add.f32.msk $0xffff, v1  }
0x1fa: {  	s19 =	sor.u32 s18, s19;
	s20 =	sor.u32 $0x70, s20;
	[tilespmem:s16+$0x0] =	vst.add.f32.msk $0xffff, v0  }
0x1fb: {  	s21 =	sor.u32 $0x6000, s19;
	s22 =	sor.u32 $0x6010, s19;
	s23 =	sor.u32 $0x6020, s19;
	v0 =	vld [tilespmem:s20+$0x0]  }
0x1fc: {  	s24 =	sor.u32 $0x6030, s19;
	s18 =	sor.u32 $0x6040, s19;
	s17 =	sor.u32 $0x6050, s19;
	v3 =	vld [tilespmem:s19+$0x0]  }
0x1fd: {  	s16 =	sor.u32 $0x6060, s19;
	v4 =	vld [tilespmem:s19+$0x10]  }
0x1fe: {  	v5 =	vld [tilespmem:s19+$0x20]  }
0x1ff: {  	v6 =	vld [tilespmem:s19+$0x30]  }
0x200: {  	[tilespmem:s20+$0x6000] =	vst.add.f32.msk $0xffff, v0  }
0x201: {  	v2 =	vld [tilespmem:s19+$0x40]  }
0x202: {  	v1 =	vld [tilespmem:s19+$0x50]  }
.Ltmp9:
0x203: {  	v0 =	vld [tilespmem:s19+$0x60];
	(pc) =	sbr.rel @p0 .LBB2_20-.Ltmp9, $4  }
0x204: {  	[tilespmem:s21+$0x0] =	vst.add.f32.msk $0xffff, v3  }
0x205: {  	[tilespmem:s22+$0x0] =	vst.add.f32.msk $0xffff, v4  }
0x206: {  	[tilespmem:s23+$0x0] =	vst.add.f32.msk $0xffff, v5  }
0x207: {  	s15 =	sadd.s32 $0x400, s15;
	[tilespmem:s24+$0x0] =	vst.add.f32.msk $0xffff, v6  }
0x208: {  	[tilespmem:s18+$0x0] =	vst.add.f32.msk $0xffff, v2  }
0x209: {  	[tilespmem:s17+$0x0] =	vst.add.f32.msk $0xffff, v1  }
0x20a: {  	[tilespmem:s16+$0x0] =	vst.add.f32.msk $0xffff, v0;
	s13 =	simm.s32 $0x0  }
0x20b: {  	s15 =	simm.s32 $0x6000;
	s0 =	simm.s32 $0xC;
	s14 =	rddreg [dreg:$0x17]  }
0x20c: {  	[hbm4b:s14+s13] =	stream.linear.scatter [tilespmem:s15], [sflag:$0xC], $0x2000, $0x38;
	[tilespmem:$0x14000] =	vst v63  }
0x20d: {  	_ =	swait.ge [sflag:s0], $0x2000  }
0x20e: {  	s22 =	sld [smem:$0x7D9]  }
0x20f: {  	[sflag:s0] =	ssyncset.done $0x0  }
0x210: {  	s23 =	simm.s32 $0x5;
	[sflag:s0] =	ssyncadd.s32 $0xFFFFE000  }
0x211: {  	[tilespmem:s15], [sflag:$0x4] =	stream.linear.gather [hbm4b:s22+s13], $0x2000, $0x38;
	[tilespmem:$0x14000] =	vst v63  }
0x212: {  	s24 =	sand.u32 $0x1C00, s13;
	_ =	swait.ge [sflag:s23], $0x2000  }
0x213: {  	s26 =	sor.u32 s24, s13;
	[sflag:s23] =	ssyncset.done $0x0  }
0x214: {  	s28 =	sand.u32 $0x380, s13;
	s15 =	sor.u32 $0x70, s26;
	[sflag:s23] =	ssyncadd.s32 $0xFFFFE000  }
0x215: {  	s16 =	sor.u32 s28, s24;
	v0 =	vld [tilespmem:s15+$0x0]  }
0x216: {  	v3 =	vld [tilespmem:s16+$0x0]  }
0x217: {  	v4 =	vld [tilespmem:s16+$0x10]  }
0x218: {  	v5 =	vld [tilespmem:s16+$0x20]  }
0x219: {  	v6 =	vld [tilespmem:s16+$0x30]  }
0x21a: {  	v2 =	vld [tilespmem:s16+$0x40]  }
0x21b: {  	v1 =	vld [tilespmem:s16+$0x50]  }
0x21c: {  	[tilespmem:s15+$0x8000] =	vst.add.f32.msk $0xffff, v0  }
0x21d: {  	s14 =	sor.u32 $0x8000, s16;
	v0 =	vld [tilespmem:s16+$0x60]  }
0x21e: {  	s29 =	sor.u32 $0x8010, s16;
	[tilespmem:s14+$0x0] =	vst.add.f32.msk $0xffff, v3  }
0x21f: {  	s30 =	sor.u32 $0x8020, s16;
	[tilespmem:s29+$0x0] =	vst.add.f32.msk $0xffff, v4  }
0x220: {  	s31 =	sor.u32 $0x8030, s16;
	s18 =	sor.u32 $0x8040, s16;
	s17 =	sor.u32 $0x8050, s16;
	[tilespmem:s30+$0x0] =	vst.add.f32.msk $0xffff, v5  }
0x221: {  	s14 =	simm.s32 $0x0;
	s16 =	sor.u32 $0x8060, s16;
	[tilespmem:s31+$0x0] =	vst.add.f32.msk $0xffff, v6;
	s15 =	simm.s32 $0x400  }
.LBB2_22:
0x222: {  	s19 =	sand.u32 $0x1C00, s15;
	s14 =	sadd.s32 $0x8, s14;
	[tilespmem:s18+$0x0] =	vst.add.f32.msk $0xffff, v2;
	s13 =	sadd.s32 $0x10, s13  }
0x223: {  	s18 =	sand.u32 $0x380, s13;
	s20 =	sor.u32 s19, s13;
	p0 =	slt.u32 s14, $0x1F8;
	[tilespmem:s17+$0x0] =	vst.add.f32.msk $0xffff, v1  }
0x224: {  	s19 =	sor.u32 s18, s19;
	s20 =	sor.u32 $0x70, s20;
	[tilespmem:s16+$0x0] =	vst.add.f32.msk $0xffff, v0  }
0x225: {  	s21 =	sor.u32 $0x8000, s19;
	s22 =	sor.u32 $0x8010, s19;
	s23 =	sor.u32 $0x8020, s19;
	v0 =	vld [tilespmem:s20+$0x0]  }
0x226: {  	s24 =	sor.u32 $0x8030, s19;
	s18 =	sor.u32 $0x8040, s19;
	s17 =	sor.u32 $0x8050, s19;
	v3 =	vld [tilespmem:s19+$0x0]  }
0x227: {  	s16 =	sor.u32 $0x8060, s19;
	v4 =	vld [tilespmem:s19+$0x10]  }
0x228: {  	v5 =	vld [tilespmem:s19+$0x20]  }
0x229: {  	v6 =	vld [tilespmem:s19+$0x30]  }
0x22a: {  	[tilespmem:s20+$0x8000] =	vst.add.f32.msk $0xffff, v0  }
0x22b: {  	v2 =	vld [tilespmem:s19+$0x40]  }
0x22c: {  	v1 =	vld [tilespmem:s19+$0x50]  }
.Ltmp10:
0x22d: {  	v0 =	vld [tilespmem:s19+$0x60];
	(pc) =	sbr.rel @p0 .LBB2_22-.Ltmp10, $4  }
0x22e: {  	[tilespmem:s21+$0x0] =	vst.add.f32.msk $0xffff, v3  }
0x22f: {  	[tilespmem:s22+$0x0] =	vst.add.f32.msk $0xffff, v4  }
0x230: {  	[tilespmem:s23+$0x0] =	vst.add.f32.msk $0xffff, v5  }
0x231: {  	s15 =	sadd.s32 $0x400, s15;
	[tilespmem:s24+$0x0] =	vst.add.f32.msk $0xffff, v6  }
0x232: {  	[tilespmem:s18+$0x0] =	vst.add.f32.msk $0xffff, v2  }
0x233: {  	[tilespmem:s17+$0x0] =	vst.add.f32.msk $0xffff, v1  }
0x234: {  	[tilespmem:s16+$0x0] =	vst.add.f32.msk $0xffff, v0;
	s13 =	simm.s32 $0x0  }
0x235: {  	s15 =	simm.s32 $0x8000;
	s0 =	simm.s32 $0xD;
	s14 =	rddreg [dreg:$0x19]  }
0x236: {  	[hbm4b:s14+s13] =	stream.linear.scatter [tilespmem:s15], [sflag:$0xD], $0x2000, $0x38;
	[tilespmem:$0x14000] =	vst v63  }
0x237: {  	_ =	swait.ge [sflag:s0], $0x2000  }
0x238: {  	s22 =	sld [smem:$0x7DB]  }
0x239: {  	[sflag:s0] =	ssyncset.done $0x0  }
0x23a: {  	s23 =	simm.s32 $0x6;
	[sflag:s0] =	ssyncadd.s32 $0xFFFFE000  }
0x23b: {  	[tilespmem:s15], [sflag:$0x5] =	stream.linear.gather [hbm4b:s22+s13], $0x2000, $0x38;
	[tilespmem:$0x14000] =	vst v63  }
0x23c: {  	s24 =	sand.u32 $0x1C00, s13;
	_ =	swait.ge [sflag:s23], $0x2000  }
0x23d: {  	s26 =	sor.u32 s24, s13;
	[sflag:s23] =	ssyncset.done $0x0  }
0x23e: {  	s28 =	sand.u32 $0x380, s13;
	s15 =	sor.u32 $0x70, s26;
	[sflag:s23] =	ssyncadd.s32 $0xFFFFE000  }
0x23f: {  	s16 =	sor.u32 s28, s24;
	v0 =	vld [tilespmem:s15+$0x0]  }
0x240: {  	v3 =	vld [tilespmem:s16+$0x0]  }
0x241: {  	v4 =	vld [tilespmem:s16+$0x10]  }
0x242: {  	v5 =	vld [tilespmem:s16+$0x20]  }
0x243: {  	v6 =	vld [tilespmem:s16+$0x30]  }
0x244: {  	v2 =	vld [tilespmem:s16+$0x40]  }
0x245: {  	v1 =	vld [tilespmem:s16+$0x50]  }
0x246: {  	[tilespmem:s15+$0xA000] =	vst.add.f32.msk $0xffff, v0  }
0x247: {  	s14 =	sor.u32 $0xA000, s16;
	v0 =	vld [tilespmem:s16+$0x60]  }
0x248: {  	s29 =	sor.u32 $0xA010, s16;
	[tilespmem:s14+$0x0] =	vst.add.f32.msk $0xffff, v3  }
0x249: {  	s30 =	sor.u32 $0xA020, s16;
	[tilespmem:s29+$0x0] =	vst.add.f32.msk $0xffff, v4  }
0x24a: {  	s31 =	sor.u32 $0xA030, s16;
	s18 =	sor.u32 $0xA040, s16;
	s17 =	sor.u32 $0xA050, s16;
	[tilespmem:s30+$0x0] =	vst.add.f32.msk $0xffff, v5  }
0x24b: {  	s14 =	simm.s32 $0x0;
	s16 =	sor.u32 $0xA060, s16;
	[tilespmem:s31+$0x0] =	vst.add.f32.msk $0xffff, v6;
	s15 =	simm.s32 $0x400  }
.LBB2_24:
0x24c: {  	s19 =	sand.u32 $0x1C00, s15;
	s14 =	sadd.s32 $0x8, s14;
	[tilespmem:s18+$0x0] =	vst.add.f32.msk $0xffff, v2;
	s13 =	sadd.s32 $0x10, s13  }
0x24d: {  	s18 =	sand.u32 $0x380, s13;
	s20 =	sor.u32 s19, s13;
	p0 =	slt.u32 s14, $0x1F8;
	[tilespmem:s17+$0x0] =	vst.add.f32.msk $0xffff, v1  }
0x24e: {  	s19 =	sor.u32 s18, s19;
	s20 =	sor.u32 $0x70, s20;
	[tilespmem:s16+$0x0] =	vst.add.f32.msk $0xffff, v0  }
0x24f: {  	s21 =	sor.u32 $0xA000, s19;
	s22 =	sor.u32 $0xA010, s19;
	s23 =	sor.u32 $0xA020, s19;
	v0 =	vld [tilespmem:s20+$0x0]  }
0x250: {  	s24 =	sor.u32 $0xA030, s19;
	s18 =	sor.u32 $0xA040, s19;
	s17 =	sor.u32 $0xA050, s19;
	v3 =	vld [tilespmem:s19+$0x0]  }
0x251: {  	s16 =	sor.u32 $0xA060, s19;
	v4 =	vld [tilespmem:s19+$0x10]  }
0x252: {  	v5 =	vld [tilespmem:s19+$0x20]  }
0x253: {  	v6 =	vld [tilespmem:s19+$0x30]  }
0x254: {  	[tilespmem:s20+$0xA000] =	vst.add.f32.msk $0xffff, v0  }
0x255: {  	v2 =	vld [tilespmem:s19+$0x40]  }
0x256: {  	v1 =	vld [tilespmem:s19+$0x50]  }
.Ltmp11:
0x257: {  	v0 =	vld [tilespmem:s19+$0x60];
	(pc) =	sbr.rel @p0 .LBB2_24-.Ltmp11, $4  }
0x258: {  	[tilespmem:s21+$0x0] =	vst.add.f32.msk $0xffff, v3  }
0x259: {  	[tilespmem:s22+$0x0] =	vst.add.f32.msk $0xffff, v4  }
0x25a: {  	[tilespmem:s23+$0x0] =	vst.add.f32.msk $0xffff, v5  }
0x25b: {  	s15 =	sadd.s32 $0x400, s15;
	[tilespmem:s24+$0x0] =	vst.add.f32.msk $0xffff, v6  }
0x25c: {  	[tilespmem:s18+$0x0] =	vst.add.f32.msk $0xffff, v2  }
0x25d: {  	[tilespmem:s17+$0x0] =	vst.add.f32.msk $0xffff, v1  }
0x25e: {  	[tilespmem:s16+$0x0] =	vst.add.f32.msk $0xffff, v0  }
0x25f: {  	s14 =	sld [smem:$0x7D7];
	_ =	sdelay $0x1  }
0x260: {  	s13 =	simm.s32 $0x0  }
0x261: {  	[tilespmem:s13], [sflag:$0x1] =	stream.linear.gather [hbm4b:s14+s13], $0x2000, $0x38;
	[tilespmem:$0x14000] =	vst v63  }
0x262: {  	s15 =	simm.s32 $0xA000;
	s22 =	rddreg [dreg:$0x1b]  }
0x263: {  	[hbm4b:s22+s13] =	stream.linear.scatter [tilespmem:s15], [sflag:$0xE], $0x2000, $0x38;
	[tilespmem:$0x14000] =	vst v63  }
0x264: {  	_ =	swait.ge [sflag:s2], $0x2000  }
0x265: {  	s23 =	sld [smem:$0x7DD]  }
0x266: {  	[sflag:s2] =	ssyncset.done $0x0  }
0x267: {  	[sflag:s2] =	ssyncadd.s32 $0xFFFFE000  }
0x268: {  	[tilespmem:s15], [sflag:$0x6] =	stream.linear.gather [hbm4b:s23+s13], $0x2000, $0x38;
	[tilespmem:$0x14000] =	vst v63  }
0x269: {  	_ =	swait.ge [sflag:s3], $0x2000  }
0x26a: {  	[sflag:s3] =	ssyncset.done $0x0  }
0x26b: {  	[sflag:s3] =	ssyncadd.s32 $0xFFFFE000  }
0x26c: {  	s24 =	sand.u32 $0x1C00, s13;
	_ =	swait.ge [sflag:s4], $0x2000  }
0x26d: {  	s26 =	sor.u32 s24, s13;
	[sflag:s4] =	ssyncset.done $0x0  }
0x26e: {  	s28 =	sand.u32 $0x380, s13;
	s15 =	sor.u32 $0x70, s26;
	[sflag:s4] =	ssyncadd.s32 $0xFFFFE000  }
0x26f: {  	s16 =	sor.u32 s28, s24;
	v0 =	vld [tilespmem:s15+$0x2000]  }
0x270: {  	v3 =	vld [tilespmem:s16+$0x2000]  }
0x271: {  	v4 =	vld [tilespmem:s16+$0x2010]  }
0x272: {  	v5 =	vld [tilespmem:s16+$0x2020]  }
0x273: {  	v6 =	vld [tilespmem:s16+$0x2030]  }
0x274: {  	v2 =	vld [tilespmem:s16+$0x2040]  }
0x275: {  	v1 =	vld [tilespmem:s16+$0x2050]  }
0x276: {  	[tilespmem:s15+$0xC000] =	vst.add.f32.msk $0xffff, v0  }
0x277: {  	s14 =	sor.u32 $0xC000, s16;
	v0 =	vld [tilespmem:s16+$0x2060]  }
0x278: {  	s29 =	sor.u32 $0xC010, s16;
	[tilespmem:s14+$0x0] =	vst.add.f32.msk $0xffff, v3  }
0x279: {  	s30 =	sor.u32 $0xC020, s16;
	[tilespmem:s29+$0x0] =	vst.add.f32.msk $0xffff, v4  }
0x27a: {  	s31 =	sor.u32 $0xC030, s16;
	s18 =	sor.u32 $0xC040, s16;
	s17 =	sor.u32 $0xC050, s16;
	[tilespmem:s30+$0x0] =	vst.add.f32.msk $0xffff, v5  }
0x27b: {  	s14 =	simm.s32 $0x0;
	s16 =	sor.u32 $0xC060, s16;
	[tilespmem:s31+$0x0] =	vst.add.f32.msk $0xffff, v6;
	s15 =	simm.s32 $0x400  }
.LBB2_26:
0x27c: {  	s19 =	sand.u32 $0x1C00, s15;
	s14 =	sadd.s32 $0x8, s14;
	[tilespmem:s18+$0x0] =	vst.add.f32.msk $0xffff, v2;
	s13 =	sadd.s32 $0x10, s13  }
0x27d: {  	s18 =	sand.u32 $0x380, s13;
	s20 =	sor.u32 s19, s13;
	p0 =	slt.u32 s14, $0x1F8;
	[tilespmem:s17+$0x0] =	vst.add.f32.msk $0xffff, v1  }
0x27e: {  	s19 =	sor.u32 s18, s19;
	s20 =	sor.u32 $0x70, s20;
	[tilespmem:s16+$0x0] =	vst.add.f32.msk $0xffff, v0  }
0x27f: {  	s21 =	sor.u32 $0xC000, s19;
	s22 =	sor.u32 $0xC010, s19;
	s23 =	sor.u32 $0xC020, s19;
	v0 =	vld [tilespmem:s20+$0x2000]  }
0x280: {  	s24 =	sor.u32 $0xC030, s19;
	s18 =	sor.u32 $0xC040, s19;
	s17 =	sor.u32 $0xC050, s19;
	v3 =	vld [tilespmem:s19+$0x2000]  }
0x281: {  	s16 =	sor.u32 $0xC060, s19;
	v4 =	vld [tilespmem:s19+$0x2010]  }
0x282: {  	v5 =	vld [tilespmem:s19+$0x2020]  }
0x283: {  	v6 =	vld [tilespmem:s19+$0x2030]  }
0x284: {  	[tilespmem:s20+$0xC000] =	vst.add.f32.msk $0xffff, v0  }
0x285: {  	v2 =	vld [tilespmem:s19+$0x2040]  }
0x286: {  	v1 =	vld [tilespmem:s19+$0x2050]  }
.Ltmp12:
0x287: {  	v0 =	vld [tilespmem:s19+$0x2060];
	(pc) =	sbr.rel @p0 .LBB2_26-.Ltmp12, $4  }
0x288: {  	[tilespmem:s21+$0x0] =	vst.add.f32.msk $0xffff, v3  }
0x289: {  	[tilespmem:s22+$0x0] =	vst.add.f32.msk $0xffff, v4  }
0x28a: {  	[tilespmem:s23+$0x0] =	vst.add.f32.msk $0xffff, v5  }
0x28b: {  	s15 =	sadd.s32 $0x400, s15;
	[tilespmem:s24+$0x0] =	vst.add.f32.msk $0xffff, v6  }
0x28c: {  	[tilespmem:s18+$0x0] =	vst.add.f32.msk $0xffff, v2  }
0x28d: {  	[tilespmem:s17+$0x0] =	vst.add.f32.msk $0xffff, v1  }
0x28e: {  	[tilespmem:s16+$0x0] =	vst.add.f32.msk $0xffff, v0  }
0x28f: {  	s13 =	simm.s32 $0x0;
	s15 =	simm.s32 $0xC000;
	s14 =	rddreg [dreg:$0x1e]  }
0x290: {  	[hbm4b:s14+s13] =	stream.linear.scatter [tilespmem:s15], [sflag:$0xF], $0x2000, $0x38;
	[tilespmem:$0x14000] =	vst v63  }
0x291: {  	_ =	swait.ge [sflag:s5], $0x2000  }
0x292: {  	s23 =	sld [smem:$0x7DF]  }
0x293: {  	[sflag:s5] =	ssyncset.done $0x0  }
0x294: {  	[sflag:s5] =	ssyncadd.s32 $0xFFFFE000  }
0x295: {  	[tilespmem:s15], [sflag:$0x7] =	stream.linear.gather [hbm4b:s23+s13], $0x2000, $0x38;
	[tilespmem:$0x14000] =	vst v63  }
0x296: {  	s24 =	sand.u32 $0x1C00, s13;
	_ =	swait.ge [sflag:s6], $0x2000  }
0x297: {  	s26 =	sor.u32 s24, s13;
	[sflag:s6] =	ssyncset.done $0x0  }
0x298: {  	s28 =	sand.u32 $0x380, s13;
	s15 =	sor.u32 $0x70, s26;
	[sflag:s6] =	ssyncadd.s32 $0xFFFFE000  }
0x299: {  	s16 =	sor.u32 s28, s24;
	v0 =	vld [tilespmem:s15+$0x2000]  }
0x29a: {  	v3 =	vld [tilespmem:s16+$0x2000]  }
0x29b: {  	v4 =	vld [tilespmem:s16+$0x2010]  }
0x29c: {  	v5 =	vld [tilespmem:s16+$0x2020]  }
0x29d: {  	v6 =	vld [tilespmem:s16+$0x2030]  }
0x29e: {  	v2 =	vld [tilespmem:s16+$0x2040]  }
0x29f: {  	v1 =	vld [tilespmem:s16+$0x2050]  }
0x2a0: {  	[tilespmem:s15+$0xE000] =	vst.add.f32.msk $0xffff, v0  }
0x2a1: {  	s14 =	sor.u32 $0xE000, s16;
	v0 =	vld [tilespmem:s16+$0x2060]  }
0x2a2: {  	s29 =	sor.u32 $0xE010, s16;
	[tilespmem:s14+$0x0] =	vst.add.f32.msk $0xffff, v3  }
0x2a3: {  	s30 =	sor.u32 $0xE020, s16;
	[tilespmem:s29+$0x0] =	vst.add.f32.msk $0xffff, v4  }
0x2a4: {  	s31 =	sor.u32 $0xE030, s16;
	s18 =	sor.u32 $0xE040, s16;
	s17 =	sor.u32 $0xE050, s16;
	[tilespmem:s30+$0x0] =	vst.add.f32.msk $0xffff, v5  }
0x2a5: {  	s14 =	simm.s32 $0x0;
	s16 =	sor.u32 $0xE060, s16;
	[tilespmem:s31+$0x0] =	vst.add.f32.msk $0xffff, v6;
	s15 =	simm.s32 $0x400  }
.LBB2_28:
0x2a6: {  	s19 =	sand.u32 $0x1C00, s15;
	s14 =	sadd.s32 $0x8, s14;
	[tilespmem:s18+$0x0] =	vst.add.f32.msk $0xffff, v2;
	s13 =	sadd.s32 $0x10, s13  }
0x2a7: {  	s18 =	sand.u32 $0x380, s13;
	s20 =	sor.u32 s19, s13;
	p0 =	slt.u32 s14, $0x1F8;
	[tilespmem:s17+$0x0] =	vst.add.f32.msk $0xffff, v1  }
0x2a8: {  	s19 =	sor.u32 s18, s19;
	s20 =	sor.u32 $0x70, s20;
	[tilespmem:s16+$0x0] =	vst.add.f32.msk $0xffff, v0  }
0x2a9: {  	s21 =	sor.u32 $0xE000, s19;
	s22 =	sor.u32 $0xE010, s19;
	s23 =	sor.u32 $0xE020, s19;
	v0 =	vld [tilespmem:s20+$0x2000]  }
0x2aa: {  	s24 =	sor.u32 $0xE030, s19;
	s18 =	sor.u32 $0xE040, s19;
	s17 =	sor.u32 $0xE050, s19;
	v3 =	vld [tilespmem:s19+$0x2000]  }
0x2ab: {  	s16 =	sor.u32 $0xE060, s19;
	v4 =	vld [tilespmem:s19+$0x2010]  }
0x2ac: {  	v5 =	vld [tilespmem:s19+$0x2020]  }
0x2ad: {  	v6 =	vld [tilespmem:s19+$0x2030]  }
0x2ae: {  	[tilespmem:s20+$0xE000] =	vst.add.f32.msk $0xffff, v0  }
0x2af: {  	v2 =	vld [tilespmem:s19+$0x2040]  }
0x2b0: {  	v1 =	vld [tilespmem:s19+$0x2050]  }
.Ltmp13:
0x2b1: {  	v0 =	vld [tilespmem:s19+$0x2060];
	(pc) =	sbr.rel @p0 .LBB2_28-.Ltmp13, $4  }
0x2b2: {  	[tilespmem:s21+$0x0] =	vst.add.f32.msk $0xffff, v3  }
0x2b3: {  	[tilespmem:s22+$0x0] =	vst.add.f32.msk $0xffff, v4  }
0x2b4: {  	[tilespmem:s23+$0x0] =	vst.add.f32.msk $0xffff, v5  }
0x2b5: {  	s15 =	sadd.s32 $0x400, s15;
	[tilespmem:s24+$0x0] =	vst.add.f32.msk $0xffff, v6  }
0x2b6: {  	[tilespmem:s18+$0x0] =	vst.add.f32.msk $0xffff, v2  }
0x2b7: {  	[tilespmem:s17+$0x0] =	vst.add.f32.msk $0xffff, v1  }
0x2b8: {  	[tilespmem:s16+$0x0] =	vst.add.f32.msk $0xffff, v0  }
0x2b9: {  	s14 =	sld [smem:$0x7D1];
	_ =	sdelay $0x1  }
0x2ba: {  	s13 =	simm.s32 $0x0;
	s15 =	simm.s32 $0xE000  }
0x2bb: {  	[hbm4b:s14+s13] =	stream.linear.scatter [tilespmem:s15], [sflag:$0x10], $0x2000, $0x38;
	[tilespmem:$0x14000] =	vst v63  }
0x2bc: {  	_ =	swait.ge [sflag:s7], $0x2000  }
0x2bd: {  	s23 =	sld [smem:$0x7E2]  }
0x2be: {  	[sflag:s7] =	ssyncset.done $0x0  }
0x2bf: {  	[sflag:s7] =	ssyncadd.s32 $0xFFFFE000  }
0x2c0: {  	[tilespmem:s15], [sflag:$0x8] =	stream.linear.gather [hbm4b:s23+s13], $0x2000, $0x38;
	[tilespmem:$0x14000] =	vst v63  }
0x2c1: {  	s24 =	sand.u32 $0x1C00, s13;
	_ =	swait.ge [sflag:s8], $0x2000  }
0x2c2: {  	s26 =	sor.u32 s24, s13;
	[sflag:s8] =	ssyncset.done $0x0  }
0x2c3: {  	s28 =	sand.u32 $0x380, s13;
	s15 =	sor.u32 $0x70, s26;
	[sflag:s8] =	ssyncadd.s32 $0xFFFFE000  }
0x2c4: {  	s16 =	sor.u32 s28, s24;
	v0 =	vld [tilespmem:s15+$0x2000]  }
0x2c5: {  	v3 =	vld [tilespmem:s16+$0x2000]  }
0x2c6: {  	v4 =	vld [tilespmem:s16+$0x2010]  }
0x2c7: {  	v5 =	vld [tilespmem:s16+$0x2020]  }
0x2c8: {  	v6 =	vld [tilespmem:s16+$0x2030]  }
0x2c9: {  	v2 =	vld [tilespmem:s16+$0x2040]  }
0x2ca: {  	v1 =	vld [tilespmem:s16+$0x2050]  }
0x2cb: {  	[tilespmem:s15+$0x10000] =	vst.add.f32.msk $0xffff, v0  }
0x2cc: {  	s14 =	sor.u32 $0x10000, s16;
	v0 =	vld [tilespmem:s16+$0x2060]  }
0x2cd: {  	s29 =	sor.u32 $0x10010, s16;
	[tilespmem:s14+$0x0] =	vst.add.f32.msk $0xffff, v3  }
0x2ce: {  	s30 =	sor.u32 $0x10020, s16;
	[tilespmem:s29+$0x0] =	vst.add.f32.msk $0xffff, v4  }
0x2cf: {  	s31 =	sor.u32 $0x10030, s16;
	s18 =	sor.u32 $0x10040, s16;
	s17 =	sor.u32 $0x10050, s16;
	[tilespmem:s30+$0x0] =	vst.add.f32.msk $0xffff, v5  }
0x2d0: {  	s14 =	simm.s32 $0x0;
	s16 =	sor.u32 $0x10060, s16;
	[tilespmem:s31+$0x0] =	vst.add.f32.msk $0xffff, v6;
	s15 =	simm.s32 $0x400  }
.LBB2_30:
0x2d1: {  	s19 =	sand.u32 $0x1C00, s15;
	s14 =	sadd.s32 $0x8, s14;
	[tilespmem:s18+$0x0] =	vst.add.f32.msk $0xffff, v2;
	s13 =	sadd.s32 $0x10, s13  }
0x2d2: {  	s18 =	sand.u32 $0x380, s13;
	s20 =	sor.u32 s19, s13;
	p0 =	slt.u32 s14, $0x1F8;
	[tilespmem:s17+$0x0] =	vst.add.f32.msk $0xffff, v1  }
0x2d3: {  	s19 =	sor.u32 s18, s19;
	s20 =	sor.u32 $0x70, s20;
	[tilespmem:s16+$0x0] =	vst.add.f32.msk $0xffff, v0  }
0x2d4: {  	s21 =	sor.u32 $0x10000, s19;
	s22 =	sor.u32 $0x10010, s19;
	s23 =	sor.u32 $0x10020, s19;
	v0 =	vld [tilespmem:s20+$0x2000]  }
0x2d5: {  	s24 =	sor.u32 $0x10030, s19;
	s18 =	sor.u32 $0x10040, s19;
	s17 =	sor.u32 $0x10050, s19;
	v3 =	vld [tilespmem:s19+$0x2000]  }
0x2d6: {  	s16 =	sor.u32 $0x10060, s19;
	v4 =	vld [tilespmem:s19+$0x2010]  }
0x2d7: {  	v5 =	vld [tilespmem:s19+$0x2020]  }
0x2d8: {  	v6 =	vld [tilespmem:s19+$0x2030]  }
0x2d9: {  	[tilespmem:s20+$0x10000] =	vst.add.f32.msk $0xffff, v0  }
0x2da: {  	v2 =	vld [tilespmem:s19+$0x2040]  }
0x2db: {  	v1 =	vld [tilespmem:s19+$0x2050]  }
.Ltmp14:
0x2dc: {  	v0 =	vld [tilespmem:s19+$0x2060];
	(pc) =	sbr.rel @p0 .LBB2_30-.Ltmp14, $4  }
0x2dd: {  	[tilespmem:s21+$0x0] =	vst.add.f32.msk $0xffff, v3  }
0x2de: {  	[tilespmem:s22+$0x0] =	vst.add.f32.msk $0xffff, v4  }
0x2df: {  	[tilespmem:s23+$0x0] =	vst.add.f32.msk $0xffff, v5  }
0x2e0: {  	s15 =	sadd.s32 $0x400, s15;
	[tilespmem:s24+$0x0] =	vst.add.f32.msk $0xffff, v6  }
0x2e1: {  	[tilespmem:s18+$0x0] =	vst.add.f32.msk $0xffff, v2  }
0x2e2: {  	[tilespmem:s17+$0x0] =	vst.add.f32.msk $0xffff, v1  }
0x2e3: {  	[tilespmem:s16+$0x0] =	vst.add.f32.msk $0xffff, v0  }
0x2e4: {  	s14 =	sld [smem:$0x7D3];
	_ =	sdelay $0x1  }
0x2e5: {  	s13 =	simm.s32 $0x0;
	s0 =	simm.s32 $0x10000  }
0x2e6: {  	[hbm4b:s14+s13] =	stream.linear.scatter [tilespmem:s0], [sflag:$0x11], $0x2000, $0x38;
	[tilespmem:$0x14000] =	vst v63  }
0x2e7: {  	_ =	swait.ge [sflag:s9], $0x2000  }
0x2e8: {  	s24 =	sld [smem:$0x7E4]  }
0x2e9: {  	[sflag:s9] =	ssyncset.done $0x0  }
0x2ea: {  	[sflag:s9] =	ssyncadd.s32 $0xFFFFE000  }
0x2eb: {  	[tilespmem:s0], [sflag:$0x9] =	stream.linear.gather [hbm4b:s24+s13], $0x2000, $0x38;
	[tilespmem:$0x14000] =	vst v63  }
0x2ec: {  	s26 =	sand.u32 $0x1C00, s13;
	_ =	swait.ge [sflag:s10], $0x2000  }
0x2ed: {  	s15 =	sor.u32 s26, s13;
	[sflag:s10] =	ssyncset.done $0x0  }
0x2ee: {  	s28 =	sand.u32 $0x380, s13;
	s15 =	sor.u32 $0x70, s15;
	[sflag:s10] =	ssyncadd.s32 $0xFFFFE000  }
0x2ef: {  	s16 =	sor.u32 s28, s26;
	v0 =	vld [tilespmem:s15+$0x2000]  }
0x2f0: {  	v3 =	vld [tilespmem:s16+$0x2000]  }
0x2f1: {  	v4 =	vld [tilespmem:s16+$0x2010]  }
0x2f2: {  	v5 =	vld [tilespmem:s16+$0x2020]  }
0x2f3: {  	v6 =	vld [tilespmem:s16+$0x2030]  }
0x2f4: {  	v2 =	vld [tilespmem:s16+$0x2040]  }
0x2f5: {  	v1 =	vld [tilespmem:s16+$0x2050]  }
0x2f6: {  	[tilespmem:s15+$0x12000] =	vst.add.f32.msk $0xffff, v0  }
0x2f7: {  	s14 =	sor.u32 $0x12000, s16;
	v0 =	vld [tilespmem:s16+$0x2060]  }
0x2f8: {  	s29 =	sor.u32 $0x12010, s16;
	[tilespmem:s14+$0x0] =	vst.add.f32.msk $0xffff, v3  }
0x2f9: {  	s30 =	sor.u32 $0x12020, s16;
	[tilespmem:s29+$0x0] =	vst.add.f32.msk $0xffff, v4  }
0x2fa: {  	s31 =	sor.u32 $0x12030, s16;
	s18 =	sor.u32 $0x12040, s16;
	s17 =	sor.u32 $0x12050, s16;
	[tilespmem:s30+$0x0] =	vst.add.f32.msk $0xffff, v5  }
0x2fb: {  	s14 =	simm.s32 $0x0;
	s16 =	sor.u32 $0x12060, s16;
	[tilespmem:s31+$0x0] =	vst.add.f32.msk $0xffff, v6;
	s15 =	simm.s32 $0x400  }
.LBB2_32:
0x2fc: {  	s19 =	sand.u32 $0x1C00, s15;
	s14 =	sadd.s32 $0x8, s14;
	[tilespmem:s18+$0x0] =	vst.add.f32.msk $0xffff, v2;
	s13 =	sadd.s32 $0x10, s13  }
0x2fd: {  	s18 =	sand.u32 $0x380, s13;
	s20 =	sor.u32 s19, s13;
	p0 =	slt.u32 s14, $0x1F8;
	[tilespmem:s17+$0x0] =	vst.add.f32.msk $0xffff, v1  }
0x2fe: {  	s19 =	sor.u32 s18, s19;
	s20 =	sor.u32 $0x70, s20;
	[tilespmem:s16+$0x0] =	vst.add.f32.msk $0xffff, v0  }
0x2ff: {  	s21 =	sor.u32 $0x12000, s19;
	s22 =	sor.u32 $0x12010, s19;
	s23 =	sor.u32 $0x12020, s19;
	v0 =	vld [tilespmem:s20+$0x2000]  }
0x300: {  	s24 =	sor.u32 $0x12030, s19;
	s18 =	sor.u32 $0x12040, s19;
	s17 =	sor.u32 $0x12050, s19;
	v3 =	vld [tilespmem:s19+$0x2000]  }
0x301: {  	s16 =	sor.u32 $0x12060, s19;
	v4 =	vld [tilespmem:s19+$0x2010]  }
0x302: {  	v5 =	vld [tilespmem:s19+$0x2020]  }
0x303: {  	v6 =	vld [tilespmem:s19+$0x2030]  }
0x304: {  	[tilespmem:s20+$0x12000] =	vst.add.f32.msk $0xffff, v0  }
0x305: {  	v2 =	vld [tilespmem:s19+$0x2040]  }
0x306: {  	v1 =	vld [tilespmem:s19+$0x2050]  }
.Ltmp15:
0x307: {  	v0 =	vld [tilespmem:s19+$0x2060];
	(pc) =	sbr.rel @p0 .LBB2_32-.Ltmp15, $4  }
0x308: {  	[tilespmem:s21+$0x0] =	vst.add.f32.msk $0xffff, v3  }
0x309: {  	[tilespmem:s22+$0x0] =	vst.add.f32.msk $0xffff, v4  }
0x30a: {  	[tilespmem:s23+$0x0] =	vst.add.f32.msk $0xffff, v5  }
0x30b: {  	s15 =	sadd.s32 $0x400, s15;
	[tilespmem:s24+$0x0] =	vst.add.f32.msk $0xffff, v6  }
0x30c: {  	[tilespmem:s18+$0x0] =	vst.add.f32.msk $0xffff, v2  }
0x30d: {  	[tilespmem:s17+$0x0] =	vst.add.f32.msk $0xffff, v1  }
0x30e: {  	[tilespmem:s16+$0x0] =	vst.add.f32.msk $0xffff, v0  }
0x30f: {  	s14 =	sld [smem:$0x7E0];
	_ =	sdelay $0x1  }
0x310: {  	s13 =	simm.s32 $0x0;
	s15 =	simm.s32 $0x2000;
	s22 =	sld [smem:$0x7D5]  }
0x311: {  	[tilespmem:s15], [sflag:$0x2] =	stream.linear.gather [hbm4b:s14+s13], $0x2000, $0x38;
	[tilespmem:$0x14000] =	vst v63  }
0x312: {  	_ = 	snop  }
0x313: {  	[hbm4b:s22+s13] =	stream.linear.scatter [tilespmem:s25], [sflag:$0x12], $0x2000, $0x38;
	[tilespmem:$0x14000] =	vst v63  }
0x314: {  	_ =	swait.ge [sflag:s11], $0x2000  }
0x315: {  	s23 =	sld [smem:$0x7E9]  }
0x316: {  	[sflag:s11] =	ssyncset.done $0x0  }
0x317: {  	s0 =	simm.s32 $0x1;
	[sflag:s11] =	ssyncadd.s32 $0xFFFFE000  }
0x318: {  	[tilespmem:s25], [sflag:$0xA] =	stream.linear.gather [hbm4b:s23+s13], $0x2000, $0x38;
	[tilespmem:$0x14000] =	vst v63  }
0x319: {  	_ =	swait.ge [sflag:s0], $0x2000  }
0x31a: {  	[sflag:s0] =	ssyncset.done $0x0  }
0x31b: {  	s24 =	simm.s32 $0x3;
	[sflag:s0] =	ssyncadd.s32 $0xFFFFE000  }
0x31c: {  	s25 =	sand.u32 $0x1C00, s13;
	_ =	swait.ge [sflag:s24], $0x2000  }
0x31d: {  	s26 =	sor.u32 s25, s13;
	[sflag:s24] =	ssyncset.done $0x0  }
0x31e: {  	s28 =	sand.u32 $0x380, s13;
	s15 =	sor.u32 $0x70, s26;
	[sflag:s24] =	ssyncadd.s32 $0xFFFFE000  }
0x31f: {  	s16 =	sor.u32 s28, s25;
	v0 =	vld [tilespmem:s15+$0x0]  }
0x320: {  	v3 =	vld [tilespmem:s16+$0x0]  }
0x321: {  	v4 =	vld [tilespmem:s16+$0x10]  }
0x322: {  	v5 =	vld [tilespmem:s16+$0x20]  }
0x323: {  	v6 =	vld [tilespmem:s16+$0x30]  }
0x324: {  	v2 =	vld [tilespmem:s16+$0x40]  }
0x325: {  	v1 =	vld [tilespmem:s16+$0x50]  }
0x326: {  	[tilespmem:s15+$0x4000] =	vst.add.f32.msk $0xffff, v0  }
0x327: {  	s14 =	sor.u32 $0x4000, s16;
	v0 =	vld [tilespmem:s16+$0x60]  }
0x328: {  	s29 =	sor.u32 $0x4010, s16;
	[tilespmem:s14+$0x0] =	vst.add.f32.msk $0xffff, v3  }
0x329: {  	s30 =	sor.u32 $0x4020, s16;
	[tilespmem:s29+$0x0] =	vst.add.f32.msk $0xffff, v4  }
0x32a: {  	s31 =	sor.u32 $0x4030, s16;
	s18 =	sor.u32 $0x4040, s16;
	s17 =	sor.u32 $0x4050, s16;
	[tilespmem:s30+$0x0] =	vst.add.f32.msk $0xffff, v5  }
0x32b: {  	s14 =	simm.s32 $0x0;
	s16 =	sor.u32 $0x4060, s16;
	[tilespmem:s31+$0x0] =	vst.add.f32.msk $0xffff, v6;
	s15 =	simm.s32 $0x400  }
.LBB2_34:
0x32c: {  	s19 =	sand.u32 $0x1C00, s15;
	s14 =	sadd.s32 $0x8, s14;
	[tilespmem:s18+$0x0] =	vst.add.f32.msk $0xffff, v2;
	s13 =	sadd.s32 $0x10, s13  }
0x32d: {  	s18 =	sand.u32 $0x380, s13;
	s20 =	sor.u32 s19, s13;
	p0 =	slt.u32 s14, $0x1F8;
	[tilespmem:s17+$0x0] =	vst.add.f32.msk $0xffff, v1  }
0x32e: {  	s19 =	sor.u32 s18, s19;
	s20 =	sor.u32 $0x70, s20;
	[tilespmem:s16+$0x0] =	vst.add.f32.msk $0xffff, v0  }
0x32f: {  	s21 =	sor.u32 $0x4000, s19;
	s22 =	sor.u32 $0x4010, s19;
	s23 =	sor.u32 $0x4020, s19;
	v0 =	vld [tilespmem:s20+$0x0]  }
0x330: {  	s24 =	sor.u32 $0x4030, s19;
	s18 =	sor.u32 $0x4040, s19;
	s17 =	sor.u32 $0x4050, s19;
	v3 =	vld [tilespmem:s19+$0x0]  }
0x331: {  	s16 =	sor.u32 $0x4060, s19;
	v4 =	vld [tilespmem:s19+$0x10]  }
0x332: {  	v5 =	vld [tilespmem:s19+$0x20]  }
0x333: {  	v6 =	vld [tilespmem:s19+$0x30]  }
0x334: {  	[tilespmem:s20+$0x4000] =	vst.add.f32.msk $0xffff, v0  }
0x335: {  	v2 =	vld [tilespmem:s19+$0x40]  }
0x336: {  	v1 =	vld [tilespmem:s19+$0x50]  }
.Ltmp16:
0x337: {  	v0 =	vld [tilespmem:s19+$0x60];
	(pc) =	sbr.rel @p0 .LBB2_34-.Ltmp16, $4  }
0x338: {  	[tilespmem:s21+$0x0] =	vst.add.f32.msk $0xffff, v3  }
0x339: {  	[tilespmem:s22+$0x0] =	vst.add.f32.msk $0xffff, v4  }
0x33a: {  	[tilespmem:s23+$0x0] =	vst.add.f32.msk $0xffff, v5  }
0x33b: {  	s15 =	sadd.s32 $0x400, s15;
	[tilespmem:s24+$0x0] =	vst.add.f32.msk $0xffff, v6  }
0x33c: {  	[tilespmem:s18+$0x0] =	vst.add.f32.msk $0xffff, v2  }
0x33d: {  	[tilespmem:s17+$0x0] =	vst.add.f32.msk $0xffff, v1  }
0x33e: {  	[tilespmem:s16+$0x0] =	vst.add.f32.msk $0xffff, v0  }
0x33f: {  	s14 =	sld [smem:$0x7D8];
	_ =	sdelay $0x1  }
0x340: {  	s13 =	simm.s32 $0x0;
	s15 =	simm.s32 $0x4000;
	s0 =	simm.s32 $0xB  }
0x341: {  	[hbm4b:s14+s13] =	stream.linear.scatter [tilespmem:s15], [sflag:$0xB], $0x2000, $0x38;
	[tilespmem:$0x14000] =	vst v63  }
0x342: {  	_ =	swait.ge [sflag:s0], $0x2000  }
0x343: {  	s22 =	sld [smem:$0x7ED]  }
0x344: {  	[sflag:s0] =	ssyncset.done $0x0  }
0x345: {  	s23 =	simm.s32 $0x4;
	[sflag:s0] =	ssyncadd.s32 $0xFFFFE000  }
0x346: {  	[tilespmem:s15], [sflag:$0x3] =	stream.linear.gather [hbm4b:s22+s13], $0x2000, $0x38;
	[tilespmem:$0x14000] =	vst v63  }
0x347: {  	s24 =	sand.u32 $0x1C00, s13;
	_ =	swait.ge [sflag:s23], $0x2000  }
0x348: {  	s26 =	sor.u32 s24, s13;
	[sflag:s23] =	ssyncset.done $0x0  }
0x349: {  	s28 =	sand.u32 $0x380, s13;
	s15 =	sor.u32 $0x70, s26;
	[sflag:s23] =	ssyncadd.s32 $0xFFFFE000  }
0x34a: {  	s16 =	sor.u32 s28, s24;
	v0 =	vld [tilespmem:s15+$0x0]  }
0x34b: {  	v3 =	vld [tilespmem:s16+$0x0]  }
0x34c: {  	v4 =	vld [tilespmem:s16+$0x10]  }
0x34d: {  	v5 =	vld [tilespmem:s16+$0x20]  }
0x34e: {  	v6 =	vld [tilespmem:s16+$0x30]  }
0x34f: {  	v2 =	vld [tilespmem:s16+$0x40]  }
0x350: {  	v1 =	vld [tilespmem:s16+$0x50]  }
0x351: {  	[tilespmem:s15+$0x6000] =	vst.add.f32.msk $0xffff, v0  }
0x352: {  	s14 =	sor.u32 $0x6000, s16;
	v0 =	vld [tilespmem:s16+$0x60]  }
0x353: {  	s29 =	sor.u32 $0x6010, s16;
	[tilespmem:s14+$0x0] =	vst.add.f32.msk $0xffff, v3  }
0x354: {  	s25 =	simm.s32 $0x4000;
	s30 =	sor.u32 $0x6020, s16;
	[tilespmem:s29+$0x0] =	vst.add.f32.msk $0xffff, v4  }
0x355: {  	s31 =	sor.u32 $0x6030, s16;
	s18 =	sor.u32 $0x6040, s16;
	s17 =	sor.u32 $0x6050, s16;
	[tilespmem:s30+$0x0] =	vst.add.f32.msk $0xffff, v5  }
0x356: {  	s14 =	simm.s32 $0x0;
	s16 =	sor.u32 $0x6060, s16;
	[tilespmem:s31+$0x0] =	vst.add.f32.msk $0xffff, v6;
	s15 =	simm.s32 $0x400  }
.LBB2_36:
0x357: {  	s19 =	sand.u32 $0x1C00, s15;
	s14 =	sadd.s32 $0x8, s14;
	[tilespmem:s18+$0x0] =	vst.add.f32.msk $0xffff, v2;
	s13 =	sadd.s32 $0x10, s13  }
0x358: {  	s18 =	sand.u32 $0x380, s13;
	s20 =	sor.u32 s19, s13;
	p0 =	slt.u32 s14, $0x1F8;
	[tilespmem:s17+$0x0] =	vst.add.f32.msk $0xffff, v1  }
0x359: {  	s19 =	sor.u32 s18, s19;
	s20 =	sor.u32 $0x70, s20;
	[tilespmem:s16+$0x0] =	vst.add.f32.msk $0xffff, v0  }
0x35a: {  	s21 =	sor.u32 $0x6000, s19;
	s22 =	sor.u32 $0x6010, s19;
	s23 =	sor.u32 $0x6020, s19;
	v0 =	vld [tilespmem:s20+$0x0]  }
0x35b: {  	s24 =	sor.u32 $0x6030, s19;
	s18 =	sor.u32 $0x6040, s19;
	s17 =	sor.u32 $0x6050, s19;
	v3 =	vld [tilespmem:s19+$0x0]  }
0x35c: {  	s16 =	sor.u32 $0x6060, s19;
	v4 =	vld [tilespmem:s19+$0x10]  }
0x35d: {  	v5 =	vld [tilespmem:s19+$0x20]  }
0x35e: {  	v6 =	vld [tilespmem:s19+$0x30]  }
0x35f: {  	[tilespmem:s20+$0x6000] =	vst.add.f32.msk $0xffff, v0  }
0x360: {  	v2 =	vld [tilespmem:s19+$0x40]  }
0x361: {  	v1 =	vld [tilespmem:s19+$0x50]  }
.Ltmp17:
0x362: {  	v0 =	vld [tilespmem:s19+$0x60];
	(pc) =	sbr.rel @p0 .LBB2_36-.Ltmp17, $4  }
0x363: {  	[tilespmem:s21+$0x0] =	vst.add.f32.msk $0xffff, v3  }
0x364: {  	[tilespmem:s22+$0x0] =	vst.add.f32.msk $0xffff, v4  }
0x365: {  	[tilespmem:s23+$0x0] =	vst.add.f32.msk $0xffff, v5  }
0x366: {  	s15 =	sadd.s32 $0x400, s15;
	[tilespmem:s24+$0x0] =	vst.add.f32.msk $0xffff, v6  }
0x367: {  	[tilespmem:s18+$0x0] =	vst.add.f32.msk $0xffff, v2  }
0x368: {  	[tilespmem:s17+$0x0] =	vst.add.f32.msk $0xffff, v1  }
0x369: {  	[tilespmem:s16+$0x0] =	vst.add.f32.msk $0xffff, v0  }
0x36a: {  	s14 =	sld [smem:$0x7DA];
	_ =	sdelay $0x1  }
0x36b: {  	s13 =	simm.s32 $0x0;
	s15 =	simm.s32 $0x6000;
	s0 =	simm.s32 $0xC  }
0x36c: {  	[hbm4b:s14+s13] =	stream.linear.scatter [tilespmem:s15], [sflag:$0xC], $0x2000, $0x38;
	[tilespmem:$0x14000] =	vst v63  }
0x36d: {  	_ =	swait.ge [sflag:s0], $0x2000  }
0x36e: {  	s21 =	sld [smem:$0x7EE]  }
0x36f: {  	[sflag:s0] =	ssyncset.done $0x0  }
0x370: {  	s22 =	simm.s32 $0x5;
	[sflag:s0] =	ssyncadd.s32 $0xFFFFE000  }
0x371: {  	[tilespmem:s15], [sflag:$0x4] =	stream.linear.gather [hbm4b:s21+s13], $0x2000, $0x38;
	[tilespmem:$0x14000] =	vst v63  }
0x372: {  	s23 =	sand.u32 $0x1C00, s13;
	_ =	swait.ge [sflag:s22], $0x2000  }
0x373: {  	s24 =	sor.u32 s23, s13;
	[sflag:s22] =	ssyncset.done $0x0  }
0x374: {  	s28 =	sand.u32 $0x380, s13;
	s15 =	sor.u32 $0x70, s24;
	[sflag:s22] =	ssyncadd.s32 $0xFFFFE000  }
0x375: {  	s16 =	sor.u32 s28, s23;
	v0 =	vld [tilespmem:s15+$0x0]  }
0x376: {  	v3 =	vld [tilespmem:s16+$0x0]  }
0x377: {  	v4 =	vld [tilespmem:s16+$0x10]  }
0x378: {  	v5 =	vld [tilespmem:s16+$0x20]  }
0x379: {  	v6 =	vld [tilespmem:s16+$0x30]  }
0x37a: {  	v2 =	vld [tilespmem:s16+$0x40]  }
0x37b: {  	v1 =	vld [tilespmem:s16+$0x50]  }
0x37c: {  	[tilespmem:s15+$0x8000] =	vst.add.f32.msk $0xffff, v0  }
0x37d: {  	s14 =	sor.u32 $0x8000, s16;
	v0 =	vld [tilespmem:s16+$0x60]  }
0x37e: {  	s29 =	sor.u32 $0x8010, s16;
	[tilespmem:s14+$0x0] =	vst.add.f32.msk $0xffff, v3  }
0x37f: {  	s26 =	simm.s32 $0x6000;
	s30 =	sor.u32 $0x8020, s16;
	[tilespmem:s29+$0x0] =	vst.add.f32.msk $0xffff, v4  }
0x380: {  	s31 =	sor.u32 $0x8030, s16;
	s18 =	sor.u32 $0x8040, s16;
	s17 =	sor.u32 $0x8050, s16;
	[tilespmem:s30+$0x0] =	vst.add.f32.msk $0xffff, v5  }
0x381: {  	s14 =	simm.s32 $0x0;
	s16 =	sor.u32 $0x8060, s16;
	[tilespmem:s31+$0x0] =	vst.add.f32.msk $0xffff, v6;
	s15 =	simm.s32 $0x400  }
.LBB2_38:
0x382: {  	s19 =	sand.u32 $0x1C00, s15;
	s14 =	sadd.s32 $0x8, s14;
	[tilespmem:s18+$0x0] =	vst.add.f32.msk $0xffff, v2;
	s13 =	sadd.s32 $0x10, s13  }
0x383: {  	s18 =	sand.u32 $0x380, s13;
	s20 =	sor.u32 s19, s13;
	p0 =	slt.u32 s14, $0x1F8;
	[tilespmem:s17+$0x0] =	vst.add.f32.msk $0xffff, v1  }
0x384: {  	s19 =	sor.u32 s18, s19;
	s20 =	sor.u32 $0x70, s20;
	[tilespmem:s16+$0x0] =	vst.add.f32.msk $0xffff, v0  }
0x385: {  	s21 =	sor.u32 $0x8000, s19;
	s22 =	sor.u32 $0x8010, s19;
	s23 =	sor.u32 $0x8020, s19;
	v0 =	vld [tilespmem:s20+$0x0]  }
0x386: {  	s24 =	sor.u32 $0x8030, s19;
	s18 =	sor.u32 $0x8040, s19;
	s17 =	sor.u32 $0x8050, s19;
	v3 =	vld [tilespmem:s19+$0x0]  }
0x387: {  	s16 =	sor.u32 $0x8060, s19;
	v4 =	vld [tilespmem:s19+$0x10]  }
0x388: {  	v5 =	vld [tilespmem:s19+$0x20]  }
0x389: {  	v6 =	vld [tilespmem:s19+$0x30]  }
0x38a: {  	[tilespmem:s20+$0x8000] =	vst.add.f32.msk $0xffff, v0  }
0x38b: {  	v2 =	vld [tilespmem:s19+$0x40]  }
0x38c: {  	v1 =	vld [tilespmem:s19+$0x50]  }
.Ltmp18:
0x38d: {  	v0 =	vld [tilespmem:s19+$0x60];
	(pc) =	sbr.rel @p0 .LBB2_38-.Ltmp18, $4  }
0x38e: {  	[tilespmem:s21+$0x0] =	vst.add.f32.msk $0xffff, v3  }
0x38f: {  	[tilespmem:s22+$0x0] =	vst.add.f32.msk $0xffff, v4  }
0x390: {  	[tilespmem:s23+$0x0] =	vst.add.f32.msk $0xffff, v5  }
0x391: {  	s15 =	sadd.s32 $0x400, s15;
	[tilespmem:s24+$0x0] =	vst.add.f32.msk $0xffff, v6  }
0x392: {  	[tilespmem:s18+$0x0] =	vst.add.f32.msk $0xffff, v2  }
0x393: {  	[tilespmem:s17+$0x0] =	vst.add.f32.msk $0xffff, v1  }
0x394: {  	[tilespmem:s16+$0x0] =	vst.add.f32.msk $0xffff, v0  }
0x395: {  	s14 =	sld [smem:$0x7DC];
	_ =	sdelay $0x1  }
0x396: {  	s13 =	simm.s32 $0x0;
	s15 =	simm.s32 $0x8000;
	s0 =	simm.s32 $0xD  }
0x397: {  	[hbm4b:s14+s13] =	stream.linear.scatter [tilespmem:s15], [sflag:$0xD], $0x2000, $0x38;
	[tilespmem:$0x14000] =	vst v63  }
0x398: {  	_ =	swait.ge [sflag:s0], $0x2000  }
0x399: {  	s20 =	sld [smem:$0x7EF]  }
0x39a: {  	[sflag:s0] =	ssyncset.done $0x0  }
0x39b: {  	s21 =	simm.s32 $0x6;
	[sflag:s0] =	ssyncadd.s32 $0xFFFFE000  }
0x39c: {  	[tilespmem:s15], [sflag:$0x5] =	stream.linear.gather [hbm4b:s20+s13], $0x2000, $0x38;
	[tilespmem:$0x14000] =	vst v63  }
0x39d: {  	s22 =	sand.u32 $0x1C00, s13;
	_ =	swait.ge [sflag:s21], $0x2000  }
0x39e: {  	s23 =	sor.u32 s22, s13;
	[sflag:s21] =	ssyncset.done $0x0  }
0x39f: {  	s24 =	sand.u32 $0x380, s13;
	s15 =	sor.u32 $0x70, s23;
	[sflag:s21] =	ssyncadd.s32 $0xFFFFE000  }
0x3a0: {  	s16 =	sor.u32 s24, s22;
	v0 =	vld [tilespmem:s15+$0x0]  }
0x3a1: {  	v3 =	vld [tilespmem:s16+$0x0]  }
0x3a2: {  	v4 =	vld [tilespmem:s16+$0x10]  }
0x3a3: {  	v5 =	vld [tilespmem:s16+$0x20]  }
0x3a4: {  	v6 =	vld [tilespmem:s16+$0x30]  }
0x3a5: {  	v2 =	vld [tilespmem:s16+$0x40]  }
0x3a6: {  	v1 =	vld [tilespmem:s16+$0x50]  }
0x3a7: {  	[tilespmem:s15+$0xA000] =	vst.add.f32.msk $0xffff, v0  }
0x3a8: {  	s14 =	sor.u32 $0xA000, s16;
	v0 =	vld [tilespmem:s16+$0x60]  }
0x3a9: {  	s29 =	sor.u32 $0xA010, s16;
	[tilespmem:s14+$0x0] =	vst.add.f32.msk $0xffff, v3  }
0x3aa: {  	s28 =	simm.s32 $0x8000;
	s30 =	sor.u32 $0xA020, s16;
	[tilespmem:s29+$0x0] =	vst.add.f32.msk $0xffff, v4  }
0x3ab: {  	s31 =	sor.u32 $0xA030, s16;
	s18 =	sor.u32 $0xA040, s16;
	s17 =	sor.u32 $0xA050, s16;
	[tilespmem:s30+$0x0] =	vst.add.f32.msk $0xffff, v5  }
0x3ac: {  	s14 =	simm.s32 $0x0;
	s16 =	sor.u32 $0xA060, s16;
	[tilespmem:s31+$0x0] =	vst.add.f32.msk $0xffff, v6;
	s15 =	simm.s32 $0x400  }
.LBB2_40:
0x3ad: {  	s19 =	sand.u32 $0x1C00, s15;
	s14 =	sadd.s32 $0x8, s14;
	[tilespmem:s18+$0x0] =	vst.add.f32.msk $0xffff, v2;
	s13 =	sadd.s32 $0x10, s13  }
0x3ae: {  	s18 =	sand.u32 $0x380, s13;
	s20 =	sor.u32 s19, s13;
	p0 =	slt.u32 s14, $0x1F8;
	[tilespmem:s17+$0x0] =	vst.add.f32.msk $0xffff, v1  }
0x3af: {  	s19 =	sor.u32 s18, s19;
	s20 =	sor.u32 $0x70, s20;
	[tilespmem:s16+$0x0] =	vst.add.f32.msk $0xffff, v0  }
0x3b0: {  	s21 =	sor.u32 $0xA000, s19;
	s22 =	sor.u32 $0xA010, s19;
	s23 =	sor.u32 $0xA020, s19;
	v0 =	vld [tilespmem:s20+$0x0]  }
0x3b1: {  	s24 =	sor.u32 $0xA030, s19;
	s18 =	sor.u32 $0xA040, s19;
	s17 =	sor.u32 $0xA050, s19;
	v3 =	vld [tilespmem:s19+$0x0]  }
0x3b2: {  	s16 =	sor.u32 $0xA060, s19;
	v4 =	vld [tilespmem:s19+$0x10]  }
0x3b3: {  	v5 =	vld [tilespmem:s19+$0x20]  }
0x3b4: {  	v6 =	vld [tilespmem:s19+$0x30]  }
0x3b5: {  	[tilespmem:s20+$0xA000] =	vst.add.f32.msk $0xffff, v0  }
0x3b6: {  	v2 =	vld [tilespmem:s19+$0x40]  }
0x3b7: {  	v1 =	vld [tilespmem:s19+$0x50]  }
.Ltmp19:
0x3b8: {  	v0 =	vld [tilespmem:s19+$0x60];
	(pc) =	sbr.rel @p0 .LBB2_40-.Ltmp19, $4  }
0x3b9: {  	[tilespmem:s21+$0x0] =	vst.add.f32.msk $0xffff, v3  }
0x3ba: {  	[tilespmem:s22+$0x0] =	vst.add.f32.msk $0xffff, v4  }
0x3bb: {  	[tilespmem:s23+$0x0] =	vst.add.f32.msk $0xffff, v5  }
0x3bc: {  	s15 =	sadd.s32 $0x400, s15;
	[tilespmem:s24+$0x0] =	vst.add.f32.msk $0xffff, v6  }
0x3bd: {  	[tilespmem:s18+$0x0] =	vst.add.f32.msk $0xffff, v2  }
0x3be: {  	[tilespmem:s17+$0x0] =	vst.add.f32.msk $0xffff, v1  }
0x3bf: {  	[tilespmem:s16+$0x0] =	vst.add.f32.msk $0xffff, v0  }
0x3c0: {  	s14 =	sld [smem:$0x7E7];
	_ =	sdelay $0x1  }
0x3c1: {  	s13 =	simm.s32 $0x0;
	s19 =	sld [smem:$0x7DE]  }
0x3c2: {  	[tilespmem:s13], [sflag:$0x1] =	stream.linear.gather [hbm4b:s14+s13], $0x2000, $0x38;
	[tilespmem:$0x14000] =	vst v63  }
0x3c3: {  	s15 =	simm.s32 $0xA000  }
0x3c4: {  	[hbm4b:s19+s13] =	stream.linear.scatter [tilespmem:s15], [sflag:$0xE], $0x2000, $0x38;
	[tilespmem:$0x14000] =	vst v63  }
0x3c5: {  	_ =	swait.ge [sflag:s2], $0x2000  }
0x3c6: {  	s20 =	sld [smem:$0x7F0]  }
0x3c7: {  	[sflag:s2] =	ssyncset.done $0x0  }
0x3c8: {  	[sflag:s2] =	ssyncadd.s32 $0xFFFFE000  }
0x3c9: {  	[tilespmem:s15], [sflag:$0x6] =	stream.linear.gather [hbm4b:s20+s13], $0x2000, $0x38;
	[tilespmem:$0x14000] =	vst v63  }
0x3ca: {  	_ =	swait.ge [sflag:s3], $0x2000  }
0x3cb: {  	[sflag:s3] =	ssyncset.done $0x0  }
0x3cc: {  	[sflag:s3] =	ssyncadd.s32 $0xFFFFE000  }
0x3cd: {  	s21 =	sand.u32 $0x1C00, s13;
	_ =	swait.ge [sflag:s4], $0x2000  }
0x3ce: {  	s22 =	sor.u32 s21, s13;
	[sflag:s4] =	ssyncset.done $0x0  }
0x3cf: {  	s23 =	sand.u32 $0x380, s13;
	s15 =	sor.u32 $0x70, s22;
	[sflag:s4] =	ssyncadd.s32 $0xFFFFE000  }
0x3d0: {  	s16 =	sor.u32 s23, s21;
	v0 =	vld [tilespmem:s15+$0x2000]  }
0x3d1: {  	v3 =	vld [tilespmem:s16+$0x2000]  }
0x3d2: {  	v4 =	vld [tilespmem:s16+$0x2010]  }
0x3d3: {  	v5 =	vld [tilespmem:s16+$0x2020]  }
0x3d4: {  	v6 =	vld [tilespmem:s16+$0x2030]  }
0x3d5: {  	v2 =	vld [tilespmem:s16+$0x2040]  }
0x3d6: {  	v1 =	vld [tilespmem:s16+$0x2050]  }
0x3d7: {  	[tilespmem:s15+$0xC000] =	vst.add.f32.msk $0xffff, v0  }
0x3d8: {  	s14 =	sor.u32 $0xC000, s16;
	v0 =	vld [tilespmem:s16+$0x2060]  }
0x3d9: {  	s24 =	sor.u32 $0xC010, s16;
	[tilespmem:s14+$0x0] =	vst.add.f32.msk $0xffff, v3  }
0x3da: {  	s29 =	simm.s32 $0xA000;
	s30 =	sor.u32 $0xC020, s16;
	[tilespmem:s24+$0x0] =	vst.add.f32.msk $0xffff, v4  }
0x3db: {  	s31 =	sor.u32 $0xC030, s16;
	s18 =	sor.u32 $0xC040, s16;
	s17 =	sor.u32 $0xC050, s16;
	[tilespmem:s30+$0x0] =	vst.add.f32.msk $0xffff, v5  }
0x3dc: {  	s14 =	simm.s32 $0x0;
	s16 =	sor.u32 $0xC060, s16;
	[tilespmem:s31+$0x0] =	vst.add.f32.msk $0xffff, v6;
	s15 =	simm.s32 $0x400  }
.LBB2_42:
0x3dd: {  	s19 =	sand.u32 $0x1C00, s15;
	s14 =	sadd.s32 $0x8, s14;
	[tilespmem:s18+$0x0] =	vst.add.f32.msk $0xffff, v2;
	s13 =	sadd.s32 $0x10, s13  }
0x3de: {  	s18 =	sand.u32 $0x380, s13;
	s20 =	sor.u32 s19, s13;
	p0 =	slt.u32 s14, $0x1F8;
	[tilespmem:s17+$0x0] =	vst.add.f32.msk $0xffff, v1  }
0x3df: {  	s19 =	sor.u32 s18, s19;
	s20 =	sor.u32 $0x70, s20;
	[tilespmem:s16+$0x0] =	vst.add.f32.msk $0xffff, v0  }
0x3e0: {  	s21 =	sor.u32 $0xC000, s19;
	s22 =	sor.u32 $0xC010, s19;
	s23 =	sor.u32 $0xC020, s19;
	v0 =	vld [tilespmem:s20+$0x2000]  }
0x3e1: {  	s24 =	sor.u32 $0xC030, s19;
	s18 =	sor.u32 $0xC040, s19;
	s17 =	sor.u32 $0xC050, s19;
	v3 =	vld [tilespmem:s19+$0x2000]  }
0x3e2: {  	s16 =	sor.u32 $0xC060, s19;
	v4 =	vld [tilespmem:s19+$0x2010]  }
0x3e3: {  	v5 =	vld [tilespmem:s19+$0x2020]  }
0x3e4: {  	v6 =	vld [tilespmem:s19+$0x2030]  }
0x3e5: {  	[tilespmem:s20+$0xC000] =	vst.add.f32.msk $0xffff, v0  }
0x3e6: {  	v2 =	vld [tilespmem:s19+$0x2040]  }
0x3e7: {  	v1 =	vld [tilespmem:s19+$0x2050]  }
.Ltmp20:
0x3e8: {  	v0 =	vld [tilespmem:s19+$0x2060];
	(pc) =	sbr.rel @p0 .LBB2_42-.Ltmp20, $4  }
0x3e9: {  	[tilespmem:s21+$0x0] =	vst.add.f32.msk $0xffff, v3  }
0x3ea: {  	[tilespmem:s22+$0x0] =	vst.add.f32.msk $0xffff, v4  }
0x3eb: {  	[tilespmem:s23+$0x0] =	vst.add.f32.msk $0xffff, v5  }
0x3ec: {  	s15 =	sadd.s32 $0x400, s15;
	[tilespmem:s24+$0x0] =	vst.add.f32.msk $0xffff, v6  }
0x3ed: {  	[tilespmem:s18+$0x0] =	vst.add.f32.msk $0xffff, v2  }
0x3ee: {  	[tilespmem:s17+$0x0] =	vst.add.f32.msk $0xffff, v1  }
0x3ef: {  	[tilespmem:s16+$0x0] =	vst.add.f32.msk $0xffff, v0  }
0x3f0: {  	s14 =	sld [smem:$0x7E1];
	_ =	sdelay $0x1  }
0x3f1: {  	s13 =	simm.s32 $0x0;
	s15 =	simm.s32 $0xC000  }
0x3f2: {  	[hbm4b:s14+s13] =	stream.linear.scatter [tilespmem:s15], [sflag:$0xF], $0x2000, $0x38;
	[tilespmem:$0x14000] =	vst v63  }
0x3f3: {  	_ =	swait.ge [sflag:s5], $0x2000  }
0x3f4: {  	s19 =	sld [smem:$0x7F1]  }
0x3f5: {  	[sflag:s5] =	ssyncset.done $0x0  }
0x3f6: {  	[sflag:s5] =	ssyncadd.s32 $0xFFFFE000  }
0x3f7: {  	[tilespmem:s15], [sflag:$0x7] =	stream.linear.gather [hbm4b:s19+s13], $0x2000, $0x38;
	[tilespmem:$0x14000] =	vst v63  }
0x3f8: {  	s20 =	sand.u32 $0x1C00, s13;
	_ =	swait.ge [sflag:s6], $0x2000  }
0x3f9: {  	s21 =	sor.u32 s20, s13;
	[sflag:s6] =	ssyncset.done $0x0  }
0x3fa: {  	s22 =	sand.u32 $0x380, s13;
	s15 =	sor.u32 $0x70, s21;
	[sflag:s6] =	ssyncadd.s32 $0xFFFFE000  }
0x3fb: {  	s16 =	sor.u32 s22, s20;
	v0 =	vld [tilespmem:s15+$0x2000]  }
0x3fc: {  	v3 =	vld [tilespmem:s16+$0x2000]  }
0x3fd: {  	v4 =	vld [tilespmem:s16+$0x2010]  }
0x3fe: {  	v5 =	vld [tilespmem:s16+$0x2020]  }
0x3ff: {  	v6 =	vld [tilespmem:s16+$0x2030]  }
0x400: {  	v2 =	vld [tilespmem:s16+$0x2040]  }
0x401: {  	v1 =	vld [tilespmem:s16+$0x2050]  }
0x402: {  	[tilespmem:s15+$0xE000] =	vst.add.f32.msk $0xffff, v0  }
0x403: {  	s14 =	sor.u32 $0xE000, s16;
	v0 =	vld [tilespmem:s16+$0x2060]  }
0x404: {  	s23 =	sor.u32 $0xE010, s16;
	[tilespmem:s14+$0x0] =	vst.add.f32.msk $0xffff, v3  }
0x405: {  	s30 =	simm.s32 $0xC000;
	s24 =	sor.u32 $0xE020, s16;
	[tilespmem:s23+$0x0] =	vst.add.f32.msk $0xffff, v4  }
0x406: {  	s31 =	sor.u32 $0xE030, s16;
	s18 =	sor.u32 $0xE040, s16;
	s17 =	sor.u32 $0xE050, s16;
	[tilespmem:s24+$0x0] =	vst.add.f32.msk $0xffff, v5  }
0x407: {  	s14 =	simm.s32 $0x0;
	s16 =	sor.u32 $0xE060, s16;
	[tilespmem:s31+$0x0] =	vst.add.f32.msk $0xffff, v6;
	s15 =	simm.s32 $0x400  }
.LBB2_44:
0x408: {  	s19 =	sand.u32 $0x1C00, s15;
	s14 =	sadd.s32 $0x8, s14;
	[tilespmem:s18+$0x0] =	vst.add.f32.msk $0xffff, v2;
	s13 =	sadd.s32 $0x10, s13  }
0x409: {  	s18 =	sand.u32 $0x380, s13;
	s20 =	sor.u32 s19, s13;
	p0 =	slt.u32 s14, $0x1F8;
	[tilespmem:s17+$0x0] =	vst.add.f32.msk $0xffff, v1  }
0x40a: {  	s19 =	sor.u32 s18, s19;
	s20 =	sor.u32 $0x70, s20;
	[tilespmem:s16+$0x0] =	vst.add.f32.msk $0xffff, v0  }
0x40b: {  	s21 =	sor.u32 $0xE000, s19;
	s22 =	sor.u32 $0xE010, s19;
	s23 =	sor.u32 $0xE020, s19;
	v0 =	vld [tilespmem:s20+$0x2000]  }
0x40c: {  	s24 =	sor.u32 $0xE030, s19;
	s18 =	sor.u32 $0xE040, s19;
	s17 =	sor.u32 $0xE050, s19;
	v3 =	vld [tilespmem:s19+$0x2000]  }
0x40d: {  	s16 =	sor.u32 $0xE060, s19;
	v4 =	vld [tilespmem:s19+$0x2010]  }
0x40e: {  	v5 =	vld [tilespmem:s19+$0x2020]  }
0x40f: {  	v6 =	vld [tilespmem:s19+$0x2030]  }
0x410: {  	[tilespmem:s20+$0xE000] =	vst.add.f32.msk $0xffff, v0  }
0x411: {  	v2 =	vld [tilespmem:s19+$0x2040]  }
0x412: {  	v1 =	vld [tilespmem:s19+$0x2050]  }
.Ltmp21:
0x413: {  	v0 =	vld [tilespmem:s19+$0x2060];
	(pc) =	sbr.rel @p0 .LBB2_44-.Ltmp21, $4  }
0x414: {  	[tilespmem:s21+$0x0] =	vst.add.f32.msk $0xffff, v3  }
0x415: {  	[tilespmem:s22+$0x0] =	vst.add.f32.msk $0xffff, v4  }
0x416: {  	[tilespmem:s23+$0x0] =	vst.add.f32.msk $0xffff, v5  }
0x417: {  	s15 =	sadd.s32 $0x400, s15;
	[tilespmem:s24+$0x0] =	vst.add.f32.msk $0xffff, v6  }
0x418: {  	[tilespmem:s18+$0x0] =	vst.add.f32.msk $0xffff, v2  }
0x419: {  	[tilespmem:s17+$0x0] =	vst.add.f32.msk $0xffff, v1  }
0x41a: {  	[tilespmem:s16+$0x0] =	vst.add.f32.msk $0xffff, v0  }
0x41b: {  	s14 =	sld [smem:$0x7E3];
	_ =	sdelay $0x1  }
0x41c: {  	s13 =	simm.s32 $0x0;
	s15 =	simm.s32 $0xE000  }
0x41d: {  	[hbm4b:s14+s13] =	stream.linear.scatter [tilespmem:s15], [sflag:$0x10], $0x2000, $0x38;
	[tilespmem:$0x14000] =	vst v63  }
0x41e: {  	_ =	swait.ge [sflag:s7], $0x2000  }
0x41f: {  	s18 =	sld [smem:$0x7F2]  }
0x420: {  	[sflag:s7] =	ssyncset.done $0x0  }
0x421: {  	[sflag:s7] =	ssyncadd.s32 $0xFFFFE000  }
0x422: {  	[tilespmem:s15], [sflag:$0x8] =	stream.linear.gather [hbm4b:s18+s13], $0x2000, $0x38;
	[tilespmem:$0x14000] =	vst v63  }
0x423: {  	s19 =	sand.u32 $0x1C00, s13;
	_ =	swait.ge [sflag:s8], $0x2000  }
0x424: {  	s20 =	sor.u32 s19, s13;
	[sflag:s8] =	ssyncset.done $0x0  }
0x425: {  	s21 =	sand.u32 $0x380, s13;
	s15 =	sor.u32 $0x70, s20;
	[sflag:s8] =	ssyncadd.s32 $0xFFFFE000  }
0x426: {  	s16 =	sor.u32 s21, s19;
	v0 =	vld [tilespmem:s15+$0x2000]  }
0x427: {  	v3 =	vld [tilespmem:s16+$0x2000]  }
0x428: {  	v4 =	vld [tilespmem:s16+$0x2010]  }
0x429: {  	v5 =	vld [tilespmem:s16+$0x2020]  }
0x42a: {  	v6 =	vld [tilespmem:s16+$0x2030]  }
0x42b: {  	v2 =	vld [tilespmem:s16+$0x2040]  }
0x42c: {  	v1 =	vld [tilespmem:s16+$0x2050]  }
0x42d: {  	[tilespmem:s15+$0x10000] =	vst.add.f32.msk $0xffff, v0  }
0x42e: {  	s14 =	sor.u32 $0x10000, s16;
	v0 =	vld [tilespmem:s16+$0x2060]  }
0x42f: {  	s22 =	sor.u32 $0x10010, s16;
	[tilespmem:s14+$0x0] =	vst.add.f32.msk $0xffff, v3  }
0x430: {  	s31 =	simm.s32 $0xE000;
	s23 =	sor.u32 $0x10020, s16;
	[tilespmem:s22+$0x0] =	vst.add.f32.msk $0xffff, v4  }
0x431: {  	s24 =	sor.u32 $0x10030, s16;
	s17 =	sor.u32 $0x10050, s16;
	s18 =	sor.u32 $0x10040, s16;
	[tilespmem:s23+$0x0] =	vst.add.f32.msk $0xffff, v5  }
0x432: {  	s14 =	simm.s32 $0x0;
	s16 =	sor.u32 $0x10060, s16;
	[tilespmem:s24+$0x0] =	vst.add.f32.msk $0xffff, v6;
	s15 =	simm.s32 $0x400  }
.LBB2_46:
0x433: {  	s19 =	sand.u32 $0x1C00, s15;
	s14 =	sadd.s32 $0x8, s14;
	[tilespmem:s18+$0x0] =	vst.add.f32.msk $0xffff, v2;
	s13 =	sadd.s32 $0x10, s13  }
0x434: {  	s18 =	sand.u32 $0x380, s13;
	s20 =	sor.u32 s19, s13;
	p0 =	slt.u32 s14, $0x1F8;
	[tilespmem:s17+$0x0] =	vst.add.f32.msk $0xffff, v1  }
0x435: {  	s19 =	sor.u32 s18, s19;
	s20 =	sor.u32 $0x70, s20;
	[tilespmem:s16+$0x0] =	vst.add.f32.msk $0xffff, v0  }
0x436: {  	s21 =	sor.u32 $0x10000, s19;
	s22 =	sor.u32 $0x10010, s19;
	s23 =	sor.u32 $0x10020, s19;
	v0 =	vld [tilespmem:s20+$0x2000]  }
0x437: {  	s24 =	sor.u32 $0x10030, s19;
	s18 =	sor.u32 $0x10040, s19;
	s17 =	sor.u32 $0x10050, s19;
	v3 =	vld [tilespmem:s19+$0x2000]  }
0x438: {  	s16 =	sor.u32 $0x10060, s19;
	v4 =	vld [tilespmem:s19+$0x2010]  }
0x439: {  	v5 =	vld [tilespmem:s19+$0x2020]  }
0x43a: {  	v6 =	vld [tilespmem:s19+$0x2030]  }
0x43b: {  	[tilespmem:s20+$0x10000] =	vst.add.f32.msk $0xffff, v0  }
0x43c: {  	v2 =	vld [tilespmem:s19+$0x2040]  }
0x43d: {  	v1 =	vld [tilespmem:s19+$0x2050]  }
.Ltmp22:
0x43e: {  	v0 =	vld [tilespmem:s19+$0x2060];
	(pc) =	sbr.rel @p0 .LBB2_46-.Ltmp22, $4  }
0x43f: {  	[tilespmem:s21+$0x0] =	vst.add.f32.msk $0xffff, v3  }
0x440: {  	[tilespmem:s22+$0x0] =	vst.add.f32.msk $0xffff, v4  }
0x441: {  	[tilespmem:s23+$0x0] =	vst.add.f32.msk $0xffff, v5  }
0x442: {  	s15 =	sadd.s32 $0x400, s15;
	[tilespmem:s24+$0x0] =	vst.add.f32.msk $0xffff, v6  }
0x443: {  	[tilespmem:s18+$0x0] =	vst.add.f32.msk $0xffff, v2  }
0x444: {  	[tilespmem:s17+$0x0] =	vst.add.f32.msk $0xffff, v1  }
0x445: {  	[tilespmem:s16+$0x0] =	vst.add.f32.msk $0xffff, v0  }
0x446: {  	s14 =	sld [smem:$0x7E5];
	_ =	sdelay $0x1  }
0x447: {  	s13 =	simm.s32 $0x0;
	s15 =	simm.s32 $0x10000  }
0x448: {  	[hbm4b:s14+s13] =	stream.linear.scatter [tilespmem:s15], [sflag:$0x11], $0x2000, $0x38;
	[tilespmem:$0x14000] =	vst v63  }
0x449: {  	_ =	swait.ge [sflag:s9], $0x2000  }
0x44a: {  	s18 =	sld [smem:$0x7F3]  }
0x44b: {  	[sflag:s9] =	ssyncset.done $0x0  }
0x44c: {  	[sflag:s9] =	ssyncadd.s32 $0xFFFFE000  }
0x44d: {  	[tilespmem:s15], [sflag:$0x9] =	stream.linear.gather [hbm4b:s18+s13], $0x2000, $0x38;
	[tilespmem:$0x14000] =	vst v63  }
0x44e: {  	s19 =	sand.u32 $0x1C00, s13;
	_ =	swait.ge [sflag:s10], $0x2000  }
0x44f: {  	s20 =	sor.u32 s19, s13;
	[sflag:s10] =	ssyncset.done $0x0  }
0x450: {  	s21 =	sand.u32 $0x380, s13;
	s15 =	sor.u32 $0x70, s20;
	[sflag:s10] =	ssyncadd.s32 $0xFFFFE000  }
0x451: {  	s16 =	sor.u32 s21, s19;
	v0 =	vld [tilespmem:s15+$0x2000]  }
0x452: {  	v3 =	vld [tilespmem:s16+$0x2000]  }
0x453: {  	v4 =	vld [tilespmem:s16+$0x2010]  }
0x454: {  	v5 =	vld [tilespmem:s16+$0x2020]  }
0x455: {  	v6 =	vld [tilespmem:s16+$0x2030]  }
0x456: {  	v2 =	vld [tilespmem:s16+$0x2040]  }
0x457: {  	v1 =	vld [tilespmem:s16+$0x2050]  }
0x458: {  	[tilespmem:s15+$0x12000] =	vst.add.f32.msk $0xffff, v0  }
0x459: {  	s14 =	sor.u32 $0x12000, s16;
	v0 =	vld [tilespmem:s16+$0x2060]  }
0x45a: {  	s22 =	sor.u32 $0x12010, s16;
	[tilespmem:s14+$0x0] =	vst.add.f32.msk $0xffff, v3  }
0x45b: {  	s0 =	simm.s32 $0x10000;
	s23 =	sor.u32 $0x12020, s16;
	[tilespmem:s22+$0x0] =	vst.add.f32.msk $0xffff, v4  }
0x45c: {  	s24 =	sor.u32 $0x12030, s16;
	s17 =	sor.u32 $0x12050, s16;
	s18 =	sor.u32 $0x12040, s16;
	[tilespmem:s23+$0x0] =	vst.add.f32.msk $0xffff, v5  }
0x45d: {  	s14 =	simm.s32 $0x0;
	s16 =	sor.u32 $0x12060, s16;
	[tilespmem:s24+$0x0] =	vst.add.f32.msk $0xffff, v6;
	s15 =	simm.s32 $0x400  }
.LBB2_48:
0x45e: {  	s19 =	sand.u32 $0x1C00, s15;
	s14 =	sadd.s32 $0x8, s14;
	[tilespmem:s18+$0x0] =	vst.add.f32.msk $0xffff, v2;
	s13 =	sadd.s32 $0x10, s13  }
0x45f: {  	s18 =	sand.u32 $0x380, s13;
	s20 =	sor.u32 s19, s13;
	p0 =	slt.u32 s14, $0x1F8;
	[tilespmem:s17+$0x0] =	vst.add.f32.msk $0xffff, v1  }
0x460: {  	s19 =	sor.u32 s18, s19;
	s20 =	sor.u32 $0x70, s20;
	[tilespmem:s16+$0x0] =	vst.add.f32.msk $0xffff, v0  }
0x461: {  	s21 =	sor.u32 $0x12000, s19;
	s22 =	sor.u32 $0x12010, s19;
	s23 =	sor.u32 $0x12020, s19;
	v0 =	vld [tilespmem:s20+$0x2000]  }
0x462: {  	s24 =	sor.u32 $0x12030, s19;
	s18 =	sor.u32 $0x12040, s19;
	s17 =	sor.u32 $0x12050, s19;
	v3 =	vld [tilespmem:s19+$0x2000]  }
0x463: {  	s16 =	sor.u32 $0x12060, s19;
	v4 =	vld [tilespmem:s19+$0x2010]  }
0x464: {  	v5 =	vld [tilespmem:s19+$0x2020]  }
0x465: {  	v6 =	vld [tilespmem:s19+$0x2030]  }
0x466: {  	[tilespmem:s20+$0x12000] =	vst.add.f32.msk $0xffff, v0  }
0x467: {  	v2 =	vld [tilespmem:s19+$0x2040]  }
0x468: {  	v1 =	vld [tilespmem:s19+$0x2050]  }
.Ltmp23:
0x469: {  	v0 =	vld [tilespmem:s19+$0x2060];
	(pc) =	sbr.rel @p0 .LBB2_48-.Ltmp23, $4  }
0x46a: {  	[tilespmem:s21+$0x0] =	vst.add.f32.msk $0xffff, v3  }
0x46b: {  	[tilespmem:s22+$0x0] =	vst.add.f32.msk $0xffff, v4  }
0x46c: {  	[tilespmem:s23+$0x0] =	vst.add.f32.msk $0xffff, v5  }
0x46d: {  	s15 =	sadd.s32 $0x400, s15;
	[tilespmem:s24+$0x0] =	vst.add.f32.msk $0xffff, v6  }
0x46e: {  	[tilespmem:s18+$0x0] =	vst.add.f32.msk $0xffff, v2  }
0x46f: {  	[tilespmem:s17+$0x0] =	vst.add.f32.msk $0xffff, v1  }
0x470: {  	[tilespmem:s16+$0x0] =	vst.add.f32.msk $0xffff, v0  }
0x471: {  	s14 =	sld [smem:$0x7E8];
	_ =	sdelay $0x1  }
0x472: {  	s13 =	simm.s32 $0x0;
	s15 =	simm.s32 $0x2000;
	s23 =	sld [smem:$0x7EA]  }
0x473: {  	[tilespmem:s15], [sflag:$0x2] =	stream.linear.gather [hbm4b:s14+s13], $0x2000, $0x38;
	[tilespmem:$0x14000] =	vst v63  }
0x474: {  	s24 =	simm.s32 $0x12000  }
0x475: {  	[hbm4b:s23+s13] =	stream.linear.scatter [tilespmem:s24], [sflag:$0x12], $0x2000, $0x38;
	[tilespmem:$0x14000] =	vst v63  }
0x476: {  	_ =	swait.ge [sflag:s11], $0x2000  }
0x477: {  	s16 =	sld [smem:$0x7F4]  }
0x478: {  	[sflag:s11] =	ssyncset.done $0x0  }
0x479: {  	s17 =	simm.s32 $0x1;
	[sflag:s11] =	ssyncadd.s32 $0xFFFFE000  }
0x47a: {  	[tilespmem:s24], [sflag:$0xA] =	stream.linear.gather [hbm4b:s16+s13], $0x2000, $0x38;
	[tilespmem:$0x14000] =	vst v63  }
0x47b: {  	_ =	swait.ge [sflag:s17], $0x2000  }
0x47c: {  	[sflag:s17] =	ssyncset.done $0x0  }
0x47d: {  	s18 =	simm.s32 $0x3;
	[sflag:s17] =	ssyncadd.s32 $0xFFFFE000  }
0x47e: {  	s19 =	sand.u32 $0x1C00, s13;
	_ =	swait.ge [sflag:s18], $0x2000  }
0x47f: {  	s20 =	sor.u32 s19, s13;
	[sflag:s18] =	ssyncset.done $0x0  }
0x480: {  	s21 =	sand.u32 $0x380, s13;
	s15 =	sor.u32 $0x70, s20;
	[sflag:s18] =	ssyncadd.s32 $0xFFFFE000  }
0x481: {  	s16 =	sor.u32 s21, s19;
	v0 =	vld [tilespmem:s15+$0x0]  }
0x482: {  	v3 =	vld [tilespmem:s16+$0x0]  }
0x483: {  	v4 =	vld [tilespmem:s16+$0x10]  }
0x484: {  	v5 =	vld [tilespmem:s16+$0x20]  }
0x485: {  	v6 =	vld [tilespmem:s16+$0x30]  }
0x486: {  	v2 =	vld [tilespmem:s16+$0x40]  }
0x487: {  	v1 =	vld [tilespmem:s16+$0x50]  }
0x488: {  	[tilespmem:s15+$0x4000] =	vst.add.f32.msk $0xffff, v0  }
0x489: {  	s14 =	sor.u32 $0x4000, s16;
	v0 =	vld [tilespmem:s16+$0x60]  }
0x48a: {  	s22 =	sor.u32 $0x4010, s16;
	[tilespmem:s14+$0x0] =	vst.add.f32.msk $0xffff, v3  }
0x48b: {  	s23 =	sor.u32 $0x4020, s16;
	[tilespmem:s22+$0x0] =	vst.add.f32.msk $0xffff, v4  }
0x48c: {  	s24 =	sor.u32 $0x4030, s16;
	s17 =	sor.u32 $0x4050, s16;
	s18 =	sor.u32 $0x4040, s16;
	[tilespmem:s23+$0x0] =	vst.add.f32.msk $0xffff, v5  }
0x48d: {  	s14 =	simm.s32 $0x0;
	s16 =	sor.u32 $0x4060, s16;
	[tilespmem:s24+$0x0] =	vst.add.f32.msk $0xffff, v6;
	s15 =	simm.s32 $0x400  }
.LBB2_50:
0x48e: {  	s19 =	sand.u32 $0x1C00, s15;
	s14 =	sadd.s32 $0x8, s14;
	[tilespmem:s18+$0x0] =	vst.add.f32.msk $0xffff, v2;
	s13 =	sadd.s32 $0x10, s13  }
0x48f: {  	s18 =	sand.u32 $0x380, s13;
	s20 =	sor.u32 s19, s13;
	p0 =	slt.u32 s14, $0x1F8;
	[tilespmem:s17+$0x0] =	vst.add.f32.msk $0xffff, v1  }
0x490: {  	s19 =	sor.u32 s18, s19;
	s20 =	sor.u32 $0x70, s20;
	[tilespmem:s16+$0x0] =	vst.add.f32.msk $0xffff, v0  }
0x491: {  	s21 =	sor.u32 $0x4000, s19;
	s22 =	sor.u32 $0x4010, s19;
	s23 =	sor.u32 $0x4020, s19;
	v0 =	vld [tilespmem:s20+$0x0]  }
0x492: {  	s24 =	sor.u32 $0x4030, s19;
	s18 =	sor.u32 $0x4040, s19;
	s17 =	sor.u32 $0x4050, s19;
	v3 =	vld [tilespmem:s19+$0x0]  }
0x493: {  	s16 =	sor.u32 $0x4060, s19;
	v4 =	vld [tilespmem:s19+$0x10]  }
0x494: {  	v5 =	vld [tilespmem:s19+$0x20]  }
0x495: {  	v6 =	vld [tilespmem:s19+$0x30]  }
0x496: {  	[tilespmem:s20+$0x4000] =	vst.add.f32.msk $0xffff, v0  }
0x497: {  	v2 =	vld [tilespmem:s19+$0x40]  }
0x498: {  	v1 =	vld [tilespmem:s19+$0x50]  }
.Ltmp24:
0x499: {  	v0 =	vld [tilespmem:s19+$0x60];
	(pc) =	sbr.rel @p0 .LBB2_50-.Ltmp24, $4  }
0x49a: {  	[tilespmem:s21+$0x0] =	vst.add.f32.msk $0xffff, v3  }
0x49b: {  	[tilespmem:s22+$0x0] =	vst.add.f32.msk $0xffff, v4  }
0x49c: {  	[tilespmem:s23+$0x0] =	vst.add.f32.msk $0xffff, v5  }
0x49d: {  	s15 =	sadd.s32 $0x400, s15;
	[tilespmem:s24+$0x0] =	vst.add.f32.msk $0xffff, v6  }
0x49e: {  	[tilespmem:s18+$0x0] =	vst.add.f32.msk $0xffff, v2  }
0x49f: {  	[tilespmem:s17+$0x0] =	vst.add.f32.msk $0xffff, v1  }
0x4a0: {  	[tilespmem:s16+$0x0] =	vst.add.f32.msk $0xffff, v0  }
0x4a1: {  	s14 =	sld [smem:$0x7F5];
	_ =	sdelay $0x1  }
0x4a2: {  	s13 =	simm.s32 $0x0;
	s19 =	simm.s32 $0x4  }
0x4a3: {  	[hbm4b:s14+s13] =	stream.linear.scatter [tilespmem:s25], [sflag:$0xB], $0x2000, $0x38;
	[tilespmem:$0x14000] =	vst v63  }
0x4a4: {  	s20 =	sand.u32 $0x1C00, s13;
	_ =	swait.ge [sflag:s19], $0x2000  }
0x4a5: {  	s15 =	sor.u32 s20, s13;
	[sflag:s19] =	ssyncset.done $0x0  }
0x4a6: {  	s21 =	sand.u32 $0x380, s13;
	s15 =	sor.u32 $0x70, s15;
	[sflag:s19] =	ssyncadd.s32 $0xFFFFE000  }
0x4a7: {  	s16 =	sor.u32 s21, s20;
	v0 =	vld [tilespmem:s15+$0x0]  }
0x4a8: {  	v3 =	vld [tilespmem:s16+$0x0]  }
0x4a9: {  	v4 =	vld [tilespmem:s16+$0x10]  }
0x4aa: {  	v5 =	vld [tilespmem:s16+$0x20]  }
0x4ab: {  	v6 =	vld [tilespmem:s16+$0x30]  }
0x4ac: {  	v2 =	vld [tilespmem:s16+$0x40]  }
0x4ad: {  	v1 =	vld [tilespmem:s16+$0x50]  }
0x4ae: {  	[tilespmem:s15+$0x6000] =	vst.add.f32.msk $0xffff, v0  }
0x4af: {  	s14 =	sor.u32 $0x6000, s16;
	v0 =	vld [tilespmem:s16+$0x60]  }
0x4b0: {  	s22 =	sor.u32 $0x6010, s16;
	[tilespmem:s14+$0x0] =	vst.add.f32.msk $0xffff, v3  }
0x4b1: {  	s23 =	sor.u32 $0x6020, s16;
	[tilespmem:s22+$0x0] =	vst.add.f32.msk $0xffff, v4  }
0x4b2: {  	s24 =	sor.u32 $0x6030, s16;
	s18 =	sor.u32 $0x6040, s16;
	s17 =	sor.u32 $0x6050, s16;
	[tilespmem:s23+$0x0] =	vst.add.f32.msk $0xffff, v5  }
0x4b3: {  	s14 =	simm.s32 $0x0;
	s16 =	sor.u32 $0x6060, s16;
	[tilespmem:s24+$0x0] =	vst.add.f32.msk $0xffff, v6;
	s15 =	simm.s32 $0x400  }
.LBB2_52:
0x4b4: {  	s19 =	sand.u32 $0x1C00, s15;
	s14 =	sadd.s32 $0x8, s14;
	[tilespmem:s18+$0x0] =	vst.add.f32.msk $0xffff, v2;
	s13 =	sadd.s32 $0x10, s13  }
0x4b5: {  	s18 =	sand.u32 $0x380, s13;
	s20 =	sor.u32 s19, s13;
	p0 =	slt.u32 s14, $0x1F8;
	[tilespmem:s17+$0x0] =	vst.add.f32.msk $0xffff, v1  }
0x4b6: {  	s19 =	sor.u32 s18, s19;
	s20 =	sor.u32 $0x70, s20;
	[tilespmem:s16+$0x0] =	vst.add.f32.msk $0xffff, v0  }
0x4b7: {  	s21 =	sor.u32 $0x6000, s19;
	s22 =	sor.u32 $0x6010, s19;
	s23 =	sor.u32 $0x6020, s19;
	v0 =	vld [tilespmem:s20+$0x0]  }
0x4b8: {  	s24 =	sor.u32 $0x6030, s19;
	s18 =	sor.u32 $0x6040, s19;
	s17 =	sor.u32 $0x6050, s19;
	v3 =	vld [tilespmem:s19+$0x0]  }
0x4b9: {  	s16 =	sor.u32 $0x6060, s19;
	v4 =	vld [tilespmem:s19+$0x10]  }
0x4ba: {  	v5 =	vld [tilespmem:s19+$0x20]  }
0x4bb: {  	v6 =	vld [tilespmem:s19+$0x30]  }
0x4bc: {  	[tilespmem:s20+$0x6000] =	vst.add.f32.msk $0xffff, v0  }
0x4bd: {  	v2 =	vld [tilespmem:s19+$0x40]  }
0x4be: {  	v1 =	vld [tilespmem:s19+$0x50]  }
.Ltmp25:
0x4bf: {  	v0 =	vld [tilespmem:s19+$0x60];
	(pc) =	sbr.rel @p0 .LBB2_52-.Ltmp25, $4  }
0x4c0: {  	[tilespmem:s21+$0x0] =	vst.add.f32.msk $0xffff, v3  }
0x4c1: {  	[tilespmem:s22+$0x0] =	vst.add.f32.msk $0xffff, v4  }
0x4c2: {  	[tilespmem:s23+$0x0] =	vst.add.f32.msk $0xffff, v5  }
0x4c3: {  	s15 =	sadd.s32 $0x400, s15;
	[tilespmem:s24+$0x0] =	vst.add.f32.msk $0xffff, v6  }
0x4c4: {  	[tilespmem:s18+$0x0] =	vst.add.f32.msk $0xffff, v2  }
0x4c5: {  	[tilespmem:s17+$0x0] =	vst.add.f32.msk $0xffff, v1  }
0x4c6: {  	[tilespmem:s16+$0x0] =	vst.add.f32.msk $0xffff, v0  }
0x4c7: {  	s14 =	sld [smem:$0x7F6];
	_ =	sdelay $0x1  }
0x4c8: {  	s13 =	simm.s32 $0x0;
	s19 =	simm.s32 $0x5  }
0x4c9: {  	[hbm4b:s14+s13] =	stream.linear.scatter [tilespmem:s26], [sflag:$0xC], $0x2000, $0x38;
	[tilespmem:$0x14000] =	vst v63  }
0x4ca: {  	s20 =	sand.u32 $0x1C00, s13;
	_ =	swait.ge [sflag:s19], $0x2000  }
0x4cb: {  	s15 =	sor.u32 s20, s13;
	[sflag:s19] =	ssyncset.done $0x0  }
0x4cc: {  	s21 =	sand.u32 $0x380, s13;
	s15 =	sor.u32 $0x70, s15;
	[sflag:s19] =	ssyncadd.s32 $0xFFFFE000  }
0x4cd: {  	s16 =	sor.u32 s21, s20;
	v0 =	vld [tilespmem:s15+$0x0]  }
0x4ce: {  	v3 =	vld [tilespmem:s16+$0x0]  }
0x4cf: {  	v4 =	vld [tilespmem:s16+$0x10]  }
0x4d0: {  	v5 =	vld [tilespmem:s16+$0x20]  }
0x4d1: {  	v6 =	vld [tilespmem:s16+$0x30]  }
0x4d2: {  	v2 =	vld [tilespmem:s16+$0x40]  }
0x4d3: {  	v1 =	vld [tilespmem:s16+$0x50]  }
0x4d4: {  	[tilespmem:s15+$0x8000] =	vst.add.f32.msk $0xffff, v0  }
0x4d5: {  	s14 =	sor.u32 $0x8000, s16;
	v0 =	vld [tilespmem:s16+$0x60]  }
0x4d6: {  	s22 =	sor.u32 $0x8010, s16;
	[tilespmem:s14+$0x0] =	vst.add.f32.msk $0xffff, v3  }
0x4d7: {  	s23 =	sor.u32 $0x8020, s16;
	[tilespmem:s22+$0x0] =	vst.add.f32.msk $0xffff, v4  }
0x4d8: {  	s24 =	sor.u32 $0x8030, s16;
	s18 =	sor.u32 $0x8040, s16;
	s17 =	sor.u32 $0x8050, s16;
	[tilespmem:s23+$0x0] =	vst.add.f32.msk $0xffff, v5  }
0x4d9: {  	s14 =	simm.s32 $0x0;
	s16 =	sor.u32 $0x8060, s16;
	[tilespmem:s24+$0x0] =	vst.add.f32.msk $0xffff, v6;
	s15 =	simm.s32 $0x400  }
.LBB2_54:
0x4da: {  	s19 =	sand.u32 $0x1C00, s15;
	s14 =	sadd.s32 $0x8, s14;
	[tilespmem:s18+$0x0] =	vst.add.f32.msk $0xffff, v2;
	s13 =	sadd.s32 $0x10, s13  }
0x4db: {  	s18 =	sand.u32 $0x380, s13;
	s20 =	sor.u32 s19, s13;
	p0 =	slt.u32 s14, $0x1F8;
	[tilespmem:s17+$0x0] =	vst.add.f32.msk $0xffff, v1  }
0x4dc: {  	s19 =	sor.u32 s18, s19;
	s20 =	sor.u32 $0x70, s20;
	[tilespmem:s16+$0x0] =	vst.add.f32.msk $0xffff, v0  }
0x4dd: {  	s21 =	sor.u32 $0x8000, s19;
	s22 =	sor.u32 $0x8010, s19;
	s23 =	sor.u32 $0x8020, s19;
	v0 =	vld [tilespmem:s20+$0x0]  }
0x4de: {  	s24 =	sor.u32 $0x8030, s19;
	s18 =	sor.u32 $0x8040, s19;
	s17 =	sor.u32 $0x8050, s19;
	v3 =	vld [tilespmem:s19+$0x0]  }
0x4df: {  	s16 =	sor.u32 $0x8060, s19;
	v4 =	vld [tilespmem:s19+$0x10]  }
0x4e0: {  	v5 =	vld [tilespmem:s19+$0x20]  }
0x4e1: {  	v6 =	vld [tilespmem:s19+$0x30]  }
0x4e2: {  	[tilespmem:s20+$0x8000] =	vst.add.f32.msk $0xffff, v0  }
0x4e3: {  	v2 =	vld [tilespmem:s19+$0x40]  }
0x4e4: {  	v1 =	vld [tilespmem:s19+$0x50]  }
.Ltmp26:
0x4e5: {  	v0 =	vld [tilespmem:s19+$0x60];
	(pc) =	sbr.rel @p0 .LBB2_54-.Ltmp26, $4  }
0x4e6: {  	[tilespmem:s21+$0x0] =	vst.add.f32.msk $0xffff, v3  }
0x4e7: {  	[tilespmem:s22+$0x0] =	vst.add.f32.msk $0xffff, v4  }
0x4e8: {  	[tilespmem:s23+$0x0] =	vst.add.f32.msk $0xffff, v5  }
0x4e9: {  	s15 =	sadd.s32 $0x400, s15;
	[tilespmem:s24+$0x0] =	vst.add.f32.msk $0xffff, v6  }
0x4ea: {  	[tilespmem:s18+$0x0] =	vst.add.f32.msk $0xffff, v2  }
0x4eb: {  	[tilespmem:s17+$0x0] =	vst.add.f32.msk $0xffff, v1  }
0x4ec: {  	[tilespmem:s16+$0x0] =	vst.add.f32.msk $0xffff, v0  }
0x4ed: {  	s14 =	sld [smem:$0x7F7];
	_ =	sdelay $0x1  }
0x4ee: {  	s13 =	simm.s32 $0x0;
	s19 =	simm.s32 $0x6  }
0x4ef: {  	[hbm4b:s14+s13] =	stream.linear.scatter [tilespmem:s28], [sflag:$0xD], $0x2000, $0x38;
	[tilespmem:$0x14000] =	vst v63  }
0x4f0: {  	s20 =	sand.u32 $0x1C00, s13;
	_ =	swait.ge [sflag:s19], $0x2000  }
0x4f1: {  	s15 =	sor.u32 s20, s13;
	[sflag:s19] =	ssyncset.done $0x0  }
0x4f2: {  	s21 =	sand.u32 $0x380, s13;
	s15 =	sor.u32 $0x70, s15;
	[sflag:s19] =	ssyncadd.s32 $0xFFFFE000  }
0x4f3: {  	s16 =	sor.u32 s21, s20;
	v0 =	vld [tilespmem:s15+$0x0]  }
0x4f4: {  	v3 =	vld [tilespmem:s16+$0x0]  }
0x4f5: {  	v4 =	vld [tilespmem:s16+$0x10]  }
0x4f6: {  	v5 =	vld [tilespmem:s16+$0x20]  }
0x4f7: {  	v6 =	vld [tilespmem:s16+$0x30]  }
0x4f8: {  	v2 =	vld [tilespmem:s16+$0x40]  }
0x4f9: {  	v1 =	vld [tilespmem:s16+$0x50]  }
0x4fa: {  	[tilespmem:s15+$0xA000] =	vst.add.f32.msk $0xffff, v0  }
0x4fb: {  	s14 =	sor.u32 $0xA000, s16;
	v0 =	vld [tilespmem:s16+$0x60]  }
0x4fc: {  	s22 =	sor.u32 $0xA010, s16;
	[tilespmem:s14+$0x0] =	vst.add.f32.msk $0xffff, v3  }
0x4fd: {  	s23 =	sor.u32 $0xA020, s16;
	[tilespmem:s22+$0x0] =	vst.add.f32.msk $0xffff, v4  }
0x4fe: {  	s24 =	sor.u32 $0xA030, s16;
	s18 =	sor.u32 $0xA040, s16;
	s17 =	sor.u32 $0xA050, s16;
	[tilespmem:s23+$0x0] =	vst.add.f32.msk $0xffff, v5  }
0x4ff: {  	s14 =	simm.s32 $0x0;
	s16 =	sor.u32 $0xA060, s16;
	[tilespmem:s24+$0x0] =	vst.add.f32.msk $0xffff, v6;
	s15 =	simm.s32 $0x400  }
.LBB2_56:
0x500: {  	s19 =	sand.u32 $0x1C00, s15;
	s14 =	sadd.s32 $0x8, s14;
	[tilespmem:s18+$0x0] =	vst.add.f32.msk $0xffff, v2;
	s13 =	sadd.s32 $0x10, s13  }
0x501: {  	s18 =	sand.u32 $0x380, s13;
	s20 =	sor.u32 s19, s13;
	p0 =	slt.u32 s14, $0x1F8;
	[tilespmem:s17+$0x0] =	vst.add.f32.msk $0xffff, v1  }
0x502: {  	s19 =	sor.u32 s18, s19;
	s20 =	sor.u32 $0x70, s20;
	[tilespmem:s16+$0x0] =	vst.add.f32.msk $0xffff, v0  }
0x503: {  	s21 =	sor.u32 $0xA000, s19;
	s22 =	sor.u32 $0xA010, s19;
	s23 =	sor.u32 $0xA020, s19;
	v0 =	vld [tilespmem:s20+$0x0]  }
0x504: {  	s24 =	sor.u32 $0xA030, s19;
	s18 =	sor.u32 $0xA040, s19;
	s17 =	sor.u32 $0xA050, s19;
	v3 =	vld [tilespmem:s19+$0x0]  }
0x505: {  	s16 =	sor.u32 $0xA060, s19;
	v4 =	vld [tilespmem:s19+$0x10]  }
0x506: {  	v5 =	vld [tilespmem:s19+$0x20]  }
0x507: {  	v6 =	vld [tilespmem:s19+$0x30]  }
0x508: {  	[tilespmem:s20+$0xA000] =	vst.add.f32.msk $0xffff, v0  }
0x509: {  	v2 =	vld [tilespmem:s19+$0x40]  }
0x50a: {  	v1 =	vld [tilespmem:s19+$0x50]  }
.Ltmp27:
0x50b: {  	v0 =	vld [tilespmem:s19+$0x60];
	(pc) =	sbr.rel @p0 .LBB2_56-.Ltmp27, $4  }
0x50c: {  	[tilespmem:s21+$0x0] =	vst.add.f32.msk $0xffff, v3  }
0x50d: {  	[tilespmem:s22+$0x0] =	vst.add.f32.msk $0xffff, v4  }
0x50e: {  	[tilespmem:s23+$0x0] =	vst.add.f32.msk $0xffff, v5  }
0x50f: {  	s15 =	sadd.s32 $0x400, s15;
	[tilespmem:s24+$0x0] =	vst.add.f32.msk $0xffff, v6  }
0x510: {  	[tilespmem:s18+$0x0] =	vst.add.f32.msk $0xffff, v2  }
0x511: {  	[tilespmem:s17+$0x0] =	vst.add.f32.msk $0xffff, v1  }
0x512: {  	[tilespmem:s16+$0x0] =	vst.add.f32.msk $0xffff, v0  }
0x513: {  	s14 =	sld [smem:$0x7F8];
	_ =	sdelay $0x1  }
0x514: {  	s13 =	simm.s32 $0x0  }
0x515: {  	[hbm4b:s14+s13] =	stream.linear.scatter [tilespmem:s29], [sflag:$0xE], $0x2000, $0x38;
	[tilespmem:$0x14000] =	vst v63  }
0x516: {  	_ =	swait.ge [sflag:s3], $0x2000  }
0x517: {  	[sflag:s3] =	ssyncset.done $0x0  }
0x518: {  	[sflag:s3] =	ssyncadd.s32 $0xFFFFE000  }
0x519: {  	s20 =	sand.u32 $0x1C00, s13;
	_ =	swait.ge [sflag:s4], $0x2000  }
0x51a: {  	s15 =	sor.u32 s20, s13;
	[sflag:s4] =	ssyncset.done $0x0  }
0x51b: {  	s21 =	sand.u32 $0x380, s13;
	s15 =	sor.u32 $0x70, s15;
	[sflag:s4] =	ssyncadd.s32 $0xFFFFE000  }
0x51c: {  	s16 =	sor.u32 s21, s20;
	v0 =	vld [tilespmem:s15+$0x2000]  }
0x51d: {  	v3 =	vld [tilespmem:s16+$0x2000]  }
0x51e: {  	v4 =	vld [tilespmem:s16+$0x2010]  }
0x51f: {  	v5 =	vld [tilespmem:s16+$0x2020]  }
0x520: {  	v6 =	vld [tilespmem:s16+$0x2030]  }
0x521: {  	v2 =	vld [tilespmem:s16+$0x2040]  }
0x522: {  	v1 =	vld [tilespmem:s16+$0x2050]  }
0x523: {  	[tilespmem:s15+$0xC000] =	vst.add.f32.msk $0xffff, v0  }
0x524: {  	s14 =	sor.u32 $0xC000, s16;
	v0 =	vld [tilespmem:s16+$0x2060]  }
0x525: {  	s22 =	sor.u32 $0xC010, s16;
	[tilespmem:s14+$0x0] =	vst.add.f32.msk $0xffff, v3  }
0x526: {  	s23 =	sor.u32 $0xC020, s16;
	[tilespmem:s22+$0x0] =	vst.add.f32.msk $0xffff, v4  }
0x527: {  	s24 =	sor.u32 $0xC030, s16;
	s18 =	sor.u32 $0xC040, s16;
	s17 =	sor.u32 $0xC050, s16;
	[tilespmem:s23+$0x0] =	vst.add.f32.msk $0xffff, v5  }
0x528: {  	s14 =	simm.s32 $0x0;
	s16 =	sor.u32 $0xC060, s16;
	[tilespmem:s24+$0x0] =	vst.add.f32.msk $0xffff, v6;
	s15 =	simm.s32 $0x400  }
.LBB2_58:
0x529: {  	s19 =	sand.u32 $0x1C00, s15;
	s14 =	sadd.s32 $0x8, s14;
	[tilespmem:s18+$0x0] =	vst.add.f32.msk $0xffff, v2;
	s13 =	sadd.s32 $0x10, s13  }
0x52a: {  	s18 =	sand.u32 $0x380, s13;
	s20 =	sor.u32 s19, s13;
	p0 =	slt.u32 s14, $0x1F8;
	[tilespmem:s17+$0x0] =	vst.add.f32.msk $0xffff, v1  }
0x52b: {  	s19 =	sor.u32 s18, s19;
	s20 =	sor.u32 $0x70, s20;
	[tilespmem:s16+$0x0] =	vst.add.f32.msk $0xffff, v0  }
0x52c: {  	s21 =	sor.u32 $0xC000, s19;
	s22 =	sor.u32 $0xC010, s19;
	s23 =	sor.u32 $0xC020, s19;
	v0 =	vld [tilespmem:s20+$0x2000]  }
0x52d: {  	s24 =	sor.u32 $0xC030, s19;
	s18 =	sor.u32 $0xC040, s19;
	s17 =	sor.u32 $0xC050, s19;
	v3 =	vld [tilespmem:s19+$0x2000]  }
0x52e: {  	s16 =	sor.u32 $0xC060, s19;
	v4 =	vld [tilespmem:s19+$0x2010]  }
0x52f: {  	v5 =	vld [tilespmem:s19+$0x2020]  }
0x530: {  	v6 =	vld [tilespmem:s19+$0x2030]  }
0x531: {  	[tilespmem:s20+$0xC000] =	vst.add.f32.msk $0xffff, v0  }
0x532: {  	v2 =	vld [tilespmem:s19+$0x2040]  }
0x533: {  	v1 =	vld [tilespmem:s19+$0x2050]  }
.Ltmp28:
0x534: {  	v0 =	vld [tilespmem:s19+$0x2060];
	(pc) =	sbr.rel @p0 .LBB2_58-.Ltmp28, $4  }
0x535: {  	[tilespmem:s21+$0x0] =	vst.add.f32.msk $0xffff, v3  }
0x536: {  	[tilespmem:s22+$0x0] =	vst.add.f32.msk $0xffff, v4  }
0x537: {  	[tilespmem:s23+$0x0] =	vst.add.f32.msk $0xffff, v5  }
0x538: {  	s15 =	sadd.s32 $0x400, s15;
	[tilespmem:s24+$0x0] =	vst.add.f32.msk $0xffff, v6  }
0x539: {  	[tilespmem:s18+$0x0] =	vst.add.f32.msk $0xffff, v2  }
0x53a: {  	[tilespmem:s17+$0x0] =	vst.add.f32.msk $0xffff, v1  }
0x53b: {  	[tilespmem:s16+$0x0] =	vst.add.f32.msk $0xffff, v0  }
0x53c: {  	s14 =	sld [smem:$0x7F9];
	_ =	sdelay $0x1  }
0x53d: {  	s13 =	simm.s32 $0x0  }
0x53e: {  	[hbm4b:s14+s13] =	stream.linear.scatter [tilespmem:s30], [sflag:$0xF], $0x2000, $0x38;
	[tilespmem:$0x14000] =	vst v63  }
0x53f: {  	s20 =	sand.u32 $0x1C00, s13;
	_ =	swait.ge [sflag:s6], $0x2000  }
0x540: {  	s15 =	sor.u32 s20, s13;
	[sflag:s6] =	ssyncset.done $0x0  }
0x541: {  	s21 =	sand.u32 $0x380, s13;
	s15 =	sor.u32 $0x70, s15;
	[sflag:s6] =	ssyncadd.s32 $0xFFFFE000  }
0x542: {  	s16 =	sor.u32 s21, s20;
	v0 =	vld [tilespmem:s15+$0x2000]  }
0x543: {  	v3 =	vld [tilespmem:s16+$0x2000]  }
0x544: {  	v4 =	vld [tilespmem:s16+$0x2010]  }
0x545: {  	v5 =	vld [tilespmem:s16+$0x2020]  }
0x546: {  	v6 =	vld [tilespmem:s16+$0x2030]  }
0x547: {  	v2 =	vld [tilespmem:s16+$0x2040]  }
0x548: {  	v1 =	vld [tilespmem:s16+$0x2050]  }
0x549: {  	[tilespmem:s15+$0xE000] =	vst.add.f32.msk $0xffff, v0  }
0x54a: {  	s14 =	sor.u32 $0xE000, s16;
	v0 =	vld [tilespmem:s16+$0x2060]  }
0x54b: {  	s22 =	sor.u32 $0xE010, s16;
	[tilespmem:s14+$0x0] =	vst.add.f32.msk $0xffff, v3  }
0x54c: {  	s23 =	sor.u32 $0xE020, s16;
	[tilespmem:s22+$0x0] =	vst.add.f32.msk $0xffff, v4  }
0x54d: {  	s24 =	sor.u32 $0xE030, s16;
	s18 =	sor.u32 $0xE040, s16;
	s17 =	sor.u32 $0xE050, s16;
	[tilespmem:s23+$0x0] =	vst.add.f32.msk $0xffff, v5  }
0x54e: {  	s14 =	simm.s32 $0x0;
	s16 =	sor.u32 $0xE060, s16;
	[tilespmem:s24+$0x0] =	vst.add.f32.msk $0xffff, v6;
	s15 =	simm.s32 $0x400  }
.LBB2_60:
0x54f: {  	s19 =	sand.u32 $0x1C00, s15;
	s14 =	sadd.s32 $0x8, s14;
	[tilespmem:s18+$0x0] =	vst.add.f32.msk $0xffff, v2;
	s13 =	sadd.s32 $0x10, s13  }
0x550: {  	s18 =	sand.u32 $0x380, s13;
	s20 =	sor.u32 s19, s13;
	p0 =	slt.u32 s14, $0x1F8;
	[tilespmem:s17+$0x0] =	vst.add.f32.msk $0xffff, v1  }
0x551: {  	s19 =	sor.u32 s18, s19;
	s20 =	sor.u32 $0x70, s20;
	[tilespmem:s16+$0x0] =	vst.add.f32.msk $0xffff, v0  }
0x552: {  	s21 =	sor.u32 $0xE000, s19;
	s22 =	sor.u32 $0xE010, s19;
	s23 =	sor.u32 $0xE020, s19;
	v0 =	vld [tilespmem:s20+$0x2000]  }
0x553: {  	s24 =	sor.u32 $0xE030, s19;
	s18 =	sor.u32 $0xE040, s19;
	s17 =	sor.u32 $0xE050, s19;
	v3 =	vld [tilespmem:s19+$0x2000]  }
0x554: {  	s16 =	sor.u32 $0xE060, s19;
	v4 =	vld [tilespmem:s19+$0x2010]  }
0x555: {  	v5 =	vld [tilespmem:s19+$0x2020]  }
0x556: {  	v6 =	vld [tilespmem:s19+$0x2030]  }
0x557: {  	[tilespmem:s20+$0xE000] =	vst.add.f32.msk $0xffff, v0  }
0x558: {  	v2 =	vld [tilespmem:s19+$0x2040]  }
0x559: {  	v1 =	vld [tilespmem:s19+$0x2050]  }
.Ltmp29:
0x55a: {  	v0 =	vld [tilespmem:s19+$0x2060];
	(pc) =	sbr.rel @p0 .LBB2_60-.Ltmp29, $4  }
0x55b: {  	[tilespmem:s21+$0x0] =	vst.add.f32.msk $0xffff, v3  }
0x55c: {  	[tilespmem:s22+$0x0] =	vst.add.f32.msk $0xffff, v4  }
0x55d: {  	[tilespmem:s23+$0x0] =	vst.add.f32.msk $0xffff, v5  }
0x55e: {  	s15 =	sadd.s32 $0x400, s15;
	[tilespmem:s24+$0x0] =	vst.add.f32.msk $0xffff, v6  }
0x55f: {  	[tilespmem:s18+$0x0] =	vst.add.f32.msk $0xffff, v2  }
0x560: {  	[tilespmem:s17+$0x0] =	vst.add.f32.msk $0xffff, v1  }
0x561: {  	[tilespmem:s16+$0x0] =	vst.add.f32.msk $0xffff, v0  }
0x562: {  	s14 =	sld [smem:$0x7FA];
	_ =	sdelay $0x1  }
0x563: {  	s13 =	simm.s32 $0x0  }
0x564: {  	[hbm4b:s14+s13] =	stream.linear.scatter [tilespmem:s31], [sflag:$0x10], $0x2000, $0x38;
	[tilespmem:$0x14000] =	vst v63  }
0x565: {  	s20 =	sand.u32 $0x1C00, s13;
	_ =	swait.ge [sflag:s8], $0x2000  }
0x566: {  	s15 =	sor.u32 s20, s13;
	[sflag:s8] =	ssyncset.done $0x0  }
0x567: {  	s21 =	sand.u32 $0x380, s13;
	s15 =	sor.u32 $0x70, s15;
	[sflag:s8] =	ssyncadd.s32 $0xFFFFE000  }
0x568: {  	s16 =	sor.u32 s21, s20;
	v0 =	vld [tilespmem:s15+$0x2000]  }
0x569: {  	v3 =	vld [tilespmem:s16+$0x2000]  }
0x56a: {  	v4 =	vld [tilespmem:s16+$0x2010]  }
0x56b: {  	v5 =	vld [tilespmem:s16+$0x2020]  }
0x56c: {  	v6 =	vld [tilespmem:s16+$0x2030]  }
0x56d: {  	v2 =	vld [tilespmem:s16+$0x2040]  }
0x56e: {  	v1 =	vld [tilespmem:s16+$0x2050]  }
0x56f: {  	[tilespmem:s15+$0x10000] =	vst.add.f32.msk $0xffff, v0  }
0x570: {  	s14 =	sor.u32 $0x10000, s16;
	v0 =	vld [tilespmem:s16+$0x2060]  }
0x571: {  	s22 =	sor.u32 $0x10010, s16;
	[tilespmem:s14+$0x0] =	vst.add.f32.msk $0xffff, v3  }
0x572: {  	s23 =	sor.u32 $0x10020, s16;
	[tilespmem:s22+$0x0] =	vst.add.f32.msk $0xffff, v4  }
0x573: {  	s24 =	sor.u32 $0x10030, s16;
	s18 =	sor.u32 $0x10040, s16;
	s17 =	sor.u32 $0x10050, s16;
	[tilespmem:s23+$0x0] =	vst.add.f32.msk $0xffff, v5  }
0x574: {  	s14 =	simm.s32 $0x0;
	s16 =	sor.u32 $0x10060, s16;
	[tilespmem:s24+$0x0] =	vst.add.f32.msk $0xffff, v6;
	s15 =	simm.s32 $0x400  }
.LBB2_62:
0x575: {  	s19 =	sand.u32 $0x1C00, s15;
	s14 =	sadd.s32 $0x8, s14;
	[tilespmem:s18+$0x0] =	vst.add.f32.msk $0xffff, v2;
	s13 =	sadd.s32 $0x10, s13  }
0x576: {  	s18 =	sand.u32 $0x380, s13;
	s20 =	sor.u32 s19, s13;
	p0 =	slt.u32 s14, $0x1F8;
	[tilespmem:s17+$0x0] =	vst.add.f32.msk $0xffff, v1  }
0x577: {  	s19 =	sor.u32 s18, s19;
	s20 =	sor.u32 $0x70, s20;
	[tilespmem:s16+$0x0] =	vst.add.f32.msk $0xffff, v0  }
0x578: {  	s21 =	sor.u32 $0x10000, s19;
	s22 =	sor.u32 $0x10010, s19;
	s23 =	sor.u32 $0x10020, s19;
	v0 =	vld [tilespmem:s20+$0x2000]  }
0x579: {  	s24 =	sor.u32 $0x10030, s19;
	s18 =	sor.u32 $0x10040, s19;
	s17 =	sor.u32 $0x10050, s19;
	v3 =	vld [tilespmem:s19+$0x2000]  }
0x57a: {  	s16 =	sor.u32 $0x10060, s19;
	v4 =	vld [tilespmem:s19+$0x2010]  }
0x57b: {  	v5 =	vld [tilespmem:s19+$0x2020]  }
0x57c: {  	v6 =	vld [tilespmem:s19+$0x2030]  }
0x57d: {  	[tilespmem:s20+$0x10000] =	vst.add.f32.msk $0xffff, v0  }
0x57e: {  	v2 =	vld [tilespmem:s19+$0x2040]  }
0x57f: {  	v1 =	vld [tilespmem:s19+$0x2050]  }
.Ltmp30:
0x580: {  	v0 =	vld [tilespmem:s19+$0x2060];
	(pc) =	sbr.rel @p0 .LBB2_62-.Ltmp30, $4  }
0x581: {  	[tilespmem:s21+$0x0] =	vst.add.f32.msk $0xffff, v3  }
0x582: {  	[tilespmem:s22+$0x0] =	vst.add.f32.msk $0xffff, v4  }
0x583: {  	[tilespmem:s23+$0x0] =	vst.add.f32.msk $0xffff, v5  }
0x584: {  	s15 =	sadd.s32 $0x400, s15;
	[tilespmem:s24+$0x0] =	vst.add.f32.msk $0xffff, v6  }
0x585: {  	[tilespmem:s18+$0x0] =	vst.add.f32.msk $0xffff, v2  }
0x586: {  	[tilespmem:s17+$0x0] =	vst.add.f32.msk $0xffff, v1  }
0x587: {  	[tilespmem:s16+$0x0] =	vst.add.f32.msk $0xffff, v0  }
0x588: {  	s14 =	sld [smem:$0x7FB];
	_ =	sdelay $0x1  }
0x589: {  	s13 =	simm.s32 $0x0  }
0x58a: {  	[hbm4b:s14+s13] =	stream.linear.scatter [tilespmem:s0], [sflag:$0x11], $0x2000, $0x38;
	[tilespmem:$0x14000] =	vst v63  }
0x58b: {  	s20 =	sand.u32 $0x1C00, s13;
	_ =	swait.ge [sflag:s10], $0x2000  }
0x58c: {  	s15 =	sor.u32 s20, s13;
	[sflag:s10] =	ssyncset.done $0x0  }
0x58d: {  	s21 =	sand.u32 $0x380, s13;
	s15 =	sor.u32 $0x70, s15;
	[sflag:s10] =	ssyncadd.s32 $0xFFFFE000  }
0x58e: {  	s16 =	sor.u32 s21, s20;
	v0 =	vld [tilespmem:s15+$0x2000]  }
0x58f: {  	v3 =	vld [tilespmem:s16+$0x2000]  }
0x590: {  	v4 =	vld [tilespmem:s16+$0x2010]  }
0x591: {  	v5 =	vld [tilespmem:s16+$0x2020]  }
0x592: {  	v6 =	vld [tilespmem:s16+$0x2030]  }
0x593: {  	v2 =	vld [tilespmem:s16+$0x2040]  }
0x594: {  	v1 =	vld [tilespmem:s16+$0x2050]  }
0x595: {  	[tilespmem:s15+$0x12000] =	vst.add.f32.msk $0xffff, v0  }
0x596: {  	s14 =	sor.u32 $0x12000, s16;
	v0 =	vld [tilespmem:s16+$0x2060]  }
0x597: {  	s22 =	sor.u32 $0x12010, s16;
	[tilespmem:s14+$0x0] =	vst.add.f32.msk $0xffff, v3  }
0x598: {  	s23 =	sor.u32 $0x12020, s16;
	[tilespmem:s22+$0x0] =	vst.add.f32.msk $0xffff, v4  }
0x599: {  	s24 =	sor.u32 $0x12030, s16;
	s18 =	sor.u32 $0x12040, s16;
	s17 =	sor.u32 $0x12050, s16;
	[tilespmem:s23+$0x0] =	vst.add.f32.msk $0xffff, v5  }
0x59a: {  	s14 =	simm.s32 $0x0;
	s16 =	sor.u32 $0x12060, s16;
	[tilespmem:s24+$0x0] =	vst.add.f32.msk $0xffff, v6;
	s15 =	simm.s32 $0x400  }
.LBB2_64:
0x59b: {  	s19 =	sand.u32 $0x1C00, s15;
	s14 =	sadd.s32 $0x8, s14;
	[tilespmem:s18+$0x0] =	vst.add.f32.msk $0xffff, v2;
	s13 =	sadd.s32 $0x10, s13  }
0x59c: {  	s18 =	sand.u32 $0x380, s13;
	s20 =	sor.u32 s19, s13;
	p0 =	slt.u32 s14, $0x1F8;
	[tilespmem:s17+$0x0] =	vst.add.f32.msk $0xffff, v1  }
0x59d: {  	s19 =	sor.u32 s18, s19;
	s20 =	sor.u32 $0x70, s20;
	[tilespmem:s16+$0x0] =	vst.add.f32.msk $0xffff, v0  }
0x59e: {  	s21 =	sor.u32 $0x12000, s19;
	s22 =	sor.u32 $0x12010, s19;
	s23 =	sor.u32 $0x12020, s19;
	v0 =	vld [tilespmem:s20+$0x2000]  }
0x59f: {  	s24 =	sor.u32 $0x12030, s19;
	s18 =	sor.u32 $0x12040, s19;
	s17 =	sor.u32 $0x12050, s19;
	v3 =	vld [tilespmem:s19+$0x2000]  }
0x5a0: {  	s16 =	sor.u32 $0x12060, s19;
	v4 =	vld [tilespmem:s19+$0x2010]  }
0x5a1: {  	v5 =	vld [tilespmem:s19+$0x2020]  }
0x5a2: {  	v6 =	vld [tilespmem:s19+$0x2030]  }
0x5a3: {  	[tilespmem:s20+$0x12000] =	vst.add.f32.msk $0xffff, v0  }
0x5a4: {  	v2 =	vld [tilespmem:s19+$0x2040]  }
0x5a5: {  	v1 =	vld [tilespmem:s19+$0x2050]  }
.Ltmp31:
0x5a6: {  	v0 =	vld [tilespmem:s19+$0x2060];
	(pc) =	sbr.rel @p0 .LBB2_64-.Ltmp31, $4  }
0x5a7: {  	[tilespmem:s21+$0x0] =	vst.add.f32.msk $0xffff, v3  }
0x5a8: {  	[tilespmem:s22+$0x0] =	vst.add.f32.msk $0xffff, v4  }
0x5a9: {  	[tilespmem:s23+$0x0] =	vst.add.f32.msk $0xffff, v5  }
0x5aa: {  	s15 =	sadd.s32 $0x400, s15;
	[tilespmem:s24+$0x0] =	vst.add.f32.msk $0xffff, v6  }
0x5ab: {  	[tilespmem:s18+$0x0] =	vst.add.f32.msk $0xffff, v2  }
0x5ac: {  	[tilespmem:s17+$0x0] =	vst.add.f32.msk $0xffff, v1  }
0x5ad: {  	[tilespmem:s16+$0x0] =	vst.add.f32.msk $0xffff, v0  }
0x5ae: {  	s13 =	sld [smem:$0x7FC];
	_ =	sdelay $0x1  }
0x5af: {  	s15 =	simm.s32 $0x12000;
	s21 =	simm.s32 $0xB  }
0x5b0: {  	[hbm4b:s13+s1] =	stream.linear.scatter [tilespmem:s15], [sflag:$0x12], $0x2000, $0x38;
	[tilespmem:$0x14000] =	vst v63  }
0x5b1: {  	_ =	swait.ge [sflag:s21], $0x2000  }
0x5b2: {  	[sflag:s21] =	ssyncset.done $0x0  }
0x5b3: {  	s22 =	simm.s32 $0xC;
	[sflag:s21] =	ssyncadd.s32 $0xFFFFE000  }
0x5b4: {  	_ =	swait.ge [sflag:s22], $0x2000  }
0x5b5: {  	[sflag:s22] =	ssyncset.done $0x0  }
0x5b6: {  	s23 =	simm.s32 $0xD;
	[sflag:s22] =	ssyncadd.s32 $0xFFFFE000  }
0x5b7: {  	_ =	swait.ge [sflag:s23], $0x2000  }
0x5b8: {  	[sflag:s23] =	ssyncset.done $0x0  }
0x5b9: {  	[sflag:s23] =	ssyncadd.s32 $0xFFFFE000  }
0x5ba: {  	_ =	swait.ge [sflag:s2], $0x2000  }
0x5bb: {  	[sflag:s2] =	ssyncset.done $0x0  }
0x5bc: {  	[sflag:s2] =	ssyncadd.s32 $0xFFFFE000  }
0x5bd: {  	_ =	swait.ge [sflag:s5], $0x2000  }
0x5be: {  	[sflag:s5] =	ssyncset.done $0x0  }
0x5bf: {  	[sflag:s5] =	ssyncadd.s32 $0xFFFFE000  }
0x5c0: {  	_ =	swait.ge [sflag:s7], $0x2000  }
0x5c1: {  	[sflag:s7] =	ssyncset.done $0x0  }
0x5c2: {  	[sflag:s7] =	ssyncadd.s32 $0xFFFFE000  }
0x5c3: {  	_ =	swait.ge [sflag:s9], $0x2000  }
0x5c4: {  	[sflag:s9] =	ssyncset.done $0x0  }
0x5c5: {  	[sflag:s9] =	ssyncadd.s32 $0xFFFFE000  }
0x5c6: {  	_ =	swait.ge [sflag:s11], $0x2000  }
0x5c7: {  	s24 =	sld [smem:$0x7FD];
	_ =	sdelay $0x1  }
0x5c8: {  	s12 =	sadd.s32 $0x1, s12  }
0x5c9: {  	p0 =	sne.s32 s12, s24  }
.Ltmp32:
0x5ca: {  	_ = 	snop;
	(pc) =	sbr.rel @p0 .LBB2_1-.Ltmp32, $3  }
0x5cb: {  	_ =	sdelay $0x1  }
0x5cc: {  	[sflag:s11] =	ssyncset.done $0x0  }
0x5cd: {  	[sflag:s11] =	ssyncadd.s32 $0xFFFFE000  }
0x5ce: {  	_ =	sfence.sel $0x180000  }
0x5cf: {  	[bflag:$0x0] =	sbarrier.arrive $0xFFFF  }
0x5d0: {  	_ =	strace $0x90000047  }
0x5d1: {  	s0 =	stileid.u32;
	[bflag:$0x2] =	sbarrier.arrive $0xFFFF  }
0x5d2: {  	p0 =	sne.s32 s0, $0x0;
	s0 =	rddreg [dreg:$0x3]  }
0x5d3: {  	s0 =	sadd.s32 @!p0 $0x100000, s0  }
0x5d4: {  	[sflag:s0] =	ssyncadd.tile.s32 @!p0 $0x1;
	_ =	shalt  }
.Lfunc_end2:
_tile_overlayer_lowered:
.L_overlay_start_2:
0x5d5: {  	(tag) =	ssettag $0x2  }
0x5d6: {  	s0 =	rddreg [dreg:$0x0];
	s2 =	stileid.u32  }
0x5d7: {  	s1 =	rddreg [dreg:$0x1];
	p0 =	sne.s32 s2, $0x0  }
0x5d8: {  	s3 =	rddreg [dreg:$0x2];
	[bflag:$0x3] =	sbarrier.arrive $0xFFFF;
	s2 =	simm.s32 @!p0 $0x1C13  }
0x5d9: {  	[timem:s3], [sflag:s2] =	dma.local @!p0 [hbm:s0], s1  }
0x5da: {  	s0 =	simm.s32 @!p0 $0x13  }
0x5db: {  	_ =	swait.ge @!p0 [sflag:s0], s1  }
0x5dc: {  	s1 =	ssub.s32 @!p0 $0x0, s1;
	[sflag:s0] =	ssyncset.done @!p0 $0x0  }
0x5dd: {  	[sflag:s0] =	ssyncadd.s32 @!p0 s1  }
0x5de: {  	[bflag:$0x3] =	sbarrier.arrive $0xFFFF  }
0x5df: {  	_ =	shalt  }

</sc_bundles>
